<compile_context>
chip_gen: v7x
topology: tpu7x:2x2x1
jax: 0.10.2.dev20260603
libtpu: 0.0.44.dev20260713+nightly
codegen_flags: <defaults>
</compile_context>

<pallas_src>
import jax
import jax.numpy as jnp
from jax.experimental import pallas as pl
from jax.experimental.pallas import tpu as pltpu

_N = 50000
_E = 800000
_NG = 128
_NP = 50176
_E2 = _E + _N
_EP = 851968
_NB = _NP // 512


def _dense_body(x_ref, w_ref, afs_ref, afd_ref, h_ref, s_ref, d_ref, *, H, C):
    hb = jnp.dot(x_ref[...], w_ref[...], preferred_element_type=jnp.float32)
    h_ref[...] = hb
    for hh in range(H):
        sl = slice(hh * C, (hh + 1) * C)
        s_ref[:, hh:hh + 1] = jnp.sum(hb[:, sl] * afs_ref[0:1, sl], axis=1,
                                      keepdims=True)
        d_ref[:, hh:hh + 1] = jnp.sum(hb[:, sl] * afd_ref[0:1, sl], axis=1,
                                      keepdims=True)


def _dense(x, W, afs, afd, H, C):
    Din = x.shape[1]
    HC = H * C
    import functools
    return pl.pallas_call(
        functools.partial(_dense_body, H=H, C=C),
        grid=(_NB,),
        in_specs=[
            pl.BlockSpec((512, Din), lambda i: (i, 0)),
            pl.BlockSpec((Din, HC), lambda i: (0, 0)),
            pl.BlockSpec((1, HC), lambda i: (0, 0)),
            pl.BlockSpec((1, HC), lambda i: (0, 0)),
        ],
        out_specs=[
            pl.BlockSpec((512, HC), lambda i: (i, 0)),
            pl.BlockSpec((512, 4), lambda i: (i, 0)),
            pl.BlockSpec((512, 4), lambda i: (i, 0)),
        ],
        out_shape=[
            jax.ShapeDtypeStruct((_NP, HC), jnp.float32),
            jax.ShapeDtypeStruct((_NP, 4), jnp.float32),
            jax.ShapeDtypeStruct((_NP, 4), jnp.float32),
        ],
    )(x, W, afs, afd)


def _logits_body(s_ref, d_ref, o_ref):
    e = s_ref[...] + d_ref[...]
    e = jnp.where(e > 0, e, 0.2 * e)
    o_ref[...] = jnp.exp(e)


def _edge_logits(es, ed):
    return pl.pallas_call(
        _logits_body,
        grid=(_EP // 2048,),
        in_specs=[
            pl.BlockSpec((2048, 4), lambda i: (i, 0)),
            pl.BlockSpec((2048, 4), lambda i: (i, 0)),
        ],
        out_specs=pl.BlockSpec((2048, 4), lambda i: (i, 0)),
        out_shape=jax.ShapeDtypeStruct((_EP, 4), jnp.float32),
    )(es, ed)


def _weight_body(h_ref, ex_ref, den_ref, o_ref, *, H, C):
    al = ex_ref[...] / (den_ref[...] + 1e-16)
    for hh in range(H):
        sl = slice(hh * C, (hh + 1) * C)
        o_ref[:, sl] = h_ref[:, sl] * al[:, hh:hh + 1]


def _edge_weight(hs, ex, den, H, C):
    HC = H * C
    import functools
    return pl.pallas_call(
        functools.partial(_weight_body, H=H, C=C),
        grid=(_EP // 1024,),
        in_specs=[
            pl.BlockSpec((1024, HC), lambda i: (i, 0)),
            pl.BlockSpec((1024, 4), lambda i: (i, 0)),
            pl.BlockSpec((1024, 4), lambda i: (i, 0)),
        ],
        out_specs=pl.BlockSpec((1024, HC), lambda i: (i, 0)),
        out_shape=jax.ShapeDtypeStruct((_EP, HC), jnp.float32),
    )(hs, ex, den)


def _stats_body(y_ref, s_ref, ss_ref):
    i = pl.program_id(0)
    yb = y_ref[...]
    ps = jnp.sum(yb, axis=0, keepdims=True)
    pss = jnp.sum(yb * yb, axis=0, keepdims=True)

    @pl.when(i == 0)
    def _():
        s_ref[...] = ps
        ss_ref[...] = pss

    @pl.when(i > 0)
    def _():
        s_ref[...] += ps
        ss_ref[...] += pss


def _stats(y, HC):
    return pl.pallas_call(
        _stats_body,
        grid=(_NB,),
        in_specs=[pl.BlockSpec((512, HC), lambda i: (i, 0))],
        out_specs=[
            pl.BlockSpec((1, HC), lambda i: (0, 0)),
            pl.BlockSpec((1, HC), lambda i: (0, 0)),
        ],
        out_shape=[
            jax.ShapeDtypeStruct((1, HC), jnp.float32),
            jax.ShapeDtypeStruct((1, HC), jnp.float32),
        ],
    )(y)


def _norm_body(y_ref, s_ref, ss_ref, g_ref, b_ref, o_ref):
    m = s_ref[...] * (1.0 / _N)
    v = ss_ref[...] * (1.0 / _N) - m * m
    xh = (y_ref[...] - m) * jax.lax.rsqrt(v + 1e-5) * g_ref[...] + b_ref[...]
    o_ref[...] = jnp.where(xh > 0, xh, jnp.exp(xh) - 1.0)


def _norm(y, S, SS, g, b, HC):
    return pl.pallas_call(
        _norm_body,
        grid=(_NB,),
        in_specs=[
            pl.BlockSpec((512, HC), lambda i: (i, 0)),
            pl.BlockSpec((1, HC), lambda i: (0, 0)),
            pl.BlockSpec((1, HC), lambda i: (0, 0)),
            pl.BlockSpec((1, HC), lambda i: (0, 0)),
            pl.BlockSpec((1, HC), lambda i: (0, 0)),
        ],
        out_specs=pl.BlockSpec((512, HC), lambda i: (i, 0)),
        out_shape=jax.ShapeDtypeStruct((_NP, HC), jnp.float32),
    )(y, S, SS, g, b)


def _pool_body(h_ref, bb_ref, wf1_ref, bf1_ref, wf2_ref, bf2_ref, wf3_ref,
               o_ref, sums_scr, cnt_scr):
    i = pl.program_id(0)
    nb = pl.num_programs(0) - 1

    @pl.when(i < nb)
    def _():
        bb = bb_ref[...]
        oh = (bb == jax.lax.broadcasted_iota(jnp.int32, (512, _NG), 1)
              ).astype(jnp.float32)
        hb = h_ref[...]
        ps = jax.lax.dot_general(oh, hb, (((0,), (0,)), ((), ())),
                                 preferred_element_type=jnp.float32)
        pc = jax.lax.dot_general(oh, jnp.ones((512, 1), jnp.float32),
                                 (((0,), (0,)), ((), ())),
                                 preferred_element_type=jnp.float32)

        @pl.when(i == 0)
        def _():
            sums_scr[...] = ps
            cnt_scr[...] = pc

        @pl.when(i > 0)
        def _():
            sums_scr[...] += ps
            cnt_scr[...] += pc

    @pl.when(i == nb)
    def _():
        pooled = sums_scr[...] / jnp.maximum(cnt_scr[...], 1.0)
        z = jnp.dot(pooled, wf1_ref[...], preferred_element_type=jnp.float32)
        z = jnp.maximum(z + bf1_ref[...], 0.0)
        emb = jnp.dot(z, wf2_ref[...], preferred_element_type=jnp.float32)
        emb = jnp.maximum(emb + bf2_ref[...], 0.0)
        o_ref[...] = jnp.dot(emb, wf3_ref[...],
                             preferred_element_type=jnp.float32)


def _pool_mlp(h, bb, Wf1, bf1, Wf2, bf2, Wf3):
    nb = _NB
    return pl.pallas_call(
        _pool_body,
        grid=(nb + 1,),
        in_specs=[
            pl.BlockSpec((512, 256), lambda i: (jnp.minimum(i, nb - 1), 0)),
            pl.BlockSpec((512, 1), lambda i: (jnp.minimum(i, nb - 1), 0)),
            pl.BlockSpec((256, 128), lambda i: (0, 0)),
            pl.BlockSpec((1, 128), lambda i: (0, 0)),
            pl.BlockSpec((128, 64), lambda i: (0, 0)),
            pl.BlockSpec((1, 64), lambda i: (0, 0)),
            pl.BlockSpec((64, 1), lambda i: (0, 0)),
        ],
        out_specs=pl.BlockSpec((_NG, 1), lambda i: (0, 0)),
        out_shape=jax.ShapeDtypeStruct((_NG, 1), jnp.float32),
        scratch_shapes=[
            pltpu.VMEM((_NG, 256), jnp.float32),
            pltpu.VMEM((_NG, 1), jnp.float32),
        ],
    )(h, bb, Wf1, bf1, Wf2, bf2, Wf3)


def _gat_layer(hin, srcp, dstp, dst, W, a_s, a_d, b, H, C):
    HC = H * C
    hp, sp, dp = _dense(hin, W, a_s.reshape(1, HC), a_d.reshape(1, HC), H, C)
    es = sp[srcp]
    ed = dp[dstp]
    exf = _edge_logits(es, ed)
    den = jax.ops.segment_sum(exf[:_E2], dst, num_segments=_N)
    deng = den[dstp]
    hs = hp[srcp]
    wgt = _edge_weight(hs, exf, deng, H, C)
    out = jax.ops.segment_sum(wgt[:_E2], dst, num_segments=_N) + b
    return jnp.pad(out, ((0, _NP - _N), (0, 0)))


def kernel(x, edge_index, batch, W1, as1, ad1, b1, W2, as2, ad2, b2,
           g1, be1, g2, be2, Wf1, bf1, Wf2, bf2, Wf3, bf3):
    ar = jnp.arange(_N, dtype=edge_index.dtype)
    src = jnp.concatenate([edge_index[0], ar])
    dst = jnp.concatenate([edge_index[1], ar])
    srcp = jnp.pad(src, (0, _EP - _E2))
    dstp = jnp.pad(dst, (0, _EP - _E2))

    xp = jnp.pad(x, ((0, _NP - _N), (0, 0)))
    y1 = _gat_layer(xp, srcp, dstp, dst, W1, as1, ad1, b1, 4, 32)
    S1, SS1 = _stats(y1, 128)
    h1 = _norm(y1, S1, SS1, g1.reshape(1, 128), be1.reshape(1, 128), 128)

    y2 = _gat_layer(h1, srcp, dstp, dst, W2, as2, ad2, b2, 4, 64)
    S2, SS2 = _stats(y2, 256)
    h2 = _norm(y2, S2, SS2, g2.reshape(1, 256), be2.reshape(1, 256), 256)

    bb = jnp.pad(batch, (0, _NP - _N), constant_values=_NG).reshape(_NP, 1)
    o = _pool_mlp(h2, bb, Wf1, bf1.reshape(1, 128), Wf2, bf2.reshape(1, 64),
                  Wf3)
    return o.reshape(-1) + bf3[0]

# --- scband reference (transcript-rebuilt; emitter-appended) ---
"""Pipeline reference for scband-gatembedding-model-87995289960829 (READ-ONLY COPY).

The authoritative reference and input builder live on the scoring server;
editing this copy changes nothing except your own understanding.
"""

import jax, jax.numpy as jnp
import numpy as np

N = 50000
E = 800000
NG = 128

def _gat(x, ei, W, a_src, a_dst, b, H, C):
    n = x.shape[0]
    ar = jnp.arange(n, dtype=ei.dtype)
    ei2 = jnp.concatenate([ei, jnp.stack([ar, ar])], axis=1)
    src, dst = ei2[0], ei2[1]
    h = (x @ W).reshape(n, H, C)
    asrc = jnp.sum(h * a_src[None, :, :], axis=-1)
    adst = jnp.sum(h * a_dst[None, :, :], axis=-1)
    e = asrc[src] + adst[dst]
    e = jnp.where(e > 0, e, 0.2 * e)
    emax = jax.lax.stop_gradient(jax.ops.segment_max(e, dst, num_segments=n))
    ex = jnp.exp(e - emax[dst])
    den = jax.ops.segment_sum(ex, dst, num_segments=n)
    alpha = ex / (den[dst] + 1e-16)
    out = jax.ops.segment_sum(h[src] * alpha[:, :, None], dst, num_segments=n)
    return out.reshape(n, H * C) + b

def _bn(x, g, b):
    m = jnp.mean(x, axis=0)
    v = jnp.var(x, axis=0)
    return g * (x - m) / jnp.sqrt(v + 1e-5) + b

def _forward(x, edge_index, batch, W1, as1, ad1, b1, W2, as2, ad2, b2, g1, be1, g2, be2, Wf1, bf1, Wf2, bf2, Wf3, bf3):
    h = _gat(x, edge_index, W1, as1, ad1, b1, 4, 32)
    h = jax.nn.elu(_bn(h, g1, be1))
    h = _gat(h, edge_index, W2, as2, ad2, b2, 4, 64)
    h = jax.nn.elu(_bn(h, g2, be2))
    sums = jax.ops.segment_sum(h, batch, num_segments=NG)
    cnt = jax.ops.segment_sum(jnp.ones((h.shape[0],), h.dtype), batch, num_segments=NG)
    pooled = sums / jnp.maximum(cnt, 1.0)[:, None]
    z = jax.nn.relu(pooled @ Wf1 + bf1)
    emb = jax.nn.relu(z @ Wf2 + bf2)
    out = emb @ Wf3 + bf3
    return out.reshape(-1)

def setup_inputs(seed: int = 0):
    key = jax.random.key(seed)
    ks = jax.random.split(key, 16)
    inp = {}
    inp['x'] = jax.random.normal(ks[0], (N, 8), jnp.float32)
    inp['edge_index'] = jax.random.randint(ks[1], (2, E), 0, N, dtype=jnp.int32)
    inp['batch'] = jnp.sort(jax.random.randint(ks[2], (N,), 0, NG, dtype=jnp.int32))
    inp['W1'] = jax.random.normal(ks[3], (8, 128), jnp.float32) * 0.3
    inp['as1'] = jax.random.normal(ks[4], (4, 32), jnp.float32) * 0.1
    inp['ad1'] = jax.random.normal(ks[5], (4, 32), jnp.float32) * 0.1
    inp['b1'] = jnp.zeros((128,), jnp.float32)
    inp['W2'] = jax.random.normal(ks[6], (128, 256), jnp.float32) * 0.08
    inp['as2'] = jax.random.normal(ks[7], (4, 64), jnp.float32) * 0.1
    inp['ad2'] = jax.random.normal(ks[8], (4, 64), jnp.float32) * 0.1
    inp['b2'] = jnp.zeros((256,), jnp.float32)
    inp['g1'] = jnp.ones((128,), jnp.float32)
    inp['be1'] = jnp.zeros((128,), jnp.float32)
    inp['g2'] = jnp.ones((256,), jnp.float32)
    inp['be2'] = jnp.zeros((256,), jnp.float32)
    inp['Wf1'] = jax.random.normal(ks[9], (256, 128), jnp.float32) * 0.06
    inp['bf1'] = jnp.zeros((128,), jnp.float32)
    inp['Wf2'] = jax.random.normal(ks[10], (128, 64), jnp.float32) * 0.09
    inp['bf2'] = jnp.zeros((64,), jnp.float32)
    inp['Wf3'] = jax.random.normal(ks[11], (64, 1), jnp.float32) * 0.12
    inp['bf3'] = jnp.zeros((1,), jnp.float32)
    return inp

def reference(x, edge_index, batch, W1, as1, ad1, b1, W2, as2, ad2, b2, g1, be1, g2, be2, Wf1, bf1, Wf2, bf2, Wf3, bf3):
    return _forward(x, edge_index, batch, W1, as1, ad1, b1, W2, as2, ad2, b2, g1, be1, g2, be2, Wf1, bf1, Wf2, bf2, Wf3, bf3)

if __name__ == "__main__":
    import jax
    _d = setup_inputs()
    print(jax.jit(kernel)(*tuple(_d.values())))

</pallas_src>

<mosaic_0001>
module attributes {stable_mosaic.version = 14 : i64} {
  func.func @_dense_body(%arg0: i32, %arg1: memref<512x8xf32, #tpu.memory_space<vmem>>, %arg2: memref<8x128xf32, #tpu.memory_space<vmem>>, %arg3: memref<1x128xf32, #tpu.memory_space<vmem>>, %arg4: memref<1x128xf32, #tpu.memory_space<vmem>>, %arg5: memref<512x128xf32, #tpu.memory_space<vmem>>, %arg6: memref<512x4xf32, #tpu.memory_space<vmem>>, %arg7: memref<512x4xf32, #tpu.memory_space<vmem>>) attributes {dimension_semantics = [#tpu.dimension_semantics<arbitrary>], iteration_bounds = array<i64: 98>, scalar_prefetch = 0 : i64, scratch_operands = 0 : i64, tpu.core_type = #tpu.core_type<tc>, window_params = [{transform_indices = @transform_0, window_bounds = array<i64: 512, 8>}, {pipeline_mode = #tpu.pipeline_mode<synchronous>, transform_indices = @transform_1, window_bounds = array<i64: 8, 128>}, {pipeline_mode = #tpu.pipeline_mode<synchronous>, transform_indices = @transform_2, window_bounds = array<i64: 1, 128>}, {pipeline_mode = #tpu.pipeline_mode<synchronous>, transform_indices = @transform_3, window_bounds = array<i64: 1, 128>}, {transform_indices = @transform_4, window_bounds = array<i64: 512, 128>}, {transform_indices = @transform_5, window_bounds = array<i64: 512, 4>}, {transform_indices = @transform_6, window_bounds = array<i64: 512, 4>}]} {
    %get3A = arith.constant 0 : index
    %get3A_0 = arith.constant 0 : index
    %get3A_1 = vector.load %arg1[%get3A, %get3A_0] : memref<512x8xf32, #tpu.memory_space<vmem>>, vector<512x8xf32>
    %get3A_2 = arith.constant 0 : index
    %get3A_3 = arith.constant 0 : index
    %get3A_4 = vector.load %arg2[%get3A_2, %get3A_3] : memref<8x128xf32, #tpu.memory_space<vmem>>, vector<8x128xf32>
    %dot_general3A = arith.constant dense<0.000000e+00> : vector<512x128xf32>
    %dot_general3A_5 = tpu.matmul %get3A_1, %get3A_4, %dot_general3A {dimension_numbers = #tpu.dot_dimension_numbers<[1], [0], [0], [1], [0, 0, 1, 1], [], []>, transpose_lhs_hint = false} : vector<512x8xf32>, vector<8x128xf32>, vector<512x128xf32> -> vector<512x128xf32>
    %swap3A = arith.constant 0 : index
    %swap3A_6 = arith.constant 0 : index
    %swap3A_7 = vector.load %arg5[%swap3A, %swap3A_6] : memref<512x128xf32, #tpu.memory_space<vmem>>, vector<512x128xf32>
    tpu.vector_store %arg5[%swap3A, %swap3A_6], %dot_general3A_5 {strides = array<i32>} : memref<512x128xf32, #tpu.memory_space<vmem>>, vector<512x128xf32>,
    %slice3A = vector.extract_strided_slice %dot_general3A_5 {offsets = [0, 0], sizes = [512, 32], strides = [1, 1]} : vector<512x128xf32> to vector<512x32xf32>
    %get3A_8 = arith.constant 0 : index
    %get3A_9 = arith.constant 0 : index
    %get3A_10 = vector.load %arg3[%get3A_8, %get3A_9] : memref<1x128xf32, #tpu.memory_space<vmem>>, vector<1x32xf32>
    %mul3A = vector.broadcast %get3A_10 : vector<1x32xf32> to vector<512x32xf32>
    %mul3A_11 = arith.mulf %slice3A, %mul3A : vector<512x32xf32>
    %reduce_sum3A = arith.constant dense<0.000000e+00> : vector<512xf32>
    %reduce_sum3A_12 = vector.multi_reduction <add>, %mul3A_11, %reduce_sum3A [1] : vector<512x32xf32> to vector<512xf32>
    %broadcast_in_dim3A = vector.shape_cast %reduce_sum3A_12 : vector<512xf32> to vector<512x1xf32>
    %swap3A_13 = arith.constant 0 : index
    %swap3A_14 = arith.constant 0 : index
    %swap3A_15 = vector.load %arg6[%swap3A_13, %swap3A_14] : memref<512x4xf32, #tpu.memory_space<vmem>>, vector<512x1xf32>
    tpu.vector_store %arg6[%swap3A_13, %swap3A_14], %broadcast_in_dim3A {strides = array<i32>} : memref<512x4xf32, #tpu.memory_space<vmem>>, vector<512x1xf32>,
    %slice3A_16 = vector.extract_strided_slice %dot_general3A_5 {offsets = [0, 0], sizes = [512, 32], strides = [1, 1]} : vector<512x128xf32> to vector<512x32xf32>
    %get3A_17 = arith.constant 0 : index
    %get3A_18 = arith.constant 0 : index
    %get3A_19 = vector.load %arg4[%get3A_17, %get3A_18] : memref<1x128xf32, #tpu.memory_space<vmem>>, vector<1x32xf32>
    %mul3A_20 = vector.broadcast %get3A_19 : vector<1x32xf32> to vector<512x32xf32>
    %mul3A_21 = arith.mulf %slice3A_16, %mul3A_20 : vector<512x32xf32>
    %reduce_sum3A_22 = arith.constant dense<0.000000e+00> : vector<512xf32>
    %reduce_sum3A_23 = vector.multi_reduction <add>, %mul3A_21, %reduce_sum3A_22 [1] : vector<512x32xf32> to vector<512xf32>
    %broadcast_in_dim3A_24 = vector.shape_cast %reduce_sum3A_23 : vector<512xf32> to vector<512x1xf32>
    %swap3A_25 = arith.constant 0 : index
    %swap3A_26 = arith.constant 0 : index
    %swap3A_27 = vector.load %arg7[%swap3A_25, %swap3A_26] : memref<512x4xf32, #tpu.memory_space<vmem>>, vector<512x1xf32>
    tpu.vector_store %arg7[%swap3A_25, %swap3A_26], %broadcast_in_dim3A_24 {strides = array<i32>} : memref<512x4xf32, #tpu.memory_space<vmem>>, vector<512x1xf32>,
    %slice3A_28 = vector.extract_strided_slice %dot_general3A_5 {offsets = [0, 32], sizes = [512, 32], strides = [1, 1]} : vector<512x128xf32> to vector<512x32xf32>
    %get3A_29 = arith.constant 0 : index
    %get3A_30 = arith.constant 32 : index
    %get3A_31 = vector.load %arg3[%get3A_29, %get3A_30] : memref<1x128xf32, #tpu.memory_space<vmem>>, vector<1x32xf32>
    %mul3A_32 = vector.broadcast %get3A_31 : vector<1x32xf32> to vector<512x32xf32>
    %mul3A_33 = arith.mulf %slice3A_28, %mul3A_32 : vector<512x32xf32>
    %reduce_sum3A_34 = arith.constant dense<0.000000e+00> : vector<512xf32>
    %reduce_sum3A_35 = vector.multi_reduction <add>, %mul3A_33, %reduce_sum3A_34 [1] : vector<512x32xf32> to vector<512xf32>
    %broadcast_in_dim3A_36 = vector.shape_cast %reduce_sum3A_35 : vector<512xf32> to vector<512x1xf32>
    %swap3A_37 = arith.constant 0 : index
    %swap3A_38 = arith.constant 1 : index
    %swap3A_39 = vector.load %arg6[%swap3A_37, %swap3A_38] : memref<512x4xf32, #tpu.memory_space<vmem>>, vector<512x1xf32>
    tpu.vector_store %arg6[%swap3A_37, %swap3A_38], %broadcast_in_dim3A_36 {strides = array<i32>} : memref<512x4xf32, #tpu.memory_space<vmem>>, vector<512x1xf32>,
    %slice3A_40 = vector.extract_strided_slice %dot_general3A_5 {offsets = [0, 32], sizes = [512, 32], strides = [1, 1]} : vector<512x128xf32> to vector<512x32xf32>
    %get3A_41 = arith.constant 0 : index
    %get3A_42 = arith.constant 32 : index
    %get3A_43 = vector.load %arg4[%get3A_41, %get3A_42] : memref<1x128xf32, #tpu.memory_space<vmem>>, vector<1x32xf32>
    %mul3A_44 = vector.broadcast %get3A_43 : vector<1x32xf32> to vector<512x32xf32>
    %mul3A_45 = arith.mulf %slice3A_40, %mul3A_44 : vector<512x32xf32>
    %reduce_sum3A_46 = arith.constant dense<0.000000e+00> : vector<512xf32>
    %reduce_sum3A_47 = vector.multi_reduction <add>, %mul3A_45, %reduce_sum3A_46 [1] : vector<512x32xf32> to vector<512xf32>
    %broadcast_in_dim3A_48 = vector.shape_cast %reduce_sum3A_47 : vector<512xf32> to vector<512x1xf32>
    %swap3A_49 = arith.constant 0 : index
    %swap3A_50 = arith.constant 1 : index
    %swap3A_51 = vector.load %arg7[%swap3A_49, %swap3A_50] : memref<512x4xf32, #tpu.memory_space<vmem>>, vector<512x1xf32>
    tpu.vector_store %arg7[%swap3A_49, %swap3A_50], %broadcast_in_dim3A_48 {strides = array<i32>} : memref<512x4xf32, #tpu.memory_space<vmem>>, vector<512x1xf32>,
    %slice3A_52 = vector.extract_strided_slice %dot_general3A_5 {offsets = [0, 64], sizes = [512, 32], strides = [1, 1]} : vector<512x128xf32> to vector<512x32xf32>
    %get3A_53 = arith.constant 0 : index
    %get3A_54 = arith.constant 64 : index
    %get3A_55 = vector.load %arg3[%get3A_53, %get3A_54] : memref<1x128xf32, #tpu.memory_space<vmem>>, vector<1x32xf32>
    %mul3A_56 = vector.broadcast %get3A_55 : vector<1x32xf32> to vector<512x32xf32>
    %mul3A_57 = arith.mulf %slice3A_52, %mul3A_56 : vector<512x32xf32>
    %reduce_sum3A_58 = arith.constant dense<0.000000e+00> : vector<512xf32>
    %reduce_sum3A_59 = vector.multi_reduction <add>, %mul3A_57, %reduce_sum3A_58 [1] : vector<512x32xf32> to vector<512xf32>
    %broadcast_in_dim3A_60 = vector.shape_cast %reduce_sum3A_59 : vector<512xf32> to vector<512x1xf32>
    %swap3A_61 = arith.constant 0 : index
    %swap3A_62 = arith.constant 2 : index
    %swap3A_63 = vector.load %arg6[%swap3A_61, %swap3A_62] : memref<512x4xf32, #tpu.memory_space<vmem>>, vector<512x1xf32>
    tpu.vector_store %arg6[%swap3A_61, %swap3A_62], %broadcast_in_dim3A_60 {strides = array<i32>} : memref<512x4xf32, #tpu.memory_space<vmem>>, vector<512x1xf32>,
    %slice3A_64 = vector.extract_strided_slice %dot_general3A_5 {offsets = [0, 64], sizes = [512, 32], strides = [1, 1]} : vector<512x128xf32> to vector<512x32xf32>
    %get3A_65 = arith.constant 0 : index
    %get3A_66 = arith.constant 64 : index
    %get3A_67 = vector.load %arg4[%get3A_65, %get3A_66] : memref<1x128xf32, #tpu.memory_space<vmem>>, vector<1x32xf32>
    %mul3A_68 = vector.broadcast %get3A_67 : vector<1x32xf32> to vector<512x32xf32>
    %mul3A_69 = arith.mulf %slice3A_64, %mul3A_68 : vector<512x32xf32>
    %reduce_sum3A_70 = arith.constant dense<0.000000e+00> : vector<512xf32>
    %reduce_sum3A_71 = vector.multi_reduction <add>, %mul3A_69, %reduce_sum3A_70 [1] : vector<512x32xf32> to vector<512xf32>
    %broadcast_in_dim3A_72 = vector.shape_cast %reduce_sum3A_71 : vector<512xf32> to vector<512x1xf32>
    %swap3A_73 = arith.constant 0 : index
    %swap3A_74 = arith.constant 2 : index
    %swap3A_75 = vector.load %arg7[%swap3A_73, %swap3A_74] : memref<512x4xf32, #tpu.memory_space<vmem>>, vector<512x1xf32>
    tpu.vector_store %arg7[%swap3A_73, %swap3A_74], %broadcast_in_dim3A_72 {strides = array<i32>} : memref<512x4xf32, #tpu.memory_space<vmem>>, vector<512x1xf32>,
    %slice3A_76 = vector.extract_strided_slice %dot_general3A_5 {offsets = [0, 96], sizes = [512, 32], strides = [1, 1]} : vector<512x128xf32> to vector<512x32xf32>
    %get3A_77 = arith.constant 0 : index
    %get3A_78 = arith.constant 96 : index
    %get3A_79 = vector.load %arg3[%get3A_77, %get3A_78] : memref<1x128xf32, #tpu.memory_space<vmem>>, vector<1x32xf32>
    %mul3A_80 = vector.broadcast %get3A_79 : vector<1x32xf32> to vector<512x32xf32>
    %mul3A_81 = arith.mulf %slice3A_76, %mul3A_80 : vector<512x32xf32>
    %reduce_sum3A_82 = arith.constant dense<0.000000e+00> : vector<512xf32>
    %reduce_sum3A_83 = vector.multi_reduction <add>, %mul3A_81, %reduce_sum3A_82 [1] : vector<512x32xf32> to vector<512xf32>
    %broadcast_in_dim3A_84 = vector.shape_cast %reduce_sum3A_83 : vector<512xf32> to vector<512x1xf32>
    %swap3A_85 = arith.constant 0 : index
    %swap3A_86 = arith.constant 3 : index
    %swap3A_87 = vector.load %arg6[%swap3A_85, %swap3A_86] : memref<512x4xf32, #tpu.memory_space<vmem>>, vector<512x1xf32>
    tpu.vector_store %arg6[%swap3A_85, %swap3A_86], %broadcast_in_dim3A_84 {strides = array<i32>} : memref<512x4xf32, #tpu.memory_space<vmem>>, vector<512x1xf32>,
    %slice3A_88 = vector.extract_strided_slice %dot_general3A_5 {offsets = [0, 96], sizes = [512, 32], strides = [1, 1]} : vector<512x128xf32> to vector<512x32xf32>
    %get3A_89 = arith.constant 0 : index
    %get3A_90 = arith.constant 96 : index
    %get3A_91 = vector.load %arg4[%get3A_89, %get3A_90] : memref<1x128xf32, #tpu.memory_space<vmem>>, vector<1x32xf32>
    %mul3A_92 = vector.broadcast %get3A_91 : vector<1x32xf32> to vector<512x32xf32>
    %mul3A_93 = arith.mulf %slice3A_88, %mul3A_92 : vector<512x32xf32>
    %reduce_sum3A_94 = arith.constant dense<0.000000e+00> : vector<512xf32>
    %reduce_sum3A_95 = vector.multi_reduction <add>, %mul3A_93, %reduce_sum3A_94 [1] : vector<512x32xf32> to vector<512xf32>
    %broadcast_in_dim3A_96 = vector.shape_cast %reduce_sum3A_95 : vector<512xf32> to vector<512x1xf32>
    %swap3A_97 = arith.constant 0 : index
    %swap3A_98 = arith.constant 3 : index
    %swap3A_99 = vector.load %arg7[%swap3A_97, %swap3A_98] : memref<512x4xf32, #tpu.memory_space<vmem>>, vector<512x1xf32>
    tpu.vector_store %arg7[%swap3A_97, %swap3A_98], %broadcast_in_dim3A_96 {strides = array<i32>} : memref<512x4xf32, #tpu.memory_space<vmem>>, vector<512x1xf32>,
    return
  }
  func.func @transform_0(%arg0: i32) -> (i32, i32) {
    %c0_i32 = arith.constant 0 : i32
    %c0_i32_0 = arith.constant 0 : i32
    return %arg0, %c0_i32 : i32, i32
  }
  func.func @transform_1(%arg0: i32) -> (i32, i32) {
    %c0_i32 = arith.constant 0 : i32
    %c0_i32_0 = arith.constant 0 : i32
    %c0_i32_1 = arith.constant 0 : i32
    return %c0_i32, %c0_i32_0 : i32, i32
  }
  func.func @transform_2(%arg0: i32) -> (i32, i32) {
    %c0_i32 = arith.constant 0 : i32
    %c0_i32_0 = arith.constant 0 : i32
    %c0_i32_1 = arith.constant 0 : i32
    return %c0_i32, %c0_i32_0 : i32, i32
  }
  func.func @transform_3(%arg0: i32) -> (i32, i32) {
    %c0_i32 = arith.constant 0 : i32
    %c0_i32_0 = arith.constant 0 : i32
    %c0_i32_1 = arith.constant 0 : i32
    return %c0_i32, %c0_i32_0 : i32, i32
  }
  func.func @transform_4(%arg0: i32) -> (i32, i32) {
    %c0_i32 = arith.constant 0 : i32
    %c0_i32_0 = arith.constant 0 : i32
    return %arg0, %c0_i32 : i32, i32
  }
  func.func @transform_5(%arg0: i32) -> (i32, i32) {
    %c0_i32 = arith.constant 0 : i32
    %c0_i32_0 = arith.constant 0 : i32
    return %arg0, %c0_i32 : i32, i32
  }
  func.func @transform_6(%arg0: i32) -> (i32, i32) {
    %c0_i32 = arith.constant 0 : i32
    %c0_i32_0 = arith.constant 0 : i32
    return %arg0, %c0_i32 : i32, i32
  }
}

module attributes {stable_mosaic.version = 14 : i64} {
  func.func @_logits_body(%arg0: i32, %arg1: memref<2048x4xf32, #tpu.memory_space<vmem>>, %arg2: memref<2048x4xf32, #tpu.memory_space<vmem>>, %arg3: memref<2048x4xf32, #tpu.memory_space<vmem>>) attributes {dimension_semantics = [#tpu.dimension_semantics<arbitrary>], iteration_bounds = array<i64: 416>, scalar_prefetch = 0 : i64, scratch_operands = 0 : i64, tpu.core_type = #tpu.core_type<tc>, window_params = [{transform_indices = @transform_0, window_bounds = array<i64: 2048, 4>}, {transform_indices = @transform_1, window_bounds = array<i64: 2048, 4>}, {transform_indices = @transform_2, window_bounds = array<i64: 2048, 4>}]} {
    %get3A = arith.constant 0 : index
    %get3A_0 = arith.constant 0 : index
    %get3A_1 = vector.load %arg1[%get3A, %get3A_0] : memref<2048x4xf32, #tpu.memory_space<vmem>>, vector<2048x4xf32>
    %get3A_2 = arith.constant 0 : index
    %get3A_3 = arith.constant 0 : index
    %get3A_4 = vector.load %arg2[%get3A_2, %get3A_3] : memref<2048x4xf32, #tpu.memory_space<vmem>>, vector<2048x4xf32>
    %add3A = arith.addf %get3A_1, %get3A_4 : vector<2048x4xf32>
    %gt3A = arith.constant 0.000000e+00 : f32
    %gt3A_5 = vector.broadcast %gt3A : f32 to vector<2048x4xf32>
    %gt3A_6 = arith.cmpf ogt, %add3A, %gt3A_5 : vector<2048x4xf32>
    %mul3A = arith.constant 2.000000e-01 : f32
    %mul3A_7 = vector.broadcast %mul3A : f32 to vector<2048x4xf32>
    %mul3A_8 = arith.mulf %mul3A_7, %add3A : vector<2048x4xf32>
    %select_n3A = arith.select %gt3A_6, %add3A, %mul3A_8 : vector<2048x4xi1>, vector<2048x4xf32>
    %exp3A = math.exp %select_n3A : vector<2048x4xf32>
    %swap3A = arith.constant 0 : index
    %swap3A_9 = arith.constant 0 : index
    %swap3A_10 = vector.load %arg3[%swap3A, %swap3A_9] : memref<2048x4xf32, #tpu.memory_space<vmem>>, vector<2048x4xf32>
    tpu.vector_store %arg3[%swap3A, %swap3A_9], %exp3A {strides = array<i32>} : memref<2048x4xf32, #tpu.memory_space<vmem>>, vector<2048x4xf32>,
    return
  }
  func.func @transform_0(%arg0: i32) -> (i32, i32) {
    %c0_i32 = arith.constant 0 : i32
    %c0_i32_0 = arith.constant 0 : i32
    return %arg0, %c0_i32 : i32, i32
  }
  func.func @transform_1(%arg0: i32) -> (i32, i32) {
    %c0_i32 = arith.constant 0 : i32
    %c0_i32_0 = arith.constant 0 : i32
    return %arg0, %c0_i32 : i32, i32
  }
  func.func @transform_2(%arg0: i32) -> (i32, i32) {
    %c0_i32 = arith.constant 0 : i32
    %c0_i32_0 = arith.constant 0 : i32
    return %arg0, %c0_i32 : i32, i32
  }
}

module attributes {stable_mosaic.version = 14 : i64} {
  func.func @_weight_body(%arg0: i32, %arg1: memref<1024x128xf32, #tpu.memory_space<vmem>>, %arg2: memref<1024x4xf32, #tpu.memory_space<vmem>>, %arg3: memref<1024x4xf32, #tpu.memory_space<vmem>>, %arg4: memref<1024x128xf32, #tpu.memory_space<vmem>>) attributes {dimension_semantics = [#tpu.dimension_semantics<arbitrary>], iteration_bounds = array<i64: 832>, scalar_prefetch = 0 : i64, scratch_operands = 0 : i64, tpu.core_type = #tpu.core_type<tc>, window_params = [{transform_indices = @transform_0, window_bounds = array<i64: 1024, 128>}, {transform_indices = @transform_1, window_bounds = array<i64: 1024, 4>}, {transform_indices = @transform_2, window_bounds = array<i64: 1024, 4>}, {transform_indices = @transform_3, window_bounds = array<i64: 1024, 128>}]} {
    %get3A = arith.constant 0 : index
    %get3A_0 = arith.constant 0 : index
    %get3A_1 = vector.load %arg2[%get3A, %get3A_0] : memref<1024x4xf32, #tpu.memory_space<vmem>>, vector<1024x4xf32>
    %get3A_2 = arith.constant 0 : index
    %get3A_3 = arith.constant 0 : index
    %get3A_4 = vector.load %arg3[%get3A_2, %get3A_3] : memref<1024x4xf32, #tpu.memory_space<vmem>>, vector<1024x4xf32>
    %add3A = arith.constant 1.000000e-16 : f32
    %add3A_5 = vector.broadcast %add3A : f32 to vector<1024x4xf32>
    %add3A_6 = arith.addf %get3A_4, %add3A_5 : vector<1024x4xf32>
    %div3A = arith.divf %get3A_1, %add3A_6 : vector<1024x4xf32>
    %get3A_7 = arith.constant 0 : index
    %get3A_8 = arith.constant 0 : index
    %get3A_9 = vector.load %arg1[%get3A_7, %get3A_8] : memref<1024x128xf32, #tpu.memory_space<vmem>>, vector<1024x32xf32>
    %slice3A = vector.extract_strided_slice %div3A {offsets = [0, 0], sizes = [1024, 1], strides = [1, 1]} : vector<1024x4xf32> to vector<1024x1xf32>
    %mul3A = vector.broadcast %slice3A : vector<1024x1xf32> to vector<1024x32xf32>
    %mul3A_10 = arith.mulf %get3A_9, %mul3A : vector<1024x32xf32>
    %swap3A = arith.constant 0 : index
    %swap3A_11 = arith.constant 0 : index
    %swap3A_12 = vector.load %arg4[%swap3A, %swap3A_11] : memref<1024x128xf32, #tpu.memory_space<vmem>>, vector<1024x32xf32>
    tpu.vector_store %arg4[%swap3A, %swap3A_11], %mul3A_10 {strides = array<i32>} : memref<1024x128xf32, #tpu.memory_space<vmem>>, vector<1024x32xf32>,
    %get3A_13 = arith.constant 0 : index
    %get3A_14 = arith.constant 32 : index
    %get3A_15 = vector.load %arg1[%get3A_13, %get3A_14] : memref<1024x128xf32, #tpu.memory_space<vmem>>, vector<1024x32xf32>
    %slice3A_16 = vector.extract_strided_slice %div3A {offsets = [0, 1], sizes = [1024, 1], strides = [1, 1]} : vector<1024x4xf32> to vector<1024x1xf32>
    %mul3A_17 = vector.broadcast %slice3A_16 : vector<1024x1xf32> to vector<1024x32xf32>
    %mul3A_18 = arith.mulf %get3A_15, %mul3A_17 : vector<1024x32xf32>
    %swap3A_19 = arith.constant 0 : index
    %swap3A_20 = arith.constant 32 : index
    %swap3A_21 = vector.load %arg4[%swap3A_19, %swap3A_20] : memref<1024x128xf32, #tpu.memory_space<vmem>>, vector<1024x32xf32>
    tpu.vector_store %arg4[%swap3A_19, %swap3A_20], %mul3A_18 {strides = array<i32>} : memref<1024x128xf32, #tpu.memory_space<vmem>>, vector<1024x32xf32>,
    %get3A_22 = arith.constant 0 : index
    %get3A_23 = arith.constant 64 : index
    %get3A_24 = vector.load %arg1[%get3A_22, %get3A_23] : memref<1024x128xf32, #tpu.memory_space<vmem>>, vector<1024x32xf32>
    %slice3A_25 = vector.extract_strided_slice %div3A {offsets = [0, 2], sizes = [1024, 1], strides = [1, 1]} : vector<1024x4xf32> to vector<1024x1xf32>
    %mul3A_26 = vector.broadcast %slice3A_25 : vector<1024x1xf32> to vector<1024x32xf32>
    %mul3A_27 = arith.mulf %get3A_24, %mul3A_26 : vector<1024x32xf32>
    %swap3A_28 = arith.constant 0 : index
    %swap3A_29 = arith.constant 64 : index
    %swap3A_30 = vector.load %arg4[%swap3A_28, %swap3A_29] : memref<1024x128xf32, #tpu.memory_space<vmem>>, vector<1024x32xf32>
    tpu.vector_store %arg4[%swap3A_28, %swap3A_29], %mul3A_27 {strides = array<i32>} : memref<1024x128xf32, #tpu.memory_space<vmem>>, vector<1024x32xf32>,
    %get3A_31 = arith.constant 0 : index
    %get3A_32 = arith.constant 96 : index
    %get3A_33 = vector.load %arg1[%get3A_31, %get3A_32] : memref<1024x128xf32, #tpu.memory_space<vmem>>, vector<1024x32xf32>
    %slice3A_34 = vector.extract_strided_slice %div3A {offsets = [0, 3], sizes = [1024, 1], strides = [1, 1]} : vector<1024x4xf32> to vector<1024x1xf32>
    %mul3A_35 = vector.broadcast %slice3A_34 : vector<1024x1xf32> to vector<1024x32xf32>
    %mul3A_36 = arith.mulf %get3A_33, %mul3A_35 : vector<1024x32xf32>
    %swap3A_37 = arith.constant 0 : index
    %swap3A_38 = arith.constant 96 : index
    %swap3A_39 = vector.load %arg4[%swap3A_37, %swap3A_38] : memref<1024x128xf32, #tpu.memory_space<vmem>>, vector<1024x32xf32>
    tpu.vector_store %arg4[%swap3A_37, %swap3A_38], %mul3A_36 {strides = array<i32>} : memref<1024x128xf32, #tpu.memory_space<vmem>>, vector<1024x32xf32>,
    return
  }
  func.func @transform_0(%arg0: i32) -> (i32, i32) {
    %c0_i32 = arith.constant 0 : i32
    %c0_i32_0 = arith.constant 0 : i32
    return %arg0, %c0_i32 : i32, i32
  }
  func.func @transform_1(%arg0: i32) -> (i32, i32) {
    %c0_i32 = arith.constant 0 : i32
    %c0_i32_0 = arith.constant 0 : i32
    return %arg0, %c0_i32 : i32, i32
  }
  func.func @transform_2(%arg0: i32) -> (i32, i32) {
    %c0_i32 = arith.constant 0 : i32
    %c0_i32_0 = arith.constant 0 : i32
    return %arg0, %c0_i32 : i32, i32
  }
  func.func @transform_3(%arg0: i32) -> (i32, i32) {
    %c0_i32 = arith.constant 0 : i32
    %c0_i32_0 = arith.constant 0 : i32
    return %arg0, %c0_i32 : i32, i32
  }
}

module attributes {stable_mosaic.version = 14 : i64} {
  func.func @_norm_body(%arg0: i32, %arg1: memref<512x128xf32, #tpu.memory_space<vmem>>, %arg2: memref<1x128xf32, #tpu.memory_space<vmem>>, %arg3: memref<1x128xf32, #tpu.memory_space<vmem>>, %arg4: memref<1x128xf32, #tpu.memory_space<vmem>>, %arg5: memref<1x128xf32, #tpu.memory_space<vmem>>, %arg6: memref<512x128xf32, #tpu.memory_space<vmem>>) attributes {dimension_semantics = [#tpu.dimension_semantics<arbitrary>], iteration_bounds = array<i64: 98>, scalar_prefetch = 0 : i64, scratch_operands = 0 : i64, tpu.core_type = #tpu.core_type<tc>, window_params = [{transform_indices = @transform_0, window_bounds = array<i64: 512, 128>}, {pipeline_mode = #tpu.pipeline_mode<synchronous>, transform_indices = @transform_1, window_bounds = array<i64: 1, 128>}, {pipeline_mode = #tpu.pipeline_mode<synchronous>, transform_indices = @transform_2, window_bounds = array<i64: 1, 128>}, {pipeline_mode = #tpu.pipeline_mode<synchronous>, transform_indices = @transform_3, window_bounds = array<i64: 1, 128>}, {pipeline_mode = #tpu.pipeline_mode<synchronous>, transform_indices = @transform_4, window_bounds = array<i64: 1, 128>}, {transform_indices = @transform_5, window_bounds = array<i64: 512, 128>}]} {
    %get3A = arith.constant 0 : index
    %get3A_0 = arith.constant 0 : index
    %get3A_1 = vector.load %arg2[%get3A, %get3A_0] : memref<1x128xf32, #tpu.memory_space<vmem>>, vector<1x128xf32>
    %mul3A = arith.constant 2.000000e-05 : f32
    %mul3A_2 = vector.broadcast %mul3A : f32 to vector<1x128xf32>
    %mul3A_3 = arith.mulf %get3A_1, %mul3A_2 : vector<1x128xf32>
    %get3A_4 = arith.constant 0 : index
    %get3A_5 = arith.constant 0 : index
    %get3A_6 = vector.load %arg3[%get3A_4, %get3A_5] : memref<1x128xf32, #tpu.memory_space<vmem>>, vector<1x128xf32>
    %mul3A_7 = arith.constant 2.000000e-05 : f32
    %mul3A_8 = vector.broadcast %mul3A_7 : f32 to vector<1x128xf32>
    %mul3A_9 = arith.mulf %get3A_6, %mul3A_8 : vector<1x128xf32>
    %mul3A_10 = arith.mulf %mul3A_3, %mul3A_3 : vector<1x128xf32>
    %sub3A = arith.subf %mul3A_9, %mul3A_10 : vector<1x128xf32>
    %get3A_11 = arith.constant 0 : index
    %get3A_12 = arith.constant 0 : index
    %get3A_13 = vector.load %arg1[%get3A_11, %get3A_12] : memref<512x128xf32, #tpu.memory_space<vmem>>, vector<512x128xf32>
    %sub3A_14 = vector.broadcast %mul3A_3 : vector<1x128xf32> to vector<512x128xf32>
    %sub3A_15 = arith.subf %get3A_13, %sub3A_14 : vector<512x128xf32>
    %add3A = arith.constant 9.99999974E-6 : f32
    %add3A_16 = vector.broadcast %add3A : f32 to vector<1x128xf32>
    %add3A_17 = arith.addf %sub3A, %add3A_16 : vector<1x128xf32>
    %rsqrt3A = math.rsqrt %add3A_17 : vector<1x128xf32>
    %mul3A_18 = vector.broadcast %rsqrt3A : vector<1x128xf32> to vector<512x128xf32>
    %mul3A_19 = arith.mulf %sub3A_15, %mul3A_18 : vector<512x128xf32>
    %get3A_20 = arith.constant 0 : index
    %get3A_21 = arith.constant 0 : index
    %get3A_22 = vector.load %arg4[%get3A_20, %get3A_21] : memref<1x128xf32, #tpu.memory_space<vmem>>, vector<1x128xf32>
    %mul3A_23 = vector.broadcast %get3A_22 : vector<1x128xf32> to vector<512x128xf32>
    %mul3A_24 = arith.mulf %mul3A_19, %mul3A_23 : vector<512x128xf32>
    %get3A_25 = arith.constant 0 : index
    %get3A_26 = arith.constant 0 : index
    %get3A_27 = vector.load %arg5[%get3A_25, %get3A_26] : memref<1x128xf32, #tpu.memory_space<vmem>>, vector<1x128xf32>
    %add3A_28 = vector.broadcast %get3A_27 : vector<1x128xf32> to vector<512x128xf32>
    %add3A_29 = arith.addf %mul3A_24, %add3A_28 : vector<512x128xf32>
    %gt3A = arith.constant 0.000000e+00 : f32
    %gt3A_30 = vector.broadcast %gt3A : f32 to vector<512x128xf32>
    %gt3A_31 = arith.cmpf ogt, %add3A_29, %gt3A_30 : vector<512x128xf32>
    %exp3A = math.exp %add3A_29 : vector<512x128xf32>
    %sub3A_32 = arith.constant 1.000000e+00 : f32
    %sub3A_33 = vector.broadcast %sub3A_32 : f32 to vector<512x128xf32>
    %sub3A_34 = arith.subf %exp3A, %sub3A_33 : vector<512x128xf32>
    %select_n3A = arith.select %gt3A_31, %add3A_29, %sub3A_34 : vector<512x128xi1>, vector<512x128xf32>
    %swap3A = arith.constant 0 : index
    %swap3A_35 = arith.constant 0 : index
    %swap3A_36 = vector.load %arg6[%swap3A, %swap3A_35] : memref<512x128xf32, #tpu.memory_space<vmem>>, vector<512x128xf32>
    tpu.vector_store %arg6[%swap3A, %swap3A_35], %select_n3A {strides = array<i32>} : memref<512x128xf32, #tpu.memory_space<vmem>>, vector<512x128xf32>,
    return
  }
  func.func @transform_0(%arg0: i32) -> (i32, i32) {
    %c0_i32 = arith.constant 0 : i32
    %c0_i32_0 = arith.constant 0 : i32
    return %arg0, %c0_i32 : i32, i32
  }
  func.func @transform_1(%arg0: i32) -> (i32, i32) {
    %c0_i32 = arith.constant 0 : i32
    %c0_i32_0 = arith.constant 0 : i32
    %c0_i32_1 = arith.constant 0 : i32
    return %c0_i32, %c0_i32_0 : i32, i32
  }
  func.func @transform_2(%arg0: i32) -> (i32, i32) {
    %c0_i32 = arith.constant 0 : i32
    %c0_i32_0 = arith.constant 0 : i32
    %c0_i32_1 = arith.constant 0 : i32
    return %c0_i32, %c0_i32_0 : i32, i32
  }
  func.func @transform_3(%arg0: i32) -> (i32, i32) {
    %c0_i32 = arith.constant 0 : i32
    %c0_i32_0 = arith.constant 0 : i32
    %c0_i32_1 = arith.constant 0 : i32
    return %c0_i32, %c0_i32_0 : i32, i32
  }
  func.func @transform_4(%arg0: i32) -> (i32, i32) {
    %c0_i32 = arith.constant 0 : i32
    %c0_i32_0 = arith.constant 0 : i32
    %c0_i32_1 = arith.constant 0 : i32
    return %c0_i32, %c0_i32_0 : i32, i32
  }
  func.func @transform_5(%arg0: i32) -> (i32, i32) {
    %c0_i32 = arith.constant 0 : i32
    %c0_i32_0 = arith.constant 0 : i32
    return %arg0, %c0_i32 : i32, i32
  }
}

module attributes {stable_mosaic.version = 14 : i64} {
  func.func @_stats_body(%arg0: i32, %arg1: memref<512x128xf32, #tpu.memory_space<vmem>>, %arg2: memref<1x128xf32, #tpu.memory_space<vmem>>, %arg3: memref<1x128xf32, #tpu.memory_space<vmem>>) attributes {dimension_semantics = [#tpu.dimension_semantics<arbitrary>], iteration_bounds = array<i64: 98>, scalar_prefetch = 0 : i64, scratch_operands = 0 : i64, tpu.core_type = #tpu.core_type<tc>, window_params = [{transform_indices = @transform_0, window_bounds = array<i64: 512, 128>}, {pipeline_mode = #tpu.pipeline_mode<synchronous>, transform_indices = @transform_1, window_bounds = array<i64: 1, 128>}, {pipeline_mode = #tpu.pipeline_mode<synchronous>, transform_indices = @transform_2, window_bounds = array<i64: 1, 128>}]} {
    %get3A = arith.constant 0 : index
    %get3A_0 = arith.constant 0 : index
    %get3A_1 = vector.load %arg1[%get3A, %get3A_0] : memref<512x128xf32, #tpu.memory_space<vmem>>, vector<512x128xf32>
    %reduce_sum3A = arith.constant dense<0.000000e+00> : vector<128xf32>
    %reduce_sum3A_2 = vector.multi_reduction <add>, %get3A_1, %reduce_sum3A [0] : vector<512x128xf32> to vector<128xf32>
    %broadcast_in_dim3A = vector.shape_cast %reduce_sum3A_2 : vector<128xf32> to vector<1x128xf32>
    %mul3A = arith.mulf %get3A_1, %get3A_1 : vector<512x128xf32>
    %reduce_sum3A_3 = arith.constant dense<0.000000e+00> : vector<128xf32>
    %reduce_sum3A_4 = vector.multi_reduction <add>, %mul3A, %reduce_sum3A_3 [0] : vector<512x128xf32> to vector<128xf32>
    %broadcast_in_dim3A_5 = vector.shape_cast %reduce_sum3A_4 : vector<128xf32> to vector<1x128xf32>
    %eq3A = arith.constant 0 : i32
    %eq3A_6 = arith.cmpi eq, %arg0, %eq3A : i32
    %convert_element_type3A = arith.extui %eq3A_6 : i1 to i32
    %cond3A = arith.constant 0 : i32
    %cond3A_7 = arith.cmpi ne, %convert_element_type3A, %cond3A : i32
    scf.if %cond3A_7 {
      %swap3A = arith.constant 0 : index
      %swap3A_12 = arith.constant 0 : index
      %swap3A_13 = vector.load %arg2[%swap3A, %swap3A_12] : memref<1x128xf32, #tpu.memory_space<vmem>>, vector<1x128xf32>
      tpu.vector_store %arg2[%swap3A, %swap3A_12], %broadcast_in_dim3A {strides = array<i32>} : memref<1x128xf32, #tpu.memory_space<vmem>>, vector<1x128xf32>,
      %swap3A_14 = arith.constant 0 : index
      %swap3A_15 = arith.constant 0 : index
      %swap3A_16 = vector.load %arg3[%swap3A_14, %swap3A_15] : memref<1x128xf32, #tpu.memory_space<vmem>>, vector<1x128xf32>
      tpu.vector_store %arg3[%swap3A_14, %swap3A_15], %broadcast_in_dim3A_5 {strides = array<i32>} : memref<1x128xf32, #tpu.memory_space<vmem>>, vector<1x128xf32>,
    } else {
    }
    %gt3A = arith.constant 0 : i32
    %gt3A_8 = arith.cmpi sgt, %arg0, %gt3A : i32
    %convert_element_type3A_9 = arith.extui %gt3A_8 : i1 to i32
    %cond3A_10 = arith.constant 0 : i32
    %cond3A_11 = arith.cmpi ne, %convert_element_type3A_9, %cond3A_10 : i32
    scf.if %cond3A_11 {
      %get3A_12 = arith.constant 0 : index
      %get3A_13 = arith.constant 0 : index
      %get3A_14 = vector.load %arg2[%get3A_12, %get3A_13] : memref<1x128xf32, #tpu.memory_space<vmem>>, vector<1x128xf32>
      %add3A = arith.addf %get3A_14, %broadcast_in_dim3A : vector<1x128xf32>
      %swap3A = arith.constant 0 : index
      %swap3A_15 = arith.constant 0 : index
      %swap3A_16 = vector.load %arg2[%swap3A, %swap3A_15] : memref<1x128xf32, #tpu.memory_space<vmem>>, vector<1x128xf32>
      tpu.vector_store %arg2[%swap3A, %swap3A_15], %add3A {strides = array<i32>} : memref<1x128xf32, #tpu.memory_space<vmem>>, vector<1x128xf32>,
      %get3A_17 = arith.constant 0 : index
      %get3A_18 = arith.constant 0 : index
      %get3A_19 = vector.load %arg3[%get3A_17, %get3A_18] : memref<1x128xf32, #tpu.memory_space<vmem>>, vector<1x128xf32>
      %add3A_20 = arith.addf %get3A_19, %broadcast_in_dim3A_5 : vector<1x128xf32>
      %swap3A_21 = arith.constant 0 : index
      %swap3A_22 = arith.constant 0 : index
      %swap3A_23 = vector.load %arg3[%swap3A_21, %swap3A_22] : memref<1x128xf32, #tpu.memory_space<vmem>>, vector<1x128xf32>
      tpu.vector_store %arg3[%swap3A_21, %swap3A_22], %add3A_20 {strides = array<i32>} : memref<1x128xf32, #tpu.memory_space<vmem>>, vector<1x128xf32>,
    } else {
    }
    return
  }
  func.func @transform_0(%arg0: i32) -> (i32, i32) {
    %c0_i32 = arith.constant 0 : i32
    %c0_i32_0 = arith.constant 0 : i32
    return %arg0, %c0_i32 : i32, i32
  }
  func.func @transform_1(%arg0: i32) -> (i32, i32) {
    %c0_i32 = arith.constant 0 : i32
    %c0_i32_0 = arith.constant 0 : i32
    %c0_i32_1 = arith.constant 0 : i32
    return %c0_i32, %c0_i32_0 : i32, i32
  }
  func.func @transform_2(%arg0: i32) -> (i32, i32) {
    %c0_i32 = arith.constant 0 : i32
    %c0_i32_0 = arith.constant 0 : i32
    %c0_i32_1 = arith.constant 0 : i32
    return %c0_i32, %c0_i32_0 : i32, i32
  }
}

module attributes {stable_mosaic.version = 14 : i64} {
  func.func @_dense_body(%arg0: i32, %arg1: memref<512x128xf32, #tpu.memory_space<vmem>>, %arg2: memref<128x256xf32, #tpu.memory_space<vmem>>, %arg3: memref<1x256xf32, #tpu.memory_space<vmem>>, %arg4: memref<1x256xf32, #tpu.memory_space<vmem>>, %arg5: memref<512x256xf32, #tpu.memory_space<vmem>>, %arg6: memref<512x4xf32, #tpu.memory_space<vmem>>, %arg7: memref<512x4xf32, #tpu.memory_space<vmem>>) attributes {dimension_semantics = [#tpu.dimension_semantics<arbitrary>], iteration_bounds = array<i64: 98>, scalar_prefetch = 0 : i64, scratch_operands = 0 : i64, tpu.core_type = #tpu.core_type<tc>, window_params = [{transform_indices = @transform_0, window_bounds = array<i64: 512, 128>}, {pipeline_mode = #tpu.pipeline_mode<synchronous>, transform_indices = @transform_1, window_bounds = array<i64: 128, 256>}, {pipeline_mode = #tpu.pipeline_mode<synchronous>, transform_indices = @transform_2, window_bounds = array<i64: 1, 256>}, {pipeline_mode = #tpu.pipeline_mode<synchronous>, transform_indices = @transform_3, window_bounds = array<i64: 1, 256>}, {transform_indices = @transform_4, window_bounds = array<i64: 512, 256>}, {transform_indices = @transform_5, window_bounds = array<i64: 512, 4>}, {transform_indices = @transform_6, window_bounds = array<i64: 512, 4>}]} {
    %get3A = arith.constant 0 : index
    %get3A_0 = arith.constant 0 : index
    %get3A_1 = vector.load %arg1[%get3A, %get3A_0] : memref<512x128xf32, #tpu.memory_space<vmem>>, vector<512x128xf32>
    %get3A_2 = arith.constant 0 : index
    %get3A_3 = arith.constant 0 : index
    %get3A_4 = vector.load %arg2[%get3A_2, %get3A_3] : memref<128x256xf32, #tpu.memory_space<vmem>>, vector<128x256xf32>
    %dot_general3A = arith.constant dense<0.000000e+00> : vector<512x256xf32>
    %dot_general3A_5 = tpu.matmul %get3A_1, %get3A_4, %dot_general3A {dimension_numbers = #tpu.dot_dimension_numbers<[1], [0], [0], [1], [0, 0, 1, 1], [], []>, transpose_lhs_hint = false} : vector<512x128xf32>, vector<128x256xf32>, vector<512x256xf32> -> vector<512x256xf32>
    %swap3A = arith.constant 0 : index
    %swap3A_6 = arith.constant 0 : index
    %swap3A_7 = vector.load %arg5[%swap3A, %swap3A_6] : memref<512x256xf32, #tpu.memory_space<vmem>>, vector<512x256xf32>
    tpu.vector_store %arg5[%swap3A, %swap3A_6], %dot_general3A_5 {strides = array<i32>} : memref<512x256xf32, #tpu.memory_space<vmem>>, vector<512x256xf32>,
    %slice3A = vector.extract_strided_slice %dot_general3A_5 {offsets = [0, 0], sizes = [512, 64], strides = [1, 1]} : vector<512x256xf32> to vector<512x64xf32>
    %get3A_8 = arith.constant 0 : index
    %get3A_9 = arith.constant 0 : index
    %get3A_10 = vector.load %arg3[%get3A_8, %get3A_9] : memref<1x256xf32, #tpu.memory_space<vmem>>, vector<1x64xf32>
    %mul3A = vector.broadcast %get3A_10 : vector<1x64xf32> to vector<512x64xf32>
    %mul3A_11 = arith.mulf %slice3A, %mul3A : vector<512x64xf32>
    %reduce_sum3A = arith.constant dense<0.000000e+00> : vector<512xf32>
    %reduce_sum3A_12 = vector.multi_reduction <add>, %mul3A_11, %reduce_sum3A [1] : vector<512x64xf32> to vector<512xf32>
    %broadcast_in_dim3A = vector.shape_cast %reduce_sum3A_12 : vector<512xf32> to vector<512x1xf32>
    %swap3A_13 = arith.constant 0 : index
    %swap3A_14 = arith.constant 0 : index
    %swap3A_15 = vector.load %arg6[%swap3A_13, %swap3A_14] : memref<512x4xf32, #tpu.memory_space<vmem>>, vector<512x1xf32>
    tpu.vector_store %arg6[%swap3A_13, %swap3A_14], %broadcast_in_dim3A {strides = array<i32>} : memref<512x4xf32, #tpu.memory_space<vmem>>, vector<512x1xf32>,
    %slice3A_16 = vector.extract_strided_slice %dot_general3A_5 {offsets = [0, 0], sizes = [512, 64], strides = [1, 1]} : vector<512x256xf32> to vector<512x64xf32>
    %get3A_17 = arith.constant 0 : index
    %get3A_18 = arith.constant 0 : index
    %get3A_19 = vector.load %arg4[%get3A_17, %get3A_18] : memref<1x256xf32, #tpu.memory_space<vmem>>, vector<1x64xf32>
    %mul3A_20 = vector.broadcast %get3A_19 : vector<1x64xf32> to vector<512x64xf32>
    %mul3A_21 = arith.mulf %slice3A_16, %mul3A_20 : vector<512x64xf32>
    %reduce_sum3A_22 = arith.constant dense<0.000000e+00> : vector<512xf32>
    %reduce_sum3A_23 = vector.multi_reduction <add>, %mul3A_21, %reduce_sum3A_22 [1] : vector<512x64xf32> to vector<512xf32>
    %broadcast_in_dim3A_24 = vector.shape_cast %reduce_sum3A_23 : vector<512xf32> to vector<512x1xf32>
    %swap3A_25 = arith.constant 0 : index
    %swap3A_26 = arith.constant 0 : index
    %swap3A_27 = vector.load %arg7[%swap3A_25, %swap3A_26] : memref<512x4xf32, #tpu.memory_space<vmem>>, vector<512x1xf32>
    tpu.vector_store %arg7[%swap3A_25, %swap3A_26], %broadcast_in_dim3A_24 {strides = array<i32>} : memref<512x4xf32, #tpu.memory_space<vmem>>, vector<512x1xf32>,
    %slice3A_28 = vector.extract_strided_slice %dot_general3A_5 {offsets = [0, 64], sizes = [512, 64], strides = [1, 1]} : vector<512x256xf32> to vector<512x64xf32>
    %get3A_29 = arith.constant 0 : index
    %get3A_30 = arith.constant 64 : index
    %get3A_31 = vector.load %arg3[%get3A_29, %get3A_30] : memref<1x256xf32, #tpu.memory_space<vmem>>, vector<1x64xf32>
    %mul3A_32 = vector.broadcast %get3A_31 : vector<1x64xf32> to vector<512x64xf32>
    %mul3A_33 = arith.mulf %slice3A_28, %mul3A_32 : vector<512x64xf32>
    %reduce_sum3A_34 = arith.constant dense<0.000000e+00> : vector<512xf32>
    %reduce_sum3A_35 = vector.multi_reduction <add>, %mul3A_33, %reduce_sum3A_34 [1] : vector<512x64xf32> to vector<512xf32>
    %broadcast_in_dim3A_36 = vector.shape_cast %reduce_sum3A_35 : vector<512xf32> to vector<512x1xf32>
    %swap3A_37 = arith.constant 0 : index
    %swap3A_38 = arith.constant 1 : index
    %swap3A_39 = vector.load %arg6[%swap3A_37, %swap3A_38] : memref<512x4xf32, #tpu.memory_space<vmem>>, vector<512x1xf32>
    tpu.vector_store %arg6[%swap3A_37, %swap3A_38], %broadcast_in_dim3A_36 {strides = array<i32>} : memref<512x4xf32, #tpu.memory_space<vmem>>, vector<512x1xf32>,
    %slice3A_40 = vector.extract_strided_slice %dot_general3A_5 {offsets = [0, 64], sizes = [512, 64], strides = [1, 1]} : vector<512x256xf32> to vector<512x64xf32>
    %get3A_41 = arith.constant 0 : index
    %get3A_42 = arith.constant 64 : index
    %get3A_43 = vector.load %arg4[%get3A_41, %get3A_42] : memref<1x256xf32, #tpu.memory_space<vmem>>, vector<1x64xf32>
    %mul3A_44 = vector.broadcast %get3A_43 : vector<1x64xf32> to vector<512x64xf32>
    %mul3A_45 = arith.mulf %slice3A_40, %mul3A_44 : vector<512x64xf32>
    %reduce_sum3A_46 = arith.constant dense<0.000000e+00> : vector<512xf32>
    %reduce_sum3A_47 = vector.multi_reduction <add>, %mul3A_45, %reduce_sum3A_46 [1] : vector<512x64xf32> to vector<512xf32>
    %broadcast_in_dim3A_48 = vector.shape_cast %reduce_sum3A_47 : vector<512xf32> to vector<512x1xf32>
    %swap3A_49 = arith.constant 0 : index
    %swap3A_50 = arith.constant 1 : index
    %swap3A_51 = vector.load %arg7[%swap3A_49, %swap3A_50] : memref<512x4xf32, #tpu.memory_space<vmem>>, vector<512x1xf32>
    tpu.vector_store %arg7[%swap3A_49, %swap3A_50], %broadcast_in_dim3A_48 {strides = array<i32>} : memref<512x4xf32, #tpu.memory_space<vmem>>, vector<512x1xf32>,
    %slice3A_52 = vector.extract_strided_slice %dot_general3A_5 {offsets = [0, 128], sizes = [512, 64], strides = [1, 1]} : vector<512x256xf32> to vector<512x64xf32>
    %get3A_53 = arith.constant 0 : index
    %get3A_54 = arith.constant 128 : index
    %get3A_55 = vector.load %arg3[%get3A_53, %get3A_54] : memref<1x256xf32, #tpu.memory_space<vmem>>, vector<1x64xf32>
    %mul3A_56 = vector.broadcast %get3A_55 : vector<1x64xf32> to vector<512x64xf32>
    %mul3A_57 = arith.mulf %slice3A_52, %mul3A_56 : vector<512x64xf32>
    %reduce_sum3A_58 = arith.constant dense<0.000000e+00> : vector<512xf32>
    %reduce_sum3A_59 = vector.multi_reduction <add>, %mul3A_57, %reduce_sum3A_58 [1] : vector<512x64xf32> to vector<512xf32>
    %broadcast_in_dim3A_60 = vector.shape_cast %reduce_sum3A_59 : vector<512xf32> to vector<512x1xf32>
    %swap3A_61 = arith.constant 0 : index
    %swap3A_62 = arith.constant 2 : index
    %swap3A_63 = vector.load %arg6[%swap3A_61, %swap3A_62] : memref<512x4xf32, #tpu.memory_space<vmem>>, vector<512x1xf32>
    tpu.vector_store %arg6[%swap3A_61, %swap3A_62], %broadcast_in_dim3A_60 {strides = array<i32>} : memref<512x4xf32, #tpu.memory_space<vmem>>, vector<512x1xf32>,
    %slice3A_64 = vector.extract_strided_slice %dot_general3A_5 {offsets = [0, 128], sizes = [512, 64], strides = [1, 1]} : vector<512x256xf32> to vector<512x64xf32>
    %get3A_65 = arith.constant 0 : index
    %get3A_66 = arith.constant 128 : index
    %get3A_67 = vector.load %arg4[%get3A_65, %get3A_66] : memref<1x256xf32, #tpu.memory_space<vmem>>, vector<1x64xf32>
    %mul3A_68 = vector.broadcast %get3A_67 : vector<1x64xf32> to vector<512x64xf32>
    %mul3A_69 = arith.mulf %slice3A_64, %mul3A_68 : vector<512x64xf32>
    %reduce_sum3A_70 = arith.constant dense<0.000000e+00> : vector<512xf32>
    %reduce_sum3A_71 = vector.multi_reduction <add>, %mul3A_69, %reduce_sum3A_70 [1] : vector<512x64xf32> to vector<512xf32>
    %broadcast_in_dim3A_72 = vector.shape_cast %reduce_sum3A_71 : vector<512xf32> to vector<512x1xf32>
    %swap3A_73 = arith.constant 0 : index
    %swap3A_74 = arith.constant 2 : index
    %swap3A_75 = vector.load %arg7[%swap3A_73, %swap3A_74] : memref<512x4xf32, #tpu.memory_space<vmem>>, vector<512x1xf32>
    tpu.vector_store %arg7[%swap3A_73, %swap3A_74], %broadcast_in_dim3A_72 {strides = array<i32>} : memref<512x4xf32, #tpu.memory_space<vmem>>, vector<512x1xf32>,
    %slice3A_76 = vector.extract_strided_slice %dot_general3A_5 {offsets = [0, 192], sizes = [512, 64], strides = [1, 1]} : vector<512x256xf32> to vector<512x64xf32>
    %get3A_77 = arith.constant 0 : index
    %get3A_78 = arith.constant 192 : index
    %get3A_79 = vector.load %arg3[%get3A_77, %get3A_78] : memref<1x256xf32, #tpu.memory_space<vmem>>, vector<1x64xf32>
    %mul3A_80 = vector.broadcast %get3A_79 : vector<1x64xf32> to vector<512x64xf32>
    %mul3A_81 = arith.mulf %slice3A_76, %mul3A_80 : vector<512x64xf32>
    %reduce_sum3A_82 = arith.constant dense<0.000000e+00> : vector<512xf32>
    %reduce_sum3A_83 = vector.multi_reduction <add>, %mul3A_81, %reduce_sum3A_82 [1] : vector<512x64xf32> to vector<512xf32>
    %broadcast_in_dim3A_84 = vector.shape_cast %reduce_sum3A_83 : vector<512xf32> to vector<512x1xf32>
    %swap3A_85 = arith.constant 0 : index
    %swap3A_86 = arith.constant 3 : index
    %swap3A_87 = vector.load %arg6[%swap3A_85, %swap3A_86] : memref<512x4xf32, #tpu.memory_space<vmem>>, vector<512x1xf32>
    tpu.vector_store %arg6[%swap3A_85, %swap3A_86], %broadcast_in_dim3A_84 {strides = array<i32>} : memref<512x4xf32, #tpu.memory_space<vmem>>, vector<512x1xf32>,
    %slice3A_88 = vector.extract_strided_slice %dot_general3A_5 {offsets = [0, 192], sizes = [512, 64], strides = [1, 1]} : vector<512x256xf32> to vector<512x64xf32>
    %get3A_89 = arith.constant 0 : index
    %get3A_90 = arith.constant 192 : index
    %get3A_91 = vector.load %arg4[%get3A_89, %get3A_90] : memref<1x256xf32, #tpu.memory_space<vmem>>, vector<1x64xf32>
    %mul3A_92 = vector.broadcast %get3A_91 : vector<1x64xf32> to vector<512x64xf32>
    %mul3A_93 = arith.mulf %slice3A_88, %mul3A_92 : vector<512x64xf32>
    %reduce_sum3A_94 = arith.constant dense<0.000000e+00> : vector<512xf32>
    %reduce_sum3A_95 = vector.multi_reduction <add>, %mul3A_93, %reduce_sum3A_94 [1] : vector<512x64xf32> to vector<512xf32>
    %broadcast_in_dim3A_96 = vector.shape_cast %reduce_sum3A_95 : vector<512xf32> to vector<512x1xf32>
    %swap3A_97 = arith.constant 0 : index
    %swap3A_98 = arith.constant 3 : index
    %swap3A_99 = vector.load %arg7[%swap3A_97, %swap3A_98] : memref<512x4xf32, #tpu.memory_space<vmem>>, vector<512x1xf32>
    tpu.vector_store %arg7[%swap3A_97, %swap3A_98], %broadcast_in_dim3A_96 {strides = array<i32>} : memref<512x4xf32, #tpu.memory_space<vmem>>, vector<512x1xf32>,
    return
  }
  func.func @transform_0(%arg0: i32) -> (i32, i32) {
    %c0_i32 = arith.constant 0 : i32
    %c0_i32_0 = arith.constant 0 : i32
    return %arg0, %c0_i32 : i32, i32
  }
  func.func @transform_1(%arg0: i32) -> (i32, i32) {
    %c0_i32 = arith.constant 0 : i32
    %c0_i32_0 = arith.constant 0 : i32
    %c0_i32_1 = arith.constant 0 : i32
    return %c0_i32, %c0_i32_0 : i32, i32
  }
  func.func @transform_2(%arg0: i32) -> (i32, i32) {
    %c0_i32 = arith.constant 0 : i32
    %c0_i32_0 = arith.constant 0 : i32
    %c0_i32_1 = arith.constant 0 : i32
    return %c0_i32, %c0_i32_0 : i32, i32
  }
  func.func @transform_3(%arg0: i32) -> (i32, i32) {
    %c0_i32 = arith.constant 0 : i32
    %c0_i32_0 = arith.constant 0 : i32
    %c0_i32_1 = arith.constant 0 : i32
    return %c0_i32, %c0_i32_0 : i32, i32
  }
  func.func @transform_4(%arg0: i32) -> (i32, i32) {
    %c0_i32 = arith.constant 0 : i32
    %c0_i32_0 = arith.constant 0 : i32
    return %arg0, %c0_i32 : i32, i32
  }
  func.func @transform_5(%arg0: i32) -> (i32, i32) {
    %c0_i32 = arith.constant 0 : i32
    %c0_i32_0 = arith.constant 0 : i32
    return %arg0, %c0_i32 : i32, i32
  }
  func.func @transform_6(%arg0: i32) -> (i32, i32) {
    %c0_i32 = arith.constant 0 : i32
    %c0_i32_0 = arith.constant 0 : i32
    return %arg0, %c0_i32 : i32, i32
  }
}

module attributes {stable_mosaic.version = 14 : i64} {
  func.func @_weight_body(%arg0: i32, %arg1: memref<1024x256xf32, #tpu.memory_space<vmem>>, %arg2: memref<1024x4xf32, #tpu.memory_space<vmem>>, %arg3: memref<1024x4xf32, #tpu.memory_space<vmem>>, %arg4: memref<1024x256xf32, #tpu.memory_space<vmem>>) attributes {dimension_semantics = [#tpu.dimension_semantics<arbitrary>], iteration_bounds = array<i64: 832>, scalar_prefetch = 0 : i64, scratch_operands = 0 : i64, tpu.core_type = #tpu.core_type<tc>, window_params = [{transform_indices = @transform_0, window_bounds = array<i64: 1024, 256>}, {transform_indices = @transform_1, window_bounds = array<i64: 1024, 4>}, {transform_indices = @transform_2, window_bounds = array<i64: 1024, 4>}, {transform_indices = @transform_3, window_bounds = array<i64: 1024, 256>}]} {
    %get3A = arith.constant 0 : index
    %get3A_0 = arith.constant 0 : index
    %get3A_1 = vector.load %arg2[%get3A, %get3A_0] : memref<1024x4xf32, #tpu.memory_space<vmem>>, vector<1024x4xf32>
    %get3A_2 = arith.constant 0 : index
    %get3A_3 = arith.constant 0 : index
    %get3A_4 = vector.load %arg3[%get3A_2, %get3A_3] : memref<1024x4xf32, #tpu.memory_space<vmem>>, vector<1024x4xf32>
    %add3A = arith.constant 1.000000e-16 : f32
    %add3A_5 = vector.broadcast %add3A : f32 to vector<1024x4xf32>
    %add3A_6 = arith.addf %get3A_4, %add3A_5 : vector<1024x4xf32>
    %div3A = arith.divf %get3A_1, %add3A_6 : vector<1024x4xf32>
    %get3A_7 = arith.constant 0 : index
    %get3A_8 = arith.constant 0 : index
    %get3A_9 = vector.load %arg1[%get3A_7, %get3A_8] : memref<1024x256xf32, #tpu.memory_space<vmem>>, vector<1024x64xf32>
    %slice3A = vector.extract_strided_slice %div3A {offsets = [0, 0], sizes = [1024, 1], strides = [1, 1]} : vector<1024x4xf32> to vector<1024x1xf32>
    %mul3A = vector.broadcast %slice3A : vector<1024x1xf32> to vector<1024x64xf32>
    %mul3A_10 = arith.mulf %get3A_9, %mul3A : vector<1024x64xf32>
    %swap3A = arith.constant 0 : index
    %swap3A_11 = arith.constant 0 : index
    %swap3A_12 = vector.load %arg4[%swap3A, %swap3A_11] : memref<1024x256xf32, #tpu.memory_space<vmem>>, vector<1024x64xf32>
    tpu.vector_store %arg4[%swap3A, %swap3A_11], %mul3A_10 {strides = array<i32>} : memref<1024x256xf32, #tpu.memory_space<vmem>>, vector<1024x64xf32>,
    %get3A_13 = arith.constant 0 : index
    %get3A_14 = arith.constant 64 : index
    %get3A_15 = vector.load %arg1[%get3A_13, %get3A_14] : memref<1024x256xf32, #tpu.memory_space<vmem>>, vector<1024x64xf32>
    %slice3A_16 = vector.extract_strided_slice %div3A {offsets = [0, 1], sizes = [1024, 1], strides = [1, 1]} : vector<1024x4xf32> to vector<1024x1xf32>
    %mul3A_17 = vector.broadcast %slice3A_16 : vector<1024x1xf32> to vector<1024x64xf32>
    %mul3A_18 = arith.mulf %get3A_15, %mul3A_17 : vector<1024x64xf32>
    %swap3A_19 = arith.constant 0 : index
    %swap3A_20 = arith.constant 64 : index
    %swap3A_21 = vector.load %arg4[%swap3A_19, %swap3A_20] : memref<1024x256xf32, #tpu.memory_space<vmem>>, vector<1024x64xf32>
    tpu.vector_store %arg4[%swap3A_19, %swap3A_20], %mul3A_18 {strides = array<i32>} : memref<1024x256xf32, #tpu.memory_space<vmem>>, vector<1024x64xf32>,
    %get3A_22 = arith.constant 0 : index
    %get3A_23 = arith.constant 128 : index
    %get3A_24 = vector.load %arg1[%get3A_22, %get3A_23] : memref<1024x256xf32, #tpu.memory_space<vmem>>, vector<1024x64xf32>
    %slice3A_25 = vector.extract_strided_slice %div3A {offsets = [0, 2], sizes = [1024, 1], strides = [1, 1]} : vector<1024x4xf32> to vector<1024x1xf32>
    %mul3A_26 = vector.broadcast %slice3A_25 : vector<1024x1xf32> to vector<1024x64xf32>
    %mul3A_27 = arith.mulf %get3A_24, %mul3A_26 : vector<1024x64xf32>
    %swap3A_28 = arith.constant 0 : index
    %swap3A_29 = arith.constant 128 : index
    %swap3A_30 = vector.load %arg4[%swap3A_28, %swap3A_29] : memref<1024x256xf32, #tpu.memory_space<vmem>>, vector<1024x64xf32>
    tpu.vector_store %arg4[%swap3A_28, %swap3A_29], %mul3A_27 {strides = array<i32>} : memref<1024x256xf32, #tpu.memory_space<vmem>>, vector<1024x64xf32>,
    %get3A_31 = arith.constant 0 : index
    %get3A_32 = arith.constant 192 : index
    %get3A_33 = vector.load %arg1[%get3A_31, %get3A_32] : memref<1024x256xf32, #tpu.memory_space<vmem>>, vector<1024x64xf32>
    %slice3A_34 = vector.extract_strided_slice %div3A {offsets = [0, 3], sizes = [1024, 1], strides = [1, 1]} : vector<1024x4xf32> to vector<1024x1xf32>
    %mul3A_35 = vector.broadcast %slice3A_34 : vector<1024x1xf32> to vector<1024x64xf32>
    %mul3A_36 = arith.mulf %get3A_33, %mul3A_35 : vector<1024x64xf32>
    %swap3A_37 = arith.constant 0 : index
    %swap3A_38 = arith.constant 192 : index
    %swap3A_39 = vector.load %arg4[%swap3A_37, %swap3A_38] : memref<1024x256xf32, #tpu.memory_space<vmem>>, vector<1024x64xf32>
    tpu.vector_store %arg4[%swap3A_37, %swap3A_38], %mul3A_36 {strides = array<i32>} : memref<1024x256xf32, #tpu.memory_space<vmem>>, vector<1024x64xf32>,
    return
  }
  func.func @transform_0(%arg0: i32) -> (i32, i32) {
    %c0_i32 = arith.constant 0 : i32
    %c0_i32_0 = arith.constant 0 : i32
    return %arg0, %c0_i32 : i32, i32
  }
  func.func @transform_1(%arg0: i32) -> (i32, i32) {
    %c0_i32 = arith.constant 0 : i32
    %c0_i32_0 = arith.constant 0 : i32
    return %arg0, %c0_i32 : i32, i32
  }
  func.func @transform_2(%arg0: i32) -> (i32, i32) {
    %c0_i32 = arith.constant 0 : i32
    %c0_i32_0 = arith.constant 0 : i32
    return %arg0, %c0_i32 : i32, i32
  }
  func.func @transform_3(%arg0: i32) -> (i32, i32) {
    %c0_i32 = arith.constant 0 : i32
    %c0_i32_0 = arith.constant 0 : i32
    return %arg0, %c0_i32 : i32, i32
  }
}

module attributes {stable_mosaic.version = 14 : i64} {
  func.func @_stats_body(%arg0: i32, %arg1: memref<512x256xf32, #tpu.memory_space<vmem>>, %arg2: memref<1x256xf32, #tpu.memory_space<vmem>>, %arg3: memref<1x256xf32, #tpu.memory_space<vmem>>) attributes {dimension_semantics = [#tpu.dimension_semantics<arbitrary>], iteration_bounds = array<i64: 98>, scalar_prefetch = 0 : i64, scratch_operands = 0 : i64, tpu.core_type = #tpu.core_type<tc>, window_params = [{transform_indices = @transform_0, window_bounds = array<i64: 512, 256>}, {pipeline_mode = #tpu.pipeline_mode<synchronous>, transform_indices = @transform_1, window_bounds = array<i64: 1, 256>}, {pipeline_mode = #tpu.pipeline_mode<synchronous>, transform_indices = @transform_2, window_bounds = array<i64: 1, 256>}]} {
    %get3A = arith.constant 0 : index
    %get3A_0 = arith.constant 0 : index
    %get3A_1 = vector.load %arg1[%get3A, %get3A_0] : memref<512x256xf32, #tpu.memory_space<vmem>>, vector<512x256xf32>
    %reduce_sum3A = arith.constant dense<0.000000e+00> : vector<256xf32>
    %reduce_sum3A_2 = vector.multi_reduction <add>, %get3A_1, %reduce_sum3A [0] : vector<512x256xf32> to vector<256xf32>
    %broadcast_in_dim3A = vector.shape_cast %reduce_sum3A_2 : vector<256xf32> to vector<1x256xf32>
    %mul3A = arith.mulf %get3A_1, %get3A_1 : vector<512x256xf32>
    %reduce_sum3A_3 = arith.constant dense<0.000000e+00> : vector<256xf32>
    %reduce_sum3A_4 = vector.multi_reduction <add>, %mul3A, %reduce_sum3A_3 [0] : vector<512x256xf32> to vector<256xf32>
    %broadcast_in_dim3A_5 = vector.shape_cast %reduce_sum3A_4 : vector<256xf32> to vector<1x256xf32>
    %eq3A = arith.constant 0 : i32
    %eq3A_6 = arith.cmpi eq, %arg0, %eq3A : i32
    %convert_element_type3A = arith.extui %eq3A_6 : i1 to i32
    %cond3A = arith.constant 0 : i32
    %cond3A_7 = arith.cmpi ne, %convert_element_type3A, %cond3A : i32
    scf.if %cond3A_7 {
      %swap3A = arith.constant 0 : index
      %swap3A_12 = arith.constant 0 : index
      %swap3A_13 = vector.load %arg2[%swap3A, %swap3A_12] : memref<1x256xf32, #tpu.memory_space<vmem>>, vector<1x256xf32>
      tpu.vector_store %arg2[%swap3A, %swap3A_12], %broadcast_in_dim3A {strides = array<i32>} : memref<1x256xf32, #tpu.memory_space<vmem>>, vector<1x256xf32>,
      %swap3A_14 = arith.constant 0 : index
      %swap3A_15 = arith.constant 0 : index
      %swap3A_16 = vector.load %arg3[%swap3A_14, %swap3A_15] : memref<1x256xf32, #tpu.memory_space<vmem>>, vector<1x256xf32>
      tpu.vector_store %arg3[%swap3A_14, %swap3A_15], %broadcast_in_dim3A_5 {strides = array<i32>} : memref<1x256xf32, #tpu.memory_space<vmem>>, vector<1x256xf32>,
    } else {
    }
    %gt3A = arith.constant 0 : i32
    %gt3A_8 = arith.cmpi sgt, %arg0, %gt3A : i32
    %convert_element_type3A_9 = arith.extui %gt3A_8 : i1 to i32
    %cond3A_10 = arith.constant 0 : i32
    %cond3A_11 = arith.cmpi ne, %convert_element_type3A_9, %cond3A_10 : i32
    scf.if %cond3A_11 {
      %get3A_12 = arith.constant 0 : index
      %get3A_13 = arith.constant 0 : index
      %get3A_14 = vector.load %arg2[%get3A_12, %get3A_13] : memref<1x256xf32, #tpu.memory_space<vmem>>, vector<1x256xf32>
      %add3A = arith.addf %get3A_14, %broadcast_in_dim3A : vector<1x256xf32>
      %swap3A = arith.constant 0 : index
      %swap3A_15 = arith.constant 0 : index
      %swap3A_16 = vector.load %arg2[%swap3A, %swap3A_15] : memref<1x256xf32, #tpu.memory_space<vmem>>, vector<1x256xf32>
      tpu.vector_store %arg2[%swap3A, %swap3A_15], %add3A {strides = array<i32>} : memref<1x256xf32, #tpu.memory_space<vmem>>, vector<1x256xf32>,
      %get3A_17 = arith.constant 0 : index
      %get3A_18 = arith.constant 0 : index
      %get3A_19 = vector.load %arg3[%get3A_17, %get3A_18] : memref<1x256xf32, #tpu.memory_space<vmem>>, vector<1x256xf32>
      %add3A_20 = arith.addf %get3A_19, %broadcast_in_dim3A_5 : vector<1x256xf32>
      %swap3A_21 = arith.constant 0 : index
      %swap3A_22 = arith.constant 0 : index
      %swap3A_23 = vector.load %arg3[%swap3A_21, %swap3A_22] : memref<1x256xf32, #tpu.memory_space<vmem>>, vector<1x256xf32>
      tpu.vector_store %arg3[%swap3A_21, %swap3A_22], %add3A_20 {strides = array<i32>} : memref<1x256xf32, #tpu.memory_space<vmem>>, vector<1x256xf32>,
    } else {
    }
    return
  }
  func.func @transform_0(%arg0: i32) -> (i32, i32) {
    %c0_i32 = arith.constant 0 : i32
    %c0_i32_0 = arith.constant 0 : i32
    return %arg0, %c0_i32 : i32, i32
  }
  func.func @transform_1(%arg0: i32) -> (i32, i32) {
    %c0_i32 = arith.constant 0 : i32
    %c0_i32_0 = arith.constant 0 : i32
    %c0_i32_1 = arith.constant 0 : i32
    return %c0_i32, %c0_i32_0 : i32, i32
  }
  func.func @transform_2(%arg0: i32) -> (i32, i32) {
    %c0_i32 = arith.constant 0 : i32
    %c0_i32_0 = arith.constant 0 : i32
    %c0_i32_1 = arith.constant 0 : i32
    return %c0_i32, %c0_i32_0 : i32, i32
  }
}

module attributes {stable_mosaic.version = 14 : i64} {
  func.func @_norm_body(%arg0: i32, %arg1: memref<512x256xf32, #tpu.memory_space<vmem>>, %arg2: memref<1x256xf32, #tpu.memory_space<vmem>>, %arg3: memref<1x256xf32, #tpu.memory_space<vmem>>, %arg4: memref<1x256xf32, #tpu.memory_space<vmem>>, %arg5: memref<1x256xf32, #tpu.memory_space<vmem>>, %arg6: memref<512x256xf32, #tpu.memory_space<vmem>>) attributes {dimension_semantics = [#tpu.dimension_semantics<arbitrary>], iteration_bounds = array<i64: 98>, scalar_prefetch = 0 : i64, scratch_operands = 0 : i64, tpu.core_type = #tpu.core_type<tc>, window_params = [{transform_indices = @transform_0, window_bounds = array<i64: 512, 256>}, {pipeline_mode = #tpu.pipeline_mode<synchronous>, transform_indices = @transform_1, window_bounds = array<i64: 1, 256>}, {pipeline_mode = #tpu.pipeline_mode<synchronous>, transform_indices = @transform_2, window_bounds = array<i64: 1, 256>}, {pipeline_mode = #tpu.pipeline_mode<synchronous>, transform_indices = @transform_3, window_bounds = array<i64: 1, 256>}, {pipeline_mode = #tpu.pipeline_mode<synchronous>, transform_indices = @transform_4, window_bounds = array<i64: 1, 256>}, {transform_indices = @transform_5, window_bounds = array<i64: 512, 256>}]} {
    %get3A = arith.constant 0 : index
    %get3A_0 = arith.constant 0 : index
    %get3A_1 = vector.load %arg2[%get3A, %get3A_0] : memref<1x256xf32, #tpu.memory_space<vmem>>, vector<1x256xf32>
    %mul3A = arith.constant 2.000000e-05 : f32
    %mul3A_2 = vector.broadcast %mul3A : f32 to vector<1x256xf32>
    %mul3A_3 = arith.mulf %get3A_1, %mul3A_2 : vector<1x256xf32>
    %get3A_4 = arith.constant 0 : index
    %get3A_5 = arith.constant 0 : index
    %get3A_6 = vector.load %arg3[%get3A_4, %get3A_5] : memref<1x256xf32, #tpu.memory_space<vmem>>, vector<1x256xf32>
    %mul3A_7 = arith.constant 2.000000e-05 : f32
    %mul3A_8 = vector.broadcast %mul3A_7 : f32 to vector<1x256xf32>
    %mul3A_9 = arith.mulf %get3A_6, %mul3A_8 : vector<1x256xf32>
    %mul3A_10 = arith.mulf %mul3A_3, %mul3A_3 : vector<1x256xf32>
    %sub3A = arith.subf %mul3A_9, %mul3A_10 : vector<1x256xf32>
    %get3A_11 = arith.constant 0 : index
    %get3A_12 = arith.constant 0 : index
    %get3A_13 = vector.load %arg1[%get3A_11, %get3A_12] : memref<512x256xf32, #tpu.memory_space<vmem>>, vector<512x256xf32>
    %sub3A_14 = vector.broadcast %mul3A_3 : vector<1x256xf32> to vector<512x256xf32>
    %sub3A_15 = arith.subf %get3A_13, %sub3A_14 : vector<512x256xf32>
    %add3A = arith.constant 9.99999974E-6 : f32
    %add3A_16 = vector.broadcast %add3A : f32 to vector<1x256xf32>
    %add3A_17 = arith.addf %sub3A, %add3A_16 : vector<1x256xf32>
    %rsqrt3A = math.rsqrt %add3A_17 : vector<1x256xf32>
    %mul3A_18 = vector.broadcast %rsqrt3A : vector<1x256xf32> to vector<512x256xf32>
    %mul3A_19 = arith.mulf %sub3A_15, %mul3A_18 : vector<512x256xf32>
    %get3A_20 = arith.constant 0 : index
    %get3A_21 = arith.constant 0 : index
    %get3A_22 = vector.load %arg4[%get3A_20, %get3A_21] : memref<1x256xf32, #tpu.memory_space<vmem>>, vector<1x256xf32>
    %mul3A_23 = vector.broadcast %get3A_22 : vector<1x256xf32> to vector<512x256xf32>
    %mul3A_24 = arith.mulf %mul3A_19, %mul3A_23 : vector<512x256xf32>
    %get3A_25 = arith.constant 0 : index
    %get3A_26 = arith.constant 0 : index
    %get3A_27 = vector.load %arg5[%get3A_25, %get3A_26] : memref<1x256xf32, #tpu.memory_space<vmem>>, vector<1x256xf32>
    %add3A_28 = vector.broadcast %get3A_27 : vector<1x256xf32> to vector<512x256xf32>
    %add3A_29 = arith.addf %mul3A_24, %add3A_28 : vector<512x256xf32>
    %gt3A = arith.constant 0.000000e+00 : f32
    %gt3A_30 = vector.broadcast %gt3A : f32 to vector<512x256xf32>
    %gt3A_31 = arith.cmpf ogt, %add3A_29, %gt3A_30 : vector<512x256xf32>
    %exp3A = math.exp %add3A_29 : vector<512x256xf32>
    %sub3A_32 = arith.constant 1.000000e+00 : f32
    %sub3A_33 = vector.broadcast %sub3A_32 : f32 to vector<512x256xf32>
    %sub3A_34 = arith.subf %exp3A, %sub3A_33 : vector<512x256xf32>
    %select_n3A = arith.select %gt3A_31, %add3A_29, %sub3A_34 : vector<512x256xi1>, vector<512x256xf32>
    %swap3A = arith.constant 0 : index
    %swap3A_35 = arith.constant 0 : index
    %swap3A_36 = vector.load %arg6[%swap3A, %swap3A_35] : memref<512x256xf32, #tpu.memory_space<vmem>>, vector<512x256xf32>
    tpu.vector_store %arg6[%swap3A, %swap3A_35], %select_n3A {strides = array<i32>} : memref<512x256xf32, #tpu.memory_space<vmem>>, vector<512x256xf32>,
    return
  }
  func.func @transform_0(%arg0: i32) -> (i32, i32) {
    %c0_i32 = arith.constant 0 : i32
    %c0_i32_0 = arith.constant 0 : i32
    return %arg0, %c0_i32 : i32, i32
  }
  func.func @transform_1(%arg0: i32) -> (i32, i32) {
    %c0_i32 = arith.constant 0 : i32
    %c0_i32_0 = arith.constant 0 : i32
    %c0_i32_1 = arith.constant 0 : i32
    return %c0_i32, %c0_i32_0 : i32, i32
  }
  func.func @transform_2(%arg0: i32) -> (i32, i32) {
    %c0_i32 = arith.constant 0 : i32
    %c0_i32_0 = arith.constant 0 : i32
    %c0_i32_1 = arith.constant 0 : i32
    return %c0_i32, %c0_i32_0 : i32, i32
  }
  func.func @transform_3(%arg0: i32) -> (i32, i32) {
    %c0_i32 = arith.constant 0 : i32
    %c0_i32_0 = arith.constant 0 : i32
    %c0_i32_1 = arith.constant 0 : i32
    return %c0_i32, %c0_i32_0 : i32, i32
  }
  func.func @transform_4(%arg0: i32) -> (i32, i32) {
    %c0_i32 = arith.constant 0 : i32
    %c0_i32_0 = arith.constant 0 : i32
    %c0_i32_1 = arith.constant 0 : i32
    return %c0_i32, %c0_i32_0 : i32, i32
  }
  func.func @transform_5(%arg0: i32) -> (i32, i32) {
    %c0_i32 = arith.constant 0 : i32
    %c0_i32_0 = arith.constant 0 : i32
    return %arg0, %c0_i32 : i32, i32
  }
}

module attributes {stable_mosaic.version = 14 : i64} {
  func.func @_pool_body(%arg0: i32, %arg1: memref<512x256xf32, #tpu.memory_space<vmem>>, %arg2: memref<512x1xi32, #tpu.memory_space<vmem>>, %arg3: memref<256x128xf32, #tpu.memory_space<vmem>>, %arg4: memref<1x128xf32, #tpu.memory_space<vmem>>, %arg5: memref<128x64xf32, #tpu.memory_space<vmem>>, %arg6: memref<1x64xf32, #tpu.memory_space<vmem>>, %arg7: memref<64x1xf32, #tpu.memory_space<vmem>>, %arg8: memref<128x1xf32, #tpu.memory_space<vmem>>, %arg9: memref<128x256xf32, #tpu.memory_space<vmem>>, %arg10: memref<128x1xf32, #tpu.memory_space<vmem>>) attributes {dimension_semantics = [#tpu.dimension_semantics<arbitrary>], iteration_bounds = array<i64: 99>, scalar_prefetch = 0 : i64, scratch_operands = 2 : i64, tpu.core_type = #tpu.core_type<tc>, window_params = [{transform_indices = @transform_0, window_bounds = array<i64: 512, 256>}, {transform_indices = @transform_1, window_bounds = array<i64: 512, 1>}, {pipeline_mode = #tpu.pipeline_mode<synchronous>, transform_indices = @transform_2, window_bounds = array<i64: 256, 128>}, {pipeline_mode = #tpu.pipeline_mode<synchronous>, transform_indices = @transform_3, window_bounds = array<i64: 1, 128>}, {pipeline_mode = #tpu.pipeline_mode<synchronous>, transform_indices = @transform_4, window_bounds = array<i64: 128, 64>}, {pipeline_mode = #tpu.pipeline_mode<synchronous>, transform_indices = @transform_5, window_bounds = array<i64: 1, 64>}, {pipeline_mode = #tpu.pipeline_mode<synchronous>, transform_indices = @transform_6, window_bounds = array<i64: 64, 1>}, {pipeline_mode = #tpu.pipeline_mode<synchronous>, transform_indices = @transform_7, window_bounds = array<i64: 128, 1>}]} {
    %lt3A = arith.constant 98 : i32
    %lt3A_0 = arith.cmpi slt, %arg0, %lt3A : i32
    %convert_element_type3A = arith.extui %lt3A_0 : i1 to i32
    %cond3A = arith.constant 0 : i32
    %cond3A_1 = arith.cmpi ne, %convert_element_type3A, %cond3A : i32
    scf.if %cond3A_1 {
      %get3A = arith.constant 0 : index
      %get3A_6 = arith.constant 0 : index
      %get3A_7 = vector.load %arg2[%get3A, %get3A_6] : memref<512x1xi32, #tpu.memory_space<vmem>>, vector<512x1xi32>
      %iota3A = tpu.iota {dimensions = array<i32: 1>} : vector<512x128xi32>
      %eq3A_8 = vector.broadcast %get3A_7 : vector<512x1xi32> to vector<512x128xi32>
      %eq3A_9 = arith.cmpi eq, %eq3A_8, %iota3A : vector<512x128xi32>
      %convert_element_type3A_10 = arith.extui %eq3A_9 : vector<512x128xi1> to vector<512x128xi32>
      %convert_element_type3A_11 = arith.sitofp %convert_element_type3A_10 : vector<512x128xi32> to vector<512x128xf32>
      %get3A_12 = arith.constant 0 : index
      %get3A_13 = arith.constant 0 : index
      %get3A_14 = vector.load %arg1[%get3A_12, %get3A_13] : memref<512x256xf32, #tpu.memory_space<vmem>>, vector<512x256xf32>
      %dot_general3A = arith.constant dense<0.000000e+00> : vector<128x256xf32>
      %dot_general3A_15 = tpu.matmul %convert_element_type3A_11, %get3A_14, %dot_general3A {dimension_numbers = #tpu.dot_dimension_numbers<[0], [0], [1], [1], [0, 1, 1, 1], [], []>, transpose_lhs_hint = false} : vector<512x128xf32>, vector<512x256xf32>, vector<128x256xf32> -> vector<128x256xf32>
      %broadcast_in_dim3A = arith.constant 1.000000e+00 : f32
      %broadcast_in_dim3A_16 = vector.broadcast %broadcast_in_dim3A : f32 to vector<512x1xf32>
      %dot_general3A_17 = arith.constant dense<0.000000e+00> : vector<128x1xf32>
      %dot_general3A_18 = tpu.matmul %convert_element_type3A_11, %broadcast_in_dim3A_16, %dot_general3A_17 {dimension_numbers = #tpu.dot_dimension_numbers<[0], [0], [1], [1], [0, 1, 1, 1], [], []>, transpose_lhs_hint = false} : vector<512x128xf32>, vector<512x1xf32>, vector<128x1xf32> -> vector<128x1xf32>
      %eq3A_19 = arith.constant 0 : i32
      %eq3A_20 = arith.cmpi eq, %arg0, %eq3A_19 : i32
      %convert_element_type3A_21 = arith.extui %eq3A_20 : i1 to i32
      %cond3A_22 = arith.constant 0 : i32
      %cond3A_23 = arith.cmpi ne, %convert_element_type3A_21, %cond3A_22 : i32
      scf.if %cond3A_23 {
        %swap3A = arith.constant 0 : index
        %swap3A_28 = arith.constant 0 : index
        %swap3A_29 = vector.load %arg9[%swap3A, %swap3A_28] : memref<128x256xf32, #tpu.memory_space<vmem>>, vector<128x256xf32>
        tpu.vector_store %arg9[%swap3A, %swap3A_28], %dot_general3A_15 {strides = array<i32>} : memref<128x256xf32, #tpu.memory_space<vmem>>, vector<128x256xf32>,
        %swap3A_30 = arith.constant 0 : index
        %swap3A_31 = arith.constant 0 : index
        %swap3A_32 = vector.load %arg10[%swap3A_30, %swap3A_31] : memref<128x1xf32, #tpu.memory_space<vmem>>, vector<128x1xf32>
        tpu.vector_store %arg10[%swap3A_30, %swap3A_31], %dot_general3A_18 {strides = array<i32>} : memref<128x1xf32, #tpu.memory_space<vmem>>, vector<128x1xf32>,
      } else {
      }
      %gt3A = arith.constant 0 : i32
      %gt3A_24 = arith.cmpi sgt, %arg0, %gt3A : i32
      %convert_element_type3A_25 = arith.extui %gt3A_24 : i1 to i32
      %cond3A_26 = arith.constant 0 : i32
      %cond3A_27 = arith.cmpi ne, %convert_element_type3A_25, %cond3A_26 : i32
      scf.if %cond3A_27 {
        %get3A_28 = arith.constant 0 : index
        %get3A_29 = arith.constant 0 : index
        %get3A_30 = vector.load %arg9[%get3A_28, %get3A_29] : memref<128x256xf32, #tpu.memory_space<vmem>>, vector<128x256xf32>
        %add3A = arith.addf %get3A_30, %dot_general3A_15 : vector<128x256xf32>
        %swap3A = arith.constant 0 : index
        %swap3A_31 = arith.constant 0 : index
        %swap3A_32 = vector.load %arg9[%swap3A, %swap3A_31] : memref<128x256xf32, #tpu.memory_space<vmem>>, vector<128x256xf32>
        tpu.vector_store %arg9[%swap3A, %swap3A_31], %add3A {strides = array<i32>} : memref<128x256xf32, #tpu.memory_space<vmem>>, vector<128x256xf32>,
        %get3A_33 = arith.constant 0 : index
        %get3A_34 = arith.constant 0 : index
        %get3A_35 = vector.load %arg10[%get3A_33, %get3A_34] : memref<128x1xf32, #tpu.memory_space<vmem>>, vector<128x1xf32>
        %add3A_36 = arith.addf %get3A_35, %dot_general3A_18 : vector<128x1xf32>
        %swap3A_37 = arith.constant 0 : index
        %swap3A_38 = arith.constant 0 : index
        %swap3A_39 = vector.load %arg10[%swap3A_37, %swap3A_38] : memref<128x1xf32, #tpu.memory_space<vmem>>, vector<128x1xf32>
        tpu.vector_store %arg10[%swap3A_37, %swap3A_38], %add3A_36 {strides = array<i32>} : memref<128x1xf32, #tpu.memory_space<vmem>>, vector<128x1xf32>,
      } else {
      }
    } else {
    }
    %eq3A = arith.constant 98 : i32
    %eq3A_2 = arith.cmpi eq, %arg0, %eq3A : i32
    %convert_element_type3A_3 = arith.extui %eq3A_2 : i1 to i32
    %cond3A_4 = arith.constant 0 : i32
    %cond3A_5 = arith.cmpi ne, %convert_element_type3A_3, %cond3A_4 : i32
    scf.if %cond3A_5 {
      %get3A = arith.constant 0 : index
      %get3A_6 = arith.constant 0 : index
      %get3A_7 = vector.load %arg9[%get3A, %get3A_6] : memref<128x256xf32, #tpu.memory_space<vmem>>, vector<128x256xf32>
      %get3A_8 = arith.constant 0 : index
      %get3A_9 = arith.constant 0 : index
      %get3A_10 = vector.load %arg10[%get3A_8, %get3A_9] : memref<128x1xf32, #tpu.memory_space<vmem>>, vector<128x1xf32>
      %max3A = arith.constant 1.000000e+00 : f32
      %max3A_11 = vector.broadcast %max3A : f32 to vector<128x1xf32>
      %max3A_12 = arith.maximumf %get3A_10, %max3A_11 : vector<128x1xf32>
      %div3A = vector.broadcast %max3A_12 : vector<128x1xf32> to vector<128x256xf32>
      %div3A_13 = arith.divf %get3A_7, %div3A : vector<128x256xf32>
      %get3A_14 = arith.constant 0 : index
      %get3A_15 = arith.constant 0 : index
      %get3A_16 = vector.load %arg3[%get3A_14, %get3A_15] : memref<256x128xf32, #tpu.memory_space<vmem>>, vector<256x128xf32>
      %dot_general3A = arith.constant dense<0.000000e+00> : vector<128x128xf32>
      %dot_general3A_17 = tpu.matmul %div3A_13, %get3A_16, %dot_general3A {dimension_numbers = #tpu.dot_dimension_numbers<[1], [0], [0], [1], [0, 0, 1, 1], [], []>, transpose_lhs_hint = false} : vector<128x256xf32>, vector<256x128xf32>, vector<128x128xf32> -> vector<128x128xf32>
      %get3A_18 = arith.constant 0 : index
      %get3A_19 = arith.constant 0 : index
      %get3A_20 = vector.load %arg4[%get3A_18, %get3A_19] : memref<1x128xf32, #tpu.memory_space<vmem>>, vector<1x128xf32>
      %add3A = vector.broadcast %get3A_20 : vector<1x128xf32> to vector<128x128xf32>
      %add3A_21 = arith.addf %dot_general3A_17, %add3A : vector<128x128xf32>
      %max3A_22 = arith.constant 0.000000e+00 : f32
      %max3A_23 = vector.broadcast %max3A_22 : f32 to vector<128x128xf32>
      %max3A_24 = arith.maximumf %add3A_21, %max3A_23 : vector<128x128xf32>
      %get3A_25 = arith.constant 0 : index
      %get3A_26 = arith.constant 0 : index
      %get3A_27 = vector.load %arg5[%get3A_25, %get3A_26] : memref<128x64xf32, #tpu.memory_space<vmem>>, vector<128x64xf32>
      %dot_general3A_28 = arith.constant dense<0.000000e+00> : vector<128x64xf32>
      %dot_general3A_29 = tpu.matmul %max3A_24, %get3A_27, %dot_general3A_28 {dimension_numbers = #tpu.dot_dimension_numbers<[1], [0], [0], [1], [0, 0, 1, 1], [], []>, transpose_lhs_hint = false} : vector<128x128xf32>, vector<128x64xf32>, vector<128x64xf32> -> vector<128x64xf32>
      %get3A_30 = arith.constant 0 : index
      %get3A_31 = arith.constant 0 : index
      %get3A_32 = vector.load %arg6[%get3A_30, %get3A_31] : memref<1x64xf32, #tpu.memory_space<vmem>>, vector<1x64xf32>
      %add3A_33 = vector.broadcast %get3A_32 : vector<1x64xf32> to vector<128x64xf32>
      %add3A_34 = arith.addf %dot_general3A_29, %add3A_33 : vector<128x64xf32>
      %max3A_35 = arith.constant 0.000000e+00 : f32
      %max3A_36 = vector.broadcast %max3A_35 : f32 to vector<128x64xf32>
      %max3A_37 = arith.maximumf %add3A_34, %max3A_36 : vector<128x64xf32>
      %get3A_38 = arith.constant 0 : index
      %get3A_39 = arith.constant 0 : index
      %get3A_40 = vector.load %arg7[%get3A_38, %get3A_39] : memref<64x1xf32, #tpu.memory_space<vmem>>, vector<64x1xf32>
      %dot_general3A_41 = arith.constant dense<0.000000e+00> : vector<128x1xf32>
      %dot_general3A_42 = tpu.matmul %max3A_37, %get3A_40, %dot_general3A_41 {dimension_numbers = #tpu.dot_dimension_numbers<[1], [0], [0], [1], [0, 0, 1, 1], [], []>, transpose_lhs_hint = false} : vector<128x64xf32>, vector<64x1xf32>, vector<128x1xf32> -> vector<128x1xf32>
      %swap3A = arith.constant 0 : index
      %swap3A_43 = arith.constant 0 : index
      %swap3A_44 = vector.load %arg8[%swap3A, %swap3A_43] : memref<128x1xf32, #tpu.memory_space<vmem>>, vector<128x1xf32>
      tpu.vector_store %arg8[%swap3A, %swap3A_43], %dot_general3A_42 {strides = array<i32>} : memref<128x1xf32, #tpu.memory_space<vmem>>, vector<128x1xf32>,
    } else {
    }
    return
  }
  func.func @transform_0(%arg0: i32) -> (i32, i32) {
    %min3A = arith.constant 97 : i32
    %min3A_0 = arith.minsi %arg0, %min3A : i32
    %c0_i32 = arith.constant 0 : i32
    %c0_i32_1 = arith.constant 0 : i32
    return %min3A_0, %c0_i32 : i32, i32
  }
  func.func @transform_1(%arg0: i32) -> (i32, i32) {
    %min3A = arith.constant 97 : i32
    %min3A_0 = arith.minsi %arg0, %min3A : i32
    %c0_i32 = arith.constant 0 : i32
    %c0_i32_1 = arith.constant 0 : i32
    return %min3A_0, %c0_i32 : i32, i32
  }
  func.func @transform_2(%arg0: i32) -> (i32, i32) {
    %c0_i32 = arith.constant 0 : i32
    %c0_i32_0 = arith.constant 0 : i32
    %c0_i32_1 = arith.constant 0 : i32
    return %c0_i32, %c0_i32_0 : i32, i32
  }
  func.func @transform_3(%arg0: i32) -> (i32, i32) {
    %c0_i32 = arith.constant 0 : i32
    %c0_i32_0 = arith.constant 0 : i32
    %c0_i32_1 = arith.constant 0 : i32
    return %c0_i32, %c0_i32_0 : i32, i32
  }
  func.func @transform_4(%arg0: i32) -> (i32, i32) {
    %c0_i32 = arith.constant 0 : i32
    %c0_i32_0 = arith.constant 0 : i32
    %c0_i32_1 = arith.constant 0 : i32
    return %c0_i32, %c0_i32_0 : i32, i32
  }
  func.func @transform_5(%arg0: i32) -> (i32, i32) {
    %c0_i32 = arith.constant 0 : i32
    %c0_i32_0 = arith.constant 0 : i32
    %c0_i32_1 = arith.constant 0 : i32
    return %c0_i32, %c0_i32_0 : i32, i32
  }
  func.func @transform_6(%arg0: i32) -> (i32, i32) {
    %c0_i32 = arith.constant 0 : i32
    %c0_i32_0 = arith.constant 0 : i32
    %c0_i32_1 = arith.constant 0 : i32
    return %c0_i32, %c0_i32_0 : i32, i32
  }
  func.func @transform_7(%arg0: i32) -> (i32, i32) {
    %c0_i32 = arith.constant 0 : i32
    %c0_i32_0 = arith.constant 0 : i32
    %c0_i32_1 = arith.constant 0 : i32
    return %c0_i32, %c0_i32_0 : i32, i32
  }
}

</mosaic_0001>

<sc_bundles>
// kernel: gather_offload_async_start
scs
__scs_entry_jumppad:
0x0: {  	(pc) =	sbr.rel $0x88, $3  }
0x1: {  	(tag) =	ssettag $0x0;
	lr =	simm.s32 $0x1  }
0x2: {  	[smem:$0x3F8C] =	sst lr;
	_ =	strace $0xD0000000  }
0x3: {  	_ = 	snop  }
0x4: {  	_ = 	snop  }
0x5: {  	_ = 	snop  }
0x6: {  	_ = 	snop  }
0x7: {  	_ = 	snop  }
__scs_overlays_trampoline_lowered:
0x8: {  	[smem:$0x3F9B] =	sst s0  }
0x9: {  	[smem:$0x3F9C] =	sst s1  }
0xa: {  	[smem:$0x3F9D] =	sst s2  }
0xb: {  	[smem:$0x3F9E] =	sst s3  }
0xc: {  	[smem:$0x3F9F] =	sst s4  }
0xd: {  	[smem:$0x3FA0] =	sst s5  }
0xe: {  	[smem:$0x3FA1] =	sst s6  }
0xf: {  	[smem:$0x3FA2] =	sst s7  }
0x10: {  	[smem:$0x3FA3] =	sst s8  }
0x11: {  	[smem:$0x3FA4] =	sst s9;
	s0 =	simm.s32 @!p0 $0x0  }
0x12: {  	s1 =	sld [smem:$0x3F8A];
	s0 =	simm.s32 @p0 $0x1  }
0x13: {  	[smem:$0x3FA5] =	sst s0;
	s0 =	simm.s32 @!p1 $0x0  }
0x14: {  	s2 =	sld [smem:$0x3F89];
	s0 =	simm.s32 @p1 $0x1  }
0x15: {  	[smem:$0x3FA6] =	sst s0;
	s0 =	simm.s32 @!p2 $0x0  }
0x16: {  	s3 =	sld [smem:$0x3FDB];
	s0 =	simm.s32 @p2 $0x1  }
0x17: {  	s4 =	simm.s32 $0x1BF5;
	[smem:$0x3FA8] =	sst s0  }
0x18: {  	s0 =	sld [smem:$0x3F8B];
	_ =	swait.ge [sflag:s4], $0x0  }
0x19: {  	s7 =	sld [smem:$0x3F8C]  }
0x1a: {  	s8 =	sadd.s32 $0xFFFFE003, lr  }
0x1b: {  	s9 =	sadd.s32 $0xFFFFFEF7, lr;
	s5 =	simm.s32 $0xFFFFFFFF;
	p2 =	slt.u32 s8, $0xFFFFF086  }
0x1c: {  	p1 =	slt.u32 s9, $0xF7A;
	s5 =	simm.s32 @!p2 $0x0  }
0x1d: {  	s5 =	simm.s32 @p1 $0x1;
	p0 =	seq.s32 s7, s2  }
0x1e: {  	s7 =	smul.u32 @!p0 $0xF7A, s2;
	p2 =	seq.s32 @!p0 s5, $0x0  }
0x1f: {  	s9 =	smul.u32 $0xF7A, s1;
	s8 =	simm.s32 @!p0 $0x1BF5;
	p2 =	por !p2, p0  }
0x20: {  	[sflag:s8] =	ssyncset.s32 @!p0 $0xFFFFF086;
	s6 =	sadd.s32 @!p0 s3, s7;
	s7 =	simm.s32 @!p0 $0x108  }
0x21: {  	s3 =	sadd.s32 s3, s9;
	s6 =	sadd.s32 @!p0 $0x88, s6;
	s7 =	simm.s32 @p2 $0x1082  }
0x22: {  	[simem:s7], [sflag:s8] =	dma.local @!p0 [hbm:s6], $0xF7A  }
0x23: {  	s9 =	sor.u32 $0xD0000000, s2;
	s6 =	simm.s32 $0x108;
	_ =	swait.ge @!p0 [sflag:s8], $0x0  }
0x24: {  	s3 =	sadd.s32 $0x88, s3;
	s6 =	simm.s32 @!p1 $0x1082;
	[sflag:s4] =	ssyncset.s32 $0xFFFFF086  }
0x25: {  	[simem:s6], [sflag:s4] =	dma.local [hbm:s3], $0xF7A  }
0x26: {  	[smem:$0x3F8C] =	sst s1;
	(tag) =	ssettag s2;
	_ =	strace s9  }
0x27: {  	s1 =	sld [smem:$0x3F9C]  }
0x28: {  	s2 =	sld [smem:$0x3F9D]  }
0x29: {  	s4 =	sld [smem:$0x3F9F]  }
0x2a: {  	p0 =	seq.s32 s5, $0x0;
	s5 =	sld [smem:$0x3FA0]  }
0x2b: {  	s6 =	sld [smem:$0x3FA1]  }
0x2c: {  	s7 =	sld [smem:$0x3FA2]  }
0x2d: {  	s3 =	simm.s32 $0x108;
	s8 =	sld [smem:$0x3FA3]  }
0x2e: {  	s3 =	simm.s32 @!p0 $0x1082;
	s9 =	sld [smem:$0x3FA4]  }
0x2f: {  	lr =	sadd.s32 s0, s3;
	s0 =	sld [smem:$0x3F9B]  }
0x30: {  	s3 =	sld [smem:$0x3F9E]  }
0x31: {  	[smem:$0x3FA7] =	sst s10  }
0x32: {  	s10 =	sld [smem:$0x3FA5];
	_ =	sdelay $0x3  }
0x33: {  	p0 =	seq.s32 s10, $0x1;
	s10 =	sld [smem:$0x3FA7];
	_ =	sdelay $0x3  }
0x34: {  	[smem:$0x3FA7] =	sst s10  }
0x35: {  	s10 =	sld [smem:$0x3FA6];
	_ =	sdelay $0x3  }
0x36: {  	p1 =	seq.s32 s10, $0x1;
	s10 =	sld [smem:$0x3FA7];
	_ =	sdelay $0x3  }
0x37: {  	[smem:$0x3FA7] =	sst s10  }
0x38: {  	s10 =	sld [smem:$0x3FA8]  }
0x39: {  	_ = 	snop;
	(pc) =	sbr.ind lr, $3  }
0x3a: {  	_ = 	snop  }
0x3b: {  	_ = 	snop  }
0x3c: {  	p2 =	seq.s32 s10, $0x1;
	s10 =	sld [smem:$0x3FA7]  }
0x3d: {  	_ =	shalt  }
0x3e: {  	_ =	shalt  }
0x3f: {  	_ =	shalt  }
0x40: {  	_ =	shalt  }
0x41: {  	_ =	shalt  }
0x42: {  	_ =	shalt  }
0x43: {  	_ =	shalt  }
0x44: {  	_ =	shalt  }
0x45: {  	_ =	shalt  }
0x46: {  	_ =	shalt  }
0x47: {  	_ =	shalt  }
0x48: {  	_ =	shalt  }
0x49: {  	_ =	shalt  }
0x4a: {  	_ =	shalt  }
0x4b: {  	_ =	shalt  }
0x4c: {  	_ =	shalt  }
0x4d: {  	_ =	shalt  }
0x4e: {  	_ =	shalt  }
0x4f: {  	_ =	shalt  }
0x50: {  	_ =	shalt  }
0x51: {  	_ =	shalt  }
0x52: {  	_ =	shalt  }
0x53: {  	_ =	shalt  }
0x54: {  	_ =	shalt  }
0x55: {  	_ =	shalt  }
0x56: {  	_ =	shalt  }
0x57: {  	_ =	shalt  }
0x58: {  	_ =	shalt  }
0x59: {  	_ =	shalt  }
0x5a: {  	_ =	shalt  }
0x5b: {  	_ =	shalt  }
0x5c: {  	_ =	shalt  }
0x5d: {  	_ =	shalt  }
0x5e: {  	_ =	shalt  }
0x5f: {  	_ =	shalt  }
0x60: {  	_ =	shalt  }
0x61: {  	_ =	shalt  }
0x62: {  	_ =	shalt  }
0x63: {  	_ =	shalt  }
0x64: {  	_ =	shalt  }
0x65: {  	_ =	shalt  }
0x66: {  	_ =	shalt  }
0x67: {  	_ =	shalt  }
0x68: {  	_ =	shalt  }
0x69: {  	_ =	shalt  }
0x6a: {  	_ =	shalt  }
0x6b: {  	_ =	shalt  }
0x6c: {  	_ =	shalt  }
0x6d: {  	_ =	shalt  }
0x6e: {  	_ =	shalt  }
0x6f: {  	_ =	shalt  }
0x70: {  	_ =	shalt  }
0x71: {  	_ =	shalt  }
0x72: {  	_ =	shalt  }
0x73: {  	_ =	shalt  }
0x74: {  	_ =	shalt  }
0x75: {  	_ =	shalt  }
0x76: {  	_ =	shalt  }
0x77: {  	_ =	shalt  }
0x78: {  	_ =	shalt  }
0x79: {  	_ =	shalt  }
0x7a: {  	_ =	shalt  }
0x7b: {  	_ =	shalt  }
0x7c: {  	_ =	shalt  }
0x7d: {  	_ =	shalt  }
0x7e: {  	_ =	shalt  }
0x7f: {  	_ =	shalt  }
0x80: {  	_ =	shalt  }
0x81: {  	_ =	shalt  }
0x82: {  	_ =	shalt  }
0x83: {  	_ =	shalt  }
0x84: {  	_ =	shalt  }
0x85: {  	_ =	shalt  }
0x86: {  	_ =	shalt  }
0x87: {  	_ =	shalt  }
.Lfunc_end0:
.L_simem_size_0:
called_computation.4_lowered:
.L_overlay_start_0:
0x88: {  	s2 =	sld [smem:$0x3FD9]  }
0x89: {  	s3 =	sld [smem:$0x3FFE];
	_ =	sdelay $0x1  }
0x8a: {  	s1 =	srdreg.scid  }
0x8b: {  	s0 =	sand.u32 $0x1, s1  }
0x8c: {  	s17 =	sshll.u32 s0, $0xA;
	s2 =	sadd.s32 s3, s2  }
0x8d: {  	s2 =	sadd.s32 s2, s17  }
0x8e: {  	[smem:$0x3FB3] =	sst s2  }
0x8f: {  	_ = 	snop  }
0x90: {  	(tm) =	ssettm $0x1  }
0x91: {  	s18 =	sld [smem:$0x3FFB];
	_ =	sdelay $0x3  }
0x92: {  	_ =	strace s18  }
0x93: {  	s2 =	sld [smem:$0x3FFC];
	_ =	sdelay $0x3  }
0x94: {  	_ =	strace s2  }
0x95: {  	s2 =	sld [smem:$0x3FFD];
	_ =	sdelay $0x3  }
0x96: {  	_ =	strace s2  }
0x97: {  	_ =	strace $0x8FFFFFFF  }
0x98: {  	s19 =	sld [smem:$0x3FDB];
	_ =	sdelay $0x1  }
0x99: {  	s20 =	simm.s32 $_scs_section_size  }
0x9a: {  	s4 =	simm.s32 $_size__tile_overlayer_lowered;
	s5 =	simm.s32 $_tile_overlayer_lowered  }
0x9b: {  	s6 =	simm.s32 $0x1BFF;
	s21 =	sshll.u32 s5, $0x1;
	s3 =	sadd.s32 s20, s19  }
0x9c: {  	s22 =	simm.s32 $0x0;
	s4 =	sshll.u32 s4, $0x1;
	s5 =	sadd.s32 s21, s3  }
0x9d: {  	[timem:s22], [sflag:s6] =	dma.local [hbm:s5], s4  }
0x9e: {  	_ =	swait.ge [sflag:s6], s4  }
0x9f: {  	s4 =	ssub.s32 $0x0, s4;
	[sflag:s6] =	ssyncset.done $0x0  }
0xa0: {  	[sflag:s6] =	ssyncadd.s32 s4;
	_ =	sdelay $0x1  }
0xa1: {  	s23 =	simm.s32 $0x1B8B  }
0xa2: {  	_ =	swait.ge [sflag:s23], $0x1  }
0xa3: {  	[sflag:s23] =	ssyncset.done $0x0  }
0xa4: {  	[sflag:s23] =	ssyncadd.s32 $0xFFFFFFFF  }
0xa5: {  	s4 =	sld [smem:$0x0]  }
0xa6: {  	s5 =	sand.u32 $0xFFFFFFFE, s1  }
0xa7: {  	p0 =	sne.s32 s1, s5  }
0xa8: {  	s5 =	sshll.u32 @p0 s5, $0xE  }
0xa9: {  	s5 =	sadd.s32 @p0 $0x11B8D, s5;
	s6 =	sshll.u32 @p0 s4, $0x11  }
0xaa: {  	s5 =	sor.u32 @p0 s6, s5  }
0xab: {  	[sflag:s5] =	ssyncadd.remote.s32 @p0 $0x1;
	_ =	sdelay $0x1  }
0xac: {  	s5 =	simm.s32 @p0 $0x1B8D  }
0xad: {  	_ =	swait.eq @p0 [sflag:s5], $0x1  }
0xae: {  	[sflag:s5] =	ssyncadd.s32 @p0 $0xFFFFFFFF  }
0xaf: {  	s6 =	sshll.u32 @!p0 s1, $0xE  }
0xb0: {  	s6 =	sor.u32 @!p0 $0x4000, s6;
	s5 =	simm.s32 @!p0 $0x1B8D  }
0xb1: {  	s4 =	sshll.u32 @!p0 s4, $0x11;
	s6 =	sadd.s32 @!p0 $0x11B8D, s6;
	_ =	swait.eq @!p0 [sflag:s5], $0x1  }
0xb2: {  	s4 =	sor.u32 @!p0 s4, s6;
	[sflag:s5] =	ssyncadd.s32 @!p0 $0xFFFFFFFF  }
0xb3: {  	s25 =	simm.s32 $0x1B8E;
	s24 =	sld [smem:$0x3FFE];
	[sflag:s4] =	ssyncadd.remote.s32 @!p0 $0x1  }
0xb4: {  	s26 =	simm.s32 $execute0_lowered;
	[smem:$0x3FD2] =	sst s25  }
0xb5: {  	s5 =	sshll.u32 s26, $0x1;
	_ =	strace $0x80000052;
	[dreg:$0x1] =	wrdreg $0xFFFFFFFF  }
0xb6: {  	s28 =	simm.s32 $_size_execute0_lowered;
	s3 =	sadd.s32 s3, s5;
	[dreg:$0x0] =	wrdreg $0x0  }
0xb7: {  	s5 =	sshll.u32 s28, $0x1;
	[dreg:$0x2] =	wrdreg s3  }
0xb8: {  	[dreg:$0x3] =	wrdreg s5  }
0xb9: {  	[dreg:$0x4] =	wrdreg $0xC0  }
0xba: {  	_ =	task [dreg:s22], $0x5FFFF  }
0xbb: {  	[dreg:$0x1] =	wrdreg $0xFFFFFFFF  }
0xbc: {  	[dreg:$0x0] =	wrdreg $0x60  }
0xbd: {  	[dreg:$0x2] =	wrdreg s24  }
0xbe: {  	[dreg:$0x3] =	wrdreg $0xA  }
0xbf: {  	_ =	task.clear_ibuf [dreg:s22], $0x4FFFF;
	_ =	strace $0x90000052  }
0xc0: {  	s29 =	simm.s32 $0xA;
	_ =	strace $0x80000054  }
0xc1: {  	_ =	swait.ge [sflag:s29], $0x1  }
0xc2: {  	[sflag:s29] =	ssyncadd.s32 $0xFFFFFFFF  }
0xc3: {  	_ =	strace $0x90000054  }
0xc4: {  	_ =	sfence  }
0xc5: {  	s30 =	sld [smem:$0x0];
	_ =	sdelay $0x2  }
0xc6: {  	s31 =	sshll.u32 s1, $0xD;
	s1 =	sshrl.u32 s1, $0x2  }
0xc7: {  	s4 =	sand.u32 $0x4000, s31;
	s1 =	sadd.s32 s1, s30  }
0xc8: {  	s0 =	sor.u32 s4, s0;
	s1 =	sshll.u32 s1, $0x11  }
0xc9: {  	s0 =	sor.u32 s1, s0  }
0xca: {  	s0 =	sadd.s32 $0x8F2B, s0  }
0xcb: {  	[sflag:s0] =	ssyncadd.remote.s32 $0x1  }
0xcc: {  	_ =	sfence.sel $0xFFFF  }
0xcd: {  	[dreg:$0x0] =	wrdreg $0xFFFFFFFF;
	(pc) =	sbr.abs _section_cstart, $3  }
0xce: {  	[dreg:$0x1] =	wrdreg $0xFFFFFFFF  }
0xcf: {  	_ =	task.clear_ibuf [dreg:s22], $0x2FFFF;
	_ =	strace $0x9FFFFFFF  }
0xd0: {  	(tm) =	ssettm $0x7FFFFFFF  }
0xd1: {  	_ =	shalt  }
tec
execute0_lowered:
.L_overlay_start_1:
0x0: {  	(tag) =	ssettag $0x1  }
0x1: {  	s8 =	rddreg [dreg:$0x0]  }
0x2: {  	s0 =	rddreg [dreg:$0x1];
	s1 =	srdreg.scid;
	_ =	strace $0x80000053  }
0x3: {  	s4 =	simm.s32 $0x1;
	s6 =	simm.s32 $0x2;
	s10 =	simm.s32 $0x3  }
0x4: {  	p3 =	por $0x0, $0x0;
	s11 =	simm.s32 $0x80;
	s3 =	sshll.u32 s1, $0x4  }
.Ltmp0:
0x5: {  	s1 =	stileid.u32;
	s5 =	sand.u32 $0x10, s3;
	(pc) =	sbr.rel .LBB2_1-.Ltmp0, $4  }
0x6: {  	s2 =	sadd.s32 $0x392A00, s8;
	[sflag:s4] =	ssyncpa.u1 $0x0;
	s5 =	sor.u32 s1, s5  }
0x7: {  	s7 =	sadd.s32 $0x2C1AA00, s8;
	[sflag:s6] =	ssyncpa.u1 $0x0;
	s5 =	smul.u32 $0x6800, s5  }
0x8: {  	s3 =	sadd.s32 $0x35400, s8;
	s8 =	sadd.s32 $0x146A00, s8;
	[sflag:s10] =	ssyncpa.u1 $0x0  }
0x9: {  	v0 =	vlaneseq.u32;
	s10 =	simm.s32 $0x0;
	s9 =	sadd.s32 $0x6800, s5;
	s12 =	smov.u32 s5  }
.LBB2_6:
0xa: {  	s15 =	sadd.s32 s17, s15  }
0xb: {  	v2 =	vld.msk [tilespmem:s15+$0x0 ss:$0x1], $0x1;
	_ =	sdelay $0x2  }
0xc: {  	(v2sf) =	vpush v1, $0x1  }
0xd: {  	(v2sf) =	vpush v1, $0x0  }
0xe: {  	(v2sf) =	vpush v2, $0x0;
	_ =	sdelay $0xc  }
0xf: {  	p0 =	seq.s32 s18, $0x33C;
	s15 =	simm.s32 $0x1;
	s18 =	spop (v2sf)  }
0x10: {  	s15 =	simm.s32 @!p0 $0x2;
	s18 =	simm.s32 @p1 $0xFFFFFFFF;
	s19 =	spop (v2sf)  }
0x11: {  	v1 =	vmov s15;
	p0 =	sne.s32 s19, s18;
	s18 =	simm.s32 $0x1;
	s28 =	spop (v2sf)  }
0x12: {  	vm0 =	vgt.u32 v1, v0;
	s18 =	simm.s32 @!p0 $0x0;
	s29 =	sshll.u32 s28, $0x8;
	s15 =	sshll.u32 s28, $0x7  }
0x13: {  	s16 =	sadd.s32 s18, s16;
	s19 =	sand.u32 $0xFFFFF800, s29;
	s15 =	sand.u32 $0x380, s15  }
0x14: {  	s16 =	sshll.u32 s16, $0xA;
	s15 =	sor.u32 s15, s19  }
0x15: {  	s16 =	sshra.s32 s16, $0x2;
	s15 =	sshrl.u32 s15, $0x3  }
0x16: {  	s13 =	sadd.s32 s17, s13;
	s14 =	sadd.s32 s16, s14;
	s15 =	sadd.s32 s7, s15  }
0x17: {  	[hbm:s15] =	stream.strided.scatter [tilespmem:s14], [sflag:$0x3], $0x100, s11, s11, $0x38;
	[tilespmem:$0x1A340] =	vst v63  }
0x18: {  	v1 =	vld.msk [tilespmem:s13+$0x0 ss:$0x1], vm0;
	_ =	sdelay $0x4  }
0x19: {  	(v2sf) =	vpush v1, $0x1  }
0x1a: {  	(v2sf) =	vpush v1, $0x0;
	_ =	sdelay $0xb  }
0x1b: {  	s13 =	sld [smem:$0x7FC];
	_ =	sdelay $0x1  }
0x1c: {  	s30 =	spop (v2sf)  }
0x1d: {  	p3 =	seq.s32 s13, $0x1;
	s31 =	spop (v2sf)  }
.LBB2_7:
0x1e: {  	p0 =	slt.u32 s10, $0x2;
	s10 =	sadd.s32 $0x1, s10  }
0x1f: {  	p2 =	sne.s32 s10, $0x82  }
.Ltmp1:
0x20: {  	_ = 	snop;
	(pc) =	sbr.rel @!p2 .LBB2_8-.Ltmp1, $4  }
0x21: {  	s13 =	simm.s32 @!p0 $0x3  }
0x22: {  	s14 =	sadd.s32 $0xD0, s12;
	_ =	swait.ge @!p0 [sflag:s13], $0xD000  }
0x23: {  	s12 =	smov.u32 s5;
	p1 =	slt.s32 s14, s9;
	[sflag:s13] =	ssyncset.done @!p0 $0x0  }
0x24: {  	p3 =	por !p3, !p3;
	s12 =	smov.u32 @p1 s14;
	[sflag:s13] =	ssyncadd.s32 @!p0 $0xFFFF3000  }
.LBB2_1:
0x25: {  	p0 =	sgt.u32 s10, $0x7F  }
0x26: {  	s13 =	sxor.u32 @!p0 $0xFFFFFFFF, s10  }
0x27: {  	s13 =	sand.u32 @!p0 $0x1, s13  }
0x28: {  	s14 =	sshrl.u32 @!p0 s12, $0x3;
	s13 =	smul.u32 @!p0 $0xD0, s13  }
0x29: {  	s16 =	sand.u32 @!p0 $0x7, s12;
	s15 =	sadd.s32 @!p0 s3, s14  }
0x2a: {  	[tilespmem:s13], [sflag:$0x2] =	stream.linear.gather @!p0 [hbm4b:s15+s16], $0xD0, $0x38;
	[tilespmem:$0x1A340] =	vst v63  }
0x2b: {  	s31 =	sadd.s32 $0xFFFFFFFF, s10;
	s14 =	sadd.s32 @!p0 s8, s14;
	s13 =	sadd.s32 @!p0 $0x1A0, s13  }
0x2c: {  	[tilespmem:s13], [sflag:$0x2] =	stream.linear.gather @!p0 [hbm4b:s14+s16], $0xD0, $0x38;
	[tilespmem:$0x1A340] =	vst v63  }
0x2d: {  	p0 =	sgt.u32 s31, $0x7F  }
.Ltmp2:
0x2e: {  	_ = 	snop;
	(pc) =	sbr.rel @p0 .LBB2_7-.Ltmp2, $1  }
0x2f: {  	_ =	sdelay $0x3  }
0x30: {  	p0 =	por $0x0, $0x0;
	s13 =	simm.s32 $0x1  }
0x31: {  	s13 =	simm.s32 @!p0 $0x2  }
0x32: {  	v1 =	vmov s13  }
0x33: {  	s14 =	simm.s32 @!p3 $0x0;
	s13 =	simm.s32 $0x1;
	vm0 =	vgt.u32 v1, v0  }
0x34: {  	s14 =	simm.s32 @p3 $0x1;
	s13 =	simm.s32 @!p3 $0x0  }
0x35: {  	[smem:$0x7FC] =	sst s14;
	s13 =	smul.u32 $0x340, s13  }
0x36: {  	_ =	swait.ge [sflag:s6], $0x1A0  }
0x37: {  	[sflag:s6] =	ssyncset.done $0x0;
	s13 =	sshrl.u32 s13, $0x2  }
0x38: {  	[sflag:s6] =	ssyncadd.s32 $0xFFFFFE60;
	s26 =	sadd.s32 $0x0, s13  }
0x39: {  	v2 =	vld.msk [tilespmem:s26+$0x0 ss:$0x1], vm0;
	_ =	sdelay $0x4  }
0x3a: {  	(v2sf) =	vpush v2, $0x1  }
0x3b: {  	p1 =	por $0x0, $0x0;
	s14 =	simm.s32 $0x1;
	(v2sf) =	vpush v2, $0x0  }
0x3c: {  	s14 =	simm.s32 @!p1 $0x2  }
0x3d: {  	v1 =	vmov s14  }
0x3e: {  	vm12 =	vgt.u32 v1, v0;
	_ =	sdelay $0x3  }
0x3f: {  	p2 =	por $0x0, $0x0;
	s15 =	simm.s32 $0x1  }
0x40: {  	s15 =	simm.s32 @!p2 $0x2;
	s28 =	sadd.s32 $0x1, s13  }
0x41: {  	v1 =	vmov s15;
	v3 =	vld.msk [tilespmem:s28+$0x0 ss:$0x1], vm12  }
0x42: {  	vm13 =	vgt.u32 v1, v0;
	_ =	sdelay $0x2  }
0x43: {  	p0 =	por p0, p0  }
0x44: {  	p0 =	por p0, p0;
	(v2sf) =	vpush v3, $0x1;
	s14 =	spop (v2sf)  }
0x45: {  	s29 =	sadd.s32 $0x2, s13;
	s14 =	simm.s32 @p0 $0xFFFFFFFF;
	s16 =	spop (v2sf)  }
0x46: {  	v1 =	vld.msk [tilespmem:s29+$0x0 ss:$0x1], vm13;
	(v2sf) =	vpush v3, $0x0;
	p0 =	seq.s32 s16, s14  }
0x47: {  	vm0 =	vgt.s32 @!p0 v2, $0x0  }
0x48: {  	v2 =	vnsel @!p0 vm0, $0x0, v2  }
0x49: {  	v2 =	vmin.u32 @!p0 v2, $0xC3FF  }
0x4a: {  	(v2sf) =	vpush @!p0 v2, $0x0  }
0x4b: {  	(v2sf) =	vpush v1, $0x1  }
0x4c: {  	s30 =	sand.u32 $0x1, s10;
	(v2sf) =	vpush v1, $0x0  }
0x4d: {  	p4 =	por $0x0, $0x0;
	s17 =	simm.s32 $0x0;
	s21 =	simm.s32 $0x14  }
0x4e: {  	s19 =	simm.s32 $0x18;
	s22 =	simm.s32 $0x1;
	s16 =	simm.s32 $0x1  }
0x4f: {  	p2 =	por p2, p2;
	p1 =	por p1, p1;
	s16 =	simm.s32 @!p4 $0x2  }
0x50: {  	p2 =	por p2, p2;
	p1 =	por p1, p1;
	s15 =	sadd.s32 $0x1A0, s13;
	v2 =	vmov s16  }
0x51: {  	s24 =	sadd.s32 $0x3, s13;
	s31 =	sadd.s32 $0x4, s13;
	s14 =	smul.u32 $0x34000, s30;
	vm14 =	vgt.u32 v2, v0  }
0x52: {  	s20 =	simm.s32 @!p0 $0x1;
	p5 =	por p0, p0;
	p4 =	por p4, p4  }
0x53: {  	s14 =	sshrl.u32 s14, $0x2;
	s20 =	smov.u32 @p0 s17;
	s16 =	spop (v2sf)  }
0x54: {  	s17 =	simm.s32 @!p0 $0x80;
	s16 =	simm.s32 @p1 $0xFFFFFFFF;
	p1 =	por $0x0, $0x0  }
0x55: {  	s14 =	sor.u32 $0x340, s14;
	s22 =	simm.s32 @!p1 $0x2;
	s23 =	spop (v2sf)  }
0x56: {  	p5 =	por p5, p5;
	s18 =	sadd.s32 @!p0 $0x0, s14;
	v4 =	vmov s22;
	p3 =	seq.s32 s23, s16  }
0x57: {  	vm15 =	vgt.u32 v4, v0;
	v2 =	vld.msk [tilespmem:s24+$0x0 ss:$0x1], vm14;
	s24 =	simm.s32 $0x1C;
	s16 =	sadd.s32 @!p3 $0x1, s20;
	s22 =	sshll.u32 @!p3 s20, $0xA  }
0x58: {  	vm1 =	vgt.s32 @!p3 v3, $0x0;
	s22 =	sshra.s32 @!p3 s22, $0x2;
	s16 =	smov.u32 @p3 s20;
	s20 =	simm.s32 @!p3 $0x80  }
0x59: {  	v3 =	vnsel @!p3 vm1, $0x0, v3;
	s23 =	sadd.s32 @!p3 s22, s14;
	s22 =	spop @!p0 (v2sf);
	p0 =	por p3, p3  }
0x5a: {  	v3 =	vmin.u32 @!p3 v3, $0xC3FF;
	s25 =	simm.s32 @!p0 $0x0;
	s26 =	spop (v2sf);
	s28 =	sshll.u32 @!p5 s22, $0x4  }
0x5b: {  	(v2sf) =	vpush @!p3 v3, $0x0;
	s25 =	simm.s32 @p0 $0x1;
	s26 =	simm.s32 @p2 $0xFFFFFFFF;
	s29 =	spop (v2sf)  }
0x5c: {  	(v2sf) =	vpush v2, $0x1;
	s28 =	sand.u32 @!p5 $0x70, s28;
	[smem:$0x7FD] =	sst s25;
	p6 =	seq.s32 s29, s26  }
0x5d: {  	(v2sf) =	vpush v2, $0x0;
	s26 =	sshll.u32 @!p5 s22, $0x5;
	s25 =	sadd.s32 @!p5 s2, s28;
	s22 =	smov.u32 s16;
	v3 =	vld.msk [tilespmem:s31+$0x0 ss:$0x1], vm15  }
.LBB2_3:
0x5e: {  	s28 =	simm.s32 @!p3 $0x0;
	s29 =	smov.u32 s19;
	s19 =	smov.u32 s24  }
0x5f: {  	s24 =	sadd.s32 $0x4, s24;
	s30 =	smov.u32 s23;
	p0 =	por p5, p5  }
0x60: {  	s31 =	sld [smem:$0x7FD];
	s28 =	simm.s32 @p3 $0x1;
	p3 =	por p6, p6  }
0x61: {  	p2 =	sne.s32 s24, $0x340;
	[smem:$0x7FA] =	sst s28;
	s28 =	smov.u32 s16  }
0x62: {  	vm0 =	vgt.s32 @!p6 v1, $0x0;
	s16 =	sadd.s32 @!p6 $0x1, s16;
	p6 =	por p4, p4;
	s23 =	simm.s32 @!p2 $0x0  }
0x63: {  	p4 =	por p1, p1;
	p1 =	seq.s32 s21, $0x33C;
	s23 =	simm.s32 @p2 $0x1  }
0x64: {  	s22 =	sshll.u32 @!p3 s22, $0xA;
	[smem:$0x7FB] =	sst s23;
	s23 =	simm.s32 $0x1  }
0x65: {  	s16 =	smov.u32 @p3 s28;
	s28 =	simm.s32 @!p3 $0x80;
	s23 =	simm.s32 @!p1 $0x2  }
0x66: {  	p2 =	seq.s32 s31, $0x1;
	s31 =	sshra.s32 s21, $0x2;
	v5 =	vmov s23;
	s23 =	sand.u32 @!p0 $0x1FFF00, s26  }
0x67: {  	p5 =	por p2, p2;
	p2 =	por p3, p3;
	s25 =	sadd.s32 @!p0 s23, s25  }
0x68: {  	[tilespmem:s18], [sflag:$0x1] =	stream.strided.gather @!p0 [hbm:s25], $0x100, s17, s17, $0x38;
	[tilespmem:$0x1A340] =	vst v63  }
0x69: {  	s17 =	smov.u32 s20;
	s20 =	smov.u32 s28;
	s28 =	sld [smem:$0x7FA]  }
0x6a: {  	s26 =	sshra.s32 @!p3 s22, $0x2;
	s25 =	sadd.s32 s31, s13;
	s31 =	sld [smem:$0x7FB]  }
0x6b: {  	s23 =	sadd.s32 @!p3 s26, s14;
	s26 =	simm.s32 @!p2 $0x0  }
0x6c: {  	vm15 =	vgt.u32 v5, v0;
	s26 =	simm.s32 @p2 $0x1;
	p0 =	seq.s32 s28, $0x1  }
0x6d: {  	[smem:$0x7FD] =	sst s26;
	s26 =	spop @!p0 (v2sf);
	p0 =	seq.s32 s31, $0x1  }
.Ltmp3:
0x6e: {  	v4 =	vnsel @!p3 vm0, $0x0, v1;
	(pc) =	sbr.rel @p0 .LBB2_3-.Ltmp3, $4  }
0x6f: {  	v4 =	vmin.u32 @!p3 v4, $0xC3FF;
	s21 =	smov.u32 s29;
	s22 =	smov.u32 s16  }
0x70: {  	(v2sf) =	vpush @!p3 v4, $0x0;
	s18 =	smov.u32 s30;
	s28 =	spop (v2sf);
	s29 =	sshll.u32 @!p5 s26, $0x4  }
0x71: {  	v1 =	vmov v2;
	v2 =	vmov v3;
	(v2sf) =	vpush v3, $0x1;
	s28 =	simm.s32 @p6 $0xFFFFFFFF;
	s30 =	spop (v2sf);
	s29 =	sand.u32 @!p5 $0x70, s29  }
0x72: {  	(v2sf) =	vpush v2, $0x0;
	v3 =	vld.msk [tilespmem:s25+$0x0 ss:$0x1], vm15;
	s26 =	sshll.u32 @!p5 s26, $0x5;
	p6 =	seq.s32 s30, s28;
	s25 =	sadd.s32 @!p5 s2, s29  }
0x73: {  	_ = 	snop  }
0x74: {  	vm0 =	vgt.s32 @!p6 v1, $0x0  }
0x75: {  	v1 =	vnsel @!p6 vm0, $0x0, v1  }
0x76: {  	v1 =	vmin.u32 @!p6 v1, $0xC3FF  }
0x77: {  	(v2sf) =	vpush @!p6 v1, $0x0  }
0x78: {  	(v2sf) =	vpush v3, $0x1  }
0x79: {  	p0 =	seq.s32 s21, $0x33C;
	s24 =	simm.s32 $0x1;
	(v2sf) =	vpush v3, $0x0  }
0x7a: {  	s24 =	simm.s32 @!p0 $0x2  }
0x7b: {  	v1 =	vmov s24  }
0x7c: {  	vm14 =	vgt.u32 v1, v0;
	_ =	sdelay $0x1  }
0x7d: {  	p2 =	por p4, p4  }
0x7e: {  	s31 =	sshra.s32 s21, $0x2;
	p4 =	seq.s32 s19, $0x33C;
	s24 =	spop @!p3 (v2sf)  }
0x7f: {  	s29 =	simm.s32 $0x1;
	s21 =	sadd.s32 s31, s13;
	s28 =	spop (v2sf)  }
0x80: {  	s29 =	simm.s32 @!p4 $0x2;
	s28 =	simm.s32 @p2 $0xFFFFFFFF;
	s30 =	spop (v2sf)  }
0x81: {  	v4 =	vmov s29;
	v1 =	vld.msk [tilespmem:s21+$0x0 ss:$0x1], vm14;
	p3 =	seq.s32 s30, s28  }
0x82: {  	vm1 =	vgt.u32 v4, v0;
	vm0 =	vgt.s32 @!p3 v2, $0x0  }
0x83: {  	v2 =	vnsel @!p3 vm0, $0x0, v2  }
0x84: {  	v2 =	vmin.u32 @!p3 v2, $0xC3FF  }
0x85: {  	p1 =	por p1, p1;
	s21 =	spop @!p6 (v2sf);
	(v2sf) =	vpush @!p3 v2, $0x0  }
0x86: {  	p1 =	por p1, p1;
	s30 =	sshra.s32 s19, $0x2;
	s28 =	spop (v2sf);
	(v2sf) =	vpush v1, $0x1  }
0x87: {  	s19 =	sadd.s32 s30, s13;
	s28 =	simm.s32 @p1 $0xFFFFFFFF;
	s31 =	spop (v2sf);
	(v2sf) =	vpush v1, $0x0  }
0x88: {  	v2 =	vld.msk [tilespmem:s19+$0x0 ss:$0x1], vm1;
	p1 =	seq.s32 s31, s28  }
0x89: {  	s30 =	sld [smem:$0x7FD];
	vm0 =	vgt.s32 @!p1 v3, $0x0  }
0x8a: {  	v3 =	vnsel @!p1 vm0, $0x0, v3  }
0x8b: {  	p2 =	por p5, p5;
	v3 =	vmin.u32 @!p1 v3, $0xC3FF  }
0x8c: {  	s19 =	sand.u32 @!p2 $0x1FFF00, s26;
	p5 =	seq.s32 s30, $0x1;
	(v2sf) =	vpush @!p1 v3, $0x0  }
0x8d: {  	s19 =	sadd.s32 @!p2 s19, s25;
	p5 =	por p5, p5;
	(v2sf) =	vpush v2, $0x1  }
0x8e: {  	[tilespmem:s18], [sflag:$0x1] =	stream.strided.gather @!p2 [hbm:s19], $0x100, s17, s17, $0x38;
	(v2sf) =	vpush v2, $0x0;
	[tilespmem:$0x1A340] =	vst v63  }
0x8f: {  	p0 =	por p0, p0;
	s17 =	sshll.u32 @!p5 s24, $0x4  }
0x90: {  	s18 =	sshll.u32 @!p5 s24, $0x5;
	p2 =	por p5, p5;
	s17 =	sand.u32 @!p5 $0x70, s17  }
0x91: {  	p0 =	por p0, p0;
	s18 =	sand.u32 @!p2 $0x1FFF00, s18;
	s17 =	sadd.s32 @!p5 s2, s17  }
0x92: {  	p5 =	por p6, p6;
	s17 =	sadd.s32 @!p2 s18, s17;
	s18 =	sshll.u32 @!p6 s22, $0xA  }
0x93: {  	[tilespmem:s23], [sflag:$0x1] =	stream.strided.gather @!p2 [hbm:s17], $0x100, s20, s20, $0x38;
	[tilespmem:$0x1A340] =	vst v63  }
0x94: {  	s17 =	sadd.s32 @!p6 $0x1, s16;
	p2 =	por p5, p5;
	s20 =	spop @!p3 (v2sf)  }
0x95: {  	s19 =	sshll.u32 @!p2 s21, $0x4;
	s21 =	sshll.u32 @!p2 s21, $0x5;
	s22 =	spop (v2sf)  }
0x96: {  	s19 =	sand.u32 @!p2 $0x70, s19;
	s22 =	simm.s32 @p0 $0xFFFFFFFF;
	s31 =	spop (v2sf)  }
0x97: {  	s19 =	sadd.s32 @!p2 s2, s19;
	p0 =	por p2, p2;
	p2 =	seq.s32 s31, s22  }
0x98: {  	s17 =	smov.u32 @p6 s16;
	s16 =	sshra.s32 @!p6 s18, $0x2;
	s18 =	sand.u32 @!p0 $0x1FFF00, s21;
	vm0 =	vgt.s32 @!p2 v1, $0x0  }
0x99: {  	s16 =	sadd.s32 @!p6 s16, s14;
	s21 =	simm.s32 @!p6 $0x80;
	s18 =	sadd.s32 @!p0 s18, s19;
	v1 =	vnsel @!p2 vm0, $0x0, v1  }
0x9a: {  	[tilespmem:s16], [sflag:$0x1] =	stream.strided.gather @!p0 [hbm:s18], $0x100, s21, s21, $0x38;
	v1 =	vmin.u32 @!p2 v1, $0xC3FF;
	[tilespmem:$0x1A340] =	vst v63  }
0x9b: {  	p4 =	por p4, p4;
	p5 =	por p3, p3;
	s18 =	spop @!p1 (v2sf);
	(v2sf) =	vpush @!p2 v1, $0x0  }
0x9c: {  	s16 =	sadd.s32 @!p3 $0x1, s17;
	p0 =	por p4, p4;
	s19 =	spop (v2sf)  }
0x9d: {  	s16 =	smov.u32 @p3 s17;
	s19 =	simm.s32 @p0 $0xFFFFFFFF;
	s24 =	spop (v2sf)  }
0x9e: {  	s17 =	sshll.u32 @!p3 s17, $0xA;
	p0 =	por p5, p5;
	p4 =	seq.s32 s24, s19  }
0x9f: {  	p6 =	por p1, p1;
	s17 =	sshra.s32 @!p3 s17, $0x2;
	s21 =	sshll.u32 @!p0 s20, $0x4;
	vm0 =	vgt.s32 @!p4 v2, $0x0  }
0xa0: {  	s20 =	sshll.u32 @!p0 s20, $0x5;
	p5 =	por p0, p0;
	s21 =	sand.u32 @!p0 $0x70, s21;
	v1 =	vnsel @!p4 vm0, $0x0, v2  }
0xa1: {  	s17 =	sadd.s32 @!p3 s17, s14;
	s20 =	sand.u32 @!p5 $0x1FFF00, s20;
	s21 =	sadd.s32 @!p0 s2, s21;
	v1 =	vmin.u32 @!p4 v1, $0xC3FF  }
0xa2: {  	s19 =	simm.s32 @!p3 $0x80;
	p0 =	por p6, p6;
	s20 =	sadd.s32 @!p5 s20, s21;
	(v2sf) =	vpush @!p4 v1, $0x0  }
0xa3: {  	[tilespmem:s17], [sflag:$0x1] =	stream.strided.gather @!p5 [hbm:s20], $0x100, s19, s19, $0x38;
	[tilespmem:$0x1A340] =	vst v63  }
0xa4: {  	p3 =	por p0, p0;
	s19 =	sshll.u32 @!p0 s18, $0x4  }
0xa5: {  	s17 =	sshll.u32 @!p1 s16, $0xA;
	s18 =	sshll.u32 @!p0 s18, $0x5;
	s19 =	sand.u32 @!p0 $0x70, s19  }
0xa6: {  	s17 =	sshra.s32 @!p1 s17, $0x2;
	s18 =	sand.u32 @!p3 $0x1FFF00, s18;
	s19 =	sadd.s32 @!p0 s2, s19  }
0xa7: {  	s20 =	simm.s32 @!p1 $0x80;
	s17 =	sadd.s32 @!p1 s17, s14;
	s18 =	sadd.s32 @!p3 s18, s19  }
0xa8: {  	[tilespmem:s17], [sflag:$0x1] =	stream.strided.gather @!p3 [hbm:s18], $0x100, s20, s20, $0x38;
	[tilespmem:$0x1A340] =	vst v63  }
0xa9: {  	p5 =	por p2, p2;
	s17 =	sadd.s32 @!p1 $0x1, s16  }
0xaa: {  	p0 =	por p5, p5;
	s17 =	smov.u32 @p1 s16;
	s16 =	spop @!p2 (v2sf)  }
0xab: {  	p1 =	por p0, p0;
	s19 =	sshll.u32 @!p0 s16, $0x4  }
0xac: {  	s18 =	sshll.u32 @!p2 s17, $0xA;
	s16 =	sshll.u32 @!p0 s16, $0x5;
	s19 =	sand.u32 @!p0 $0x70, s19  }
0xad: {  	s18 =	sshra.s32 @!p2 s18, $0x2;
	s16 =	sand.u32 @!p1 $0x1FFF00, s16;
	s19 =	sadd.s32 @!p0 s2, s19  }
0xae: {  	s20 =	simm.s32 @!p2 $0x80;
	s18 =	sadd.s32 @!p2 s18, s14;
	s16 =	sadd.s32 @!p1 s16, s19  }
0xaf: {  	[tilespmem:s18], [sflag:$0x1] =	stream.strided.gather @!p1 [hbm:s16], $0x100, s20, s20, $0x38;
	[tilespmem:$0x1A340] =	vst v63  }
0xb0: {  	p6 =	por p4, p4;
	s16 =	sadd.s32 @!p2 $0x1, s17  }
0xb1: {  	p0 =	por p6, p6;
	s18 =	spop @!p4 (v2sf);
	s16 =	smov.u32 @p2 s17  }
0xb2: {  	s17 =	sshll.u32 @!p0 s18, $0x4;
	s19 =	sadd.s32 @!p4 $0x1, s16  }
0xb3: {  	s20 =	sshll.u32 @!p4 s16, $0xA;
	s18 =	sshll.u32 @!p0 s18, $0x5;
	s17 =	sand.u32 @!p0 $0x70, s17  }
0xb4: {  	s19 =	smov.u32 @p4 s16;
	s17 =	sadd.s32 @!p0 s2, s17;
	p0 =	por p0, p0  }
0xb5: {  	s16 =	sshra.s32 @!p4 s20, $0x2;
	s20 =	simm.s32 @!p4 $0x80;
	s18 =	sand.u32 @!p0 $0x1FFF00, s18  }
0xb6: {  	s16 =	sadd.s32 @!p4 s16, s14;
	s25 =	sshll.u32 s19, $0x8;
	s17 =	sadd.s32 @!p0 s18, s17  }
0xb7: {  	[tilespmem:s16], [sflag:$0x1] =	stream.strided.gather @!p0 [hbm:s17], $0x100, s20, s20, $0x38;
	[tilespmem:$0x1A340] =	vst v63  }
0xb8: {  	s16 =	sand.u32 $0x3FFFFF00, s25  }
0xb9: {  	_ =	swait.ge [sflag:s4], s16  }
0xba: {  	s16 =	ssub.s32 $0x0, s16;
	[sflag:s4] =	ssyncset.done $0x0  }
0xbb: {  	s26 =	sadd.s32 $0x0, s15;
	[sflag:s4] =	ssyncadd.s32 s16  }
0xbc: {  	v1 =	vld.msk [tilespmem:s26+$0x0 ss:$0x1], $0x1;
	_ =	sdelay $0x4  }
0xbd: {  	(v2sf) =	vpush v1, $0x0;
	_ =	sdelay $0xc  }
0xbe: {  	p0 =	por $0x0, $0x0;
	s16 =	simm.s32 $0x1  }
0xbf: {  	s16 =	simm.s32 @!p0 $0x2  }
0xc0: {  	v1 =	vmov s16;
	s28 =	spop (v2sf)  }
0xc1: {  	vm15 =	vgt.u32 v1, v0;
	s29 =	sshll.u32 s28, $0x8;
	s17 =	sshll.u32 s28, $0x7  }
0xc2: {  	s16 =	sand.u32 $0xFFFFF800, s29;
	s17 =	sand.u32 $0x380, s17  }
0xc3: {  	s16 =	sor.u32 s17, s16  }
0xc4: {  	s30 =	sadd.s32 $0x0, s14;
	s31 =	sadd.s32 $0x0, s13;
	s16 =	sshrl.u32 s16, $0x3  }
0xc5: {  	s19 =	simm.s32 $0x8;
	s18 =	simm.s32 $0x4;
	s16 =	sadd.s32 s7, s16  }
0xc6: {  	[hbm:s16] =	stream.strided.scatter [tilespmem:s30], [sflag:$0x3], $0x100, s11, s11, $0x38;
	[tilespmem:$0x1A340] =	vst v63  }
0xc7: {  	p1 =	por p0, p0;
	s17 =	simm.s32 $0x1;
	s16 =	simm.s32 $0x0;
	v1 =	vld.msk [tilespmem:s31+$0x0 ss:$0x1], vm15  }
.LBB2_5:
0xc8: {  	p2 =	sne.s32 s19, $0x33C;
	s20 =	sadd.s32 s17, s15  }
0xc9: {  	v2 =	vld.msk [tilespmem:s20+$0x0 ss:$0x1], $0x1;
	_ =	sdelay $0x3  }
0xca: {  	(v2sf) =	vpush v1, $0x1  }
0xcb: {  	(v2sf) =	vpush v1, $0x0  }
0xcc: {  	(v2sf) =	vpush v2, $0x0;
	_ =	sdelay $0xb  }
0xcd: {  	p0 =	seq.s32 s18, $0x33C;
	s18 =	smov.u32 s19;
	s20 =	simm.s32 $0x1  }
0xce: {  	s20 =	simm.s32 @!p0 $0x2;
	s21 =	spop (v2sf)  }
0xcf: {  	s21 =	simm.s32 @p1 $0xFFFFFFFF;
	s22 =	spop (v2sf);
	p1 =	por p0, p0  }
0xd0: {  	v1 =	vmov s20;
	s20 =	spop (v2sf);
	p0 =	sne.s32 s22, s21;
	s22 =	simm.s32 $0x1  }
0xd1: {  	vm0 =	vgt.u32 v1, v0;
	s21 =	sshll.u32 s20, $0x8;
	s20 =	sshll.u32 s20, $0x7;
	s22 =	simm.s32 @!p0 $0x0  }
0xd2: {  	s21 =	sand.u32 $0xFFFFF800, s21;
	s20 =	sand.u32 $0x380, s20;
	s16 =	sadd.s32 s22, s16  }
.Ltmp4:
0xd3: {  	s20 =	sor.u32 s20, s21;
	s21 =	sshll.u32 s16, $0xA;
	(pc) =	sbr.rel @p2 .LBB2_5-.Ltmp4, $4  }
0xd4: {  	s20 =	sshrl.u32 s20, $0x3;
	s21 =	sshra.s32 s21, $0x2  }
0xd5: {  	s22 =	sadd.s32 s17, s13;
	s21 =	sadd.s32 s21, s14;
	s20 =	sadd.s32 s7, s20  }
0xd6: {  	[hbm:s20] =	stream.strided.scatter [tilespmem:s21], [sflag:$0x3], $0x100, s11, s11, $0x38;
	[tilespmem:$0x1A340] =	vst v63  }
0xd7: {  	s19 =	sadd.s32 $0x4, s19;
	s17 =	sshra.s32 s18, $0x2;
	v1 =	vld.msk [tilespmem:s22+$0x0 ss:$0x1], vm0  }
.Ltmp5:
0xd8: {  	_ = 	snop;
	(pc) =	sbr.rel .LBB2_6-.Ltmp5, $1  }
0xd9: {  	_ =	sdelay $0x3  }
.LBB2_8:
0xda: {  	_ =	sfence.sel $0x180000  }
0xdb: {  	s2 =	simm.s32 $0x2;
	[bflag:$0x0] =	sbarrier.arrive $0xFFFF  }
0xdc: {  	s30 =	simm.s32 $0x3;
	[sflag:s2] =	ssyncpa.u1 $0x1  }
0xdd: {  	s31 =	simm.s32 $0x1;
	[sflag:s30] =	ssyncpa.u1 $0x1  }
0xde: {  	[sflag:s31] =	ssyncpa.u1 $0x1  }
0xdf: {  	p0 =	sne.s32 s1, $0x0;
	_ =	strace $0x90000053  }
0xe0: {  	s0 =	sadd.s32 @!p0 $0x100000, s0;
	[bflag:$0x2] =	sbarrier.arrive $0xFFFF  }
0xe1: {  	[sflag:s0] =	ssyncadd.tile.s32 @!p0 $0x1;
	_ =	shalt  }
.Lfunc_end2:
_tile_overlayer_lowered:
.L_overlay_start_2:
0xe2: {  	(tag) =	ssettag $0x2  }
0xe3: {  	s0 =	rddreg [dreg:$0x0];
	s2 =	stileid.u32  }
0xe4: {  	s1 =	rddreg [dreg:$0x1];
	p0 =	sne.s32 s2, $0x0  }
0xe5: {  	s3 =	rddreg [dreg:$0x2];
	[bflag:$0x3] =	sbarrier.arrive $0xFFFF;
	s2 =	simm.s32 @!p0 $0x1C01  }
0xe6: {  	[timem:s3], [sflag:s2] =	dma.local @!p0 [hbm:s0], s1  }
0xe7: {  	s0 =	simm.s32 @!p0 $0x1  }
0xe8: {  	_ =	swait.ge @!p0 [sflag:s0], s1  }
0xe9: {  	s1 =	ssub.s32 @!p0 $0x0, s1;
	[sflag:s0] =	ssyncset.done @!p0 $0x0  }
0xea: {  	[sflag:s0] =	ssyncadd.s32 @!p0 s1  }
0xeb: {  	[bflag:$0x3] =	sbarrier.arrive $0xFFFF  }
0xec: {  	_ =	shalt  }

// kernel: scatter_offload_async_start.1
scs
__scs_entry_jumppad:
0x0: {  	(pc) =	sbr.rel $0x88, $3  }
0x1: {  	(tag) =	ssettag $0x0;
	lr =	simm.s32 $0x1  }
0x2: {  	[smem:$0x3F8C] =	sst lr;
	_ =	strace $0xD0000000  }
0x3: {  	_ = 	snop  }
0x4: {  	_ = 	snop  }
0x5: {  	_ = 	snop  }
0x6: {  	_ = 	snop  }
0x7: {  	_ = 	snop  }
__scs_overlays_trampoline_lowered:
0x8: {  	[smem:$0x3F9B] =	sst s0  }
0x9: {  	[smem:$0x3F9C] =	sst s1  }
0xa: {  	[smem:$0x3F9D] =	sst s2  }
0xb: {  	[smem:$0x3F9E] =	sst s3  }
0xc: {  	[smem:$0x3F9F] =	sst s4  }
0xd: {  	[smem:$0x3FA0] =	sst s5  }
0xe: {  	[smem:$0x3FA1] =	sst s6  }
0xf: {  	[smem:$0x3FA2] =	sst s7  }
0x10: {  	[smem:$0x3FA3] =	sst s8  }
0x11: {  	[smem:$0x3FA4] =	sst s9;
	s0 =	simm.s32 @!p0 $0x0  }
0x12: {  	s1 =	sld [smem:$0x3F8A];
	s0 =	simm.s32 @p0 $0x1  }
0x13: {  	[smem:$0x3FA5] =	sst s0;
	s0 =	simm.s32 @!p1 $0x0  }
0x14: {  	s2 =	sld [smem:$0x3F89];
	s0 =	simm.s32 @p1 $0x1  }
0x15: {  	[smem:$0x3FA6] =	sst s0;
	s0 =	simm.s32 @!p2 $0x0  }
0x16: {  	s3 =	sld [smem:$0x3FDB];
	s0 =	simm.s32 @p2 $0x1  }
0x17: {  	s4 =	simm.s32 $0x1BF5;
	[smem:$0x3FA8] =	sst s0  }
0x18: {  	s0 =	sld [smem:$0x3F8B];
	_ =	swait.ge [sflag:s4], $0x0  }
0x19: {  	s7 =	sld [smem:$0x3F8C]  }
0x1a: {  	s8 =	sadd.s32 $0xFFFFE003, lr  }
0x1b: {  	s9 =	sadd.s32 $0xFFFFFEF7, lr;
	s5 =	simm.s32 $0xFFFFFFFF;
	p2 =	slt.u32 s8, $0xFFFFF086  }
0x1c: {  	p1 =	slt.u32 s9, $0xF7A;
	s5 =	simm.s32 @!p2 $0x0  }
0x1d: {  	s5 =	simm.s32 @p1 $0x1;
	p0 =	seq.s32 s7, s2  }
0x1e: {  	s7 =	smul.u32 @!p0 $0xF7A, s2;
	p2 =	seq.s32 @!p0 s5, $0x0  }
0x1f: {  	s9 =	smul.u32 $0xF7A, s1;
	s8 =	simm.s32 @!p0 $0x1BF5;
	p2 =	por !p2, p0  }
0x20: {  	[sflag:s8] =	ssyncset.s32 @!p0 $0xFFFFF086;
	s6 =	sadd.s32 @!p0 s3, s7;
	s7 =	simm.s32 @!p0 $0x108  }
0x21: {  	s3 =	sadd.s32 s3, s9;
	s6 =	sadd.s32 @!p0 $0x88, s6;
	s7 =	simm.s32 @p2 $0x1082  }
0x22: {  	[simem:s7], [sflag:s8] =	dma.local @!p0 [hbm:s6], $0xF7A  }
0x23: {  	s9 =	sor.u32 $0xD0000000, s2;
	s6 =	simm.s32 $0x108;
	_ =	swait.ge @!p0 [sflag:s8], $0x0  }
0x24: {  	s3 =	sadd.s32 $0x88, s3;
	s6 =	simm.s32 @!p1 $0x1082;
	[sflag:s4] =	ssyncset.s32 $0xFFFFF086  }
0x25: {  	[simem:s6], [sflag:s4] =	dma.local [hbm:s3], $0xF7A  }
0x26: {  	[smem:$0x3F8C] =	sst s1;
	(tag) =	ssettag s2;
	_ =	strace s9  }
0x27: {  	s1 =	sld [smem:$0x3F9C]  }
0x28: {  	s2 =	sld [smem:$0x3F9D]  }
0x29: {  	s4 =	sld [smem:$0x3F9F]  }
0x2a: {  	p0 =	seq.s32 s5, $0x0;
	s5 =	sld [smem:$0x3FA0]  }
0x2b: {  	s6 =	sld [smem:$0x3FA1]  }
0x2c: {  	s7 =	sld [smem:$0x3FA2]  }
0x2d: {  	s3 =	simm.s32 $0x108;
	s8 =	sld [smem:$0x3FA3]  }
0x2e: {  	s3 =	simm.s32 @!p0 $0x1082;
	s9 =	sld [smem:$0x3FA4]  }
0x2f: {  	lr =	sadd.s32 s0, s3;
	s0 =	sld [smem:$0x3F9B]  }
0x30: {  	s3 =	sld [smem:$0x3F9E]  }
0x31: {  	[smem:$0x3FA7] =	sst s10  }
0x32: {  	s10 =	sld [smem:$0x3FA5];
	_ =	sdelay $0x3  }
0x33: {  	p0 =	seq.s32 s10, $0x1;
	s10 =	sld [smem:$0x3FA7];
	_ =	sdelay $0x3  }
0x34: {  	[smem:$0x3FA7] =	sst s10  }
0x35: {  	s10 =	sld [smem:$0x3FA6];
	_ =	sdelay $0x3  }
0x36: {  	p1 =	seq.s32 s10, $0x1;
	s10 =	sld [smem:$0x3FA7];
	_ =	sdelay $0x3  }
0x37: {  	[smem:$0x3FA7] =	sst s10  }
0x38: {  	s10 =	sld [smem:$0x3FA8]  }
0x39: {  	_ = 	snop;
	(pc) =	sbr.ind lr, $3  }
0x3a: {  	_ = 	snop  }
0x3b: {  	_ = 	snop  }
0x3c: {  	p2 =	seq.s32 s10, $0x1;
	s10 =	sld [smem:$0x3FA7]  }
0x3d: {  	_ =	shalt  }
0x3e: {  	_ =	shalt  }
0x3f: {  	_ =	shalt  }
0x40: {  	_ =	shalt  }
0x41: {  	_ =	shalt  }
0x42: {  	_ =	shalt  }
0x43: {  	_ =	shalt  }
0x44: {  	_ =	shalt  }
0x45: {  	_ =	shalt  }
0x46: {  	_ =	shalt  }
0x47: {  	_ =	shalt  }
0x48: {  	_ =	shalt  }
0x49: {  	_ =	shalt  }
0x4a: {  	_ =	shalt  }
0x4b: {  	_ =	shalt  }
0x4c: {  	_ =	shalt  }
0x4d: {  	_ =	shalt  }
0x4e: {  	_ =	shalt  }
0x4f: {  	_ =	shalt  }
0x50: {  	_ =	shalt  }
0x51: {  	_ =	shalt  }
0x52: {  	_ =	shalt  }
0x53: {  	_ =	shalt  }
0x54: {  	_ =	shalt  }
0x55: {  	_ =	shalt  }
0x56: {  	_ =	shalt  }
0x57: {  	_ =	shalt  }
0x58: {  	_ =	shalt  }
0x59: {  	_ =	shalt  }
0x5a: {  	_ =	shalt  }
0x5b: {  	_ =	shalt  }
0x5c: {  	_ =	shalt  }
0x5d: {  	_ =	shalt  }
0x5e: {  	_ =	shalt  }
0x5f: {  	_ =	shalt  }
0x60: {  	_ =	shalt  }
0x61: {  	_ =	shalt  }
0x62: {  	_ =	shalt  }
0x63: {  	_ =	shalt  }
0x64: {  	_ =	shalt  }
0x65: {  	_ =	shalt  }
0x66: {  	_ =	shalt  }
0x67: {  	_ =	shalt  }
0x68: {  	_ =	shalt  }
0x69: {  	_ =	shalt  }
0x6a: {  	_ =	shalt  }
0x6b: {  	_ =	shalt  }
0x6c: {  	_ =	shalt  }
0x6d: {  	_ =	shalt  }
0x6e: {  	_ =	shalt  }
0x6f: {  	_ =	shalt  }
0x70: {  	_ =	shalt  }
0x71: {  	_ =	shalt  }
0x72: {  	_ =	shalt  }
0x73: {  	_ =	shalt  }
0x74: {  	_ =	shalt  }
0x75: {  	_ =	shalt  }
0x76: {  	_ =	shalt  }
0x77: {  	_ =	shalt  }
0x78: {  	_ =	shalt  }
0x79: {  	_ =	shalt  }
0x7a: {  	_ =	shalt  }
0x7b: {  	_ =	shalt  }
0x7c: {  	_ =	shalt  }
0x7d: {  	_ =	shalt  }
0x7e: {  	_ =	shalt  }
0x7f: {  	_ =	shalt  }
0x80: {  	_ =	shalt  }
0x81: {  	_ =	shalt  }
0x82: {  	_ =	shalt  }
0x83: {  	_ =	shalt  }
0x84: {  	_ =	shalt  }
0x85: {  	_ =	shalt  }
0x86: {  	_ =	shalt  }
0x87: {  	_ =	shalt  }
.Lfunc_end0:
.L_simem_size_0:
called_computation.1_lowered:
.L_overlay_start_0:
0x88: {  	s0 =	sld [smem:$0x3FD9]  }
0x89: {  	s1 =	sld [smem:$0x3FFE];
	_ =	sdelay $0x3  }
0x8a: {  	s0 =	sadd.s32 s1, s0  }
0x8b: {  	[smem:$0x3FB3] =	sst s0  }
0x8c: {  	_ = 	snop  }
0x8d: {  	(tm) =	ssettm $0x1  }
0x8e: {  	s15 =	sld [smem:$0x3FFB];
	_ =	sdelay $0x3  }
0x8f: {  	_ =	strace s15  }
0x90: {  	s0 =	sld [smem:$0x3FFC];
	_ =	sdelay $0x3  }
0x91: {  	_ =	strace s0  }
0x92: {  	s0 =	sld [smem:$0x3FFD];
	_ =	sdelay $0x3  }
0x93: {  	_ =	strace s0  }
0x94: {  	_ =	strace $0x8FFFFFFF  }
0x95: {  	s16 =	sld [smem:$0x3FDB];
	_ =	sdelay $0x1  }
0x96: {  	s17 =	simm.s32 $_scs_section_size  }
0x97: {  	s2 =	simm.s32 $_size__tile_overlayer_lowered;
	s3 =	simm.s32 $_tile_overlayer_lowered  }
0x98: {  	s20 =	simm.s32 $0x1BFF;
	s19 =	sshll.u32 s3, $0x1;
	s0 =	sadd.s32 s17, s16  }
0x99: {  	s4 =	simm.s32 $0x0;
	s18 =	sshll.u32 s2, $0x1;
	s2 =	sadd.s32 s19, s0  }
0x9a: {  	[timem:s4], [sflag:s20] =	dma.local [hbm:s2], s18  }
0x9b: {  	_ =	swait.ge [sflag:s20], s18  }
0x9c: {  	s1 =	ssub.s32 $0x0, s18;
	[sflag:s20] =	ssyncset.done $0x0  }
0x9d: {  	[sflag:s20] =	ssyncadd.s32 s1;
	_ =	sdelay $0x1  }
0x9e: {  	s21 =	simm.s32 $0x1B8B  }
0x9f: {  	_ =	swait.ge [sflag:s21], $0x1  }
0xa0: {  	[sflag:s21] =	ssyncset.done $0x0  }
0xa1: {  	s23 =	simm.s32 $0x1B8E;
	s22 =	sld [smem:$0x3FFE];
	[sflag:s21] =	ssyncadd.s32 $0xFFFFFFFF  }
0xa2: {  	s24 =	simm.s32 $execute0_lowered;
	[smem:$0x3FD2] =	sst s23  }
0xa3: {  	s2 =	sshll.u32 s24, $0x1;
	_ =	strace $0x8000004C;
	[dreg:$0x1] =	wrdreg $0xFFFFFFFF  }
0xa4: {  	s25 =	simm.s32 $_size_execute0_lowered;
	s0 =	sadd.s32 s0, s2;
	[dreg:$0x0] =	wrdreg $0x0  }
0xa5: {  	s2 =	sshll.u32 s25, $0x1;
	[dreg:$0x2] =	wrdreg s0  }
0xa6: {  	[dreg:$0x3] =	wrdreg s2  }
0xa7: {  	[dreg:$0x4] =	wrdreg $0xC0  }
0xa8: {  	_ =	task [dreg:s4], $0x5FFFF  }
0xa9: {  	[dreg:$0x1] =	wrdreg $0xFFFFFFFF  }
0xaa: {  	[dreg:$0x0] =	wrdreg $0x60  }
0xab: {  	[dreg:$0x2] =	wrdreg s22  }
0xac: {  	[dreg:$0x3] =	wrdreg $0x9  }
0xad: {  	_ =	task.clear_ibuf [dreg:s4], $0x4FFFF;
	_ =	strace $0x9000004C  }
0xae: {  	s26 =	simm.s32 $0x9;
	_ =	strace $0x8000004E  }
0xaf: {  	_ =	swait.ge [sflag:s26], $0x1  }
0xb0: {  	[sflag:s26] =	ssyncadd.s32 $0xFFFFFFFF  }
0xb1: {  	_ =	strace $0x9000004E  }
0xb2: {  	_ =	sfence  }
0xb3: {  	s28 =	sld [smem:$0x0];
	_ =	sdelay $0x1  }
0xb4: {  	s29 =	srdreg.scid  }
0xb5: {  	s30 =	sshll.u32 s29, $0xD;
	s31 =	sshrl.u32 s29, $0x2  }
0xb6: {  	s1 =	sand.u32 $0x1, s29;
	s2 =	sand.u32 $0x4000, s30;
	s0 =	sadd.s32 s31, s28  }
0xb7: {  	s1 =	sor.u32 s2, s1;
	s0 =	sshll.u32 s0, $0x11  }
0xb8: {  	s0 =	sor.u32 s0, s1  }
0xb9: {  	s0 =	sadd.s32 $0x8F2B, s0  }
0xba: {  	[sflag:s0] =	ssyncadd.remote.s32 $0x1  }
0xbb: {  	_ =	sfence.sel $0xFFFF  }
0xbc: {  	[dreg:$0x0] =	wrdreg $0xFFFFFFFF;
	(pc) =	sbr.abs _section_cstart, $3  }
0xbd: {  	[dreg:$0x1] =	wrdreg $0xFFFFFFFF  }
0xbe: {  	_ =	task.clear_ibuf [dreg:s4], $0x2FFFF;
	_ =	strace $0x9FFFFFFF  }
0xbf: {  	(tm) =	ssettm $0x7FFFFFFF  }
tec
execute0_lowered:
.L_overlay_start_1:
0x0: {  	(tag) =	ssettag $0x1  }
0x1: {  	s0 =	rddreg [dreg:$0x0];
	_ =	strace $0x8000004D;
	s1 =	simm.s32 $0x1  }
0x2: {  	s8 =	simm.s32 $0x108;
	v0 =	vimm.s32 $0x0;
	[sflag:s1] =	ssyncpa.u1 $0x0  }
0x3: {  	[tilespmem:s8+$0x70] =	vst v0  }
0x4: {  	[tilespmem:s8+$0x60] =	vst v0  }
0x5: {  	[tilespmem:s8+$0x50] =	vst v0  }
0x6: {  	[tilespmem:s8+$0x40] =	vst v0  }
0x7: {  	[tilespmem:s8+$0x30] =	vst v0  }
0x8: {  	s2 =	simm.s32 $0x40;
	s1 =	sadd.s32 $0xE3F000, s0;
	[tilespmem:s8+$0x20] =	vst v0  }
0x9: {  	s3 =	sadd.s32 $0x1400, s0;
	s4 =	sadd.s32 $0x146A00, s0;
	s5 =	sadd.s32 $0x69400, s0;
	[tilespmem:s8+$0x10] =	vst v0  }
.LBB2_1:
0xa: {  	s2 =	sadd.s32 $0x40, s2;
	[tilespmem:s8+$0x0] =	vst v0;
	s8 =	sadd.s32 $0x80, s8  }
0xb: {  	p0 =	slt.u32 s2, $0x3C40;
	[tilespmem:s8+$0x70] =	vst v0  }
0xc: {  	[tilespmem:s8+$0x60] =	vst v0  }
.Ltmp0:
0xd: {  	[tilespmem:s8+$0x50] =	vst v0;
	(pc) =	sbr.rel @p0 .LBB2_1-.Ltmp0, $4  }
0xe: {  	[tilespmem:s8+$0x40] =	vst v0  }
0xf: {  	[tilespmem:s8+$0x30] =	vst v0  }
0x10: {  	[tilespmem:s8+$0x20] =	vst v0  }
0x11: {  	[tilespmem:s8+$0x10] =	vst v0  }
0x12: {  	s13 =	stileid.u32  }
0x13: {  	s0 =	smul.u32 $0xDD, s13  }
0x14: {  	s2 =	smin.u32 s13, $0x6  }
0x15: {  	s0 =	sadd.s32 s2, s0  }
0x16: {  	p0 =	slt.u32 s13, $0x6;
	s6 =	smul.u32 $0xF0, s0;
	s0 =	simm.s32 $0xD020  }
0x17: {  	s0 =	simm.s32 @!p0 $0xCF30  }
0x18: {  	s0 =	sadd.s32 s0, s6  }
0x19: {  	s7 =	smin.u32 s0, $0xCF850  }
0x1a: {  	s0 =	ssub.s32 s7, s6  }
0x1b: {  	p0 =	sgt.s32 s0, $0x0  }
0x1c: {  	s0 =	simm.s32 @!p0 $0x0  }
0x1d: {  	s31 =	smulhi.u32 $0x88888889, s0  }
0x1e: {  	s30 =	simm.s32 $0x2;
	s9 =	simm.s32 $0x7;
	s10 =	simm.s32 $0x8  }
0x1f: {  	s19 =	simm.s32 $0x0;
	s15 =	simm.s32 $0xA;
	s2 =	sshrl.u32 s31, $0x7  }
0x20: {  	s17 =	simm.s32 $0x0;
	s18 =	simm.s32 $0x0;
	s11 =	smul.u32 $0xF0, s2  }
.Ltmp1:
0x21: {  	[tilespmem:s8+$0x0] =	vst v0;
	v0 =	vimm.s32 $0xFFFFFFFF;
	[sflag:s30] =	ssyncpa.u1 $0x0;
	s13 =	sshll.u32 s13, $0x8;
	(pc) =	sbr.rel .LBB2_3-.Ltmp1, $4  }
0x22: {  	[tilespmem:$0xF208] =	vst v0;
	[sflag:s9] =	ssyncpa.u1 $0x0;
	p0 =	sne.s32 s0, s11;
	s0 =	simm.s32 $0x1  }
0x23: {  	[sflag:s10] =	ssyncpa.u1 $0x0;
	s10 =	simm.s32 $0x9;
	s0 =	simm.s32 @!p0 $0x0  }
0x24: {  	[sflag:s10] =	ssyncpa.u1 $0x0;
	s16 =	smov.u32 s6;
	s12 =	sadd.s32 s0, s2  }
0x25: {  	v0 =	vlaneseq.u32;
	s11 =	simm.s32 $0x1;
	p0 =	por $0x0, $0x0;
	s14 =	sadd.s32 $0x1, s12  }
.LBB2_18:
0x26: {  	s0 =	sshrl.u32 s28, $0x2  }
.LBB2_20:
0x27: {  	_ =	swait.ge [sflag:s15], s0  }
0x28: {  	s31 =	ssub.s32 $0x0, s0;
	v1 =	vmov s21;
	vm0 =	veq.s32 v0, $0x0;
	[sflag:s15] =	ssyncset.done $0x0  }
0x29: {  	vm15 =	veq.s32 v0, $0x2;
	v1 =	vsel vm0, s26, v1;
	[sflag:s15] =	ssyncadd.s32 s31  }
0x2a: {  	v1 =	vsel vm15, s19, v1;
	[sflag:s15] =	ssyncpa.u1 $0x1  }
0x2b: {  	[tilespmem:$0xF208] =	vst v1  }
.LBB2_21:
0x2c: {  	s0 =	sadd.s32 $0xF0, s16  }
0x2d: {  	s2 =	smov.u32 s6;
	p1 =	slt.s32 s0, s7  }
0x2e: {  	s2 =	smov.u32 @p1 s0;
	p1 =	sne.s32 s18, s14  }
.Ltmp2:
0x2f: {  	_ = 	snop;
	(pc) =	sbr.rel @!p1 .LBB2_22-.Ltmp2, $3  }
0x30: {  	_ =	sdelay $0x1  }
0x31: {  	s19 =	smov.u32 s17;
	s31 =	sadd.s32 $0x1, s18;
	s17 =	smov.u32 s16  }
0x32: {  	p0 =	por !p0, !p0;
	s18 =	smov.u32 s31;
	s16 =	smov.u32 s2  }
.LBB2_3:
0x33: {  	p1 =	sge.u32 s18, s12  }
0x34: {  	s0 =	smulhi.u32 @!p1 $0xAAAAAAAB, s18  }
0x35: {  	s2 =	smov.u32 s16;
	p2 =	sgt.s32 @!p1 s16, $0xCF760  }
0x36: {  	s20 =	sshra.s32 @!p1 s16, $0x1F;
	p2 =	por !p2, p1;
	s0 =	sshrl.u32 @!p1 s0, $0x1  }
0x37: {  	s20 =	sand.u32 @!p1 s20, s16;
	s2 =	simm.s32 @p2 $0xCF760;
	s0 =	smul.u32 @!p1 $0x3, s0  }
0x38: {  	s2 =	ssub.s32 @!p1 s2, s20  }
0x39: {  	s2 =	sadd.s32 @!p1 $0xFFF308A0, s2;
	s0 =	ssub.s32 @!p1 s18, s0  }
0x3a: {  	s20 =	sshll.u32 @!p1 s2, $0x2;
	p2 =	sgt.s32 @!p1 s2, $0xEF;
	s0 =	smul.u32 @!p1 $0x3C0, s0  }
0x3b: {  	s21 =	sand.u32 @!p1 $0x7, s16;
	s2 =	ssub.s32 @!p1 $0x3C0, s20;
	p2 =	por !p2, p1  }
0x3c: {  	s20 =	sshrl.u32 @!p1 s16, $0x3;
	s2 =	sshrl.u32 @!p1 s2, $0x2;
	s0 =	sshrl.u32 @!p1 s0, $0x2  }
0x3d: {  	s20 =	sadd.s32 @!p1 s5, s20;
	s2 =	simm.s32 @!p2 $0x0;
	s0 =	sadd.s32 @!p1 $0x10238, s0  }
0x3e: {  	[tilespmem:s0], [sflag:$0x8] =	stream.linear.gather @!p1 [hbm4b:s20+s21], s2, $0x38;
	[tilespmem:$0x1F6E8] =	vst v63  }
0x3f: {  	s0 =	sadd.s32 $0xFFFFFFFF, s18  }
0x40: {  	p1 =	sge.u32 s0, s12  }
0x41: {  	p2 =	sgt.s32 @!p1 s17, $0xCF760  }
0x42: {  	s2 =	smov.u32 s17;
	s20 =	sshra.s32 @!p1 s17, $0x1F;
	p2 =	por !p2, p1  }
0x43: {  	s20 =	sand.u32 @!p1 s20, s17;
	s2 =	simm.s32 @p2 $0xCF760  }
0x44: {  	s2 =	ssub.s32 @!p1 s2, s20  }
0x45: {  	s2 =	sadd.s32 @!p1 $0xFFF308A0, s2  }
0x46: {  	s21 =	sand.u32 @!p1 $0x1, s0;
	s20 =	sshll.u32 @!p1 s2, $0x2  }
0x47: {  	p2 =	sgt.s32 @!p1 s2, $0xEF;
	s2 =	ssub.s32 @!p1 $0x3C0, s20;
	s20 =	smulhi.u32 @!p1 $0xAAAAAAAB, s0  }
0x48: {  	s23 =	smul.u32 @!p1 $0x3C0, s21;
	p2 =	por !p2, p1;
	s2 =	sshrl.u32 @!p1 s2, $0x2  }
0x49: {  	s22 =	simm.s32 @!p1 $0x8;
	s2 =	simm.s32 @!p2 $0x0;
	s20 =	sshrl.u32 @!p1 s20, $0x1  }
0x4a: {  	s23 =	sshrl.u32 @!p1 s23, $0x2;
	_ =	swait.ge @!p1 [sflag:s22], s2;
	s20 =	smul.u32 @!p1 $0x3, s20  }
0x4b: {  	s23 =	sor.u32 @!p1 $0x10508, s23;
	s24 =	ssub.s32 @!p1 $0x0, s2;
	[sflag:s22] =	ssyncset.done @!p1 $0x0  }
0x4c: {  	[sflag:s22] =	ssyncadd.s32 @!p1 s24;
	s22 =	sshrl.u32 @!p1 s17, $0x3;
	s0 =	ssub.s32 @!p1 s0, s20  }
0x4d: {  	s24 =	sand.u32 @!p1 $0x7, s17;
	s22 =	sadd.s32 @!p1 s3, s22;
	s0 =	smul.u32 @!p1 $0x3C0, s0  }
0x4e: {  	[tilespmem:s23], [sflag:$0x9] =	stream.linear.gather @!p1 [hbm4b:s22+s24], s2, $0x38;
	[tilespmem:$0x1F6E8] =	vst v63  }
0x4f: {  	s20 =	ssub.s32 @!p1 $0xCF850, s17;
	s2 =	smul.u32 @!p1 $0x1E000, s21  }
0x50: {  	p2 =	slt.s32 @!p1 s20, $0xF0  }
0x51: {  	p2 =	por !p2, p1;
	s0 =	sshrl.u32 @!p1 s0, $0x2;
	s2 =	sshrl.u32 @!p1 s2, $0x2  }
0x52: {  	s20 =	simm.s32 @p2 $0xF0;
	s0 =	sadd.s32 @!p1 $0x10238, s0;
	s2 =	sor.u32 @!p1 $0x106E8, s2  }
0x53: {  	[tilespmem:s2], [sflag:$0x7] =	stream.indirect.gather @!p1 [hbm4b:s4+s20], $0x80, s0, s20, $0xb8;
	[tilespmem:$0x1F6E8] =	vst v63  }
0x54: {  	p1 =	slt.u32 s18, $0x2  }
.Ltmp3:
0x55: {  	_ = 	snop;
	(pc) =	sbr.rel @p1 .LBB2_21-.Ltmp3, $1  }
0x56: {  	_ =	sdelay $0x3  }
0x57: {  	p1 =	sgt.s32 s19, $0xCF760;
	s0 =	smov.u32 s19  }
0x58: {  	s2 =	sshra.s32 s19, $0x1F;
	s20 =	ssub.s32 $0xCF850, s19;
	s0 =	simm.s32 @!p1 $0xCF760  }
0x59: {  	s2 =	sand.u32 s2, s19;
	p1 =	slt.s32 s20, $0xF0;
	s21 =	smov.u32 s20  }
0x5a: {  	s0 =	ssub.s32 s0, s2;
	s21 =	simm.s32 @!p1 $0xF0  }
0x5b: {  	s0 =	sadd.s32 $0xFFF308A0, s0;
	s28 =	sshll.u32 s21, $0x7  }
0x5c: {  	s29 =	sshll.u32 s0, $0x2;
	s2 =	sand.u32 $0x3FFFFF80, s28  }
0x5d: {  	p1 =	sgt.s32 s0, $0xEF;
	s30 =	ssub.s32 $0x3C0, s29;
	_ =	swait.ge [sflag:s9], s2  }
0x5e: {  	s2 =	ssub.s32 $0x0, s2;
	[sflag:s9] =	ssyncset.done $0x0;
	s0 =	sshrl.u32 s30, $0x2  }
0x5f: {  	[sflag:s9] =	ssyncadd.s32 s2;
	s0 =	simm.s32 @p1 $0x0  }
0x60: {  	_ =	swait.ge [sflag:s10], s0  }
0x61: {  	s0 =	ssub.s32 $0x0, s0;
	[sflag:s10] =	ssyncset.done $0x0  }
0x62: {  	[sflag:s10] =	ssyncadd.s32 s0  }
0x63: {  	v1 =	vld [tilespmem:$0xF208];
	_ =	sdelay $0x4  }
0x64: {  	(v2sf) =	vpush v1, $0x0  }
0x65: {  	(v2sf) =	vpush v1, $0x1  }
0x66: {  	(v2sf) =	vpush v1, $0x2;
	_ =	sdelay $0x3  }
0x67: {  	s0 =	sadd.s32 $0xF0, s19  }
0x68: {  	p1 =	slt.s32 s7, s0  }
0x69: {  	s0 =	smov.u32 @p1 s7;
	p1 =	sgt.s32 s20, $0x0  }
0x6a: {  	s23 =	ssub.s32 s0, s19;
	s20 =	simm.s32 @!p1 $0x0  }
0x6b: {  	p1 =	slt.s32 s20, s23  }
0x6c: {  	s23 =	smov.u32 @p1 s20  }
0x6d: {  	s22 =	simm.s32 $0x1;
	p1 =	slt.s32 s23, $0x1  }
.Ltmp4:
0x6e: {  	s22 =	simm.s32 @!p0 $0x0;
	(pc) =	sbr.rel @p1 .LBB2_8-.Ltmp4, $4  }
0x6f: {  	s31 =	smul.u32 $0x3C0, s22  }
0x70: {  	s24 =	spop (v2sf)  }
0x71: {  	s0 =	sshrl.u32 s31, $0x2;
	s26 =	spop (v2sf)  }
0x72: {  	s20 =	sor.u32 $0x10508, s0;
	s19 =	spop (v2sf)  }
0x73: {  	s0 =	smin.u32 s23, $0x10  }
0x74: {  	v1 =	vmov s0  }
0x75: {  	p2 =	sgt.s32 s23, $0x10;
	vm1 =	vgt.u32 v1, v0  }
.Ltmp5:
0x76: {  	_ = 	snop;
	(pc) =	sbr.rel @!p2 .LBB2_7-.Ltmp5, $2  }
0x77: {  	_ =	sdelay $0x2  }
0x78: {  	s25 =	simm.s32 $0x10;
	s28 =	sadd.s32 $0xFFFFFFF0, s23;
	s21 =	smov.u32 s20;
	vm0 =	vmmov vm1  }
.LBB2_6:
0x79: {  	s0 =	smin.u32 s28, $0x10;
	s25 =	sadd.s32 $0x10, s25;
	v1 =	vld.msk [tilespmem:s21+$0x0 ss:$0x1], vm1  }
0x7a: {  	v2 =	vmov s0;
	p2 =	slt.s32 s25, s23  }
0x7b: {  	vm1 =	vgt.u32 v2, v0  }
.Ltmp6:
0x7c: {  	(pc) =	sbr.rel @p2 .LBB2_6-.Ltmp6, $3  }
0x7d: {  	_ =	sdelay $0x1  }
0x7e: {  	v1 =	vshll.u32 v1, $0x4  }
0x7f: {  	s28 =	sadd.s32 $0xFFFFFFF0, s28;
	[tilespmem:s21+$0x0] =	vst.msk vm0, v1;
	s21 =	sadd.s32 $0x10, s21;
	vm0 =	vmmov vm1  }
.LBB2_7:
0x80: {  	_ =	sdelay $0x4  }
0x81: {  	v1 =	vld.msk [tilespmem:s21+$0x0 ss:$0x1], vm1;
	_ =	sdelay $0x4  }
0x82: {  	v1 =	vshll.u32 v1, $0x4  }
0x83: {  	[tilespmem:s21+$0x0] =	vst.msk vm0, v1  }
.LBB2_8:
0x84: {  	s0 =	sand.u32 $0x1, s18  }
0x85: {  	s0 =	smul.u32 $0xF0, s0  }
0x86: {  	p2 =	sne.s32 s26, $0xFFFFFFFF  }
0x87: {  	v1 =	vld.msk @!p2 [tilespmem:s0+$0x10508], $0x1;
	_ =	sdelay $0x4  }
0x88: {  	(v2sf) =	vpush @!p2 v1, $0x0;
	_ =	sdelay $0xc  }
.Ltmp7:
0x89: {  	_ = 	snop;
	(pc) =	sbr.rel @p1 .LBB2_19-.Ltmp7, $4  }
0x8a: {  	_ = 	snop  }
0x8b: {  	s25 =	spop @!p2 (v2sf)  }
0x8c: {  	s19 =	simm.s32 @!p2 $0x0;
	s21 =	smov.u32 s25  }
0x8d: {  	[sflag:s15] =	ssyncpa.u1 $0x0;
	s25 =	smov.u32 @p2 s24;
	s21 =	smov.u32 @p2 s26  }
0x8e: {  	v1 =	vld.msk [tilespmem:s20+$0x0], $0x1;
	_ =	sdelay $0x4  }
0x8f: {  	(v2sf) =	vpush v1, $0x0;
	_ =	sdelay $0xe  }
0x90: {  	s0 =	smul.u32 $0x1E000, s22;
	s29 =	spop (v2sf)  }
0x91: {  	s23 =	ssub.s32 $0x0, s23;
	p1 =	seq.s32 s25, s29  }
0x92: {  	s26 =	sadd.s32 $0x1, s23;
	s0 =	sshrl.u32 s0, $0x2;
	p2 =	sgt.s32 @!p1 s25, $0x0  }
0x93: {  	s22 =	sor.u32 $0x10728, s0;
	s0 =	smov.u32 s25;
	p2 =	por !p2, p1  }
0x94: {  	s0 =	simm.s32 @p2 $0x0;
	p2 =	seq.s32 s26, $0x0  }
.Ltmp8:
0x95: {  	_ = 	snop;
	(pc) =	sbr.rel @p2 .LBB2_11-.Ltmp8, $4  }
0x96: {  	_ = 	snop  }
0x97: {  	s24 =	simm.s32 $0x0;
	s28 =	sadd.s32 $0x1, s20;
	s0 =	smin.u32 @!p1 s0, $0xC34F0  }
0x98: {  	s30 =	simm.s32 @!p1 $0x1;
	s31 =	simm.s32 @!p1 $0x7988;
	s2 =	sand.u32 @!p1 $0xFFFF8, s0  }
0x99: {  	s30 =	smov.u32 @p1 s24;
	s0 =	sand.u32 @!p1 $0x7, s0;
	s2 =	sadd.s32 @!p1 s1, s2  }
.LBB2_10:
0x9a: {  	s8 =	smov.u32 s30  }
0x9b: {  	[tilespmem:s31], [sflag:$0x2] =	stream.linear.gather @!p1 [hbm4b:s2+s0], $0x80, $0x38;
	[tilespmem:$0x1F6E8] =	vst v63  }
0x9c: {  	s26 =	sadd.s32 $0x1, s26;
	s0 =	smov.u32 s29;
	v1 =	vld.msk [tilespmem:s28+$0x0], $0x1  }
0x9d: {  	p2 =	seq.s32 s26, $0x0;
	_ =	sdelay $0x3  }
0x9e: {  	(v2sf) =	vpush v1, $0x0;
	_ =	sdelay $0xe  }
0x9f: {  	s29 =	spop (v2sf)  }
0xa0: {  	p1 =	seq.s32 s0, s29  }
0xa1: {  	p3 =	sgt.s32 @!p1 s0, $0x0;
	s2 =	sshll.u32 @!p1 s30, $0x9;
	s30 =	sadd.s32 @!p1 $0x1, s30  }
.Ltmp9:
0xa2: {  	p3 =	por !p3, p1;
	s2 =	sshra.s32 @!p1 s2, $0x2;
	(pc) =	sbr.rel @!p2 .LBB2_10-.Ltmp9, $4  }
0xa3: {  	s30 =	smov.u32 @p1 s8;
	s0 =	simm.s32 @p3 $0x0;
	s31 =	sadd.s32 @!p1 $0x7988, s2  }
0xa4: {  	s0 =	smin.u32 @!p1 s0, $0xC34F0  }
0xa5: {  	s2 =	sand.u32 @!p1 $0xFFFF8, s0;
	s0 =	sand.u32 @!p1 $0x7, s0  }
0xa6: {  	s28 =	sadd.s32 $0x1, s28;
	s2 =	sadd.s32 @!p1 s1, s2  }
.LBB2_11:
0xa7: {  	[tilespmem:s31], [sflag:$0x2] =	stream.linear.gather @!p1 [hbm4b:s2+s0], $0x80, $0x38;
	[tilespmem:$0x1F6E8] =	vst v63  }
.Ltmp10:
0xa8: {  	s30 =	sshll.u32 s30, $0x7;
	(pc) =	sbr.rel .LBB2_12-.Ltmp10, $4  }
0xa9: {  	s31 =	simm.s32 $0x2;
	s0 =	sand.u32 $0x3FFFFF80, s30  }
0xaa: {  	_ =	swait.ge [sflag:s31], s0  }
0xab: {  	s0 =	ssub.s32 $0x0, s0;
	[sflag:s31] =	ssyncset.done $0x0  }
0xac: {  	s28 =	simm.s32 $0x0;
	[sflag:s31] =	ssyncadd.s32 s0  }
.LBB2_13:
0xad: {  	v1 =	vld [tilespmem:s22+$0xFFFFFFC0];
	_ =	sdelay $0x3  }
0xae: {  	s0 =	sshra.s32 s0, $0x2  }
0xaf: {  	[tilespmem:s0+$0x108] =	vst.add.f32.msk $0xffff, v1  }
0xb0: {  	v1 =	vld [tilespmem:s22+$0xFFFFFFD0];
	_ =	sdelay $0x4  }
0xb1: {  	[tilespmem:s0+$0x118] =	vst.add.f32.msk $0xffff, v1  }
0xb2: {  	v1 =	vld [tilespmem:s22+$0xFFFFFFE0];
	_ =	sdelay $0x4  }
0xb3: {  	[tilespmem:s0+$0x128] =	vst.add.f32.msk $0xffff, v1  }
0xb4: {  	v1 =	vld [tilespmem:s22+$0xFFFFFFF0];
	_ =	sdelay $0x4  }
0xb5: {  	[tilespmem:s0+$0x138] =	vst.add.f32.msk $0xffff, v1  }
0xb6: {  	v1 =	vld [tilespmem:s22+$0x0];
	_ =	sdelay $0x4  }
0xb7: {  	[tilespmem:s0+$0x148] =	vst.add.f32.msk $0xffff, v1  }
0xb8: {  	v1 =	vld [tilespmem:s22+$0x10];
	_ =	sdelay $0x4  }
0xb9: {  	[tilespmem:s0+$0x158] =	vst.add.f32.msk $0xffff, v1  }
0xba: {  	v1 =	vld [tilespmem:s22+$0x20];
	_ =	sdelay $0x4  }
0xbb: {  	[tilespmem:s0+$0x168] =	vst.add.f32.msk $0xffff, v1  }
0xbc: {  	v1 =	vld [tilespmem:s22+$0x30];
	_ =	sdelay $0x4  }
0xbd: {  	[tilespmem:s0+$0x178] =	vst.add.f32.msk $0xffff, v1  }
.LBB2_17:
0xbe: {  	s23 =	sadd.s32 $0x1, s23  }
0xbf: {  	p1 =	seq.s32 s23, $0x0  }
.Ltmp11:
0xc0: {  	_ = 	snop;
	(pc) =	sbr.rel @p1 .LBB2_18-.Ltmp11, $2  }
0xc1: {  	_ =	sdelay $0x2  }
0xc2: {  	s20 =	sadd.s32 $0x1, s20;
	s22 =	sadd.s32 $0x80, s22;
	s25 =	smov.u32 s26  }
.LBB2_12:
0xc3: {  	v1 =	vld.msk [tilespmem:s20+$0x0], $0x1;
	_ =	sdelay $0x4  }
0xc4: {  	(v2sf) =	vpush v1, $0x0;
	_ =	sdelay $0xe  }
0xc5: {  	s26 =	spop (v2sf)  }
0xc6: {  	p1 =	sne.s32 s25, s26  }
.Ltmp12:
0xc7: {  	_ = 	snop;
	(pc) =	sbr.rel @!p1 .LBB2_13-.Ltmp12, $2  }
0xc8: {  	_ =	sdelay $0x2  }
0xc9: {  	s0 =	sshll.u32 s19, $0x9  }
0xca: {  	p1 =	seq.s32 s25, s21  }
.Ltmp13:
0xcb: {  	_ = 	snop;
	(pc) =	sbr.rel @!p1 .LBB2_15-.Ltmp13, $1  }
0xcc: {  	_ =	sdelay $0x3  }
0xcd: {  	s0 =	sshra.s32 s0, $0x2  }
.Ltmp14:
0xce: {  	s0 =	sadd.s32 $0x108, s0;
	(pc) =	sbr.rel .LBB2_16-.Ltmp14, $4  }
0xcf: {  	[spmem:s13] =	stream.linear.scatter [tilespmem:s0], [sflag:$0x1], $0x80, $0x38;
	[tilespmem:$0x1F6E8] =	vst v63  }
0xd0: {  	_ =	swait.ge [sflag:s11], $0x80  }
0xd1: {  	[sflag:s11] =	ssyncset.done $0x0  }
0xd2: {  	[sflag:s11] =	ssyncadd.s32 $0xFFFFFF80  }
.LBB2_15:
0xd3: {  	s2 =	sshll.u32 s24, $0x9  }
0xd4: {  	s2 =	sshra.s32 s2, $0x2  }
0xd5: {  	v1 =	vld [tilespmem:s2+$0x7988];
	_ =	sdelay $0x3  }
0xd6: {  	s0 =	sshra.s32 s0, $0x2  }
0xd7: {  	[tilespmem:s0+$0x108] =	vst.add.f32.msk $0xffff, v1  }
0xd8: {  	v1 =	vld [tilespmem:s2+$0x7998];
	_ =	sdelay $0x4  }
0xd9: {  	[tilespmem:s0+$0x118] =	vst.add.f32.msk $0xffff, v1  }
0xda: {  	v1 =	vld [tilespmem:s2+$0x79A8];
	_ =	sdelay $0x4  }
0xdb: {  	[tilespmem:s0+$0x128] =	vst.add.f32.msk $0xffff, v1  }
0xdc: {  	v1 =	vld [tilespmem:s2+$0x79B8];
	_ =	sdelay $0x4  }
0xdd: {  	[tilespmem:s0+$0x138] =	vst.add.f32.msk $0xffff, v1  }
0xde: {  	v1 =	vld [tilespmem:s2+$0x79C8];
	_ =	sdelay $0x4  }
0xdf: {  	[tilespmem:s0+$0x148] =	vst.add.f32.msk $0xffff, v1  }
0xe0: {  	v1 =	vld [tilespmem:s2+$0x79D8];
	_ =	sdelay $0x4  }
0xe1: {  	[tilespmem:s0+$0x158] =	vst.add.f32.msk $0xffff, v1  }
0xe2: {  	v1 =	vld [tilespmem:s2+$0x79E8];
	_ =	sdelay $0x4  }
0xe3: {  	[tilespmem:s0+$0x168] =	vst.add.f32.msk $0xffff, v1  }
0xe4: {  	v1 =	vld [tilespmem:s2+$0x79F8];
	_ =	sdelay $0x2  }
0xe5: {  	p1 =	sgt.u32 s25, $0xC34F0  }
0xe6: {  	s2 =	sand.u32 @!p1 $0xFFFF8, s25  }
0xe7: {  	s8 =	sadd.s32 $0x108, s0;
	[tilespmem:s0+$0x178] =	vst.add.f32.msk $0xffff, v1;
	s0 =	sadd.s32 @!p1 s1, s2;
	s2 =	sand.u32 @!p1 $0x7, s25  }
0xe8: {  	[hbm4b:s0+s2] =	stream.linear.scatter @!p1 [tilespmem:s8], [sflag:$0xA], $0x80, $0x38;
	[tilespmem:$0x1F6E8] =	vst v63  }
0xe9: {  	s0 =	simm.s32 $0x0  }
0xea: {  	s0 =	simm.s32 @!p1 $0x200  }
0xeb: {  	s28 =	sadd.s32 s0, s28  }
.LBB2_16:
0xec: {  	s0 =	sadd.s32 $0x1, s19  }
0xed: {  	s2 =	smulhi.u32 $0x88888889, s0;
	_ =	sdelay $0x1  }
0xee: {  	v1 =	vld [tilespmem:s22+$0xFFFFFFC0];
	s2 =	sshrl.u32 s2, $0x7  }
0xef: {  	s2 =	smul.u32 $0xF0, s2;
	_ =	sdelay $0x1  }
0xf0: {  	s19 =	ssub.s32 s0, s2  }
0xf1: {  	s0 =	sshll.u32 s19, $0x7  }
0xf2: {  	[tilespmem:s0+$0x108] =	vst v1  }
0xf3: {  	v1 =	vld [tilespmem:s22+$0xFFFFFFD0];
	_ =	sdelay $0x4  }
0xf4: {  	[tilespmem:s0+$0x118] =	vst v1  }
0xf5: {  	v1 =	vld [tilespmem:s22+$0xFFFFFFE0];
	_ =	sdelay $0x4  }
0xf6: {  	[tilespmem:s0+$0x128] =	vst v1  }
0xf7: {  	v1 =	vld [tilespmem:s22+$0xFFFFFFF0];
	_ =	sdelay $0x4  }
0xf8: {  	[tilespmem:s0+$0x138] =	vst v1  }
0xf9: {  	v1 =	vld [tilespmem:s22+$0x0];
	_ =	sdelay $0x4  }
0xfa: {  	[tilespmem:s0+$0x148] =	vst v1  }
0xfb: {  	v1 =	vld [tilespmem:s22+$0x10];
	_ =	sdelay $0x4  }
0xfc: {  	[tilespmem:s0+$0x158] =	vst v1  }
0xfd: {  	v1 =	vld [tilespmem:s22+$0x20];
	_ =	sdelay $0x4  }
0xfe: {  	[tilespmem:s0+$0x168] =	vst v1  }
0xff: {  	v1 =	vld [tilespmem:s22+$0x30]  }
.Ltmp15:
0x100: {  	_ = 	snop;
	(pc) =	sbr.rel .LBB2_17-.Ltmp15, $2  }
0x101: {  	_ =	sdelay $0x2  }
0x102: {  	s24 =	sadd.s32 $0x1, s24;
	[tilespmem:s0+$0x178] =	vst v1  }
.LBB2_19:
.Ltmp16:
0x103: {  	(pc) =	sbr.rel .LBB2_20-.Ltmp16, $4  }
0x104: {  	_ = 	snop  }
0x105: {  	s0 =	simm.s32 $0x2  }
0x106: {  	_ =	swait.ge [sflag:s0], $0x0  }
0x107: {  	s26 =	smov.u32 s25;
	[sflag:s0] =	ssyncset.done $0x0;
	s0 =	simm.s32 $0x0  }
.LBB2_22:
0x108: {  	_ =	sfence.sel $0x180000  }
0x109: {  	s0 =	simm.s32 $0x7;
	[bflag:$0x0] =	sbarrier.arrive $0xFFFF  }
0x10a: {  	s25 =	simm.s32 $0x8;
	[sflag:s0] =	ssyncpa.u1 $0x1  }
0x10b: {  	s26 =	simm.s32 $0x9;
	[sflag:s25] =	ssyncpa.u1 $0x1  }
0x10c: {  	s28 =	simm.s32 $0x2;
	[sflag:s26] =	ssyncpa.u1 $0x1  }
0x10d: {  	[sflag:s28] =	ssyncpa.u1 $0x1  }
0x10e: {  	v0 =	vld [tilespmem:$0xF208];
	_ =	sdelay $0x4  }
0x10f: {  	(v2sf) =	vpush v0, $0x0  }
0x110: {  	(v2sf) =	vpush v0, $0x1;
	_ =	sdelay $0x1  }
0x111: {  	(v2sf) =	vpush v0, $0x2;
	_ =	sdelay $0xb  }
0x112: {  	s0 =	spop (v2sf)  }
0x113: {  	s2 =	spop (v2sf)  }
0x114: {  	s3 =	smov.u32 s0;
	p0 =	sne.s32 s0, s2  }
0x115: {  	s4 =	spop (v2sf);
	s3 =	simm.s32 @!p0 $0xFFFFFFFF  }
0x116: {  	v2 =	vimm.s32 $0x1;
	v3 =	vlaneseq.u32;
	p0 =	seq.s32 s4, $0xFFFFFFFF;
	v1 =	vmov s3  }
0x117: {  	s7 =	stileid.u32;
	v0 =	vperm.xlane v0, v2;
	p1 =	sne.s32 @!p0 s0, s2;
	v1 =	vperm.xlane v1, v3  }
0x118: {  	vm0 =	vcmask $0x3F04;
	s6 =	simm.s32 $0xF208;
	s0 =	simm.s32 @!p0 $0x1;
	p1 =	por !p1, p0  }
0x119: {  	s3 =	sshll.u32 s7, $0x1;
	s2 =	sshll.u32 @!p0 s4, $0x9;
	s0 =	simm.s32 @p1 $0x0;
	v0 =	vsel vm0, v1, v0  }
0x11a: {  	s5 =	sor.u32 $0x1000, s3;
	s2 =	sshra.s32 @!p0 s2, $0x2;
	s0 =	sor.u32 @!p0 s0, s3;
	[tilespmem:$0xF208] =	vst v0  }
0x11b: {  	[spmem:s5] =	stream.linear.scatter [tilespmem:s6], [sflag:$0x1], $0x2, $0x38;
	[tilespmem:$0x1F6E8] =	vst v63  }
0x11c: {  	s2 =	sadd.s32 @!p0 $0x108, s2;
	s0 =	sshll.u32 @!p0 s0, $0x7  }
0x11d: {  	[spmem:s0] =	stream.linear.scatter @!p0 [tilespmem:s2], [sflag:$0x1], $0x80, $0x38;
	[tilespmem:$0x1F6E8] =	vst v63  }
0x11e: {  	s0 =	simm.s32 @!p0 $0x82  }
0x11f: {  	s3 =	simm.s32 $0x1;
	s0 =	simm.s32 @p0 $0x2  }
0x120: {  	_ =	swait.ge [sflag:s3], s0  }
0x121: {  	s0 =	ssub.s32 $0x0, s0;
	[sflag:s3] =	ssyncset.done $0x0  }
0x122: {  	[sflag:s3] =	ssyncadd.s32 s0  }
0x123: {  	_ =	sfence.stream.spmem  }
0x124: {  	s29 =	simm.s32 $0x3;
	[bflag:$0x0] =	sbarrier.arrive $0xFFFF  }
0x125: {  	s30 =	simm.s32 $0x4;
	[sflag:s29] =	ssyncpa.u1 $0x1  }
0x126: {  	s31 =	simm.s32 $0x3C;
	[sflag:s30] =	ssyncpa.u1 $0x1  }
0x127: {  	p0 =	sne.s32 s7, $0x0;
	[sflag:s31] =	ssyncpa.u1 $0x1  }
0x128: {  	_ =	sfence @p0  }
0x129: {  	[sflag:s3] =	ssyncpa.u1 @p0 $0x1  }
0x12a: {  	_ =	strace @p0 $0x9000004D  }
0x12b: {  	[bflag:$0x2] =	sbarrier.arrive @p0 $0xFFFF  }
0x12c: {  	_ =	shalt @p0  }
.LBB2_23:
0x12d: {  	_ =	sfence.stream.spmem;
	s0 =	simm.s32 $0x5  }
0x12e: {  	s2 =	simm.s32 $0x1000;
	s3 =	simm.s32 $0xF218;
	[sflag:s0] =	ssyncpa.u1 $0x0  }
0x12f: {  	[tilespmem:s3], [sflag:$0x5] =	stream.linear.gather [spmem:s2], $0x20, $0x38;
	[tilespmem:$0x1F6E8] =	vst v63  }
0x130: {  	s30 =	simm.s32 $0xF238;
	s2 =	simm.s32 $0x0  }
0x131: {  	[tilespmem:s30], [sflag:$0x5] =	stream.linear.gather [spmem:s2], $0x1000, $0x38;
	[tilespmem:$0x1F6E8] =	vst v63  }
.Ltmp17:
0x132: {  	_ = 	snop;
	(pc) =	sbr.rel .LBB2_24-.Ltmp17, $4  }
0x133: {  	_ =	swait.ge [sflag:s0], $0x1020  }
0x134: {  	[sflag:s0] =	ssyncset.done $0x0  }
0x135: {  	s31 =	simm.s32 $0x6;
	[sflag:s0] =	ssyncadd.s32 $0xFFFFEFE0  }
0x136: {  	s3 =	simm.s32 $0x0;
	[sflag:s31] =	ssyncpa.u1 $0x0  }
.LBB2_30:
0x137: {  	p0 =	slt.u32 s4, $0xC34F1  }
0x138: {  	s0 =	sand.u32 @p0 $0xFFFF8, s4  }
0x139: {  	s4 =	sand.u32 @p0 $0x7, s4;
	s5 =	simm.s32 @p0 $0xF188;
	s0 =	sadd.s32 @p0 s1, s0  }
0x13a: {  	[tilespmem:s5], [sflag:$0x6] =	stream.linear.gather @p0 [hbm4b:s0+s4], $0x80, $0x38;
	[tilespmem:$0x1F6E8] =	vst v63  }
0x13b: {  	s0 =	simm.s32 @p0 $0x6  }
0x13c: {  	_ =	swait.ge @p0 [sflag:s0], $0x80  }
0x13d: {  	[sflag:s0] =	ssyncset.done @p0 $0x0  }
0x13e: {  	[sflag:s0] =	ssyncadd.s32 @p0 $0xFFFFFF80  }
0x13f: {  	v1 =	vld @p0 [tilespmem:$0xF188];
	_ =	sdelay $0x2  }
0x140: {  	s0 =	sshll.u32 @p0 s3, $0x9  }
0x141: {  	s4 =	sshrl.u32 @p0 s0, $0x2  }
0x142: {  	[tilespmem:s4+$0xF238] =	vst.add.f32.msk @p0 $0xffff, v1  }
0x143: {  	v1 =	vld @p0 [tilespmem:$0xF198];
	_ =	sdelay $0x4  }
0x144: {  	[tilespmem:s4+$0xF248] =	vst.add.f32.msk @p0 $0xffff, v1  }
0x145: {  	v1 =	vld @p0 [tilespmem:$0xF1A8];
	_ =	sdelay $0x4  }
0x146: {  	[tilespmem:s4+$0xF258] =	vst.add.f32.msk @p0 $0xffff, v1  }
0x147: {  	v1 =	vld @p0 [tilespmem:$0xF1B8];
	_ =	sdelay $0x4  }
0x148: {  	[tilespmem:s4+$0xF268] =	vst.add.f32.msk @p0 $0xffff, v1  }
0x149: {  	v1 =	vld @p0 [tilespmem:$0xF1C8];
	_ =	sdelay $0x4  }
0x14a: {  	[tilespmem:s4+$0xF278] =	vst.add.f32.msk @p0 $0xffff, v1  }
0x14b: {  	v1 =	vld @p0 [tilespmem:$0xF1D8];
	_ =	sdelay $0x4  }
0x14c: {  	[tilespmem:s4+$0xF288] =	vst.add.f32.msk @p0 $0xffff, v1  }
0x14d: {  	v1 =	vld @p0 [tilespmem:$0xF1E8];
	_ =	sdelay $0x4  }
0x14e: {  	[tilespmem:s4+$0xF298] =	vst.add.f32.msk @p0 $0xffff, v1  }
0x14f: {  	v1 =	vld @p0 [tilespmem:$0xF1F8];
	_ =	sdelay $0x3  }
0x150: {  	s5 =	sshll.u32 @!p0 s3, $0x9  }
0x151: {  	s5 =	smov.u32 @p0 s0;
	[tilespmem:s4+$0xF2A8] =	vst.add.f32.msk @p0 $0xffff, v1  }
0x152: {  	s0 =	sshrl.u32 s5, $0x2;
	[tilespmem:s2+$0xF218] =	vst.msk $0x1, v0  }
0x153: {  	v0 =	vld [tilespmem:s0+$0xF238];
	_ =	sdelay $0x2  }
0x154: {  	s31 =	sshll.u32 s2, $0x9  }
0x155: {  	s4 =	sshra.s32 s31, $0x2  }
0x156: {  	[tilespmem:s4+$0xF238] =	vst v0  }
0x157: {  	v0 =	vld [tilespmem:s0+$0xF248];
	_ =	sdelay $0x4  }
0x158: {  	[tilespmem:s4+$0xF248] =	vst v0  }
0x159: {  	v0 =	vld [tilespmem:s0+$0xF258];
	_ =	sdelay $0x4  }
0x15a: {  	[tilespmem:s4+$0xF258] =	vst v0  }
0x15b: {  	v0 =	vld [tilespmem:s0+$0xF268];
	_ =	sdelay $0x4  }
0x15c: {  	[tilespmem:s4+$0xF268] =	vst v0  }
0x15d: {  	v0 =	vld [tilespmem:s0+$0xF278];
	_ =	sdelay $0x4  }
0x15e: {  	[tilespmem:s4+$0xF278] =	vst v0  }
0x15f: {  	v0 =	vld [tilespmem:s0+$0xF288];
	_ =	sdelay $0x4  }
0x160: {  	[tilespmem:s4+$0xF288] =	vst v0  }
0x161: {  	v0 =	vld [tilespmem:s0+$0xF298];
	_ =	sdelay $0x4  }
0x162: {  	[tilespmem:s4+$0xF298] =	vst v0  }
0x163: {  	v0 =	vld [tilespmem:s0+$0xF2A8];
	_ =	sdelay $0x4  }
0x164: {  	s2 =	sadd.s32 $0x1, s2;
	[tilespmem:s4+$0xF2A8] =	vst v0  }
.LBB2_31:
0x165: {  	s3 =	sadd.s32 $0x1, s3  }
0x166: {  	p0 =	sne.s32 s3, $0x20  }
.Ltmp18:
0x167: {  	_ = 	snop;
	(pc) =	sbr.rel @!p0 .LBB2_32-.Ltmp18, $1  }
0x168: {  	_ =	sdelay $0x3  }
.LBB2_24:
0x169: {  	v0 =	vld.msk [tilespmem:s3+$0xF218], $0x1;
	_ =	sdelay $0x4  }
0x16a: {  	(v2sf) =	vpush v0, $0x0;
	_ =	sdelay $0xe  }
0x16b: {  	s4 =	spop (v2sf)  }
0x16c: {  	p0 =	seq.s32 s4, $0xFFFFFFFF  }
.Ltmp19:
0x16d: {  	_ = 	snop;
	(pc) =	sbr.rel @p0 .LBB2_31-.Ltmp19, $1  }
0x16e: {  	_ =	sdelay $0x3  }
0x16f: {  	p0 =	slt.s32 s2, $0x1  }
.Ltmp20:
0x170: {  	_ = 	snop;
	(pc) =	sbr.rel @p0 .LBB2_30-.Ltmp20, $1  }
0x171: {  	_ =	sdelay $0x3  }
0x172: {  	s5 =	simm.s32 $0xF218;
	p0 =	por $0x0, $0x0  }
0x173: {  	v1 =	vld.msk @!p0 [tilespmem:s5+$0x0], $0x1;
	_ =	sdelay $0x4  }
0x174: {  	(v2sf) =	vpush @!p0 v1, $0x0;
	_ =	sdelay $0xd  }
0x175: {  	p2 =	sne.s32 s2, $0x1  }
.Ltmp21:
0x176: {  	s0 =	spop @!p0 (v2sf);
	(pc) =	sbr.rel @!p2 .LBB2_28-.Ltmp21, $4  }
0x177: {  	p1 =	seq.s32 @!p0 s4, s0  }
0x178: {  	s6 =	simm.s32 $0x0;
	p1 =	por !p1, p0  }
0x179: {  	s0 =	simm.s32 $0xFFFFFFFF;
	s6 =	simm.s32 @p1 $0xFFFFFFFF  }
0x17a: {  	s7 =	simm.s32 $0x1;
	s6 =	smov.u32 @p0 s0  }
.LBB2_27:
0x17b: {  	s0 =	smov.u32 s6;
	p0 =	sne.s32 s6, $0xFFFFFFFF  }
0x17c: {  	s5 =	sadd.s32 $0x1, s5;
	s6 =	smov.u32 s7;
	s7 =	sadd.s32 $0x1, s7  }
0x17d: {  	p1 =	sne.s32 s2, s7;
	v1 =	vld.msk @!p0 [tilespmem:s5+$0x0], $0x1;
	_ =	sdelay $0x4  }
0x17e: {  	(v2sf) =	vpush @!p0 v1, $0x0;
	_ =	sdelay $0xe  }
.Ltmp22:
0x17f: {  	s8 =	spop @!p0 (v2sf);
	(pc) =	sbr.rel @p1 .LBB2_27-.Ltmp22, $4  }
0x180: {  	p2 =	seq.s32 @!p0 s4, s8  }
0x181: {  	p2 =	por !p2, p0  }
0x182: {  	s6 =	simm.s32 @p2 $0xFFFFFFFF  }
0x183: {  	s6 =	smov.u32 @p0 s0  }
.LBB2_28:
0x184: {  	p0 =	seq.s32 s6, $0xFFFFFFFF  }
.Ltmp23:
0x185: {  	_ = 	snop;
	(pc) =	sbr.rel @p0 .LBB2_30-.Ltmp23, $1  }
0x186: {  	_ =	sdelay $0x3  }
0x187: {  	s0 =	sshll.u32 s3, $0x7  }
0x188: {  	s0 =	sand.u32 $0x3FFFFF80, s0  }
0x189: {  	v0 =	vld [tilespmem:s0+$0xF238];
	_ =	sdelay $0x2  }
0x18a: {  	s4 =	sshll.u32 s6, $0x9  }
0x18b: {  	s4 =	sshra.s32 s4, $0x2  }
0x18c: {  	[tilespmem:s4+$0xF238] =	vst.add.f32.msk $0xffff, v0  }
0x18d: {  	v0 =	vld [tilespmem:s0+$0xF248];
	_ =	sdelay $0x4  }
0x18e: {  	[tilespmem:s4+$0xF248] =	vst.add.f32.msk $0xffff, v0  }
0x18f: {  	v0 =	vld [tilespmem:s0+$0xF258];
	_ =	sdelay $0x4  }
0x190: {  	[tilespmem:s4+$0xF258] =	vst.add.f32.msk $0xffff, v0  }
0x191: {  	v0 =	vld [tilespmem:s0+$0xF268];
	_ =	sdelay $0x4  }
0x192: {  	[tilespmem:s4+$0xF268] =	vst.add.f32.msk $0xffff, v0  }
0x193: {  	v0 =	vld [tilespmem:s0+$0xF278];
	_ =	sdelay $0x4  }
0x194: {  	[tilespmem:s4+$0xF278] =	vst.add.f32.msk $0xffff, v0  }
0x195: {  	v0 =	vld [tilespmem:s0+$0xF288];
	_ =	sdelay $0x4  }
0x196: {  	[tilespmem:s4+$0xF288] =	vst.add.f32.msk $0xffff, v0  }
0x197: {  	v0 =	vld [tilespmem:s0+$0xF298];
	_ =	sdelay $0x4  }
0x198: {  	[tilespmem:s4+$0xF298] =	vst.add.f32.msk $0xffff, v0  }
0x199: {  	v0 =	vld [tilespmem:s0+$0xF2A8]  }
.Ltmp24:
0x19a: {  	_ = 	snop;
	(pc) =	sbr.rel .LBB2_31-.Ltmp24, $2  }
0x19b: {  	_ =	sdelay $0x2  }
0x19c: {  	[tilespmem:s4+$0xF2A8] =	vst.add.f32.msk $0xffff, v0  }
.LBB2_32:
0x19d: {  	p0 =	slt.s32 s2, $0x1  }
.Ltmp25:
0x19e: {  	_ = 	snop;
	(pc) =	sbr.rel @p0 .LBB2_36-.Ltmp25, $3  }
0x19f: {  	_ =	sdelay $0x1  }
0x1a0: {  	s0 =	simm.s32 $0x6  }
0x1a1: {  	s3 =	simm.s32 $0x0;
	[sflag:s0] =	ssyncpa.u1 $0x1  }
0x1a2: {  	s0 =	simm.s32 $0xF218  }
0x1a3: {  	v0 =	vld.msk [tilespmem:s0+$0x0], $0x1;
	_ =	sdelay $0x4  }
0x1a4: {  	(v2sf) =	vpush v0, $0x0;
	_ =	sdelay $0xd  }
0x1a5: {  	s2 =	sadd.s32 $0xFFFFFFFF, s2  }
0x1a6: {  	p1 =	sne.s32 s2, $0x0;
	s0 =	spop (v2sf)  }
.Ltmp26:
0x1a7: {  	p0 =	sgt.u32 s0, $0xC34F0;
	(pc) =	sbr.rel @!p1 .LBB2_35-.Ltmp26, $4  }
0x1a8: {  	s4 =	simm.s32 $0xF238;
	s5 =	sand.u32 @!p0 $0xFFFF8, s0  }
0x1a9: {  	s6 =	simm.s32 $0x0;
	s0 =	sand.u32 @!p0 $0x7, s0;
	s5 =	sadd.s32 @!p0 s1, s5  }
0x1aa: {  	[hbm4b:s5+s0] =	stream.linear.scatter @!p0 [tilespmem:s4], [sflag:$0x5], $0x80, $0x38;
	[tilespmem:$0x1F6E8] =	vst v63  }
0x1ab: {  	s6 =	simm.s32 @!p0 $0x200;
	s5 =	simm.s32 $0xF219  }
.LBB2_34:
0x1ac: {  	v0 =	vld.msk [tilespmem:s5+$0x0], $0x1;
	s2 =	sadd.s32 $0xFFFFFFFF, s2;
	s3 =	sadd.s32 s3, s6  }
0x1ad: {  	p0 =	sne.s32 s2, $0x0;
	_ =	sdelay $0x3  }
0x1ae: {  	(v2sf) =	vpush v0, $0x0;
	_ =	sdelay $0xe  }
.Ltmp27:
0x1af: {  	s0 =	spop (v2sf);
	(pc) =	sbr.rel @p0 .LBB2_34-.Ltmp27, $4  }
0x1b0: {  	s6 =	simm.s32 $0x0;
	p1 =	sgt.u32 s0, $0xC34F0  }
0x1b1: {  	s4 =	sadd.s32 $0x80, s4;
	s6 =	simm.s32 @!p1 $0x200;
	s7 =	sand.u32 @!p1 $0xFFFF8, s0  }
0x1b2: {  	s5 =	sadd.s32 $0x1, s5;
	s0 =	sand.u32 @!p1 $0x7, s0;
	s7 =	sadd.s32 @!p1 s1, s7  }
0x1b3: {  	[hbm4b:s7+s0] =	stream.linear.scatter @!p1 [tilespmem:s4], [sflag:$0x5], $0x80, $0x38;
	[tilespmem:$0x1F6E8] =	vst v63  }
.LBB2_35:
0x1b4: {  	s0 =	sadd.s32 s3, s6  }
0x1b5: {  	s3 =	sshrl.u32 s0, $0x2  }
.LBB2_36:
0x1b6: {  	s0 =	simm.s32 $0x5  }
0x1b7: {  	_ =	swait.ge [sflag:s0], s3  }
0x1b8: {  	s1 =	ssub.s32 $0x0, s3;
	[sflag:s0] =	ssyncset.done $0x0  }
0x1b9: {  	[sflag:s0] =	ssyncadd.s32 s1  }
0x1ba: {  	[sflag:s0] =	ssyncpa.u1 $0x1  }
0x1bb: {  	s30 =	simm.s32 $0x1;
	_ =	sfence  }
0x1bc: {  	[sflag:s30] =	ssyncpa.u1 $0x1  }
0x1bd: {  	_ =	strace $0x9000004D  }
0x1be: {  	[bflag:$0x2] =	sbarrier.arrive $0xFFFF  }
0x1bf: {  	s31 =	rddreg [dreg:$0x1]  }
0x1c0: {  	s0 =	sadd.s32 $0x100000, s31  }
0x1c1: {  	[sflag:s0] =	ssyncadd.tile.s32 $0x1;
	_ =	shalt  }
.Lfunc_end2:
_tile_overlayer_lowered:
.L_overlay_start_2:
0x1c2: {  	(tag) =	ssettag $0x2  }
0x1c3: {  	s0 =	rddreg [dreg:$0x0];
	s2 =	stileid.u32  }
0x1c4: {  	s1 =	rddreg [dreg:$0x1];
	p0 =	sne.s32 s2, $0x0  }
0x1c5: {  	s3 =	rddreg [dreg:$0x2];
	[bflag:$0x3] =	sbarrier.arrive $0xFFFF;
	s2 =	simm.s32 @!p0 $0x1C01  }
0x1c6: {  	[timem:s3], [sflag:s2] =	dma.local @!p0 [hbm:s0], s1  }
0x1c7: {  	s0 =	simm.s32 @!p0 $0x1  }
0x1c8: {  	_ =	swait.ge @!p0 [sflag:s0], s1  }
0x1c9: {  	s1 =	ssub.s32 @!p0 $0x0, s1;
	[sflag:s0] =	ssyncset.done @!p0 $0x0  }
0x1ca: {  	[sflag:s0] =	ssyncadd.s32 @!p0 s1  }
0x1cb: {  	[bflag:$0x3] =	sbarrier.arrive $0xFFFF  }
0x1cc: {  	_ =	shalt  }

// kernel: scatter_offload_async_start.2
scs
__scs_entry_jumppad:
0x0: {  	(pc) =	sbr.rel $0x88, $3  }
0x1: {  	(tag) =	ssettag $0x0;
	lr =	simm.s32 $0x1  }
0x2: {  	[smem:$0x3F8C] =	sst lr;
	_ =	strace $0xD0000000  }
0x3: {  	_ = 	snop  }
0x4: {  	_ = 	snop  }
0x5: {  	_ = 	snop  }
0x6: {  	_ = 	snop  }
0x7: {  	_ = 	snop  }
__scs_overlays_trampoline_lowered:
0x8: {  	[smem:$0x3F9B] =	sst s0  }
0x9: {  	[smem:$0x3F9C] =	sst s1  }
0xa: {  	[smem:$0x3F9D] =	sst s2  }
0xb: {  	[smem:$0x3F9E] =	sst s3  }
0xc: {  	[smem:$0x3F9F] =	sst s4  }
0xd: {  	[smem:$0x3FA0] =	sst s5  }
0xe: {  	[smem:$0x3FA1] =	sst s6  }
0xf: {  	[smem:$0x3FA2] =	sst s7  }
0x10: {  	[smem:$0x3FA3] =	sst s8  }
0x11: {  	[smem:$0x3FA4] =	sst s9;
	s0 =	simm.s32 @!p0 $0x0  }
0x12: {  	s1 =	sld [smem:$0x3F8A];
	s0 =	simm.s32 @p0 $0x1  }
0x13: {  	[smem:$0x3FA5] =	sst s0;
	s0 =	simm.s32 @!p1 $0x0  }
0x14: {  	s2 =	sld [smem:$0x3F89];
	s0 =	simm.s32 @p1 $0x1  }
0x15: {  	[smem:$0x3FA6] =	sst s0;
	s0 =	simm.s32 @!p2 $0x0  }
0x16: {  	s3 =	sld [smem:$0x3FDB];
	s0 =	simm.s32 @p2 $0x1  }
0x17: {  	s4 =	simm.s32 $0x1BF5;
	[smem:$0x3FA8] =	sst s0  }
0x18: {  	s0 =	sld [smem:$0x3F8B];
	_ =	swait.ge [sflag:s4], $0x0  }
0x19: {  	s7 =	sld [smem:$0x3F8C]  }
0x1a: {  	s8 =	sadd.s32 $0xFFFFE003, lr  }
0x1b: {  	s9 =	sadd.s32 $0xFFFFFEF7, lr;
	s5 =	simm.s32 $0xFFFFFFFF;
	p2 =	slt.u32 s8, $0xFFFFF086  }
0x1c: {  	p1 =	slt.u32 s9, $0xF7A;
	s5 =	simm.s32 @!p2 $0x0  }
0x1d: {  	s5 =	simm.s32 @p1 $0x1;
	p0 =	seq.s32 s7, s2  }
0x1e: {  	s7 =	smul.u32 @!p0 $0xF7A, s2;
	p2 =	seq.s32 @!p0 s5, $0x0  }
0x1f: {  	s9 =	smul.u32 $0xF7A, s1;
	s8 =	simm.s32 @!p0 $0x1BF5;
	p2 =	por !p2, p0  }
0x20: {  	[sflag:s8] =	ssyncset.s32 @!p0 $0xFFFFF086;
	s6 =	sadd.s32 @!p0 s3, s7;
	s7 =	simm.s32 @!p0 $0x108  }
0x21: {  	s3 =	sadd.s32 s3, s9;
	s6 =	sadd.s32 @!p0 $0x88, s6;
	s7 =	simm.s32 @p2 $0x1082  }
0x22: {  	[simem:s7], [sflag:s8] =	dma.local @!p0 [hbm:s6], $0xF7A  }
0x23: {  	s9 =	sor.u32 $0xD0000000, s2;
	s6 =	simm.s32 $0x108;
	_ =	swait.ge @!p0 [sflag:s8], $0x0  }
0x24: {  	s3 =	sadd.s32 $0x88, s3;
	s6 =	simm.s32 @!p1 $0x1082;
	[sflag:s4] =	ssyncset.s32 $0xFFFFF086  }
0x25: {  	[simem:s6], [sflag:s4] =	dma.local [hbm:s3], $0xF7A  }
0x26: {  	[smem:$0x3F8C] =	sst s1;
	(tag) =	ssettag s2;
	_ =	strace s9  }
0x27: {  	s1 =	sld [smem:$0x3F9C]  }
0x28: {  	s2 =	sld [smem:$0x3F9D]  }
0x29: {  	s4 =	sld [smem:$0x3F9F]  }
0x2a: {  	p0 =	seq.s32 s5, $0x0;
	s5 =	sld [smem:$0x3FA0]  }
0x2b: {  	s6 =	sld [smem:$0x3FA1]  }
0x2c: {  	s7 =	sld [smem:$0x3FA2]  }
0x2d: {  	s3 =	simm.s32 $0x108;
	s8 =	sld [smem:$0x3FA3]  }
0x2e: {  	s3 =	simm.s32 @!p0 $0x1082;
	s9 =	sld [smem:$0x3FA4]  }
0x2f: {  	lr =	sadd.s32 s0, s3;
	s0 =	sld [smem:$0x3F9B]  }
0x30: {  	s3 =	sld [smem:$0x3F9E]  }
0x31: {  	[smem:$0x3FA7] =	sst s10  }
0x32: {  	s10 =	sld [smem:$0x3FA5];
	_ =	sdelay $0x3  }
0x33: {  	p0 =	seq.s32 s10, $0x1;
	s10 =	sld [smem:$0x3FA7];
	_ =	sdelay $0x3  }
0x34: {  	[smem:$0x3FA7] =	sst s10  }
0x35: {  	s10 =	sld [smem:$0x3FA6];
	_ =	sdelay $0x3  }
0x36: {  	p1 =	seq.s32 s10, $0x1;
	s10 =	sld [smem:$0x3FA7];
	_ =	sdelay $0x3  }
0x37: {  	[smem:$0x3FA7] =	sst s10  }
0x38: {  	s10 =	sld [smem:$0x3FA8]  }
0x39: {  	_ = 	snop;
	(pc) =	sbr.ind lr, $3  }
0x3a: {  	_ = 	snop  }
0x3b: {  	_ = 	snop  }
0x3c: {  	p2 =	seq.s32 s10, $0x1;
	s10 =	sld [smem:$0x3FA7]  }
0x3d: {  	_ =	shalt  }
0x3e: {  	_ =	shalt  }
0x3f: {  	_ =	shalt  }
0x40: {  	_ =	shalt  }
0x41: {  	_ =	shalt  }
0x42: {  	_ =	shalt  }
0x43: {  	_ =	shalt  }
0x44: {  	_ =	shalt  }
0x45: {  	_ =	shalt  }
0x46: {  	_ =	shalt  }
0x47: {  	_ =	shalt  }
0x48: {  	_ =	shalt  }
0x49: {  	_ =	shalt  }
0x4a: {  	_ =	shalt  }
0x4b: {  	_ =	shalt  }
0x4c: {  	_ =	shalt  }
0x4d: {  	_ =	shalt  }
0x4e: {  	_ =	shalt  }
0x4f: {  	_ =	shalt  }
0x50: {  	_ =	shalt  }
0x51: {  	_ =	shalt  }
0x52: {  	_ =	shalt  }
0x53: {  	_ =	shalt  }
0x54: {  	_ =	shalt  }
0x55: {  	_ =	shalt  }
0x56: {  	_ =	shalt  }
0x57: {  	_ =	shalt  }
0x58: {  	_ =	shalt  }
0x59: {  	_ =	shalt  }
0x5a: {  	_ =	shalt  }
0x5b: {  	_ =	shalt  }
0x5c: {  	_ =	shalt  }
0x5d: {  	_ =	shalt  }
0x5e: {  	_ =	shalt  }
0x5f: {  	_ =	shalt  }
0x60: {  	_ =	shalt  }
0x61: {  	_ =	shalt  }
0x62: {  	_ =	shalt  }
0x63: {  	_ =	shalt  }
0x64: {  	_ =	shalt  }
0x65: {  	_ =	shalt  }
0x66: {  	_ =	shalt  }
0x67: {  	_ =	shalt  }
0x68: {  	_ =	shalt  }
0x69: {  	_ =	shalt  }
0x6a: {  	_ =	shalt  }
0x6b: {  	_ =	shalt  }
0x6c: {  	_ =	shalt  }
0x6d: {  	_ =	shalt  }
0x6e: {  	_ =	shalt  }
0x6f: {  	_ =	shalt  }
0x70: {  	_ =	shalt  }
0x71: {  	_ =	shalt  }
0x72: {  	_ =	shalt  }
0x73: {  	_ =	shalt  }
0x74: {  	_ =	shalt  }
0x75: {  	_ =	shalt  }
0x76: {  	_ =	shalt  }
0x77: {  	_ =	shalt  }
0x78: {  	_ =	shalt  }
0x79: {  	_ =	shalt  }
0x7a: {  	_ =	shalt  }
0x7b: {  	_ =	shalt  }
0x7c: {  	_ =	shalt  }
0x7d: {  	_ =	shalt  }
0x7e: {  	_ =	shalt  }
0x7f: {  	_ =	shalt  }
0x80: {  	_ =	shalt  }
0x81: {  	_ =	shalt  }
0x82: {  	_ =	shalt  }
0x83: {  	_ =	shalt  }
0x84: {  	_ =	shalt  }
0x85: {  	_ =	shalt  }
0x86: {  	_ =	shalt  }
0x87: {  	_ =	shalt  }
.Lfunc_end0:
.L_simem_size_0:
called_computation.2_lowered:
.L_overlay_start_0:
0x88: {  	s0 =	sld [smem:$0x3FD9]  }
0x89: {  	s1 =	sld [smem:$0x3FFE];
	_ =	sdelay $0x3  }
0x8a: {  	s0 =	sadd.s32 s1, s0  }
0x8b: {  	[smem:$0x3FB3] =	sst s0  }
0x8c: {  	_ = 	snop  }
0x8d: {  	(tm) =	ssettm $0x1  }
0x8e: {  	s15 =	sld [smem:$0x3FFB];
	_ =	sdelay $0x3  }
0x8f: {  	_ =	strace s15  }
0x90: {  	s0 =	sld [smem:$0x3FFC];
	_ =	sdelay $0x3  }
0x91: {  	_ =	strace s0  }
0x92: {  	s0 =	sld [smem:$0x3FFD];
	_ =	sdelay $0x3  }
0x93: {  	_ =	strace s0  }
0x94: {  	_ =	strace $0x8FFFFFFF  }
0x95: {  	s16 =	sld [smem:$0x3FDB];
	_ =	sdelay $0x1  }
0x96: {  	s17 =	simm.s32 $_scs_section_size  }
0x97: {  	s2 =	simm.s32 $_size__tile_overlayer_lowered;
	s3 =	simm.s32 $_tile_overlayer_lowered  }
0x98: {  	s20 =	simm.s32 $0x1BFF;
	s19 =	sshll.u32 s3, $0x1;
	s0 =	sadd.s32 s17, s16  }
0x99: {  	s4 =	simm.s32 $0x0;
	s18 =	sshll.u32 s2, $0x1;
	s2 =	sadd.s32 s19, s0  }
0x9a: {  	[timem:s4], [sflag:s20] =	dma.local [hbm:s2], s18  }
0x9b: {  	_ =	swait.ge [sflag:s20], s18  }
0x9c: {  	s1 =	ssub.s32 $0x0, s18;
	[sflag:s20] =	ssyncset.done $0x0  }
0x9d: {  	[sflag:s20] =	ssyncadd.s32 s1;
	_ =	sdelay $0x1  }
0x9e: {  	s21 =	simm.s32 $0x1B8B  }
0x9f: {  	_ =	swait.ge [sflag:s21], $0x1  }
0xa0: {  	[sflag:s21] =	ssyncset.done $0x0  }
0xa1: {  	s23 =	simm.s32 $0x1B8E;
	s22 =	sld [smem:$0x3FFE];
	[sflag:s21] =	ssyncadd.s32 $0xFFFFFFFF  }
0xa2: {  	s24 =	simm.s32 $execute0_lowered;
	[smem:$0x3FD2] =	sst s23  }
0xa3: {  	s2 =	sshll.u32 s24, $0x1;
	_ =	strace $0x8000004F;
	[dreg:$0x1] =	wrdreg $0xFFFFFFFF  }
0xa4: {  	s25 =	simm.s32 $_size_execute0_lowered;
	s0 =	sadd.s32 s0, s2;
	[dreg:$0x0] =	wrdreg $0x0  }
0xa5: {  	s2 =	sshll.u32 s25, $0x1;
	[dreg:$0x2] =	wrdreg s0  }
0xa6: {  	[dreg:$0x3] =	wrdreg s2  }
0xa7: {  	[dreg:$0x4] =	wrdreg $0xC0  }
0xa8: {  	_ =	task [dreg:s4], $0x5FFFF  }
0xa9: {  	[dreg:$0x1] =	wrdreg $0xFFFFFFFF  }
0xaa: {  	[dreg:$0x0] =	wrdreg $0x60  }
0xab: {  	[dreg:$0x2] =	wrdreg s22  }
0xac: {  	[dreg:$0x3] =	wrdreg $0x9  }
0xad: {  	_ =	task.clear_ibuf [dreg:s4], $0x4FFFF;
	_ =	strace $0x9000004F  }
0xae: {  	s26 =	simm.s32 $0x9;
	_ =	strace $0x80000051  }
0xaf: {  	_ =	swait.ge [sflag:s26], $0x1  }
0xb0: {  	[sflag:s26] =	ssyncadd.s32 $0xFFFFFFFF  }
0xb1: {  	_ =	strace $0x90000051  }
0xb2: {  	_ =	sfence  }
0xb3: {  	s28 =	sld [smem:$0x0];
	_ =	sdelay $0x1  }
0xb4: {  	s29 =	srdreg.scid  }
0xb5: {  	s30 =	sshll.u32 s29, $0xD;
	s31 =	sshrl.u32 s29, $0x2  }
0xb6: {  	s1 =	sand.u32 $0x1, s29;
	s2 =	sand.u32 $0x4000, s30;
	s0 =	sadd.s32 s31, s28  }
0xb7: {  	s1 =	sor.u32 s2, s1;
	s0 =	sshll.u32 s0, $0x11  }
0xb8: {  	s0 =	sor.u32 s0, s1  }
0xb9: {  	s0 =	sadd.s32 $0x8F2B, s0  }
0xba: {  	[sflag:s0] =	ssyncadd.remote.s32 $0x1  }
0xbb: {  	_ =	sfence.sel $0xFFFF  }
0xbc: {  	[dreg:$0x0] =	wrdreg $0xFFFFFFFF;
	(pc) =	sbr.abs _section_cstart, $3  }
0xbd: {  	[dreg:$0x1] =	wrdreg $0xFFFFFFFF  }
0xbe: {  	_ =	task.clear_ibuf [dreg:s4], $0x2FFFF;
	_ =	strace $0x9FFFFFFF  }
0xbf: {  	(tm) =	ssettm $0x7FFFFFFF  }
tec
execute0_lowered:
.L_overlay_start_1:
0x0: {  	(tag) =	ssettag $0x1  }
0x1: {  	s8 =	rddreg [dreg:$0x0];
	_ =	strace $0x80000050;
	s11 =	simm.s32 $0x1  }
0x2: {  	v0 =	vimm.s32 $0x0;
	[sflag:s11] =	ssyncpa.u1 $0x0  }
0x3: {  	[tilespmem:$0x28] =	vst v0  }
0x4: {  	[tilespmem:$0x38] =	vst v0  }
0x5: {  	[tilespmem:$0x48] =	vst v0  }
0x6: {  	[tilespmem:$0x58] =	vst v0  }
0x7: {  	[tilespmem:$0x68] =	vst v0  }
0x8: {  	[tilespmem:$0x78] =	vst v0  }
0x9: {  	[tilespmem:$0x88] =	vst v0  }
0xa: {  	[tilespmem:$0x98] =	vst v0  }
0xb: {  	[tilespmem:$0xA8] =	vst v0  }
0xc: {  	[tilespmem:$0xB8] =	vst v0  }
0xd: {  	[tilespmem:$0xC8] =	vst v0  }
0xe: {  	[tilespmem:$0xD8] =	vst v0  }
0xf: {  	[tilespmem:$0xE8] =	vst v0  }
0x10: {  	[tilespmem:$0xF8] =	vst v0  }
0x11: {  	[tilespmem:$0x108] =	vst v0  }
0x12: {  	[tilespmem:$0x118] =	vst v0  }
0x13: {  	[tilespmem:$0x128] =	vst v0  }
0x14: {  	[tilespmem:$0x138] =	vst v0  }
0x15: {  	[tilespmem:$0x148] =	vst v0  }
0x16: {  	[tilespmem:$0x158] =	vst v0  }
0x17: {  	[tilespmem:$0x168] =	vst v0  }
0x18: {  	[tilespmem:$0x178] =	vst v0  }
0x19: {  	[tilespmem:$0x188] =	vst v0  }
0x1a: {  	[tilespmem:$0x198] =	vst v0  }
0x1b: {  	[tilespmem:$0x1A8] =	vst v0  }
0x1c: {  	[tilespmem:$0x1B8] =	vst v0  }
0x1d: {  	[tilespmem:$0x1C8] =	vst v0  }
0x1e: {  	[tilespmem:$0x1D8] =	vst v0  }
0x1f: {  	[tilespmem:$0x1E8] =	vst v0  }
0x20: {  	[tilespmem:$0x1F8] =	vst v0  }
0x21: {  	[tilespmem:$0x208] =	vst v0  }
0x22: {  	[tilespmem:$0x218] =	vst v0  }
0x23: {  	[tilespmem:$0x228] =	vst v0  }
0x24: {  	[tilespmem:$0x238] =	vst v0  }
0x25: {  	[tilespmem:$0x248] =	vst v0  }
0x26: {  	[tilespmem:$0x258] =	vst v0  }
0x27: {  	[tilespmem:$0x268] =	vst v0  }
0x28: {  	[tilespmem:$0x278] =	vst v0  }
0x29: {  	[tilespmem:$0x288] =	vst v0  }
0x2a: {  	[tilespmem:$0x298] =	vst v0  }
0x2b: {  	[tilespmem:$0x2A8] =	vst v0  }
0x2c: {  	[tilespmem:$0x2B8] =	vst v0  }
0x2d: {  	[tilespmem:$0x2C8] =	vst v0  }
0x2e: {  	[tilespmem:$0x2D8] =	vst v0  }
0x2f: {  	[tilespmem:$0x2E8] =	vst v0  }
0x30: {  	[tilespmem:$0x2F8] =	vst v0  }
0x31: {  	[tilespmem:$0x308] =	vst v0  }
0x32: {  	[tilespmem:$0x318] =	vst v0  }
0x33: {  	[tilespmem:$0x328] =	vst v0  }
0x34: {  	[tilespmem:$0x338] =	vst v0  }
0x35: {  	[tilespmem:$0x348] =	vst v0  }
0x36: {  	[tilespmem:$0x358] =	vst v0  }
0x37: {  	[tilespmem:$0x368] =	vst v0  }
0x38: {  	[tilespmem:$0x378] =	vst v0  }
0x39: {  	[tilespmem:$0x388] =	vst v0  }
0x3a: {  	[tilespmem:$0x398] =	vst v0  }
0x3b: {  	[tilespmem:$0x3A8] =	vst v0  }
0x3c: {  	[tilespmem:$0x3B8] =	vst v0  }
0x3d: {  	[tilespmem:$0x3C8] =	vst v0  }
0x3e: {  	[tilespmem:$0x3D8] =	vst v0  }
0x3f: {  	[tilespmem:$0x3E8] =	vst v0  }
0x40: {  	[tilespmem:$0x3F8] =	vst v0  }
0x41: {  	[tilespmem:$0x408] =	vst v0  }
0x42: {  	[tilespmem:$0x418] =	vst v0  }
0x43: {  	[tilespmem:$0x428] =	vst v0  }
0x44: {  	[tilespmem:$0x438] =	vst v0  }
0x45: {  	[tilespmem:$0x448] =	vst v0  }
0x46: {  	[tilespmem:$0x458] =	vst v0  }
0x47: {  	[tilespmem:$0x468] =	vst v0  }
0x48: {  	[tilespmem:$0x478] =	vst v0  }
0x49: {  	[tilespmem:$0x488] =	vst v0  }
0x4a: {  	[tilespmem:$0x498] =	vst v0  }
0x4b: {  	[tilespmem:$0x4A8] =	vst v0  }
0x4c: {  	[tilespmem:$0x4B8] =	vst v0  }
0x4d: {  	[tilespmem:$0x4C8] =	vst v0  }
0x4e: {  	[tilespmem:$0x4D8] =	vst v0  }
0x4f: {  	[tilespmem:$0x4E8] =	vst v0  }
0x50: {  	[tilespmem:$0x4F8] =	vst v0  }
0x51: {  	[tilespmem:$0x508] =	vst v0  }
0x52: {  	[tilespmem:$0x518] =	vst v0  }
0x53: {  	[tilespmem:$0x528] =	vst v0  }
0x54: {  	[tilespmem:$0x538] =	vst v0  }
0x55: {  	[tilespmem:$0x548] =	vst v0  }
0x56: {  	[tilespmem:$0x558] =	vst v0  }
0x57: {  	[tilespmem:$0x568] =	vst v0  }
0x58: {  	[tilespmem:$0x578] =	vst v0  }
0x59: {  	[tilespmem:$0x588] =	vst v0  }
0x5a: {  	[tilespmem:$0x598] =	vst v0  }
0x5b: {  	[tilespmem:$0x5A8] =	vst v0  }
0x5c: {  	[tilespmem:$0x5B8] =	vst v0  }
0x5d: {  	[tilespmem:$0x5C8] =	vst v0  }
0x5e: {  	[tilespmem:$0x5D8] =	vst v0  }
0x5f: {  	[tilespmem:$0x5E8] =	vst v0  }
0x60: {  	[tilespmem:$0x5F8] =	vst v0  }
0x61: {  	[tilespmem:$0x608] =	vst v0  }
0x62: {  	[tilespmem:$0x618] =	vst v0  }
0x63: {  	[tilespmem:$0x628] =	vst v0  }
0x64: {  	[tilespmem:$0x638] =	vst v0  }
0x65: {  	[tilespmem:$0x648] =	vst v0  }
0x66: {  	[tilespmem:$0x658] =	vst v0  }
0x67: {  	[tilespmem:$0x668] =	vst v0  }
0x68: {  	[tilespmem:$0x678] =	vst v0  }
0x69: {  	[tilespmem:$0x688] =	vst v0  }
0x6a: {  	[tilespmem:$0x698] =	vst v0  }
0x6b: {  	[tilespmem:$0x6A8] =	vst v0  }
0x6c: {  	[tilespmem:$0x6B8] =	vst v0  }
0x6d: {  	[tilespmem:$0x6C8] =	vst v0  }
0x6e: {  	[tilespmem:$0x6D8] =	vst v0  }
0x6f: {  	[tilespmem:$0x6E8] =	vst v0  }
0x70: {  	[tilespmem:$0x6F8] =	vst v0  }
0x71: {  	[tilespmem:$0x708] =	vst v0  }
0x72: {  	[tilespmem:$0x718] =	vst v0  }
0x73: {  	[tilespmem:$0x728] =	vst v0  }
0x74: {  	[tilespmem:$0x738] =	vst v0  }
0x75: {  	[tilespmem:$0x748] =	vst v0  }
0x76: {  	[tilespmem:$0x758] =	vst v0  }
0x77: {  	[tilespmem:$0x768] =	vst v0  }
0x78: {  	[tilespmem:$0x778] =	vst v0  }
0x79: {  	[tilespmem:$0x788] =	vst v0  }
0x7a: {  	[tilespmem:$0x798] =	vst v0  }
0x7b: {  	[tilespmem:$0x7A8] =	vst v0  }
0x7c: {  	[tilespmem:$0x7B8] =	vst v0  }
0x7d: {  	[tilespmem:$0x7C8] =	vst v0  }
0x7e: {  	[tilespmem:$0x7D8] =	vst v0  }
0x7f: {  	[tilespmem:$0x7E8] =	vst v0  }
0x80: {  	[tilespmem:$0x7F8] =	vst v0  }
0x81: {  	[tilespmem:$0x808] =	vst v0  }
0x82: {  	[tilespmem:$0x818] =	vst v0  }
0x83: {  	[tilespmem:$0x828] =	vst v0  }
0x84: {  	[tilespmem:$0x838] =	vst v0  }
0x85: {  	[tilespmem:$0x848] =	vst v0  }
0x86: {  	[tilespmem:$0x858] =	vst v0  }
0x87: {  	[tilespmem:$0x868] =	vst v0  }
0x88: {  	[tilespmem:$0x878] =	vst v0  }
0x89: {  	[tilespmem:$0x888] =	vst v0  }
0x8a: {  	[tilespmem:$0x898] =	vst v0  }
0x8b: {  	[tilespmem:$0x8A8] =	vst v0  }
0x8c: {  	[tilespmem:$0x8B8] =	vst v0  }
0x8d: {  	[tilespmem:$0x8C8] =	vst v0  }
0x8e: {  	[tilespmem:$0x8D8] =	vst v0  }
0x8f: {  	[tilespmem:$0x8E8] =	vst v0  }
0x90: {  	[tilespmem:$0x8F8] =	vst v0  }
0x91: {  	[tilespmem:$0x908] =	vst v0  }
0x92: {  	[tilespmem:$0x918] =	vst v0  }
0x93: {  	[tilespmem:$0x928] =	vst v0  }
0x94: {  	[tilespmem:$0x938] =	vst v0  }
0x95: {  	[tilespmem:$0x948] =	vst v0  }
0x96: {  	[tilespmem:$0x958] =	vst v0  }
0x97: {  	[tilespmem:$0x968] =	vst v0  }
0x98: {  	[tilespmem:$0x978] =	vst v0  }
0x99: {  	[tilespmem:$0x988] =	vst v0  }
0x9a: {  	[tilespmem:$0x998] =	vst v0  }
0x9b: {  	[tilespmem:$0x9A8] =	vst v0  }
0x9c: {  	[tilespmem:$0x9B8] =	vst v0  }
0x9d: {  	[tilespmem:$0x9C8] =	vst v0  }
0x9e: {  	[tilespmem:$0x9D8] =	vst v0  }
0x9f: {  	[tilespmem:$0x9E8] =	vst v0  }
0xa0: {  	[tilespmem:$0x9F8] =	vst v0  }
0xa1: {  	[tilespmem:$0xA08] =	vst v0  }
0xa2: {  	[tilespmem:$0xA18] =	vst v0  }
0xa3: {  	[tilespmem:$0xA28] =	vst v0  }
0xa4: {  	[tilespmem:$0xA38] =	vst v0  }
0xa5: {  	[tilespmem:$0xA48] =	vst v0  }
0xa6: {  	[tilespmem:$0xA58] =	vst v0  }
0xa7: {  	[tilespmem:$0xA68] =	vst v0  }
0xa8: {  	[tilespmem:$0xA78] =	vst v0  }
0xa9: {  	[tilespmem:$0xA88] =	vst v0  }
0xaa: {  	[tilespmem:$0xA98] =	vst v0  }
0xab: {  	[tilespmem:$0xAA8] =	vst v0  }
0xac: {  	[tilespmem:$0xAB8] =	vst v0  }
0xad: {  	[tilespmem:$0xAC8] =	vst v0  }
0xae: {  	[tilespmem:$0xAD8] =	vst v0  }
0xaf: {  	[tilespmem:$0xAE8] =	vst v0  }
0xb0: {  	[tilespmem:$0xAF8] =	vst v0  }
0xb1: {  	[tilespmem:$0xB08] =	vst v0  }
0xb2: {  	[tilespmem:$0xB18] =	vst v0  }
0xb3: {  	[tilespmem:$0xB28] =	vst v0  }
0xb4: {  	[tilespmem:$0xB38] =	vst v0  }
0xb5: {  	[tilespmem:$0xB48] =	vst v0  }
0xb6: {  	[tilespmem:$0xB58] =	vst v0  }
0xb7: {  	[tilespmem:$0xB68] =	vst v0  }
0xb8: {  	[tilespmem:$0xB78] =	vst v0  }
0xb9: {  	[tilespmem:$0xB88] =	vst v0  }
0xba: {  	[tilespmem:$0xB98] =	vst v0  }
0xbb: {  	[tilespmem:$0xBA8] =	vst v0  }
0xbc: {  	[tilespmem:$0xBB8] =	vst v0  }
0xbd: {  	[tilespmem:$0xBC8] =	vst v0  }
0xbe: {  	[tilespmem:$0xBD8] =	vst v0  }
0xbf: {  	[tilespmem:$0xBE8] =	vst v0  }
0xc0: {  	[tilespmem:$0xBF8] =	vst v0  }
0xc1: {  	[tilespmem:$0xC08] =	vst v0  }
0xc2: {  	[tilespmem:$0xC18] =	vst v0  }
0xc3: {  	[tilespmem:$0xC28] =	vst v0  }
0xc4: {  	[tilespmem:$0xC38] =	vst v0  }
0xc5: {  	[tilespmem:$0xC48] =	vst v0  }
0xc6: {  	[tilespmem:$0xC58] =	vst v0  }
0xc7: {  	[tilespmem:$0xC68] =	vst v0  }
0xc8: {  	[tilespmem:$0xC78] =	vst v0  }
0xc9: {  	[tilespmem:$0xC88] =	vst v0  }
0xca: {  	[tilespmem:$0xC98] =	vst v0  }
0xcb: {  	[tilespmem:$0xCA8] =	vst v0  }
0xcc: {  	[tilespmem:$0xCB8] =	vst v0  }
0xcd: {  	[tilespmem:$0xCC8] =	vst v0  }
0xce: {  	[tilespmem:$0xCD8] =	vst v0  }
0xcf: {  	[tilespmem:$0xCE8] =	vst v0  }
0xd0: {  	[tilespmem:$0xCF8] =	vst v0  }
0xd1: {  	[tilespmem:$0xD08] =	vst v0  }
0xd2: {  	[tilespmem:$0xD18] =	vst v0  }
0xd3: {  	[tilespmem:$0xD28] =	vst v0  }
0xd4: {  	[tilespmem:$0xD38] =	vst v0  }
0xd5: {  	[tilespmem:$0xD48] =	vst v0  }
0xd6: {  	[tilespmem:$0xD58] =	vst v0  }
0xd7: {  	[tilespmem:$0xD68] =	vst v0  }
0xd8: {  	[tilespmem:$0xD78] =	vst v0  }
0xd9: {  	[tilespmem:$0xD88] =	vst v0  }
0xda: {  	[tilespmem:$0xD98] =	vst v0  }
0xdb: {  	[tilespmem:$0xDA8] =	vst v0  }
0xdc: {  	[tilespmem:$0xDB8] =	vst v0  }
0xdd: {  	[tilespmem:$0xDC8] =	vst v0  }
0xde: {  	[tilespmem:$0xDD8] =	vst v0  }
0xdf: {  	[tilespmem:$0xDE8] =	vst v0  }
0xe0: {  	[tilespmem:$0xDF8] =	vst v0  }
0xe1: {  	[tilespmem:$0xE08] =	vst v0  }
0xe2: {  	[tilespmem:$0xE18] =	vst v0  }
0xe3: {  	[tilespmem:$0xE28] =	vst v0  }
0xe4: {  	[tilespmem:$0xE38] =	vst v0  }
0xe5: {  	[tilespmem:$0xE48] =	vst v0  }
0xe6: {  	[tilespmem:$0xE58] =	vst v0  }
0xe7: {  	[tilespmem:$0xE68] =	vst v0  }
0xe8: {  	[tilespmem:$0xE78] =	vst v0  }
0xe9: {  	[tilespmem:$0xE88] =	vst v0  }
0xea: {  	[tilespmem:$0xE98] =	vst v0  }
0xeb: {  	[tilespmem:$0xEA8] =	vst v0  }
0xec: {  	[tilespmem:$0xEB8] =	vst v0  }
0xed: {  	[tilespmem:$0xEC8] =	vst v0  }
0xee: {  	[tilespmem:$0xED8] =	vst v0  }
0xef: {  	[tilespmem:$0xEE8] =	vst v0  }
0xf0: {  	[tilespmem:$0xEF8] =	vst v0  }
0xf1: {  	[tilespmem:$0xF08] =	vst v0  }
0xf2: {  	[tilespmem:$0xF18] =	vst v0  }
0xf3: {  	[tilespmem:$0xF28] =	vst v0  }
0xf4: {  	[tilespmem:$0xF38] =	vst v0  }
0xf5: {  	[tilespmem:$0xF48] =	vst v0  }
0xf6: {  	[tilespmem:$0xF58] =	vst v0  }
0xf7: {  	[tilespmem:$0xF68] =	vst v0  }
0xf8: {  	[tilespmem:$0xF78] =	vst v0  }
0xf9: {  	[tilespmem:$0xF88] =	vst v0  }
0xfa: {  	[tilespmem:$0xF98] =	vst v0  }
0xfb: {  	[tilespmem:$0xFA8] =	vst v0  }
0xfc: {  	[tilespmem:$0xFB8] =	vst v0  }
0xfd: {  	[tilespmem:$0xFC8] =	vst v0  }
0xfe: {  	[tilespmem:$0xFD8] =	vst v0  }
0xff: {  	[tilespmem:$0xFE8] =	vst v0  }
0x100: {  	[tilespmem:$0xFF8] =	vst v0  }
0x101: {  	[tilespmem:$0x1018] =	vst v0  }
0x102: {  	[tilespmem:$0x1098] =	vst v0  }
0x103: {  	[tilespmem:$0x1B28] =	vst v0  }
0x104: {  	[tilespmem:$0x1B18] =	vst v0  }
0x105: {  	[tilespmem:$0x1B08] =	vst v0  }
0x106: {  	[tilespmem:$0x1AF8] =	vst v0  }
0x107: {  	[tilespmem:$0x1AE8] =	vst v0  }
0x108: {  	[tilespmem:$0x1AD8] =	vst v0  }
0x109: {  	[tilespmem:$0x1AC8] =	vst v0  }
0x10a: {  	[tilespmem:$0x1AB8] =	vst v0  }
0x10b: {  	[tilespmem:$0x1AA8] =	vst v0  }
0x10c: {  	[tilespmem:$0x1A98] =	vst v0  }
0x10d: {  	[tilespmem:$0x1A88] =	vst v0  }
0x10e: {  	[tilespmem:$0x1A78] =	vst v0  }
0x10f: {  	[tilespmem:$0x1A68] =	vst v0  }
0x110: {  	[tilespmem:$0x1A58] =	vst v0  }
0x111: {  	[tilespmem:$0x1A48] =	vst v0  }
0x112: {  	[tilespmem:$0x1A38] =	vst v0  }
0x113: {  	[tilespmem:$0x1A28] =	vst v0  }
0x114: {  	[tilespmem:$0x1A18] =	vst v0  }
0x115: {  	[tilespmem:$0x1A08] =	vst v0  }
0x116: {  	[tilespmem:$0x19F8] =	vst v0  }
0x117: {  	[tilespmem:$0x19E8] =	vst v0  }
0x118: {  	[tilespmem:$0x19D8] =	vst v0  }
0x119: {  	[tilespmem:$0x19C8] =	vst v0  }
0x11a: {  	[tilespmem:$0x19B8] =	vst v0  }
0x11b: {  	[tilespmem:$0x19A8] =	vst v0  }
0x11c: {  	[tilespmem:$0x1998] =	vst v0  }
0x11d: {  	[tilespmem:$0x1988] =	vst v0  }
0x11e: {  	[tilespmem:$0x1978] =	vst v0  }
0x11f: {  	[tilespmem:$0x1968] =	vst v0  }
0x120: {  	[tilespmem:$0x1958] =	vst v0  }
0x121: {  	[tilespmem:$0x1948] =	vst v0  }
0x122: {  	[tilespmem:$0x1938] =	vst v0  }
0x123: {  	[tilespmem:$0x1928] =	vst v0  }
0x124: {  	[tilespmem:$0x1918] =	vst v0  }
0x125: {  	[tilespmem:$0x1908] =	vst v0  }
0x126: {  	[tilespmem:$0x18F8] =	vst v0  }
0x127: {  	[tilespmem:$0x18E8] =	vst v0  }
0x128: {  	[tilespmem:$0x18D8] =	vst v0  }
0x129: {  	[tilespmem:$0x18C8] =	vst v0  }
0x12a: {  	[tilespmem:$0x18B8] =	vst v0  }
0x12b: {  	[tilespmem:$0x18A8] =	vst v0  }
0x12c: {  	[tilespmem:$0x1898] =	vst v0  }
0x12d: {  	[tilespmem:$0x1888] =	vst v0  }
0x12e: {  	[tilespmem:$0x1878] =	vst v0  }
0x12f: {  	[tilespmem:$0x1868] =	vst v0  }
0x130: {  	[tilespmem:$0x1858] =	vst v0  }
0x131: {  	[tilespmem:$0x1848] =	vst v0  }
0x132: {  	[tilespmem:$0x1838] =	vst v0  }
0x133: {  	[tilespmem:$0x1828] =	vst v0  }
0x134: {  	[tilespmem:$0x1818] =	vst v0  }
0x135: {  	[tilespmem:$0x1808] =	vst v0  }
0x136: {  	[tilespmem:$0x17F8] =	vst v0  }
0x137: {  	[tilespmem:$0x17E8] =	vst v0  }
0x138: {  	[tilespmem:$0x17D8] =	vst v0  }
0x139: {  	[tilespmem:$0x17C8] =	vst v0  }
0x13a: {  	[tilespmem:$0x17B8] =	vst v0  }
0x13b: {  	[tilespmem:$0x17A8] =	vst v0  }
0x13c: {  	[tilespmem:$0x1798] =	vst v0  }
0x13d: {  	[tilespmem:$0x1788] =	vst v0  }
0x13e: {  	[tilespmem:$0x1778] =	vst v0  }
0x13f: {  	[tilespmem:$0x1768] =	vst v0  }
0x140: {  	[tilespmem:$0x1758] =	vst v0  }
0x141: {  	[tilespmem:$0x1748] =	vst v0  }
0x142: {  	[tilespmem:$0x1738] =	vst v0  }
0x143: {  	[tilespmem:$0x1728] =	vst v0  }
0x144: {  	[tilespmem:$0x1718] =	vst v0  }
0x145: {  	[tilespmem:$0x1708] =	vst v0  }
0x146: {  	[tilespmem:$0x16F8] =	vst v0  }
0x147: {  	[tilespmem:$0x16E8] =	vst v0  }
0x148: {  	[tilespmem:$0x16D8] =	vst v0  }
0x149: {  	[tilespmem:$0x16C8] =	vst v0  }
0x14a: {  	[tilespmem:$0x16B8] =	vst v0  }
0x14b: {  	[tilespmem:$0x16A8] =	vst v0  }
0x14c: {  	[tilespmem:$0x1698] =	vst v0  }
0x14d: {  	[tilespmem:$0x1688] =	vst v0  }
0x14e: {  	[tilespmem:$0x1678] =	vst v0  }
0x14f: {  	[tilespmem:$0x1668] =	vst v0  }
0x150: {  	[tilespmem:$0x1658] =	vst v0  }
0x151: {  	[tilespmem:$0x1648] =	vst v0  }
0x152: {  	[tilespmem:$0x1638] =	vst v0  }
0x153: {  	[tilespmem:$0x1628] =	vst v0  }
0x154: {  	[tilespmem:$0x1618] =	vst v0  }
0x155: {  	[tilespmem:$0x1608] =	vst v0  }
0x156: {  	[tilespmem:$0x15F8] =	vst v0  }
0x157: {  	[tilespmem:$0x15E8] =	vst v0  }
0x158: {  	[tilespmem:$0x15D8] =	vst v0  }
0x159: {  	[tilespmem:$0x15C8] =	vst v0  }
0x15a: {  	[tilespmem:$0x15B8] =	vst v0  }
0x15b: {  	[tilespmem:$0x15A8] =	vst v0  }
0x15c: {  	[tilespmem:$0x1598] =	vst v0  }
0x15d: {  	[tilespmem:$0x1588] =	vst v0  }
0x15e: {  	[tilespmem:$0x1578] =	vst v0  }
0x15f: {  	[tilespmem:$0x1568] =	vst v0  }
0x160: {  	[tilespmem:$0x1558] =	vst v0  }
0x161: {  	[tilespmem:$0x1548] =	vst v0  }
0x162: {  	[tilespmem:$0x1538] =	vst v0  }
0x163: {  	[tilespmem:$0x1528] =	vst v0  }
0x164: {  	[tilespmem:$0x1518] =	vst v0  }
0x165: {  	[tilespmem:$0x1508] =	vst v0  }
0x166: {  	[tilespmem:$0x14F8] =	vst v0  }
0x167: {  	[tilespmem:$0x14E8] =	vst v0  }
0x168: {  	[tilespmem:$0x14D8] =	vst v0  }
0x169: {  	[tilespmem:$0x14C8] =	vst v0  }
0x16a: {  	[tilespmem:$0x14B8] =	vst v0  }
0x16b: {  	[tilespmem:$0x14A8] =	vst v0  }
0x16c: {  	[tilespmem:$0x1498] =	vst v0  }
0x16d: {  	[tilespmem:$0x1488] =	vst v0  }
0x16e: {  	[tilespmem:$0x1478] =	vst v0  }
0x16f: {  	[tilespmem:$0x1468] =	vst v0  }
0x170: {  	[tilespmem:$0x1458] =	vst v0  }
0x171: {  	[tilespmem:$0x1448] =	vst v0  }
0x172: {  	[tilespmem:$0x1438] =	vst v0  }
0x173: {  	[tilespmem:$0x1428] =	vst v0  }
0x174: {  	[tilespmem:$0x1418] =	vst v0  }
0x175: {  	[tilespmem:$0x1408] =	vst v0  }
0x176: {  	[tilespmem:$0x13F8] =	vst v0  }
0x177: {  	[tilespmem:$0x13E8] =	vst v0  }
0x178: {  	[tilespmem:$0x13D8] =	vst v0  }
0x179: {  	[tilespmem:$0x13C8] =	vst v0  }
0x17a: {  	[tilespmem:$0x13B8] =	vst v0  }
0x17b: {  	[tilespmem:$0x13A8] =	vst v0  }
0x17c: {  	[tilespmem:$0x1398] =	vst v0  }
0x17d: {  	[tilespmem:$0x1388] =	vst v0  }
0x17e: {  	[tilespmem:$0x1378] =	vst v0  }
0x17f: {  	[tilespmem:$0x1368] =	vst v0  }
0x180: {  	[tilespmem:$0x1358] =	vst v0  }
0x181: {  	[tilespmem:$0x1348] =	vst v0  }
0x182: {  	[tilespmem:$0x1338] =	vst v0  }
0x183: {  	[tilespmem:$0x1328] =	vst v0  }
0x184: {  	[tilespmem:$0x1318] =	vst v0  }
0x185: {  	[tilespmem:$0x1308] =	vst v0  }
0x186: {  	[tilespmem:$0x12F8] =	vst v0  }
0x187: {  	[tilespmem:$0x12E8] =	vst v0  }
0x188: {  	[tilespmem:$0x12D8] =	vst v0  }
0x189: {  	[tilespmem:$0x12C8] =	vst v0  }
0x18a: {  	[tilespmem:$0x12B8] =	vst v0  }
0x18b: {  	[tilespmem:$0x12A8] =	vst v0  }
0x18c: {  	[tilespmem:$0x1298] =	vst v0  }
0x18d: {  	[tilespmem:$0x1288] =	vst v0  }
0x18e: {  	[tilespmem:$0x1278] =	vst v0  }
0x18f: {  	[tilespmem:$0x1268] =	vst v0  }
0x190: {  	[tilespmem:$0x1258] =	vst v0  }
0x191: {  	[tilespmem:$0x1248] =	vst v0  }
0x192: {  	[tilespmem:$0x1238] =	vst v0  }
0x193: {  	[tilespmem:$0x1228] =	vst v0  }
0x194: {  	[tilespmem:$0x1218] =	vst v0  }
0x195: {  	[tilespmem:$0x1208] =	vst v0  }
0x196: {  	[tilespmem:$0x11F8] =	vst v0  }
0x197: {  	[tilespmem:$0x11E8] =	vst v0  }
0x198: {  	[tilespmem:$0x11D8] =	vst v0  }
0x199: {  	[tilespmem:$0x11C8] =	vst v0  }
0x19a: {  	[tilespmem:$0x11B8] =	vst v0  }
0x19b: {  	[tilespmem:$0x11A8] =	vst v0  }
0x19c: {  	[tilespmem:$0x1198] =	vst v0  }
0x19d: {  	[tilespmem:$0x1188] =	vst v0  }
0x19e: {  	[tilespmem:$0x1178] =	vst v0  }
0x19f: {  	[tilespmem:$0x1168] =	vst v0  }
0x1a0: {  	[tilespmem:$0x1158] =	vst v0  }
0x1a1: {  	[tilespmem:$0x1148] =	vst v0  }
0x1a2: {  	[tilespmem:$0x1138] =	vst v0  }
0x1a3: {  	[tilespmem:$0x1128] =	vst v0  }
0x1a4: {  	[tilespmem:$0x1118] =	vst v0  }
0x1a5: {  	[tilespmem:$0x1108] =	vst v0  }
0x1a6: {  	[tilespmem:$0x10F8] =	vst v0  }
0x1a7: {  	[tilespmem:$0x10E8] =	vst v0  }
0x1a8: {  	s2 =	stileid.u32;
	[tilespmem:$0x10D8] =	vst v0  }
0x1a9: {  	s3 =	smul.u32 $0xCF90, s2;
	[tilespmem:$0x10C8] =	vst v0  }
0x1aa: {  	[tilespmem:$0x10B8] =	vst v0  }
0x1ab: {  	[tilespmem:$0x10A8] =	vst v0;
	s0 =	smin.u32 s3, $0xC28C0  }
0x1ac: {  	[tilespmem:$0x1028] =	vst v0;
	s4 =	sadd.s32 $0xCF90, s0  }
0x1ad: {  	s5 =	simm.s32 $0x2;
	s29 =	simm.s32 $0x7;
	[tilespmem:$0x1088] =	vst v0;
	s0 =	ssub.s32 s4, s3  }
0x1ae: {  	s13 =	simm.s32 $0x8;
	s30 =	simm.s32 $0x9;
	[tilespmem:$0x1078] =	vst v0;
	p0 =	sgt.s32 s0, $0x0  }
0x1af: {  	p4 =	por $0x0, $0x0;
	s14 =	simm.s32 $0xA;
	[tilespmem:$0x1068] =	vst v0;
	s0 =	simm.s32 @!p0 $0x0  }
0x1b0: {  	s18 =	simm.s32 $0x0;
	s15 =	simm.s32 $0x0;
	[tilespmem:$0x1058] =	vst v0;
	s12 =	smulhi.u32 $0x97B426, s0  }
0x1b1: {  	s17 =	simm.s32 $0x0;
	s1 =	sadd.s32 $0x83400, s8;
	s6 =	sadd.s32 $0x1400, s8;
	[tilespmem:$0x1048] =	vst v0  }
0x1b2: {  	s7 =	sadd.s32 $0x51AA00, s8;
	s31 =	sshll.u32 s2, $0x5;
	[tilespmem:$0x1038] =	vst v0;
	s10 =	smul.u32 $0x1B0, s12  }
.Ltmp0:
0x1b3: {  	[tilespmem:$0x1008] =	vst v0;
	[sflag:s5] =	ssyncpa.u1 $0x0;
	v0 =	vimm.s32 $0xFFFFFFFF;
	s5 =	sadd.s32 $0x69400, s8;
	(pc) =	sbr.rel .LBB2_1-.Ltmp0, $4  }
0x1b4: {  	[dreg:$0x2] =	wrdreg s31;
	[tilespmem:$0x3648] =	vst v0;
	[sflag:s29] =	ssyncpa.u1 $0x0;
	p0 =	sne.s32 s0, s10  }
0x1b5: {  	s16 =	smov.u32 s3;
	[dreg:$0x3] =	wrdreg s3;
	s11 =	simm.s32 @!p0 $0x0  }
0x1b6: {  	[sflag:s13] =	ssyncpa.u1 $0x0;
	s13 =	simm.s32 $0x0;
	s11 =	sadd.s32 s11, s12  }
0x1b7: {  	v0 =	vlaneseq.u32;
	[sflag:s30] =	ssyncpa.u1 $0x0;
	p0 =	por $0x1, $0x1;
	s8 =	sadd.s32 $0x1, s11  }
.LBB2_18:
0x1b8: {  	s0 =	simm.s32 $0x2  }
0x1b9: {  	_ =	swait.ge [sflag:s0], $0x0  }
0x1ba: {  	[sflag:s0] =	ssyncset.done $0x0;
	s0 =	simm.s32 $0x0  }
.LBB2_19:
0x1bb: {  	_ =	swait.ge [sflag:s14], s0  }
0x1bc: {  	s31 =	ssub.s32 $0x0, s0;
	v1 =	vmov s20;
	vm0 =	veq.s32 v0, $0x0;
	[sflag:s14] =	ssyncset.done $0x0  }
0x1bd: {  	vm15 =	veq.s32 v0, $0x2;
	v1 =	vsel vm0, s24, v1;
	[sflag:s14] =	ssyncadd.s32 s31  }
0x1be: {  	v1 =	vsel vm15, s18, v1;
	[sflag:s14] =	ssyncpa.u1 $0x1  }
0x1bf: {  	[tilespmem:$0x3648] =	vst v1  }
.LBB2_20:
0x1c0: {  	s0 =	sadd.s32 $0x1B0, s16  }
0x1c1: {  	s2 =	smov.u32 s3;
	p1 =	slt.s32 s0, s4  }
0x1c2: {  	s2 =	smov.u32 @p1 s0;
	p1 =	sne.s32 s17, s8  }
.Ltmp1:
0x1c3: {  	_ = 	snop;
	(pc) =	sbr.rel @!p1 .LBB2_21-.Ltmp1, $4  }
0x1c4: {  	_ = 	snop  }
0x1c5: {  	s18 =	smov.u32 s15  }
0x1c6: {  	s31 =	sadd.s32 $0x1, s17;
	s15 =	smov.u32 s16;
	p0 =	por !p0, !p0  }
0x1c7: {  	p4 =	por !p4, !p4;
	s17 =	smov.u32 s31;
	s16 =	smov.u32 s2  }
.LBB2_1:
0x1c8: {  	p2 =	sge.u32 s17, s11  }
0x1c9: {  	s0 =	smulhi.u32 @!p2 $0xAAAAAAAB, s17  }
0x1ca: {  	s19 =	smov.u32 s16;
	p3 =	sgt.s32 @!p2 s16, $0xCF6A0  }
0x1cb: {  	s20 =	sshra.s32 @!p2 s16, $0x1F;
	p3 =	por !p3, p2;
	s0 =	sshrl.u32 @!p2 s0, $0x1  }
0x1cc: {  	s20 =	sand.u32 @!p2 s20, s16;
	s19 =	simm.s32 @p3 $0xCF6A0;
	s0 =	smul.u32 @!p2 $0x3, s0  }
0x1cd: {  	s19 =	ssub.s32 @!p2 s19, s20  }
0x1ce: {  	s19 =	sadd.s32 @!p2 $0xFFF30960, s19;
	s0 =	ssub.s32 @!p2 s17, s0  }
0x1cf: {  	s20 =	sshll.u32 @!p2 s19, $0x2;
	p3 =	sgt.s32 @!p2 s19, $0x1AF;
	s0 =	smul.u32 @!p2 $0x6C0, s0  }
0x1d0: {  	s21 =	sand.u32 @!p2 $0x7, s16;
	s19 =	ssub.s32 @!p2 $0x6C0, s20;
	p3 =	por !p3, p2  }
0x1d1: {  	s20 =	sshrl.u32 @!p2 s16, $0x3;
	s19 =	sshrl.u32 @!p2 s19, $0x2;
	s0 =	sshrl.u32 @!p2 s0, $0x2  }
0x1d2: {  	s20 =	sadd.s32 @!p2 s5, s20;
	s19 =	simm.s32 @!p3 $0x0;
	s0 =	sadd.s32 @!p2 $0x3878, s0  }
0x1d3: {  	[tilespmem:s0], [sflag:$0x8] =	stream.linear.gather @!p2 [hbm4b:s20+s21], s19, $0x38;
	[tilespmem:$0x1F0E8] =	vst v63  }
0x1d4: {  	s20 =	sadd.s32 $0xFFFFFFFF, s17  }
0x1d5: {  	p2 =	sge.u32 s20, s11  }
0x1d6: {  	p3 =	sgt.s32 @!p2 s15, $0xCF6A0  }
0x1d7: {  	s0 =	smov.u32 s15;
	s19 =	sshra.s32 @!p2 s15, $0x1F;
	p3 =	por !p3, p2  }
0x1d8: {  	s19 =	sand.u32 @!p2 s19, s15;
	s0 =	simm.s32 @p3 $0xCF6A0  }
0x1d9: {  	s0 =	ssub.s32 @!p2 s0, s19  }
0x1da: {  	s0 =	sadd.s32 @!p2 $0xFFF30960, s0  }
0x1db: {  	s19 =	sshll.u32 @!p2 s0, $0x2  }
0x1dc: {  	p3 =	sgt.s32 @!p2 s0, $0x1AF;
	s0 =	ssub.s32 @!p2 $0x6C0, s19  }
0x1dd: {  	p3 =	por !p3, p2;
	s0 =	sshrl.u32 @!p2 s0, $0x2  }
0x1de: {  	s21 =	simm.s32 @!p2 $0x8;
	s19 =	sand.u32 @!p2 $0x1, s20;
	s0 =	simm.s32 @!p3 $0x0  }
0x1df: {  	s19 =	smul.u32 @!p2 $0x6C0, s19;
	_ =	swait.ge @!p2 [sflag:s21], s0  }
0x1e0: {  	s22 =	ssub.s32 @!p2 $0x0, s0;
	[sflag:s21] =	ssyncset.done @!p2 $0x0  }
0x1e1: {  	s19 =	sshrl.u32 @!p2 s19, $0x2;
	[sflag:s21] =	ssyncadd.s32 @!p2 s22;
	s21 =	sshrl.u32 @!p2 s15, $0x3  }
0x1e2: {  	s19 =	sadd.s32 @!p2 $0x3D88, s19;
	s22 =	sand.u32 @!p2 $0x7, s15;
	s21 =	sadd.s32 @!p2 s6, s21  }
0x1e3: {  	[tilespmem:s19], [sflag:$0x9] =	stream.linear.gather @!p2 [hbm4b:s21+s22], s0, $0x38;
	[tilespmem:$0x1F0E8] =	vst v63  }
0x1e4: {  	s19 =	ssub.s32 @!p2 $0xCF850, s15  }
0x1e5: {  	p3 =	slt.s32 @!p2 s19, $0x1  }
0x1e6: {  	p3 =	por p2, p3  }
.Ltmp2:
0x1e7: {  	_ = 	snop;
	(pc) =	sbr.rel @p3 .LBB2_7-.Ltmp2, $1  }
0x1e8: {  	_ =	sdelay $0x3  }
0x1e9: {  	s0 =	smulhi.u32 $0xAAAAAAAB, s20;
	_ =	sdelay $0x1  }
0x1ea: {  	s0 =	sshrl.u32 s0, $0x1  }
0x1eb: {  	s0 =	smul.u32 $0x3, s0;
	_ =	sdelay $0x1  }
0x1ec: {  	s0 =	ssub.s32 s20, s0  }
0x1ed: {  	s21 =	simm.s32 $0x1;
	s0 =	smul.u32 $0x6C0, s0  }
.Ltmp3:
0x1ee: {  	s21 =	simm.s32 @!p0 $0x0;
	(pc) =	sbr.rel .LBB2_4-.Ltmp3, $4  }
0x1ef: {  	s31 =	smul.u32 $0x36000, s21  }
0x1f0: {  	p3 =	slt.s32 @!p2 s19, $0x1B0;
	s0 =	sshrl.u32 s0, $0x2  }
0x1f1: {  	p2 =	por !p3, p2;
	s20 =	sshrl.u32 s31, $0x2;
	s0 =	sadd.s32 $0x3878, s0  }
0x1f2: {  	s19 =	simm.s32 @p2 $0x1B0;
	s21 =	simm.s32 $0x0;
	s20 =	sadd.s32 $0x40E8, s20;
	v1 =	vmov s0  }
.LBB2_3:
0x1f3: {  	p2 =	sge.s32 s21, s19  }
.Ltmp4:
0x1f4: {  	_ = 	snop;
	(pc) =	sbr.rel @p2 .LBB2_7-.Ltmp4, $2  }
0x1f5: {  	_ =	sdelay $0x2  }
0x1f6: {  	s20 =	sadd.s32 $0x800, s20  }
.LBB2_4:
0x1f7: {  	p2 =	sle.s32 s19, s21  }
.Ltmp5:
0x1f8: {  	_ = 	snop;
	(pc) =	sbr.rel @p2 .LBB2_3-.Ltmp5, $2  }
0x1f9: {  	_ =	sdelay $0x2  }
0x1fa: {  	s22 =	smov.u32 s21;
	s21 =	sadd.s32 $0x10, s21  }
0x1fb: {  	s0 =	ssub.s32 s19, s22  }
0x1fc: {  	p2 =	slt.s32 s0, $0x10  }
0x1fd: {  	s0 =	simm.s32 @!p2 $0x10  }
0x1fe: {  	v2 =	vmov s0  }
0x1ff: {  	vm0 =	vgt.s32 v2, v0;
	_ =	sdelay $0x5  }
0x200: {  	v2 =	vld.idx.msk [tilespmem:v1+s22+$0x0 ss:$0x1], vm0;
	_ =	sdelay $0x2  }
0x201: {  	s23 =	smov.u32 s19;
	p2 =	slt.s32 s21, s19  }
0x202: {  	s24 =	smov.u32 s20;
	s25 =	simm.s32 $0x0;
	s23 =	smov.u32 @p2 s21  }
.LBB2_6:
0x203: {  	(v2sf) =	vpush v2, s25;
	_ =	sdelay $0xc  }
0x204: {  	s25 =	sadd.s32 $0x1, s25  }
0x205: {  	s31 =	sadd.s32 s25, s22  }
0x206: {  	p2 =	slt.s32 s31, s23;
	s0 =	spop (v2sf)  }
.Ltmp6:
0x207: {  	s0 =	sshll.u32 s0, $0x4;
	(pc) =	sbr.rel @p2 .LBB2_6-.Ltmp6, $4  }
0x208: {  	s0 =	sand.u32 $0x1FFFFFF0, s0  }
0x209: {  	s0 =	sadd.s32 s7, s0  }
0x20a: {  	[tilespmem:s24], [sflag:$0x7] =	stream.linear.gather [hbm4b:s0+s13], $0x4, $0x38;
	[tilespmem:$0x1F0E8] =	vst v63  }
0x20b: {  	s24 =	sadd.s32 $0x80, s24  }
.Ltmp7:
0x20c: {  	_ = 	snop;
	(pc) =	sbr.rel .LBB2_3-.Ltmp7, $1  }
0x20d: {  	_ =	sdelay $0x3  }
.LBB2_7:
0x20e: {  	p2 =	slt.u32 s17, $0x2  }
.Ltmp8:
0x20f: {  	_ = 	snop;
	(pc) =	sbr.rel @p2 .LBB2_20-.Ltmp8, $1  }
0x210: {  	_ =	sdelay $0x3  }
0x211: {  	p2 =	sgt.s32 s18, $0xCF6A0;
	s0 =	smov.u32 s18  }
0x212: {  	s19 =	sshra.s32 s18, $0x1F;
	s20 =	ssub.s32 $0xCF850, s18;
	s0 =	simm.s32 @!p2 $0xCF6A0  }
0x213: {  	s19 =	sand.u32 s19, s18;
	p2 =	slt.s32 s20, $0x1B0;
	s21 =	smov.u32 s20  }
0x214: {  	s0 =	ssub.s32 s0, s19;
	s21 =	simm.s32 @!p2 $0x1B0  }
0x215: {  	s0 =	sadd.s32 $0xFFF30960, s0;
	s26 =	sshll.u32 s21, $0x2  }
0x216: {  	s2 =	simm.s32 $0x7;
	s28 =	sshll.u32 s0, $0x2;
	s19 =	sand.u32 $0x3FFFFFFC, s26  }
0x217: {  	p2 =	sgt.s32 s0, $0x1AF;
	s29 =	ssub.s32 $0x6C0, s28;
	_ =	swait.ge [sflag:s2], s19  }
0x218: {  	s19 =	ssub.s32 $0x0, s19;
	[sflag:s2] =	ssyncset.done $0x0;
	s0 =	sshrl.u32 s29, $0x2  }
0x219: {  	s30 =	simm.s32 $0x9;
	[sflag:s2] =	ssyncadd.s32 s19;
	s0 =	simm.s32 @p2 $0x0  }
0x21a: {  	_ =	swait.ge [sflag:s30], s0  }
0x21b: {  	s0 =	ssub.s32 $0x0, s0;
	[sflag:s30] =	ssyncset.done $0x0  }
0x21c: {  	[sflag:s30] =	ssyncadd.s32 s0  }
0x21d: {  	v1 =	vld [tilespmem:$0x3648];
	_ =	sdelay $0x4  }
0x21e: {  	(v2sf) =	vpush v1, $0x0  }
0x21f: {  	(v2sf) =	vpush v1, $0x1  }
0x220: {  	(v2sf) =	vpush v1, $0x2;
	_ =	sdelay $0x3  }
0x221: {  	s0 =	sadd.s32 $0x1B0, s18  }
0x222: {  	p2 =	slt.s32 s4, s0  }
0x223: {  	s0 =	smov.u32 @p2 s4;
	p2 =	sgt.s32 s20, $0x0  }
0x224: {  	s22 =	ssub.s32 s0, s18;
	s20 =	simm.s32 @!p2 $0x0  }
0x225: {  	p2 =	slt.s32 s20, s22  }
0x226: {  	s22 =	smov.u32 @p2 s20  }
0x227: {  	s21 =	simm.s32 $0x1;
	p2 =	slt.s32 s22, $0x1  }
.Ltmp9:
0x228: {  	s21 =	simm.s32 @!p4 $0x0;
	(pc) =	sbr.rel @p2 .LBB2_12-.Ltmp9, $4  }
0x229: {  	s31 =	smul.u32 $0x6C0, s21  }
0x22a: {  	s23 =	spop (v2sf)  }
0x22b: {  	s0 =	sshrl.u32 s31, $0x2;
	s25 =	spop (v2sf)  }
0x22c: {  	s19 =	sadd.s32 $0x3D88, s0;
	s18 =	spop (v2sf)  }
0x22d: {  	s0 =	smin.u32 s22, $0x10  }
0x22e: {  	v1 =	vmov s0  }
0x22f: {  	p3 =	sgt.s32 s22, $0x10;
	vm1 =	vgt.u32 v1, v0  }
.Ltmp10:
0x230: {  	_ = 	snop;
	(pc) =	sbr.rel @!p3 .LBB2_11-.Ltmp10, $2  }
0x231: {  	_ =	sdelay $0x2  }
0x232: {  	s24 =	simm.s32 $0x10;
	s26 =	sadd.s32 $0xFFFFFFF0, s22;
	s20 =	smov.u32 s19;
	vm0 =	vmmov vm1  }
.LBB2_10:
0x233: {  	s0 =	smin.u32 s26, $0x10;
	s24 =	sadd.s32 $0x10, s24;
	v1 =	vld.msk [tilespmem:s20+$0x0 ss:$0x1], vm1  }
0x234: {  	v2 =	vmov s0;
	p3 =	slt.s32 s24, s22  }
0x235: {  	vm1 =	vgt.u32 v2, v0  }
.Ltmp11:
0x236: {  	(pc) =	sbr.rel @p3 .LBB2_10-.Ltmp11, $3  }
0x237: {  	_ =	sdelay $0x1  }
0x238: {  	v1 =	vshll.u32 v1, $0x4  }
0x239: {  	s26 =	sadd.s32 $0xFFFFFFF0, s26;
	[tilespmem:s20+$0x0] =	vst.msk vm0, v1;
	s20 =	sadd.s32 $0x10, s20;
	vm0 =	vmmov vm1  }
.LBB2_11:
0x23a: {  	_ =	sdelay $0x4  }
0x23b: {  	v1 =	vld.msk [tilespmem:s20+$0x0 ss:$0x1], vm1;
	_ =	sdelay $0x4  }
0x23c: {  	v1 =	vshll.u32 v1, $0x4  }
0x23d: {  	[tilespmem:s20+$0x0] =	vst.msk vm0, v1  }
.LBB2_12:
0x23e: {  	s0 =	sand.u32 $0x1, s17  }
0x23f: {  	s0 =	smul.u32 $0x1B0, s0  }
0x240: {  	p3 =	sne.s32 s25, $0xFFFFFFFF  }
0x241: {  	v1 =	vld.msk @!p3 [tilespmem:s0+$0x3D88], $0x1;
	_ =	sdelay $0x4  }
0x242: {  	(v2sf) =	vpush @!p3 v1, $0x0;
	_ =	sdelay $0xc  }
.Ltmp12:
0x243: {  	_ = 	snop;
	(pc) =	sbr.rel @p2 .LBB2_18-.Ltmp12, $4  }
0x244: {  	_ = 	snop  }
0x245: {  	s24 =	spop @!p3 (v2sf)  }
0x246: {  	s18 =	simm.s32 @!p3 $0x0;
	s20 =	smov.u32 s24  }
0x247: {  	[sflag:s14] =	ssyncpa.u1 $0x0;
	s24 =	smov.u32 @p3 s23;
	s20 =	smov.u32 @p3 s25  }
0x248: {  	v1 =	vld.msk [tilespmem:s19+$0x0], $0x1;
	_ =	sdelay $0x4  }
0x249: {  	(v2sf) =	vpush v1, $0x0;
	_ =	sdelay $0xd  }
0x24a: {  	s0 =	simm.s32 @!p4 $0x0  }
0x24b: {  	s26 =	smul.u32 $0x36000, s21;
	s25 =	ssub.s32 $0x0, s22;
	s28 =	spop (v2sf)  }
0x24c: {  	s0 =	simm.s32 @p4 $0x1;
	s23 =	sadd.s32 $0x1, s25;
	p2 =	seq.s32 s24, s28  }
0x24d: {  	[smem:$0x7FD] =	sst s0;
	s0 =	sshrl.u32 s26, $0x2;
	p3 =	sgt.s32 @!p2 s24, $0x0  }
0x24e: {  	s21 =	sadd.s32 $0x40E8, s0;
	s0 =	smov.u32 s24;
	p3 =	por !p3, p2  }
0x24f: {  	s0 =	simm.s32 @p3 $0x0;
	p3 =	seq.s32 s23, $0x0  }
.Ltmp13:
0x250: {  	_ = 	snop;
	(pc) =	sbr.rel @p3 .LBB2_15-.Ltmp13, $4  }
0x251: {  	s3 =	smov.u32 s8;
	s12 =	smov.u32 s5;
	s8 =	smov.u32 s6  }
0x252: {  	s22 =	simm.s32 $0x0;
	s29 =	simm.s32 @!p2 $0x1;
	s0 =	smin.u32 @!p2 s0, $0xC34FF  }
0x253: {  	s30 =	simm.s32 @!p2 $0x1B38;
	s29 =	smov.u32 @p2 s22;
	s26 =	sand.u32 @!p2 $0xFFFF8, s0  }
0x254: {  	s31 =	sand.u32 @!p2 $0x7, s0;
	s0 =	sadd.s32 @!p2 s1, s26;
	s26 =	sadd.s32 $0x1, s19  }
.LBB2_14:
0x255: {  	s2 =	smov.u32 s29  }
0x256: {  	[tilespmem:s30], [sflag:$0x2] =	stream.linear.gather @!p2 [hbm4b:s0+s31], $0x4, $0x38;
	[tilespmem:$0x1F0E8] =	vst v63  }
0x257: {  	s23 =	sadd.s32 $0x1, s23;
	s0 =	smov.u32 s28;
	v1 =	vld.msk [tilespmem:s26+$0x0], $0x1  }
0x258: {  	p3 =	seq.s32 s23, $0x0;
	_ =	sdelay $0x3  }
0x259: {  	(v2sf) =	vpush v1, $0x0;
	_ =	sdelay $0xe  }
0x25a: {  	s28 =	spop (v2sf)  }
0x25b: {  	p2 =	seq.s32 s0, s28  }
0x25c: {  	p4 =	sgt.s32 @!p2 s0, $0x0;
	s30 =	sshll.u32 @!p2 s29, $0x6;
	s29 =	sadd.s32 @!p2 $0x1, s29  }
.Ltmp14:
0x25d: {  	p4 =	por !p4, p2;
	s30 =	sshra.s32 @!p2 s30, $0x2;
	(pc) =	sbr.rel @!p3 .LBB2_14-.Ltmp14, $4  }
0x25e: {  	s29 =	smov.u32 @p2 s2;
	s0 =	simm.s32 @p4 $0x0;
	s30 =	sadd.s32 @!p2 $0x1B38, s30  }
0x25f: {  	s0 =	smin.u32 @!p2 s0, $0xC34FF  }
0x260: {  	s2 =	sand.u32 @!p2 $0xFFFF8, s0;
	s31 =	sand.u32 @!p2 $0x7, s0  }
0x261: {  	s26 =	sadd.s32 $0x1, s26;
	s0 =	sadd.s32 @!p2 s1, s2  }
.LBB2_15:
0x262: {  	[tilespmem:s30], [sflag:$0x2] =	stream.linear.gather @!p2 [hbm4b:s0+s31], $0x4, $0x38;
	[tilespmem:$0x1F0E8] =	vst v63  }
0x263: {  	s31 =	sshll.u32 s29, $0x2  }
0x264: {  	s2 =	simm.s32 $0x2;
	s0 =	sand.u32 $0x3FFFFFFC, s31  }
0x265: {  	_ =	swait.ge [sflag:s2], s0  }
0x266: {  	s0 =	ssub.s32 $0x0, s0;
	[sflag:s2] =	ssyncset.done $0x0  }
0x267: {  	[sflag:s2] =	ssyncadd.s32 s0  }
0x268: {  	v1 =	vld.msk [tilespmem:s19+$0x0], $0x1;
	_ =	sdelay $0x4  }
0x269: {  	(v2sf) =	vpush v1, $0x0;
	_ =	sdelay $0xe  }
0x26a: {  	s23 =	spop (v2sf)  }
0x26b: {  	p2 =	sne.s32 s24, s23  }
0x26c: {  	p4 =	sne.s32 @p2 s24, s20  }
0x26d: {  	p3 =	por !p4, !p2  }
0x26e: {  	s0 =	simm.s32 @!p3 $0x0  }
0x26f: {  	v1 =	vld.msk @!p3 [tilespmem:s0+$0x1B38], $0xf  }
0x270: {  	p5 =	sgt.u32 @!p3 s24, $0xC34FF  }
0x271: {  	s2 =	sshll.u32 @!p3 s18, $0x6;
	p6 =	por @p2 p5, !p4  }
0x272: {  	s2 =	sshra.s32 @!p3 s2, $0x2;
	p1 =	por p6, !p2;
	p6 =	por p4, !p2  }
0x273: {  	s26 =	sadd.s32 @!p3 $0x28, s2;
	s28 =	sand.u32 @!p1 $0xFFFF8, s24;
	s29 =	sshll.u32 @!p6 s18, $0x6  }
0x274: {  	s24 =	sand.u32 @!p1 $0x7, s24;
	[tilespmem:s2+$0x28] =	vst.add.f32.msk @!p3 $0xf, v1;
	s2 =	sadd.s32 @!p1 s1, s28;
	s28 =	sshra.s32 @!p6 s29, $0x2  }
0x275: {  	[hbm4b:s2+s24] =	stream.linear.scatter @!p1 [tilespmem:s26], [sflag:$0xA], $0x4, $0x38;
	[tilespmem:$0x1F0E8] =	vst v63  }
0x276: {  	s0 =	rddreg [dreg:$0x2];
	s2 =	sadd.s32 @!p6 $0x28, s28;
	s24 =	simm.s32 @!p6 $0x1  }
0x277: {  	[spmem:s0] =	stream.linear.scatter @!p6 [tilespmem:s2], [sflag:$0x1], $0x4, $0x38;
	[tilespmem:$0x1F0E8] =	vst v63  }
0x278: {  	s0 =	sadd.s32 @p2 $0x1, s18;
	_ =	swait.ge @!p6 [sflag:s24], $0x4  }
0x279: {  	s2 =	sshrl.u32 @p2 s0, $0x4;
	[sflag:s24] =	ssyncset.done @!p6 $0x0  }
0x27a: {  	s2 =	smulhi.u32 @p2 $0x97B425F, s2;
	[sflag:s24] =	ssyncadd.s32 @!p6 $0xFFFFFFFC  }
0x27b: {  	s24 =	sadd.s32 $0x1, s25;
	v1 =	vld.msk @p2 [tilespmem:s21+$0x0], $0xf  }
0x27c: {  	p1 =	por @p2 !p5, !p4;
	s2 =	smul.u32 @p2 $0x1B0, s2;
	p4 =	seq.s32 s24, $0x0  }
.Ltmp15:
0x27d: {  	p1 =	por !p1, !p2;
	s25 =	simm.s32 @!p3 $0x0;
	(pc) =	sbr.rel @p4 .LBB2_17-.Ltmp15, $4  }
0x27e: {  	s26 =	sshll.u32 @!p2 s18, $0x6;
	s25 =	simm.s32 @!p1 $0x10;
	s0 =	ssub.s32 @p2 s0, s2  }
0x27f: {  	s26 =	sshra.s32 @!p2 s26, $0x2;
	s28 =	sadd.s32 @!p3 $0x0, s25;
	s29 =	sshll.u32 @p2 s0, $0x4  }
0x280: {  	s25 =	simm.s32 $0x0;
	s2 =	simm.s32 @p2 $0x1;
	s28 =	smov.u32 @p3 s22;
	[tilespmem:s29+$0x28] =	vst.msk @p2 $0xf, v1  }
0x281: {  	s18 =	smov.u32 @p2 s0;
	s25 =	smov.u32 @p2 s28;
	s22 =	smov.u32 @p2 s2;
	v1 =	vld.msk @!p2 [tilespmem:s21+$0x0], $0xf  }
.LBB2_16:
0x282: {  	_ =	sdelay $0x3  }
0x283: {  	s19 =	sadd.s32 $0x1, s19;
	[tilespmem:s26+$0x28] =	vst.add.f32.msk @!p2 $0xf, v1  }
0x284: {  	v1 =	vld.msk [tilespmem:s19+$0x0], $0x1;
	_ =	sdelay $0x4  }
0x285: {  	(v2sf) =	vpush v1, $0x0;
	_ =	sdelay $0xe  }
0x286: {  	s0 =	smov.u32 s23;
	s23 =	spop (v2sf)  }
0x287: {  	p2 =	sne.s32 s0, s23  }
0x288: {  	p5 =	sne.s32 @p2 s0, s20  }
0x289: {  	p4 =	por !p5, !p2  }
0x28a: {  	s30 =	sshll.u32 @!p4 s22, $0x6  }
0x28b: {  	s30 =	sshra.s32 @!p4 s30, $0x2  }
0x28c: {  	p1 =	sgt.u32 @!p4 s0, $0xC34FF;
	v1 =	vld.msk @!p4 [tilespmem:s30+$0x1B38], $0xf  }
0x28d: {  	s31 =	sshll.u32 @!p4 s18, $0x6;
	p6 =	por @p2 p1, !p5;
	p1 =	por @p2 !p1, !p5  }
0x28e: {  	s5 =	simm.s32 @!p4 $0x0;
	s31 =	sshra.s32 @!p4 s31, $0x2;
	p1 =	por !p1, !p2  }
0x28f: {  	p5 =	por p5, !p2;
	s5 =	simm.s32 @!p1 $0x10;
	p1 =	por p6, !p2  }
0x290: {  	s30 =	sadd.s32 @!p4 $0x28, s31;
	s6 =	sshll.u32 @!p5 s18, $0x6;
	s10 =	sand.u32 @!p1 $0xFFFF8, s0  }
0x291: {  	s6 =	sshra.s32 @!p5 s6, $0x2;
	s0 =	sand.u32 @!p1 $0x7, s0;
	s10 =	sadd.s32 @!p1 s1, s10;
	[tilespmem:s31+$0x28] =	vst.add.f32.msk @!p4 $0xf, v1  }
0x292: {  	[hbm4b:s10+s0] =	stream.linear.scatter @!p1 [tilespmem:s30], [sflag:$0xA], $0x4, $0x38;
	[tilespmem:$0x1F0E8] =	vst v63  }
0x293: {  	s2 =	rddreg [dreg:$0x2];
	s0 =	sadd.s32 @!p5 $0x28, s6;
	s6 =	simm.s32 @!p5 $0x1  }
0x294: {  	[spmem:s2] =	stream.linear.scatter @!p5 [tilespmem:s0], [sflag:$0x1], $0x4, $0x38;
	[tilespmem:$0x1F0E8] =	vst v63  }
0x295: {  	s28 =	sadd.s32 @p2 $0x1, s18;
	_ =	swait.ge @!p5 [sflag:s6], $0x4  }
0x296: {  	s29 =	sshrl.u32 @p2 s28, $0x4;
	[sflag:s6] =	ssyncset.done @!p5 $0x0  }
0x297: {  	s21 =	sadd.s32 $0x80, s21;
	s29 =	smulhi.u32 @p2 $0x97B425F, s29;
	[sflag:s6] =	ssyncadd.s32 @!p5 $0xFFFFFFFC  }
0x298: {  	s24 =	sadd.s32 $0x1, s24;
	v1 =	vld.msk @p2 [tilespmem:s21+$0x0], $0xf  }
0x299: {  	p3 =	seq.s32 s24, $0x0;
	s29 =	smul.u32 @p2 $0x1B0, s29  }
.Ltmp16:
0x29a: {  	_ = 	snop;
	(pc) =	sbr.rel @!p3 .LBB2_16-.Ltmp16, $4  }
0x29b: {  	s28 =	ssub.s32 @p2 s28, s29  }
0x29c: {  	s26 =	sshll.u32 @!p2 s18, $0x6;
	s5 =	sadd.s32 @!p4 s5, s25;
	s10 =	sshll.u32 @p2 s28, $0x4  }
0x29d: {  	s9 =	sadd.s32 @p2 $0x1, s22;
	s26 =	sshra.s32 @!p2 s26, $0x2;
	s5 =	smov.u32 @p4 s25;
	[tilespmem:s10+$0x28] =	vst.msk @p2 $0xf, v1  }
0x29e: {  	s22 =	smov.u32 @p2 s9;
	s18 =	smov.u32 @p2 s28;
	s25 =	smov.u32 @p2 s5;
	v1 =	vld.msk @!p2 [tilespmem:s21+$0x0], $0xf  }
.LBB2_17:
.Ltmp17:
0x29f: {  	_ = 	snop;
	(pc) =	sbr.rel .LBB2_19-.Ltmp17, $4  }
0x2a0: {  	s2 =	sld [smem:$0x7FD]  }
0x2a1: {  	s0 =	sshrl.u32 s25, $0x2  }
0x2a2: {  	s24 =	smov.u32 s23;
	s6 =	smov.u32 s8;
	s5 =	smov.u32 s12  }
0x2a3: {  	s8 =	smov.u32 s3;
	s3 =	rddreg [dreg:$0x3];
	p4 =	seq.s32 s2, $0x1;
	[tilespmem:s26+$0x28] =	vst.add.f32.msk @!p2 $0xf, v1  }
.LBB2_21:
0x2a4: {  	_ =	sfence.sel $0x180000  }
0x2a5: {  	s0 =	simm.s32 $0x7;
	[bflag:$0x0] =	sbarrier.arrive $0xFFFF  }
0x2a6: {  	s25 =	simm.s32 $0x8;
	[sflag:s0] =	ssyncpa.u1 $0x1  }
0x2a7: {  	s26 =	simm.s32 $0x9;
	[sflag:s25] =	ssyncpa.u1 $0x1  }
0x2a8: {  	s28 =	simm.s32 $0x2;
	[sflag:s26] =	ssyncpa.u1 $0x1  }
0x2a9: {  	[sflag:s28] =	ssyncpa.u1 $0x1  }
0x2aa: {  	v0 =	vld [tilespmem:$0x3648];
	_ =	sdelay $0x4  }
0x2ab: {  	(v2sf) =	vpush v0, $0x0  }
0x2ac: {  	(v2sf) =	vpush v0, $0x1;
	_ =	sdelay $0x1  }
0x2ad: {  	(v2sf) =	vpush v0, $0x2;
	_ =	sdelay $0xb  }
0x2ae: {  	s0 =	spop (v2sf)  }
0x2af: {  	s2 =	spop (v2sf)  }
0x2b0: {  	s3 =	smov.u32 s0;
	p0 =	sne.s32 s0, s2  }
0x2b1: {  	s4 =	spop (v2sf);
	s3 =	simm.s32 @!p0 $0xFFFFFFFF  }
0x2b2: {  	v2 =	vimm.s32 $0x1;
	v3 =	vlaneseq.u32;
	p0 =	seq.s32 s4, $0xFFFFFFFF;
	v1 =	vmov s3  }
0x2b3: {  	s7 =	stileid.u32;
	v0 =	vperm.xlane v0, v2;
	p1 =	sne.s32 @!p0 s0, s2;
	v1 =	vperm.xlane v1, v3  }
0x2b4: {  	vm0 =	vcmask $0x3F04;
	s6 =	simm.s32 $0x3648;
	s0 =	simm.s32 @!p0 $0x1;
	p1 =	por !p1, p0  }
0x2b5: {  	s3 =	sshll.u32 s7, $0x1;
	s2 =	sshll.u32 @!p0 s4, $0x6;
	s0 =	simm.s32 @p1 $0x0;
	v0 =	vsel vm0, v1, v0  }
0x2b6: {  	s5 =	sor.u32 $0x200, s3;
	s2 =	sshra.s32 @!p0 s2, $0x2;
	s0 =	sor.u32 @!p0 s0, s3;
	[tilespmem:$0x3648] =	vst v0  }
0x2b7: {  	[spmem:s5] =	stream.linear.scatter [tilespmem:s6], [sflag:$0x1], $0x2, $0x38;
	[tilespmem:$0x1F0E8] =	vst v63  }
0x2b8: {  	s2 =	sadd.s32 @!p0 $0x28, s2;
	s0 =	sshll.u32 @!p0 s0, $0x4  }
0x2b9: {  	[spmem:s0] =	stream.linear.scatter @!p0 [tilespmem:s2], [sflag:$0x1], $0x10, $0x38;
	[tilespmem:$0x1F0E8] =	vst v63  }
0x2ba: {  	s0 =	simm.s32 @!p0 $0x12  }
0x2bb: {  	s3 =	simm.s32 $0x1;
	s0 =	simm.s32 @p0 $0x2  }
0x2bc: {  	_ =	swait.ge [sflag:s3], s0  }
0x2bd: {  	s0 =	ssub.s32 $0x0, s0;
	[sflag:s3] =	ssyncset.done $0x0  }
0x2be: {  	[sflag:s3] =	ssyncadd.s32 s0  }
0x2bf: {  	_ =	sfence.stream.spmem  }
0x2c0: {  	s29 =	simm.s32 $0x3;
	[bflag:$0x0] =	sbarrier.arrive $0xFFFF  }
0x2c1: {  	s30 =	simm.s32 $0x4;
	[sflag:s29] =	ssyncpa.u1 $0x1  }
0x2c2: {  	s31 =	simm.s32 $0x3C;
	[sflag:s30] =	ssyncpa.u1 $0x1  }
0x2c3: {  	p0 =	sne.s32 s7, $0x0;
	[sflag:s31] =	ssyncpa.u1 $0x1  }
0x2c4: {  	_ =	sfence @p0  }
0x2c5: {  	[sflag:s3] =	ssyncpa.u1 @p0 $0x1  }
0x2c6: {  	_ =	strace @p0 $0x90000050  }
0x2c7: {  	[bflag:$0x2] =	sbarrier.arrive @p0 $0xFFFF  }
0x2c8: {  	_ =	shalt @p0  }
.LBB2_22:
0x2c9: {  	_ =	sfence.stream.spmem;
	s0 =	simm.s32 $0x5  }
0x2ca: {  	s2 =	simm.s32 $0x200;
	s3 =	simm.s32 $0x3658;
	[sflag:s0] =	ssyncpa.u1 $0x0  }
0x2cb: {  	[tilespmem:s3], [sflag:$0x5] =	stream.linear.gather [spmem:s2], $0x20, $0x38;
	[tilespmem:$0x1F0E8] =	vst v63  }
0x2cc: {  	s30 =	simm.s32 $0x3678;
	s2 =	simm.s32 $0x0  }
0x2cd: {  	[tilespmem:s30], [sflag:$0x5] =	stream.linear.gather [spmem:s2], $0x200, $0x38;
	[tilespmem:$0x1F0E8] =	vst v63  }
.Ltmp18:
0x2ce: {  	_ = 	snop;
	(pc) =	sbr.rel .LBB2_23-.Ltmp18, $4  }
0x2cf: {  	_ =	swait.ge [sflag:s0], $0x220  }
0x2d0: {  	[sflag:s0] =	ssyncset.done $0x0  }
0x2d1: {  	s31 =	simm.s32 $0x6;
	[sflag:s0] =	ssyncadd.s32 $0xFFFFFDE0  }
0x2d2: {  	s3 =	simm.s32 $0x0;
	[sflag:s31] =	ssyncpa.u1 $0x0  }
.LBB2_28:
0x2d3: {  	p0 =	slt.u32 s4, $0xC3500  }
0x2d4: {  	s0 =	sand.u32 @p0 $0xFFFF8, s4  }
0x2d5: {  	s4 =	sand.u32 @p0 $0x7, s4;
	s5 =	simm.s32 @p0 $0x3638;
	s0 =	sadd.s32 @p0 s1, s0  }
0x2d6: {  	[tilespmem:s5], [sflag:$0x6] =	stream.linear.gather @p0 [hbm4b:s0+s4], $0x4, $0x38;
	[tilespmem:$0x1F0E8] =	vst v63  }
0x2d7: {  	s0 =	simm.s32 @p0 $0x6  }
0x2d8: {  	_ =	swait.ge @p0 [sflag:s0], $0x4  }
0x2d9: {  	[sflag:s0] =	ssyncset.done @p0 $0x0  }
0x2da: {  	[sflag:s0] =	ssyncadd.s32 @p0 $0xFFFFFFFC  }
0x2db: {  	v1 =	vld @p0 [tilespmem:$0x3638];
	_ =	sdelay $0x2  }
0x2dc: {  	s0 =	sshll.u32 @p0 s3, $0x6  }
0x2dd: {  	s5 =	sshll.u32 @!p0 s3, $0x6;
	s4 =	sshrl.u32 @p0 s0, $0x2  }
0x2de: {  	s5 =	smov.u32 @p0 s0;
	[tilespmem:s4+$0x3678] =	vst.add.f32.msk @p0 $0xffff, v1  }
0x2df: {  	s0 =	sshrl.u32 s5, $0x2;
	[tilespmem:s2+$0x3658] =	vst.msk $0x1, v0  }
0x2e0: {  	v0 =	vld [tilespmem:s0+$0x3678];
	_ =	sdelay $0x2  }
0x2e1: {  	s31 =	sshll.u32 s2, $0x6  }
0x2e2: {  	s0 =	sshra.s32 s31, $0x2  }
0x2e3: {  	s2 =	sadd.s32 $0x1, s2;
	[tilespmem:s0+$0x3678] =	vst v0  }
.LBB2_30:
0x2e4: {  	s3 =	sadd.s32 $0x1, s3  }
0x2e5: {  	p0 =	sne.s32 s3, $0x20  }
.Ltmp19:
0x2e6: {  	_ = 	snop;
	(pc) =	sbr.rel @!p0 .LBB2_31-.Ltmp19, $1  }
0x2e7: {  	_ =	sdelay $0x3  }
.LBB2_23:
0x2e8: {  	v0 =	vld.msk [tilespmem:s3+$0x3658], $0x1;
	_ =	sdelay $0x4  }
0x2e9: {  	(v2sf) =	vpush v0, $0x0;
	_ =	sdelay $0xe  }
0x2ea: {  	s4 =	spop (v2sf)  }
0x2eb: {  	p0 =	seq.s32 s4, $0xFFFFFFFF  }
.Ltmp20:
0x2ec: {  	_ = 	snop;
	(pc) =	sbr.rel @p0 .LBB2_30-.Ltmp20, $1  }
0x2ed: {  	_ =	sdelay $0x3  }
0x2ee: {  	p0 =	slt.s32 s2, $0x1  }
.Ltmp21:
0x2ef: {  	_ = 	snop;
	(pc) =	sbr.rel @p0 .LBB2_28-.Ltmp21, $1  }
0x2f0: {  	_ =	sdelay $0x3  }
0x2f1: {  	s5 =	simm.s32 $0x3658;
	p0 =	por $0x0, $0x0  }
0x2f2: {  	v1 =	vld.msk @!p0 [tilespmem:s5+$0x0], $0x1;
	_ =	sdelay $0x4  }
0x2f3: {  	(v2sf) =	vpush @!p0 v1, $0x0;
	_ =	sdelay $0xd  }
0x2f4: {  	p2 =	sne.s32 s2, $0x1  }
.Ltmp22:
0x2f5: {  	s0 =	spop @!p0 (v2sf);
	(pc) =	sbr.rel @!p2 .LBB2_27-.Ltmp22, $4  }
0x2f6: {  	p1 =	seq.s32 @!p0 s4, s0  }
0x2f7: {  	s6 =	simm.s32 $0x0;
	p1 =	por !p1, p0  }
0x2f8: {  	s0 =	simm.s32 $0xFFFFFFFF;
	s6 =	simm.s32 @p1 $0xFFFFFFFF  }
0x2f9: {  	s7 =	simm.s32 $0x1;
	s6 =	smov.u32 @p0 s0  }
.LBB2_26:
0x2fa: {  	s0 =	smov.u32 s6;
	p0 =	sne.s32 s6, $0xFFFFFFFF  }
0x2fb: {  	s5 =	sadd.s32 $0x1, s5;
	s6 =	smov.u32 s7;
	s7 =	sadd.s32 $0x1, s7  }
0x2fc: {  	p1 =	sne.s32 s2, s7;
	v1 =	vld.msk @!p0 [tilespmem:s5+$0x0], $0x1;
	_ =	sdelay $0x4  }
0x2fd: {  	(v2sf) =	vpush @!p0 v1, $0x0;
	_ =	sdelay $0xe  }
.Ltmp23:
0x2fe: {  	s8 =	spop @!p0 (v2sf);
	(pc) =	sbr.rel @p1 .LBB2_26-.Ltmp23, $4  }
0x2ff: {  	p2 =	seq.s32 @!p0 s4, s8  }
0x300: {  	p2 =	por !p2, p0  }
0x301: {  	s6 =	simm.s32 @p2 $0xFFFFFFFF  }
0x302: {  	s6 =	smov.u32 @p0 s0  }
.LBB2_27:
0x303: {  	p0 =	sne.s32 s6, $0xFFFFFFFF  }
.Ltmp24:
0x304: {  	_ = 	snop;
	(pc) =	sbr.rel @!p0 .LBB2_28-.Ltmp24, $1  }
0x305: {  	_ =	sdelay $0x3  }
0x306: {  	s0 =	sshll.u32 s3, $0x4  }
0x307: {  	s0 =	sand.u32 $0x3FFFFFF0, s0  }
0x308: {  	v0 =	vld [tilespmem:s0+$0x3678]  }
.Ltmp25:
0x309: {  	_ = 	snop;
	(pc) =	sbr.rel .LBB2_30-.Ltmp25, $4  }
0x30a: {  	_ = 	snop  }
0x30b: {  	s31 =	sshll.u32 s6, $0x6  }
0x30c: {  	s0 =	sshra.s32 s31, $0x2  }
0x30d: {  	[tilespmem:s0+$0x3678] =	vst.add.f32.msk $0xffff, v0  }
.LBB2_31:
0x30e: {  	p0 =	slt.s32 s2, $0x1  }
.Ltmp26:
0x30f: {  	_ = 	snop;
	(pc) =	sbr.rel @p0 .LBB2_35-.Ltmp26, $3  }
0x310: {  	_ =	sdelay $0x1  }
0x311: {  	s0 =	simm.s32 $0x6  }
0x312: {  	s3 =	simm.s32 $0x0;
	[sflag:s0] =	ssyncpa.u1 $0x1  }
0x313: {  	s0 =	simm.s32 $0x3658  }
0x314: {  	v0 =	vld.msk [tilespmem:s0+$0x0], $0x1;
	_ =	sdelay $0x4  }
0x315: {  	(v2sf) =	vpush v0, $0x0;
	_ =	sdelay $0xd  }
0x316: {  	s2 =	sadd.s32 $0xFFFFFFFF, s2  }
0x317: {  	p1 =	sne.s32 s2, $0x0;
	s0 =	spop (v2sf)  }
.Ltmp27:
0x318: {  	p0 =	sgt.u32 s0, $0xC34FF;
	(pc) =	sbr.rel @!p1 .LBB2_34-.Ltmp27, $4  }
0x319: {  	s4 =	simm.s32 $0x3678;
	s5 =	sand.u32 @!p0 $0xFFFF8, s0  }
0x31a: {  	s6 =	simm.s32 $0x0;
	s0 =	sand.u32 @!p0 $0x7, s0;
	s5 =	sadd.s32 @!p0 s1, s5  }
0x31b: {  	[hbm4b:s5+s0] =	stream.linear.scatter @!p0 [tilespmem:s4], [sflag:$0x5], $0x4, $0x38;
	[tilespmem:$0x1F0E8] =	vst v63  }
0x31c: {  	s6 =	simm.s32 @!p0 $0x10;
	s5 =	simm.s32 $0x3659  }
.LBB2_33:
0x31d: {  	v0 =	vld.msk [tilespmem:s5+$0x0], $0x1;
	s2 =	sadd.s32 $0xFFFFFFFF, s2;
	s3 =	sadd.s32 s3, s6  }
0x31e: {  	p0 =	sne.s32 s2, $0x0;
	_ =	sdelay $0x3  }
0x31f: {  	(v2sf) =	vpush v0, $0x0;
	_ =	sdelay $0xe  }
.Ltmp28:
0x320: {  	s0 =	spop (v2sf);
	(pc) =	sbr.rel @p0 .LBB2_33-.Ltmp28, $4  }
0x321: {  	s6 =	simm.s32 $0x0;
	p1 =	sgt.u32 s0, $0xC34FF  }
0x322: {  	s4 =	sadd.s32 $0x10, s4;
	s6 =	simm.s32 @!p1 $0x10;
	s7 =	sand.u32 @!p1 $0xFFFF8, s0  }
0x323: {  	s5 =	sadd.s32 $0x1, s5;
	s0 =	sand.u32 @!p1 $0x7, s0;
	s7 =	sadd.s32 @!p1 s1, s7  }
0x324: {  	[hbm4b:s7+s0] =	stream.linear.scatter @!p1 [tilespmem:s4], [sflag:$0x5], $0x4, $0x38;
	[tilespmem:$0x1F0E8] =	vst v63  }
.LBB2_34:
0x325: {  	s0 =	sadd.s32 s3, s6  }
0x326: {  	s3 =	sshrl.u32 s0, $0x2  }
.LBB2_35:
0x327: {  	s0 =	simm.s32 $0x5  }
0x328: {  	_ =	swait.ge [sflag:s0], s3  }
0x329: {  	s1 =	ssub.s32 $0x0, s3;
	[sflag:s0] =	ssyncset.done $0x0  }
0x32a: {  	[sflag:s0] =	ssyncadd.s32 s1  }
0x32b: {  	[sflag:s0] =	ssyncpa.u1 $0x1  }
0x32c: {  	s30 =	simm.s32 $0x1;
	_ =	sfence  }
0x32d: {  	[sflag:s30] =	ssyncpa.u1 $0x1  }
0x32e: {  	_ =	strace $0x90000050  }
0x32f: {  	[bflag:$0x2] =	sbarrier.arrive $0xFFFF  }
0x330: {  	s31 =	rddreg [dreg:$0x1]  }
0x331: {  	s0 =	sadd.s32 $0x100000, s31  }
0x332: {  	[sflag:s0] =	ssyncadd.tile.s32 $0x1;
	_ =	shalt  }
.Lfunc_end2:
_tile_overlayer_lowered:
.L_overlay_start_2:
0x333: {  	(tag) =	ssettag $0x2  }
0x334: {  	s0 =	rddreg [dreg:$0x0];
	s2 =	stileid.u32  }
0x335: {  	s1 =	rddreg [dreg:$0x1];
	p0 =	sne.s32 s2, $0x0  }
0x336: {  	s3 =	rddreg [dreg:$0x2];
	[bflag:$0x3] =	sbarrier.arrive $0xFFFF;
	s2 =	simm.s32 @!p0 $0x1C01  }
0x337: {  	[timem:s3], [sflag:s2] =	dma.local @!p0 [hbm:s0], s1  }
0x338: {  	s0 =	simm.s32 @!p0 $0x1  }
0x339: {  	_ =	swait.ge @!p0 [sflag:s0], s1  }
0x33a: {  	s1 =	ssub.s32 @!p0 $0x0, s1;
	[sflag:s0] =	ssyncset.done @!p0 $0x0  }
0x33b: {  	[sflag:s0] =	ssyncadd.s32 @!p0 s1  }
0x33c: {  	[bflag:$0x3] =	sbarrier.arrive $0xFFFF  }
0x33d: {  	_ =	shalt  }

// kernel: scatter_offload_async_start.3
scs
__scs_entry_jumppad:
0x0: {  	(pc) =	sbr.rel $0x88, $3  }
0x1: {  	(tag) =	ssettag $0x0;
	lr =	simm.s32 $0x1  }
0x2: {  	[smem:$0x3F8C] =	sst lr;
	_ =	strace $0xD0000000  }
0x3: {  	_ = 	snop  }
0x4: {  	_ = 	snop  }
0x5: {  	_ = 	snop  }
0x6: {  	_ = 	snop  }
0x7: {  	_ = 	snop  }
__scs_overlays_trampoline_lowered:
0x8: {  	[smem:$0x3F9B] =	sst s0  }
0x9: {  	[smem:$0x3F9C] =	sst s1  }
0xa: {  	[smem:$0x3F9D] =	sst s2  }
0xb: {  	[smem:$0x3F9E] =	sst s3  }
0xc: {  	[smem:$0x3F9F] =	sst s4  }
0xd: {  	[smem:$0x3FA0] =	sst s5  }
0xe: {  	[smem:$0x3FA1] =	sst s6  }
0xf: {  	[smem:$0x3FA2] =	sst s7  }
0x10: {  	[smem:$0x3FA3] =	sst s8  }
0x11: {  	[smem:$0x3FA4] =	sst s9;
	s0 =	simm.s32 @!p0 $0x0  }
0x12: {  	s1 =	sld [smem:$0x3F8A];
	s0 =	simm.s32 @p0 $0x1  }
0x13: {  	[smem:$0x3FA5] =	sst s0;
	s0 =	simm.s32 @!p1 $0x0  }
0x14: {  	s2 =	sld [smem:$0x3F89];
	s0 =	simm.s32 @p1 $0x1  }
0x15: {  	[smem:$0x3FA6] =	sst s0;
	s0 =	simm.s32 @!p2 $0x0  }
0x16: {  	s3 =	sld [smem:$0x3FDB];
	s0 =	simm.s32 @p2 $0x1  }
0x17: {  	s4 =	simm.s32 $0x1BF5;
	[smem:$0x3FA8] =	sst s0  }
0x18: {  	s0 =	sld [smem:$0x3F8B];
	_ =	swait.ge [sflag:s4], $0x0  }
0x19: {  	s7 =	sld [smem:$0x3F8C]  }
0x1a: {  	s8 =	sadd.s32 $0xFFFFE003, lr  }
0x1b: {  	s9 =	sadd.s32 $0xFFFFFEF7, lr;
	s5 =	simm.s32 $0xFFFFFFFF;
	p2 =	slt.u32 s8, $0xFFFFF086  }
0x1c: {  	p1 =	slt.u32 s9, $0xF7A;
	s5 =	simm.s32 @!p2 $0x0  }
0x1d: {  	s5 =	simm.s32 @p1 $0x1;
	p0 =	seq.s32 s7, s2  }
0x1e: {  	s7 =	smul.u32 @!p0 $0xF7A, s2;
	p2 =	seq.s32 @!p0 s5, $0x0  }
0x1f: {  	s9 =	smul.u32 $0xF7A, s1;
	s8 =	simm.s32 @!p0 $0x1BF5;
	p2 =	por !p2, p0  }
0x20: {  	[sflag:s8] =	ssyncset.s32 @!p0 $0xFFFFF086;
	s6 =	sadd.s32 @!p0 s3, s7;
	s7 =	simm.s32 @!p0 $0x108  }
0x21: {  	s3 =	sadd.s32 s3, s9;
	s6 =	sadd.s32 @!p0 $0x88, s6;
	s7 =	simm.s32 @p2 $0x1082  }
0x22: {  	[simem:s7], [sflag:s8] =	dma.local @!p0 [hbm:s6], $0xF7A  }
0x23: {  	s9 =	sor.u32 $0xD0000000, s2;
	s6 =	simm.s32 $0x108;
	_ =	swait.ge @!p0 [sflag:s8], $0x0  }
0x24: {  	s3 =	sadd.s32 $0x88, s3;
	s6 =	simm.s32 @!p1 $0x1082;
	[sflag:s4] =	ssyncset.s32 $0xFFFFF086  }
0x25: {  	[simem:s6], [sflag:s4] =	dma.local [hbm:s3], $0xF7A  }
0x26: {  	[smem:$0x3F8C] =	sst s1;
	(tag) =	ssettag s2;
	_ =	strace s9  }
0x27: {  	s1 =	sld [smem:$0x3F9C]  }
0x28: {  	s2 =	sld [smem:$0x3F9D]  }
0x29: {  	s4 =	sld [smem:$0x3F9F]  }
0x2a: {  	p0 =	seq.s32 s5, $0x0;
	s5 =	sld [smem:$0x3FA0]  }
0x2b: {  	s6 =	sld [smem:$0x3FA1]  }
0x2c: {  	s7 =	sld [smem:$0x3FA2]  }
0x2d: {  	s3 =	simm.s32 $0x108;
	s8 =	sld [smem:$0x3FA3]  }
0x2e: {  	s3 =	simm.s32 @!p0 $0x1082;
	s9 =	sld [smem:$0x3FA4]  }
0x2f: {  	lr =	sadd.s32 s0, s3;
	s0 =	sld [smem:$0x3F9B]  }
0x30: {  	s3 =	sld [smem:$0x3F9E]  }
0x31: {  	[smem:$0x3FA7] =	sst s10  }
0x32: {  	s10 =	sld [smem:$0x3FA5];
	_ =	sdelay $0x3  }
0x33: {  	p0 =	seq.s32 s10, $0x1;
	s10 =	sld [smem:$0x3FA7];
	_ =	sdelay $0x3  }
0x34: {  	[smem:$0x3FA7] =	sst s10  }
0x35: {  	s10 =	sld [smem:$0x3FA6];
	_ =	sdelay $0x3  }
0x36: {  	p1 =	seq.s32 s10, $0x1;
	s10 =	sld [smem:$0x3FA7];
	_ =	sdelay $0x3  }
0x37: {  	[smem:$0x3FA7] =	sst s10  }
0x38: {  	s10 =	sld [smem:$0x3FA8]  }
0x39: {  	_ = 	snop;
	(pc) =	sbr.ind lr, $3  }
0x3a: {  	_ = 	snop  }
0x3b: {  	_ = 	snop  }
0x3c: {  	p2 =	seq.s32 s10, $0x1;
	s10 =	sld [smem:$0x3FA7]  }
0x3d: {  	_ =	shalt  }
0x3e: {  	_ =	shalt  }
0x3f: {  	_ =	shalt  }
0x40: {  	_ =	shalt  }
0x41: {  	_ =	shalt  }
0x42: {  	_ =	shalt  }
0x43: {  	_ =	shalt  }
0x44: {  	_ =	shalt  }
0x45: {  	_ =	shalt  }
0x46: {  	_ =	shalt  }
0x47: {  	_ =	shalt  }
0x48: {  	_ =	shalt  }
0x49: {  	_ =	shalt  }
0x4a: {  	_ =	shalt  }
0x4b: {  	_ =	shalt  }
0x4c: {  	_ =	shalt  }
0x4d: {  	_ =	shalt  }
0x4e: {  	_ =	shalt  }
0x4f: {  	_ =	shalt  }
0x50: {  	_ =	shalt  }
0x51: {  	_ =	shalt  }
0x52: {  	_ =	shalt  }
0x53: {  	_ =	shalt  }
0x54: {  	_ =	shalt  }
0x55: {  	_ =	shalt  }
0x56: {  	_ =	shalt  }
0x57: {  	_ =	shalt  }
0x58: {  	_ =	shalt  }
0x59: {  	_ =	shalt  }
0x5a: {  	_ =	shalt  }
0x5b: {  	_ =	shalt  }
0x5c: {  	_ =	shalt  }
0x5d: {  	_ =	shalt  }
0x5e: {  	_ =	shalt  }
0x5f: {  	_ =	shalt  }
0x60: {  	_ =	shalt  }
0x61: {  	_ =	shalt  }
0x62: {  	_ =	shalt  }
0x63: {  	_ =	shalt  }
0x64: {  	_ =	shalt  }
0x65: {  	_ =	shalt  }
0x66: {  	_ =	shalt  }
0x67: {  	_ =	shalt  }
0x68: {  	_ =	shalt  }
0x69: {  	_ =	shalt  }
0x6a: {  	_ =	shalt  }
0x6b: {  	_ =	shalt  }
0x6c: {  	_ =	shalt  }
0x6d: {  	_ =	shalt  }
0x6e: {  	_ =	shalt  }
0x6f: {  	_ =	shalt  }
0x70: {  	_ =	shalt  }
0x71: {  	_ =	shalt  }
0x72: {  	_ =	shalt  }
0x73: {  	_ =	shalt  }
0x74: {  	_ =	shalt  }
0x75: {  	_ =	shalt  }
0x76: {  	_ =	shalt  }
0x77: {  	_ =	shalt  }
0x78: {  	_ =	shalt  }
0x79: {  	_ =	shalt  }
0x7a: {  	_ =	shalt  }
0x7b: {  	_ =	shalt  }
0x7c: {  	_ =	shalt  }
0x7d: {  	_ =	shalt  }
0x7e: {  	_ =	shalt  }
0x7f: {  	_ =	shalt  }
0x80: {  	_ =	shalt  }
0x81: {  	_ =	shalt  }
0x82: {  	_ =	shalt  }
0x83: {  	_ =	shalt  }
0x84: {  	_ =	shalt  }
0x85: {  	_ =	shalt  }
0x86: {  	_ =	shalt  }
0x87: {  	_ =	shalt  }
.Lfunc_end0:
.L_simem_size_0:
called_computation.3_lowered:
.L_overlay_start_0:
0x88: {  	s0 =	sld [smem:$0x3FD9]  }
0x89: {  	s1 =	sld [smem:$0x3FFE];
	_ =	sdelay $0x3  }
0x8a: {  	s0 =	sadd.s32 s1, s0  }
0x8b: {  	[smem:$0x3FB3] =	sst s0  }
0x8c: {  	_ = 	snop  }
0x8d: {  	(tm) =	ssettm $0x1  }
0x8e: {  	s15 =	sld [smem:$0x3FFB];
	_ =	sdelay $0x3  }
0x8f: {  	_ =	strace s15  }
0x90: {  	s0 =	sld [smem:$0x3FFC];
	_ =	sdelay $0x3  }
0x91: {  	_ =	strace s0  }
0x92: {  	s0 =	sld [smem:$0x3FFD];
	_ =	sdelay $0x3  }
0x93: {  	_ =	strace s0  }
0x94: {  	_ =	strace $0x8FFFFFFF  }
0x95: {  	s16 =	sld [smem:$0x3FDB];
	_ =	sdelay $0x1  }
0x96: {  	s17 =	simm.s32 $_scs_section_size  }
0x97: {  	s2 =	simm.s32 $_size__tile_overlayer_lowered;
	s3 =	simm.s32 $_tile_overlayer_lowered  }
0x98: {  	s20 =	simm.s32 $0x1BFF;
	s19 =	sshll.u32 s3, $0x1;
	s0 =	sadd.s32 s17, s16  }
0x99: {  	s4 =	simm.s32 $0x0;
	s18 =	sshll.u32 s2, $0x1;
	s2 =	sadd.s32 s19, s0  }
0x9a: {  	[timem:s4], [sflag:s20] =	dma.local [hbm:s2], s18  }
0x9b: {  	_ =	swait.ge [sflag:s20], s18  }
0x9c: {  	s1 =	ssub.s32 $0x0, s18;
	[sflag:s20] =	ssyncset.done $0x0  }
0x9d: {  	[sflag:s20] =	ssyncadd.s32 s1;
	_ =	sdelay $0x1  }
0x9e: {  	s21 =	simm.s32 $0x1B8B  }
0x9f: {  	_ =	swait.ge [sflag:s21], $0x1  }
0xa0: {  	[sflag:s21] =	ssyncset.done $0x0  }
0xa1: {  	s23 =	simm.s32 $0x1B8E;
	s22 =	sld [smem:$0x3FFE];
	[sflag:s21] =	ssyncadd.s32 $0xFFFFFFFF  }
0xa2: {  	s24 =	simm.s32 $execute0_lowered;
	[smem:$0x3FD2] =	sst s23  }
0xa3: {  	s2 =	sshll.u32 s24, $0x1;
	_ =	strace $0x80000055;
	[dreg:$0x1] =	wrdreg $0xFFFFFFFF  }
0xa4: {  	s25 =	simm.s32 $_size_execute0_lowered;
	s0 =	sadd.s32 s0, s2;
	[dreg:$0x0] =	wrdreg $0x0  }
0xa5: {  	s2 =	sshll.u32 s25, $0x1;
	[dreg:$0x2] =	wrdreg s0  }
0xa6: {  	[dreg:$0x3] =	wrdreg s2  }
0xa7: {  	[dreg:$0x4] =	wrdreg $0xC0  }
0xa8: {  	_ =	task [dreg:s4], $0x5FFFF  }
0xa9: {  	[dreg:$0x1] =	wrdreg $0xFFFFFFFF  }
0xaa: {  	[dreg:$0x0] =	wrdreg $0x60  }
0xab: {  	[dreg:$0x2] =	wrdreg s22  }
0xac: {  	[dreg:$0x3] =	wrdreg $0x9  }
0xad: {  	_ =	task.clear_ibuf [dreg:s4], $0x4FFFF;
	_ =	strace $0x90000055  }
0xae: {  	s26 =	simm.s32 $0x9;
	_ =	strace $0x80000057  }
0xaf: {  	_ =	swait.ge [sflag:s26], $0x1  }
0xb0: {  	[sflag:s26] =	ssyncadd.s32 $0xFFFFFFFF  }
0xb1: {  	_ =	strace $0x90000057  }
0xb2: {  	_ =	sfence  }
0xb3: {  	s28 =	sld [smem:$0x0];
	_ =	sdelay $0x1  }
0xb4: {  	s29 =	srdreg.scid  }
0xb5: {  	s30 =	sshll.u32 s29, $0xD;
	s31 =	sshrl.u32 s29, $0x2  }
0xb6: {  	s1 =	sand.u32 $0x1, s29;
	s2 =	sand.u32 $0x4000, s30;
	s0 =	sadd.s32 s31, s28  }
0xb7: {  	s1 =	sor.u32 s2, s1;
	s0 =	sshll.u32 s0, $0x11  }
0xb8: {  	s0 =	sor.u32 s0, s1  }
0xb9: {  	s0 =	sadd.s32 $0x8F2B, s0  }
0xba: {  	[sflag:s0] =	ssyncadd.remote.s32 $0x1  }
0xbb: {  	_ =	sfence.sel $0xFFFF  }
0xbc: {  	[dreg:$0x0] =	wrdreg $0xFFFFFFFF;
	(pc) =	sbr.abs _section_cstart, $3  }
0xbd: {  	[dreg:$0x1] =	wrdreg $0xFFFFFFFF  }
0xbe: {  	_ =	task.clear_ibuf [dreg:s4], $0x2FFFF;
	_ =	strace $0x9FFFFFFF  }
0xbf: {  	(tm) =	ssettm $0x7FFFFFFF  }
tec
execute0_lowered:
.L_overlay_start_1:
0x0: {  	(tag) =	ssettag $0x1  }
0x1: {  	s0 =	rddreg [dreg:$0x0];
	_ =	strace $0x80000056;
	s1 =	simm.s32 $0x1  }
0x2: {  	s8 =	simm.s32 $0x208;
	v0 =	vimm.s32 $0x0;
	[sflag:s1] =	ssyncpa.u1 $0x0  }
0x3: {  	[tilespmem:s8+$0x70] =	vst v0  }
0x4: {  	[tilespmem:s8+$0x60] =	vst v0  }
0x5: {  	[tilespmem:s8+$0x50] =	vst v0  }
0x6: {  	[tilespmem:s8+$0x40] =	vst v0  }
0x7: {  	[tilespmem:s8+$0x30] =	vst v0  }
0x8: {  	s1 =	sadd.s32 $0x1A73E00, s0;
	s10 =	sadd.s32 $0x1400, s0;
	[tilespmem:s8+$0x20] =	vst v0  }
0x9: {  	s4 =	sadd.s32 $0x83400, s0;
	s5 =	sadd.s32 $0x69400, s0;
	s0 =	simm.s32 $0x40;
	[tilespmem:s8+$0x10] =	vst v0  }
.LBB2_1:
0xa: {  	s0 =	sadd.s32 $0x40, s0;
	[tilespmem:s8+$0x0] =	vst v0;
	s8 =	sadd.s32 $0x80, s8  }
0xb: {  	p0 =	slt.u32 s0, $0x3880;
	[tilespmem:s8+$0x70] =	vst v0  }
0xc: {  	[tilespmem:s8+$0x60] =	vst v0  }
.Ltmp0:
0xd: {  	[tilespmem:s8+$0x50] =	vst v0;
	(pc) =	sbr.rel @p0 .LBB2_1-.Ltmp0, $4  }
0xe: {  	[tilespmem:s8+$0x40] =	vst v0  }
0xf: {  	[tilespmem:s8+$0x30] =	vst v0  }
0x10: {  	[tilespmem:s8+$0x20] =	vst v0  }
0x11: {  	[tilespmem:s8+$0x10] =	vst v0  }
0x12: {  	s3 =	stileid.u32  }
0x13: {  	s0 =	smul.u32 $0x1DA, s3  }
0x14: {  	s2 =	smin.u32 s3, $0x6  }
0x15: {  	s0 =	sadd.s32 s2, s0  }
0x16: {  	p0 =	slt.u32 s3, $0x6;
	s6 =	smul.u32 $0x70, s0;
	s0 =	simm.s32 $0xCFD0  }
0x17: {  	s0 =	simm.s32 @!p0 $0xCF60  }
0x18: {  	s0 =	sadd.s32 s0, s6  }
0x19: {  	s7 =	smin.u32 s0, $0xCF850  }
0x1a: {  	s0 =	ssub.s32 s7, s6  }
0x1b: {  	p0 =	sgt.s32 s0, $0x0  }
0x1c: {  	s26 =	simm.s32 $0x2;
	s0 =	simm.s32 @!p0 $0x0  }
0x1d: {  	s29 =	simm.s32 $0x7;
	s30 =	simm.s32 $0x8;
	s28 =	smulhi.u32 $0x92492493, s0  }
0x1e: {  	s31 =	simm.s32 $0x9;
	s11 =	simm.s32 $0x1;
	s21 =	simm.s32 $0x0  }
0x1f: {  	p1 =	por $0x0, $0x0;
	s15 =	simm.s32 $0x80;
	s2 =	sshrl.u32 s28, $0x6  }
0x20: {  	s16 =	simm.s32 $0x400;
	s17 =	simm.s32 $0xA;
	s9 =	smul.u32 $0x70, s2  }
.Ltmp1:
0x21: {  	[tilespmem:s8+$0x0] =	vst v0;
	v0 =	vimm.s32 $0xFFFFFFFF;
	s18 =	simm.s32 $0x0;
	[sflag:s26] =	ssyncpa.u1 $0x0;
	(pc) =	sbr.rel .LBB2_3-.Ltmp1, $4  }
0x22: {  	[tilespmem:$0xE408] =	vst v0;
	[sflag:s29] =	ssyncpa.u1 $0x0;
	p0 =	sne.s32 s0, s9;
	s0 =	simm.s32 $0x1  }
0x23: {  	s20 =	simm.s32 $0x0;
	[sflag:s30] =	ssyncpa.u1 $0x0;
	s0 =	simm.s32 @!p0 $0x0  }
0x24: {  	s13 =	sshll.u32 s3, $0x9;
	[sflag:s31] =	ssyncpa.u1 $0x0;
	s12 =	sadd.s32 s0, s2  }
0x25: {  	v0 =	vlaneseq.u32;
	s19 =	smov.u32 s6;
	p0 =	por $0x1, $0x1;
	s14 =	sadd.s32 $0x1, s12  }
.LBB2_24:
0x26: {  	s0 =	sshrl.u32 s30, $0x2  }
.LBB2_26:
0x27: {  	_ =	swait.ge [sflag:s17], s0  }
0x28: {  	s31 =	ssub.s32 $0x0, s0;
	v1 =	vmov s23;
	vm0 =	veq.s32 v0, $0x0;
	[sflag:s17] =	ssyncset.done $0x0  }
0x29: {  	vm15 =	veq.s32 v0, $0x2;
	v1 =	vsel vm0, s29, v1;
	[sflag:s17] =	ssyncadd.s32 s31  }
0x2a: {  	v1 =	vsel vm15, s21, v1;
	[sflag:s17] =	ssyncpa.u1 $0x1  }
0x2b: {  	[tilespmem:$0xE408] =	vst v1  }
.LBB2_27:
0x2c: {  	s0 =	sadd.s32 $0x70, s19  }
0x2d: {  	s2 =	smov.u32 s6;
	p2 =	slt.s32 s0, s7  }
0x2e: {  	s2 =	smov.u32 @p2 s0;
	p2 =	sne.s32 s20, s14  }
.Ltmp2:
0x2f: {  	_ = 	snop;
	(pc) =	sbr.rel @!p2 .LBB2_28-.Ltmp2, $4  }
0x30: {  	_ = 	snop  }
0x31: {  	s21 =	smov.u32 s18  }
0x32: {  	s31 =	sadd.s32 $0x1, s20;
	s18 =	smov.u32 s19;
	p0 =	por !p0, !p0  }
0x33: {  	p1 =	por !p1, !p1;
	s20 =	smov.u32 s31;
	s19 =	smov.u32 s2  }
.LBB2_3:
0x34: {  	p2 =	sge.u32 s20, s12  }
0x35: {  	s0 =	smulhi.u32 @!p2 $0xAAAAAAAB, s20  }
0x36: {  	s2 =	smov.u32 s19;
	p3 =	sgt.s32 @!p2 s19, $0xCF7E0  }
0x37: {  	s8 =	sshra.s32 @!p2 s19, $0x1F;
	p3 =	por !p3, p2;
	s0 =	sshrl.u32 @!p2 s0, $0x1  }
0x38: {  	s8 =	sand.u32 @!p2 s8, s19;
	s2 =	simm.s32 @p3 $0xCF7E0;
	s0 =	smul.u32 @!p2 $0x3, s0  }
0x39: {  	s2 =	ssub.s32 @!p2 s2, s8  }
0x3a: {  	s2 =	sadd.s32 @!p2 $0xFFF30820, s2;
	s0 =	ssub.s32 @!p2 s20, s0  }
0x3b: {  	s8 =	sshll.u32 @!p2 s2, $0x2;
	p3 =	sgt.s32 @!p2 s2, $0x6F;
	s0 =	smul.u32 @!p2 $0x1C0, s0  }
0x3c: {  	s9 =	sand.u32 @!p2 $0x7, s19;
	s2 =	ssub.s32 @!p2 $0x1C0, s8;
	p3 =	por !p3, p2  }
0x3d: {  	s8 =	sshrl.u32 @!p2 s19, $0x3;
	s2 =	sshrl.u32 @!p2 s2, $0x2;
	s0 =	sshrl.u32 @!p2 s0, $0x2  }
0x3e: {  	s8 =	sadd.s32 @!p2 s5, s8;
	s2 =	simm.s32 @!p3 $0x0;
	s0 =	sadd.s32 @!p2 $0x10438, s0  }
0x3f: {  	[tilespmem:s0], [sflag:$0x8] =	stream.linear.gather @!p2 [hbm4b:s8+s9], s2, $0x38;
	[tilespmem:$0x1E668] =	vst v63  }
0x40: {  	s0 =	sadd.s32 $0xFFFFFFFF, s20  }
0x41: {  	p2 =	sge.u32 s0, s12  }
0x42: {  	p3 =	sgt.s32 @!p2 s18, $0xCF7E0  }
0x43: {  	s2 =	smov.u32 s18;
	s8 =	sshra.s32 @!p2 s18, $0x1F;
	p3 =	por !p3, p2  }
0x44: {  	s8 =	sand.u32 @!p2 s8, s18;
	s2 =	simm.s32 @p3 $0xCF7E0  }
0x45: {  	s2 =	ssub.s32 @!p2 s2, s8  }
0x46: {  	s2 =	sadd.s32 @!p2 $0xFFF30820, s2  }
0x47: {  	s8 =	sshll.u32 @!p2 s2, $0x2  }
0x48: {  	p3 =	sgt.s32 @!p2 s2, $0x6F;
	s2 =	ssub.s32 @!p2 $0x1C0, s8  }
0x49: {  	p3 =	por !p3, p2;
	s2 =	sshrl.u32 @!p2 s2, $0x2  }
0x4a: {  	s9 =	simm.s32 @!p2 $0x8;
	s8 =	sand.u32 @!p2 $0x1, s0;
	s2 =	simm.s32 @!p3 $0x0  }
0x4b: {  	s8 =	smul.u32 @!p2 $0x1C0, s8;
	_ =	swait.ge @!p2 [sflag:s9], s2  }
0x4c: {  	s22 =	ssub.s32 @!p2 $0x0, s2;
	[sflag:s9] =	ssyncset.done @!p2 $0x0  }
0x4d: {  	s8 =	sshrl.u32 @!p2 s8, $0x2;
	[sflag:s9] =	ssyncadd.s32 @!p2 s22;
	s9 =	sshrl.u32 @!p2 s18, $0x3  }
0x4e: {  	s8 =	sor.u32 @!p2 $0x10588, s8;
	s22 =	sand.u32 @!p2 $0x7, s18;
	s9 =	sadd.s32 @!p2 s10, s9  }
0x4f: {  	[tilespmem:s8], [sflag:$0x9] =	stream.linear.gather @!p2 [hbm4b:s9+s22], s2, $0x38;
	[tilespmem:$0x1E668] =	vst v63  }
0x50: {  	s22 =	ssub.s32 @!p2 $0xCF850, s18  }
0x51: {  	p3 =	slt.s32 @!p2 s22, $0x1  }
0x52: {  	p3 =	por p2, p3  }
.Ltmp3:
0x53: {  	_ = 	snop;
	(pc) =	sbr.rel @p3 .LBB2_9-.Ltmp3, $1  }
0x54: {  	_ =	sdelay $0x3  }
0x55: {  	s2 =	smulhi.u32 $0xAAAAAAAB, s0;
	_ =	sdelay $0x1  }
0x56: {  	s2 =	sshrl.u32 s2, $0x1  }
0x57: {  	s2 =	smul.u32 $0x3, s2;
	_ =	sdelay $0x1  }
0x58: {  	s29 =	ssub.s32 s0, s2  }
0x59: {  	s8 =	simm.s32 $0x1;
	s0 =	smul.u32 $0x1C0, s29  }
.Ltmp4:
0x5a: {  	s8 =	simm.s32 @!p0 $0x0;
	(pc) =	sbr.rel .LBB2_6-.Ltmp4, $4  }
0x5b: {  	s30 =	smul.u32 $0x1C000, s8  }
0x5c: {  	p3 =	slt.s32 @!p2 s22, $0x70;
	s0 =	sshrl.u32 s0, $0x2  }
0x5d: {  	p2 =	por !p3, p2;
	s2 =	sshrl.u32 s30, $0x2;
	s31 =	sadd.s32 $0x10438, s0  }
0x5e: {  	s22 =	simm.s32 @p2 $0x70;
	s23 =	sor.u32 $0x10668, s2;
	s0 =	simm.s32 $0x0;
	v1 =	vmov s31  }
.LBB2_5:
0x5f: {  	p2 =	sge.s32 s0, s22  }
.Ltmp5:
0x60: {  	_ = 	snop;
	(pc) =	sbr.rel @p2 .LBB2_9-.Ltmp5, $2  }
0x61: {  	_ =	sdelay $0x2  }
0x62: {  	s23 =	sadd.s32 $0x1000, s23  }
.LBB2_6:
0x63: {  	p2 =	sle.s32 s22, s0  }
.Ltmp6:
0x64: {  	_ = 	snop;
	(pc) =	sbr.rel @p2 .LBB2_5-.Ltmp6, $2  }
0x65: {  	_ =	sdelay $0x2  }
0x66: {  	s24 =	smov.u32 s0;
	s0 =	sadd.s32 $0x10, s0  }
0x67: {  	s2 =	ssub.s32 s22, s24  }
0x68: {  	p2 =	slt.s32 s2, $0x10  }
0x69: {  	s2 =	simm.s32 @!p2 $0x10  }
0x6a: {  	v2 =	vmov s2  }
0x6b: {  	vm0 =	vgt.s32 v2, v0;
	_ =	sdelay $0x5  }
0x6c: {  	v2 =	vld.idx.msk [tilespmem:v1+s24+$0x0 ss:$0x1], vm0;
	_ =	sdelay $0x2  }
0x6d: {  	p2 =	slt.s32 s0, s22;
	s2 =	smov.u32 s22  }
0x6e: {  	s8 =	smov.u32 s23;
	s25 =	simm.s32 $0x0;
	s2 =	smov.u32 @p2 s0  }
.LBB2_8:
0x6f: {  	(v2sf) =	vpush v2, s25;
	_ =	sdelay $0xe  }
0x70: {  	s25 =	sadd.s32 $0x1, s25;
	s9 =	spop (v2sf)  }
0x71: {  	s31 =	sadd.s32 s25, s24;
	s26 =	sshll.u32 s9, $0x8;
	s9 =	sshll.u32 s9, $0x7  }
0x72: {  	p2 =	slt.s32 s31, s2;
	s26 =	sand.u32 $0xFFFFF800, s26;
	s9 =	sand.u32 $0x380, s9  }
.Ltmp7:
0x73: {  	s9 =	sor.u32 s9, s26;
	(pc) =	sbr.rel @p2 .LBB2_8-.Ltmp7, $4  }
0x74: {  	s9 =	sshrl.u32 s9, $0x3  }
0x75: {  	s9 =	sadd.s32 s4, s9  }
0x76: {  	[tilespmem:s8], [sflag:$0x7] =	stream.strided.gather [hbm4b:s9+s15], $0x100, s16, s15, $0x38;
	[tilespmem:$0x1E668] =	vst v63  }
0x77: {  	s8 =	sadd.s32 $0x100, s8  }
.Ltmp8:
0x78: {  	_ = 	snop;
	(pc) =	sbr.rel .LBB2_5-.Ltmp8, $1  }
0x79: {  	_ =	sdelay $0x3  }
.LBB2_9:
0x7a: {  	p2 =	slt.u32 s20, $0x2  }
.Ltmp9:
0x7b: {  	_ = 	snop;
	(pc) =	sbr.rel @p2 .LBB2_27-.Ltmp9, $1  }
0x7c: {  	_ =	sdelay $0x3  }
0x7d: {  	p2 =	sgt.s32 s21, $0xCF7E0;
	s0 =	smov.u32 s21  }
0x7e: {  	s2 =	sshra.s32 s21, $0x1F;
	s8 =	ssub.s32 $0xCF850, s21;
	s0 =	simm.s32 @!p2 $0xCF7E0  }
0x7f: {  	s2 =	sand.u32 s2, s21;
	p2 =	slt.s32 s8, $0x70;
	s9 =	smov.u32 s8  }
0x80: {  	s0 =	ssub.s32 s0, s2;
	s9 =	simm.s32 @!p2 $0x70  }
0x81: {  	s0 =	sadd.s32 $0xFFF30820, s0;
	s25 =	sshll.u32 s9, $0x8  }
0x82: {  	s3 =	simm.s32 $0x7;
	s26 =	sshll.u32 s0, $0x2;
	s2 =	sand.u32 $0x3FFFFF00, s25  }
0x83: {  	p2 =	sgt.s32 s0, $0x6F;
	s28 =	ssub.s32 $0x1C0, s26;
	_ =	swait.ge [sflag:s3], s2  }
0x84: {  	s2 =	ssub.s32 $0x0, s2;
	[sflag:s3] =	ssyncset.done $0x0;
	s0 =	sshrl.u32 s28, $0x2  }
0x85: {  	s30 =	simm.s32 $0x9;
	[sflag:s3] =	ssyncadd.s32 s2;
	s0 =	simm.s32 @p2 $0x0  }
0x86: {  	_ =	swait.ge [sflag:s30], s0  }
0x87: {  	s0 =	ssub.s32 $0x0, s0;
	[sflag:s30] =	ssyncset.done $0x0  }
0x88: {  	[sflag:s30] =	ssyncadd.s32 s0  }
0x89: {  	v1 =	vld [tilespmem:$0xE408];
	_ =	sdelay $0x4  }
0x8a: {  	(v2sf) =	vpush v1, $0x0  }
0x8b: {  	(v2sf) =	vpush v1, $0x1  }
0x8c: {  	(v2sf) =	vpush v1, $0x2;
	_ =	sdelay $0x3  }
0x8d: {  	s0 =	sadd.s32 $0x70, s21  }
0x8e: {  	p2 =	slt.s32 s7, s0  }
0x8f: {  	s0 =	smov.u32 @p2 s7;
	p2 =	sgt.s32 s8, $0x0  }
0x90: {  	s25 =	ssub.s32 s0, s21;
	s8 =	simm.s32 @!p2 $0x0  }
0x91: {  	p2 =	slt.s32 s8, s25  }
0x92: {  	s25 =	smov.u32 @p2 s8  }
0x93: {  	s24 =	simm.s32 $0x1;
	p2 =	slt.s32 s25, $0x1  }
.Ltmp10:
0x94: {  	s24 =	simm.s32 @!p1 $0x0;
	(pc) =	sbr.rel @p2 .LBB2_14-.Ltmp10, $4  }
0x95: {  	s31 =	smul.u32 $0x1C0, s24  }
0x96: {  	s26 =	spop (v2sf)  }
0x97: {  	s0 =	sshrl.u32 s31, $0x2;
	s29 =	spop (v2sf)  }
0x98: {  	s22 =	sor.u32 $0x10588, s0;
	s21 =	spop (v2sf)  }
0x99: {  	s0 =	smin.u32 s25, $0x10  }
0x9a: {  	v1 =	vmov s0  }
0x9b: {  	vm1 =	vgt.u32 v1, v0  }
0x9c: {  	p3 =	sgt.s32 s25, $0x10  }
.Ltmp11:
0x9d: {  	_ = 	snop;
	(pc) =	sbr.rel @!p3 .LBB2_13-.Ltmp11, $2  }
0x9e: {  	_ =	sdelay $0x2  }
0x9f: {  	s23 =	simm.s32 $0x10;
	s28 =	sadd.s32 $0xFFFFFFF0, s25;
	s0 =	smov.u32 s22;
	vm0 =	vmmov vm1;
	v1 =	vld.msk [tilespmem:s22+$0x0 ss:$0x1], vm1  }
.LBB2_12:
0xa0: {  	s2 =	smin.u32 s28, $0x10;
	s23 =	sadd.s32 $0x10, s23  }
0xa1: {  	v2 =	vmov s2;
	p3 =	slt.s32 s23, s25  }
0xa2: {  	vm1 =	vgt.u32 v2, v0;
	_ =	sdelay $0x1  }
0xa3: {  	v2 =	vshll.u32 v1, $0x5;
	v1 =	vshll.u32 v1, $0x4  }
.Ltmp12:
0xa4: {  	v2 =	vand.u32 $0xFFFFFF00, v2;
	v1 =	vand.u32 $0x70, v1;
	(pc) =	sbr.rel @p3 .LBB2_12-.Ltmp12, $4  }
0xa5: {  	v1 =	vor.u32 v1, v2  }
0xa6: {  	[tilespmem:s0+$0x0] =	vst.msk vm0, v1;
	s0 =	sadd.s32 $0x10, s0;
	vm0 =	vmmov vm1  }
0xa7: {  	v1 =	vld.msk [tilespmem:s0+$0x0 ss:$0x1], vm1  }
0xa8: {  	s28 =	sadd.s32 $0xFFFFFFF0, s28  }
.LBB2_13:
0xa9: {  	_ =	sdelay $0x3  }
0xaa: {  	v2 =	vshll.u32 v1, $0x5;
	v1 =	vshll.u32 v1, $0x4  }
0xab: {  	v2 =	vand.u32 $0xFFFFFF00, v2;
	v1 =	vand.u32 $0x70, v1  }
0xac: {  	v1 =	vor.u32 v1, v2  }
0xad: {  	[tilespmem:s0+$0x0] =	vst.msk vm0, v1  }
.LBB2_14:
0xae: {  	s0 =	sand.u32 $0x1, s20  }
0xaf: {  	s0 =	smul.u32 $0x70, s0  }
0xb0: {  	p3 =	sne.s32 s29, $0xFFFFFFFF  }
0xb1: {  	v1 =	vld.msk @!p3 [tilespmem:s0+$0x10588], $0x1;
	_ =	sdelay $0x4  }
0xb2: {  	(v2sf) =	vpush @!p3 v1, $0x0;
	_ =	sdelay $0xc  }
.Ltmp13:
0xb3: {  	_ = 	snop;
	(pc) =	sbr.rel @p2 .LBB2_25-.Ltmp13, $4  }
0xb4: {  	_ = 	snop  }
0xb5: {  	s28 =	spop @!p3 (v2sf)  }
0xb6: {  	s21 =	simm.s32 @!p3 $0x0;
	s23 =	smov.u32 s28  }
0xb7: {  	[sflag:s17] =	ssyncpa.u1 $0x0;
	s28 =	smov.u32 @p3 s26;
	s23 =	smov.u32 @p3 s29  }
0xb8: {  	v1 =	vld.msk [tilespmem:s22+$0x0], $0x1;
	_ =	sdelay $0x4  }
0xb9: {  	(v2sf) =	vpush v1, $0x0;
	_ =	sdelay $0xd  }
0xba: {  	s17 =	smov.u32 s6  }
0xbb: {  	s6 =	smov.u32 s14;
	s14 =	smov.u32 s5;
	s30 =	spop (v2sf)  }
0xbc: {  	s5 =	smov.u32 s10;
	s0 =	smul.u32 $0x1C000, s24;
	p2 =	seq.s32 s28, s30  }
0xbd: {  	s2 =	smov.u32 s28;
	s25 =	ssub.s32 $0x0, s25;
	p3 =	sgt.s32 @!p2 s28, $0x0  }
0xbe: {  	s26 =	simm.s32 $0x0;
	s0 =	sshrl.u32 s0, $0x2;
	p3 =	por !p3, p2  }
0xbf: {  	s29 =	sadd.s32 $0x1, s25;
	s24 =	sor.u32 $0x106E8, s0;
	s2 =	simm.s32 @p3 $0x0  }
0xc0: {  	s0 =	simm.s32 @!p2 $0x1;
	p3 =	seq.s32 s29, $0x0;
	s2 =	smin.u32 @!p2 s2, $0x186970  }
.Ltmp14:
0xc1: {  	s9 =	simm.s32 @!p2 $0x7308;
	s8 =	sand.u32 @!p2 $0x1FFFF8, s2;
	(pc) =	sbr.rel @p3 .LBB2_17-.Ltmp14, $4  }
0xc2: {  	s31 =	sadd.s32 @!p2 $0x80, s2;
	s10 =	sadd.s32 @!p2 s1, s8;
	s8 =	sand.u32 @!p2 $0x7, s2  }
0xc3: {  	[tilespmem:s9], [sflag:$0x2] =	stream.linear.gather @!p2 [hbm4b:s10+s8], $0x80, $0x38;
	[tilespmem:$0x1E668] =	vst v63  }
0xc4: {  	s0 =	smov.u32 @p2 s26;
	s9 =	sand.u32 @!p2 $0x3FFFF8, s31  }
0xc5: {  	s2 =	simm.s32 @!p2 $0x7388;
	s31 =	sadd.s32 $0x1, s22;
	s9 =	sadd.s32 @!p2 s1, s9  }
.LBB2_16:
0xc6: {  	s10 =	smov.u32 s0  }
0xc7: {  	[tilespmem:s2], [sflag:$0x2] =	stream.linear.gather @!p2 [hbm4b:s9+s8], $0x80, $0x38;
	[tilespmem:$0x1E668] =	vst v63  }
0xc8: {  	s29 =	sadd.s32 $0x1, s29;
	s8 =	smov.u32 s30;
	v1 =	vld.msk [tilespmem:s31+$0x0], $0x1  }
0xc9: {  	p3 =	seq.s32 s29, $0x0;
	_ =	sdelay $0x3  }
0xca: {  	(v2sf) =	vpush v1, $0x0;
	_ =	sdelay $0xe  }
0xcb: {  	s30 =	spop (v2sf)  }
0xcc: {  	p2 =	seq.s32 s8, s30  }
0xcd: {  	p4 =	sgt.s32 @!p2 s8, $0x0;
	s2 =	sshll.u32 @!p2 s0, $0xA;
	s0 =	sadd.s32 @!p2 $0x1, s0  }
0xce: {  	p4 =	por !p4, p2;
	s2 =	sshra.s32 @!p2 s2, $0x2;
	s0 =	smov.u32 @p2 s10  }
0xcf: {  	s8 =	simm.s32 @p4 $0x0;
	s9 =	sadd.s32 @!p2 $0x7308, s2;
	s2 =	sadd.s32 @!p2 $0x7388, s2  }
.Ltmp15:
0xd0: {  	s8 =	smin.u32 @!p2 s8, $0x186970;
	(pc) =	sbr.rel @!p3 .LBB2_16-.Ltmp15, $4  }
0xd1: {  	s10 =	sand.u32 @!p2 $0x1FFFF8, s8;
	s3 =	sadd.s32 @!p2 $0x80, s8  }
0xd2: {  	s8 =	sand.u32 @!p2 $0x7, s8;
	s10 =	sadd.s32 @!p2 s1, s10;
	s3 =	sand.u32 @!p2 $0x3FFFF8, s3  }
0xd3: {  	[tilespmem:s9], [sflag:$0x2] =	stream.linear.gather @!p2 [hbm4b:s10+s8], $0x80, $0x38;
	[tilespmem:$0x1E668] =	vst v63  }
0xd4: {  	s31 =	sadd.s32 $0x1, s31;
	s9 =	sadd.s32 @!p2 s1, s3  }
.LBB2_17:
0xd5: {  	[tilespmem:s2], [sflag:$0x2] =	stream.linear.gather @!p2 [hbm4b:s9+s8], $0x80, $0x38;
	[tilespmem:$0x1E668] =	vst v63  }
.Ltmp16:
0xd6: {  	s0 =	sshll.u32 s0, $0x8;
	(pc) =	sbr.rel .LBB2_18-.Ltmp16, $4  }
0xd7: {  	s31 =	simm.s32 $0x2;
	s30 =	simm.s32 $0x0;
	s0 =	sand.u32 $0x3FFFFF00, s0  }
0xd8: {  	s10 =	smov.u32 s5;
	s5 =	smov.u32 s14;
	_ =	swait.ge [sflag:s31], s0  }
0xd9: {  	s14 =	smov.u32 s6;
	s0 =	ssub.s32 $0x0, s0;
	[sflag:s31] =	ssyncset.done $0x0  }
0xda: {  	s6 =	smov.u32 s17;
	s17 =	simm.s32 $0xA;
	[sflag:s31] =	ssyncadd.s32 s0  }
.LBB2_19:
0xdb: {  	v1 =	vld [tilespmem:s24+$0xFFFFFF80];
	_ =	sdelay $0x4  }
0xdc: {  	[tilespmem:s31+$0x208] =	vst.add.f32.msk $0xffff, v1  }
0xdd: {  	v1 =	vld [tilespmem:s24+$0xFFFFFF90];
	_ =	sdelay $0x4  }
0xde: {  	[tilespmem:s31+$0x218] =	vst.add.f32.msk $0xffff, v1  }
0xdf: {  	v1 =	vld [tilespmem:s24+$0xFFFFFFA0];
	_ =	sdelay $0x4  }
0xe0: {  	[tilespmem:s31+$0x228] =	vst.add.f32.msk $0xffff, v1  }
0xe1: {  	v1 =	vld [tilespmem:s24+$0xFFFFFFB0];
	_ =	sdelay $0x4  }
0xe2: {  	[tilespmem:s31+$0x238] =	vst.add.f32.msk $0xffff, v1  }
0xe3: {  	v1 =	vld [tilespmem:s24+$0xFFFFFFC0];
	_ =	sdelay $0x4  }
0xe4: {  	[tilespmem:s31+$0x248] =	vst.add.f32.msk $0xffff, v1  }
0xe5: {  	v1 =	vld [tilespmem:s24+$0xFFFFFFD0];
	_ =	sdelay $0x4  }
0xe6: {  	[tilespmem:s31+$0x258] =	vst.add.f32.msk $0xffff, v1  }
0xe7: {  	v1 =	vld [tilespmem:s24+$0xFFFFFFE0];
	_ =	sdelay $0x4  }
0xe8: {  	[tilespmem:s31+$0x268] =	vst.add.f32.msk $0xffff, v1  }
0xe9: {  	v1 =	vld [tilespmem:s24+$0xFFFFFFF0];
	_ =	sdelay $0x4  }
0xea: {  	[tilespmem:s31+$0x278] =	vst.add.f32.msk $0xffff, v1  }
0xeb: {  	v1 =	vld [tilespmem:s24+$0x0];
	_ =	sdelay $0x4  }
0xec: {  	[tilespmem:s31+$0x288] =	vst.add.f32.msk $0xffff, v1  }
0xed: {  	v1 =	vld [tilespmem:s24+$0x10];
	_ =	sdelay $0x4  }
0xee: {  	[tilespmem:s31+$0x298] =	vst.add.f32.msk $0xffff, v1  }
0xef: {  	v1 =	vld [tilespmem:s24+$0x20];
	_ =	sdelay $0x4  }
0xf0: {  	[tilespmem:s31+$0x2A8] =	vst.add.f32.msk $0xffff, v1  }
0xf1: {  	v1 =	vld [tilespmem:s24+$0x30];
	_ =	sdelay $0x4  }
0xf2: {  	[tilespmem:s31+$0x2B8] =	vst.add.f32.msk $0xffff, v1  }
0xf3: {  	v1 =	vld [tilespmem:s24+$0x40];
	_ =	sdelay $0x4  }
0xf4: {  	[tilespmem:s31+$0x2C8] =	vst.add.f32.msk $0xffff, v1  }
0xf5: {  	v1 =	vld [tilespmem:s24+$0x50];
	_ =	sdelay $0x4  }
0xf6: {  	[tilespmem:s31+$0x2D8] =	vst.add.f32.msk $0xffff, v1  }
0xf7: {  	v1 =	vld [tilespmem:s24+$0x60];
	_ =	sdelay $0x4  }
0xf8: {  	[tilespmem:s31+$0x2E8] =	vst.add.f32.msk $0xffff, v1  }
0xf9: {  	v1 =	vld [tilespmem:s24+$0x70];
	_ =	sdelay $0x4  }
0xfa: {  	[tilespmem:s31+$0x2F8] =	vst.add.f32.msk $0xffff, v1  }
.LBB2_23:
0xfb: {  	s25 =	sadd.s32 $0x1, s25  }
0xfc: {  	p2 =	seq.s32 s25, $0x0  }
.Ltmp17:
0xfd: {  	_ = 	snop;
	(pc) =	sbr.rel @p2 .LBB2_24-.Ltmp17, $2  }
0xfe: {  	_ =	sdelay $0x2  }
0xff: {  	s22 =	sadd.s32 $0x1, s22;
	s24 =	sadd.s32 $0x100, s24;
	s28 =	smov.u32 s29  }
.LBB2_18:
0x100: {  	v1 =	vld.msk [tilespmem:s22+$0x0], $0x1;
	_ =	sdelay $0x4  }
0x101: {  	(v2sf) =	vpush v1, $0x0;
	_ =	sdelay $0xe  }
0x102: {  	s29 =	spop (v2sf)  }
0x103: {  	p2 =	sne.s32 s28, s29  }
.Ltmp18:
0x104: {  	_ = 	snop;
	(pc) =	sbr.rel @!p2 .LBB2_19-.Ltmp18, $3  }
0x105: {  	_ =	sdelay $0x1  }
0x106: {  	s0 =	sshll.u32 s21, $0xA  }
0x107: {  	s31 =	sshra.s32 s0, $0x2  }
0x108: {  	p2 =	seq.s32 s28, s23  }
.Ltmp19:
0x109: {  	_ = 	snop;
	(pc) =	sbr.rel @!p2 .LBB2_21-.Ltmp19, $1  }
0x10a: {  	_ =	sdelay $0x3  }
.Ltmp20:
0x10b: {  	s0 =	sadd.s32 $0x208, s31;
	(pc) =	sbr.rel .LBB2_22-.Ltmp20, $4  }
0x10c: {  	[spmem:s13] =	stream.linear.scatter [tilespmem:s0], [sflag:$0x1], $0x100, $0x38;
	[tilespmem:$0x1E668] =	vst v63  }
0x10d: {  	_ =	swait.ge [sflag:s11], $0x100  }
0x10e: {  	[sflag:s11] =	ssyncset.done $0x0  }
0x10f: {  	[sflag:s11] =	ssyncadd.s32 $0xFFFFFF00  }
.LBB2_21:
0x110: {  	s0 =	sshll.u32 s26, $0xA  }
0x111: {  	s0 =	sshra.s32 s0, $0x2  }
0x112: {  	v1 =	vld [tilespmem:s0+$0x7308];
	_ =	sdelay $0x4  }
0x113: {  	[tilespmem:s31+$0x208] =	vst.add.f32.msk $0xffff, v1  }
0x114: {  	v1 =	vld [tilespmem:s0+$0x7318];
	_ =	sdelay $0x4  }
0x115: {  	[tilespmem:s31+$0x218] =	vst.add.f32.msk $0xffff, v1  }
0x116: {  	v1 =	vld [tilespmem:s0+$0x7328];
	_ =	sdelay $0x4  }
0x117: {  	[tilespmem:s31+$0x228] =	vst.add.f32.msk $0xffff, v1  }
0x118: {  	v1 =	vld [tilespmem:s0+$0x7338];
	_ =	sdelay $0x4  }
0x119: {  	[tilespmem:s31+$0x238] =	vst.add.f32.msk $0xffff, v1  }
0x11a: {  	v1 =	vld [tilespmem:s0+$0x7348];
	_ =	sdelay $0x4  }
0x11b: {  	[tilespmem:s31+$0x248] =	vst.add.f32.msk $0xffff, v1  }
0x11c: {  	v1 =	vld [tilespmem:s0+$0x7358];
	_ =	sdelay $0x4  }
0x11d: {  	[tilespmem:s31+$0x258] =	vst.add.f32.msk $0xffff, v1  }
0x11e: {  	v1 =	vld [tilespmem:s0+$0x7368];
	_ =	sdelay $0x4  }
0x11f: {  	[tilespmem:s31+$0x268] =	vst.add.f32.msk $0xffff, v1  }
0x120: {  	v1 =	vld [tilespmem:s0+$0x7378];
	_ =	sdelay $0x4  }
0x121: {  	[tilespmem:s31+$0x278] =	vst.add.f32.msk $0xffff, v1  }
0x122: {  	v1 =	vld [tilespmem:s0+$0x7388];
	_ =	sdelay $0x4  }
0x123: {  	[tilespmem:s31+$0x288] =	vst.add.f32.msk $0xffff, v1  }
0x124: {  	v1 =	vld [tilespmem:s0+$0x7398];
	_ =	sdelay $0x4  }
0x125: {  	[tilespmem:s31+$0x298] =	vst.add.f32.msk $0xffff, v1  }
0x126: {  	v1 =	vld [tilespmem:s0+$0x73A8];
	_ =	sdelay $0x4  }
0x127: {  	[tilespmem:s31+$0x2A8] =	vst.add.f32.msk $0xffff, v1  }
0x128: {  	v1 =	vld [tilespmem:s0+$0x73B8];
	_ =	sdelay $0x4  }
0x129: {  	[tilespmem:s31+$0x2B8] =	vst.add.f32.msk $0xffff, v1  }
0x12a: {  	v1 =	vld [tilespmem:s0+$0x73C8];
	_ =	sdelay $0x4  }
0x12b: {  	[tilespmem:s31+$0x2C8] =	vst.add.f32.msk $0xffff, v1  }
0x12c: {  	v1 =	vld [tilespmem:s0+$0x73D8];
	_ =	sdelay $0x4  }
0x12d: {  	[tilespmem:s31+$0x2D8] =	vst.add.f32.msk $0xffff, v1  }
0x12e: {  	v1 =	vld [tilespmem:s0+$0x73E8];
	_ =	sdelay $0x4  }
0x12f: {  	[tilespmem:s31+$0x2E8] =	vst.add.f32.msk $0xffff, v1  }
0x130: {  	v1 =	vld [tilespmem:s0+$0x73F8];
	_ =	sdelay $0x2  }
0x131: {  	p2 =	sgt.u32 s28, $0x186970  }
0x132: {  	s0 =	sand.u32 @!p2 $0x1FFFF8, s28  }
0x133: {  	s2 =	sadd.s32 $0x208, s31;
	s3 =	sand.u32 @!p2 $0x7, s28;
	s0 =	sadd.s32 @!p2 s1, s0;
	[tilespmem:s31+$0x2F8] =	vst.add.f32.msk $0xffff, v1  }
0x134: {  	[hbm4b:s0+s3] =	stream.linear.scatter @!p2 [tilespmem:s2], [sflag:$0xA], $0x80, $0x38;
	[tilespmem:$0x1E668] =	vst v63  }
0x135: {  	s0 =	sadd.s32 @!p2 $0x80, s28  }
0x136: {  	s0 =	sand.u32 @!p2 $0x3FFFF8, s0  }
0x137: {  	s2 =	sadd.s32 $0x288, s31;
	s0 =	sadd.s32 @!p2 s1, s0  }
0x138: {  	[hbm4b:s0+s3] =	stream.linear.scatter @!p2 [tilespmem:s2], [sflag:$0xA], $0x80, $0x38;
	[tilespmem:$0x1E668] =	vst v63  }
0x139: {  	s0 =	simm.s32 $0x0  }
0x13a: {  	s0 =	simm.s32 @!p2 $0x400  }
0x13b: {  	s30 =	sadd.s32 s0, s30  }
.LBB2_22:
0x13c: {  	s0 =	sadd.s32 $0x1, s21  }
0x13d: {  	s2 =	sshrl.u32 s0, $0x4  }
0x13e: {  	s2 =	smulhi.u32 $0x24924925, s2  }
0x13f: {  	v1 =	vld [tilespmem:s24+$0xFFFFFF80]  }
0x140: {  	s2 =	smul.u32 $0x70, s2;
	_ =	sdelay $0x1  }
0x141: {  	s21 =	ssub.s32 s0, s2  }
0x142: {  	s0 =	sshll.u32 s21, $0x8  }
0x143: {  	[tilespmem:s0+$0x208] =	vst v1  }
0x144: {  	v1 =	vld [tilespmem:s24+$0xFFFFFF90];
	_ =	sdelay $0x4  }
0x145: {  	[tilespmem:s0+$0x218] =	vst v1  }
0x146: {  	v1 =	vld [tilespmem:s24+$0xFFFFFFA0];
	_ =	sdelay $0x4  }
0x147: {  	[tilespmem:s0+$0x228] =	vst v1  }
0x148: {  	v1 =	vld [tilespmem:s24+$0xFFFFFFB0];
	_ =	sdelay $0x4  }
0x149: {  	[tilespmem:s0+$0x238] =	vst v1  }
0x14a: {  	v1 =	vld [tilespmem:s24+$0xFFFFFFC0];
	_ =	sdelay $0x4  }
0x14b: {  	[tilespmem:s0+$0x248] =	vst v1  }
0x14c: {  	v1 =	vld [tilespmem:s24+$0xFFFFFFD0];
	_ =	sdelay $0x4  }
0x14d: {  	[tilespmem:s0+$0x258] =	vst v1  }
0x14e: {  	v1 =	vld [tilespmem:s24+$0xFFFFFFE0];
	_ =	sdelay $0x4  }
0x14f: {  	[tilespmem:s0+$0x268] =	vst v1  }
0x150: {  	v1 =	vld [tilespmem:s24+$0xFFFFFFF0];
	_ =	sdelay $0x4  }
0x151: {  	[tilespmem:s0+$0x278] =	vst v1  }
0x152: {  	v1 =	vld [tilespmem:s24+$0x0];
	_ =	sdelay $0x4  }
0x153: {  	[tilespmem:s0+$0x288] =	vst v1  }
0x154: {  	v1 =	vld [tilespmem:s24+$0x10];
	_ =	sdelay $0x4  }
0x155: {  	[tilespmem:s0+$0x298] =	vst v1  }
0x156: {  	v1 =	vld [tilespmem:s24+$0x20];
	_ =	sdelay $0x4  }
0x157: {  	[tilespmem:s0+$0x2A8] =	vst v1  }
0x158: {  	v1 =	vld [tilespmem:s24+$0x30];
	_ =	sdelay $0x4  }
0x159: {  	[tilespmem:s0+$0x2B8] =	vst v1  }
0x15a: {  	v1 =	vld [tilespmem:s24+$0x40];
	_ =	sdelay $0x4  }
0x15b: {  	[tilespmem:s0+$0x2C8] =	vst v1  }
0x15c: {  	v1 =	vld [tilespmem:s24+$0x50];
	_ =	sdelay $0x4  }
0x15d: {  	[tilespmem:s0+$0x2D8] =	vst v1  }
0x15e: {  	v1 =	vld [tilespmem:s24+$0x60];
	_ =	sdelay $0x4  }
0x15f: {  	[tilespmem:s0+$0x2E8] =	vst v1  }
0x160: {  	v1 =	vld [tilespmem:s24+$0x70]  }
.Ltmp21:
0x161: {  	_ = 	snop;
	(pc) =	sbr.rel .LBB2_23-.Ltmp21, $2  }
0x162: {  	_ =	sdelay $0x2  }
0x163: {  	s26 =	sadd.s32 $0x1, s26;
	[tilespmem:s0+$0x2F8] =	vst v1  }
.LBB2_25:
.Ltmp22:
0x164: {  	(pc) =	sbr.rel .LBB2_26-.Ltmp22, $4  }
0x165: {  	_ = 	snop  }
0x166: {  	s0 =	simm.s32 $0x2  }
0x167: {  	_ =	swait.ge [sflag:s0], $0x0  }
0x168: {  	s29 =	smov.u32 s28;
	[sflag:s0] =	ssyncset.done $0x0;
	s0 =	simm.s32 $0x0  }
.LBB2_28:
0x169: {  	_ =	sfence.sel $0x180000  }
0x16a: {  	s0 =	simm.s32 $0x7;
	[bflag:$0x0] =	sbarrier.arrive $0xFFFF  }
0x16b: {  	s25 =	simm.s32 $0x8;
	[sflag:s0] =	ssyncpa.u1 $0x1  }
0x16c: {  	s26 =	simm.s32 $0x9;
	[sflag:s25] =	ssyncpa.u1 $0x1  }
0x16d: {  	s28 =	simm.s32 $0x2;
	[sflag:s26] =	ssyncpa.u1 $0x1  }
0x16e: {  	[sflag:s28] =	ssyncpa.u1 $0x1  }
0x16f: {  	v0 =	vld [tilespmem:$0xE408];
	_ =	sdelay $0x4  }
0x170: {  	(v2sf) =	vpush v0, $0x0  }
0x171: {  	(v2sf) =	vpush v0, $0x1;
	_ =	sdelay $0x1  }
0x172: {  	(v2sf) =	vpush v0, $0x2;
	_ =	sdelay $0xb  }
0x173: {  	s0 =	spop (v2sf)  }
0x174: {  	s2 =	spop (v2sf)  }
0x175: {  	s3 =	smov.u32 s0;
	p0 =	sne.s32 s0, s2  }
0x176: {  	s4 =	spop (v2sf);
	s3 =	simm.s32 @!p0 $0xFFFFFFFF  }
0x177: {  	v2 =	vimm.s32 $0x1;
	v3 =	vlaneseq.u32;
	p0 =	seq.s32 s4, $0xFFFFFFFF;
	v1 =	vmov s3  }
0x178: {  	s7 =	stileid.u32;
	v0 =	vperm.xlane v0, v2;
	p1 =	sne.s32 @!p0 s0, s2;
	v1 =	vperm.xlane v1, v3  }
0x179: {  	vm0 =	vcmask $0x3F04;
	s6 =	simm.s32 $0xE408;
	s0 =	simm.s32 @!p0 $0x1;
	p1 =	por !p1, p0  }
0x17a: {  	s3 =	sshll.u32 s7, $0x1;
	s2 =	sshll.u32 @!p0 s4, $0xA;
	s0 =	simm.s32 @p1 $0x0;
	v0 =	vsel vm0, v1, v0  }
0x17b: {  	s5 =	sor.u32 $0x2000, s3;
	s2 =	sshra.s32 @!p0 s2, $0x2;
	s0 =	sor.u32 @!p0 s0, s3;
	[tilespmem:$0xE408] =	vst v0  }
0x17c: {  	[spmem:s5] =	stream.linear.scatter [tilespmem:s6], [sflag:$0x1], $0x2, $0x38;
	[tilespmem:$0x1E668] =	vst v63  }
0x17d: {  	s2 =	sadd.s32 @!p0 $0x208, s2;
	s0 =	sshll.u32 @!p0 s0, $0x8  }
0x17e: {  	[spmem:s0] =	stream.linear.scatter @!p0 [tilespmem:s2], [sflag:$0x1], $0x100, $0x38;
	[tilespmem:$0x1E668] =	vst v63  }
0x17f: {  	s2 =	simm.s32 @!p0 $0x102  }
0x180: {  	s0 =	simm.s32 $0x1;
	s2 =	simm.s32 @p0 $0x2  }
0x181: {  	_ =	swait.ge [sflag:s0], s2  }
0x182: {  	s2 =	ssub.s32 $0x0, s2;
	[sflag:s0] =	ssyncset.done $0x0  }
0x183: {  	[sflag:s0] =	ssyncadd.s32 s2  }
0x184: {  	_ =	sfence.stream.spmem  }
0x185: {  	s29 =	simm.s32 $0x3;
	[bflag:$0x0] =	sbarrier.arrive $0xFFFF  }
0x186: {  	s30 =	simm.s32 $0x4;
	[sflag:s29] =	ssyncpa.u1 $0x1  }
0x187: {  	s31 =	simm.s32 $0x3C;
	[sflag:s30] =	ssyncpa.u1 $0x1  }
0x188: {  	p0 =	sne.s32 s7, $0x0;
	[sflag:s31] =	ssyncpa.u1 $0x1  }
0x189: {  	_ =	sfence @p0  }
0x18a: {  	[sflag:s0] =	ssyncpa.u1 @p0 $0x1  }
0x18b: {  	_ =	strace @p0 $0x90000056  }
0x18c: {  	[bflag:$0x2] =	sbarrier.arrive @p0 $0xFFFF  }
0x18d: {  	_ =	shalt @p0  }
.LBB2_29:
0x18e: {  	_ =	sfence.stream.spmem;
	s0 =	simm.s32 $0x5  }
0x18f: {  	s2 =	simm.s32 $0x2000;
	s3 =	simm.s32 $0xE418;
	[sflag:s0] =	ssyncpa.u1 $0x0  }
0x190: {  	[tilespmem:s3], [sflag:$0x5] =	stream.linear.gather [spmem:s2], $0x20, $0x38;
	[tilespmem:$0x1E668] =	vst v63  }
0x191: {  	s30 =	simm.s32 $0xE438;
	s2 =	simm.s32 $0x0  }
0x192: {  	[tilespmem:s30], [sflag:$0x5] =	stream.linear.gather [spmem:s2], $0x2000, $0x38;
	[tilespmem:$0x1E668] =	vst v63  }
.Ltmp23:
0x193: {  	_ = 	snop;
	(pc) =	sbr.rel .LBB2_30-.Ltmp23, $4  }
0x194: {  	_ =	swait.ge [sflag:s0], $0x2020  }
0x195: {  	[sflag:s0] =	ssyncset.done $0x0  }
0x196: {  	s31 =	simm.s32 $0x6;
	[sflag:s0] =	ssyncadd.s32 $0xFFFFDFE0  }
0x197: {  	s3 =	simm.s32 $0x0;
	[sflag:s31] =	ssyncpa.u1 $0x0  }
.LBB2_36:
0x198: {  	p0 =	slt.u32 s4, $0x186971  }
0x199: {  	s0 =	sand.u32 @p0 $0x1FFFF8, s4  }
0x19a: {  	s5 =	sand.u32 @p0 $0x7, s4;
	s6 =	simm.s32 @p0 $0xE308;
	s0 =	sadd.s32 @p0 s1, s0  }
0x19b: {  	[tilespmem:s6], [sflag:$0x6] =	stream.linear.gather @p0 [hbm4b:s0+s5], $0x80, $0x38;
	[tilespmem:$0x1E668] =	vst v63  }
0x19c: {  	s0 =	sadd.s32 @p0 $0x80, s4  }
0x19d: {  	s0 =	sand.u32 @p0 $0x3FFFF8, s0  }
0x19e: {  	s4 =	simm.s32 @p0 $0xE388;
	s0 =	sadd.s32 @p0 s1, s0  }
0x19f: {  	[tilespmem:s4], [sflag:$0x6] =	stream.linear.gather @p0 [hbm4b:s0+s5], $0x80, $0x38;
	[tilespmem:$0x1E668] =	vst v63  }
0x1a0: {  	s0 =	simm.s32 @p0 $0x6  }
0x1a1: {  	_ =	swait.ge @p0 [sflag:s0], $0x100  }
0x1a2: {  	[sflag:s0] =	ssyncset.done @p0 $0x0  }
0x1a3: {  	[sflag:s0] =	ssyncadd.s32 @p0 $0xFFFFFF00  }
0x1a4: {  	v1 =	vld @p0 [tilespmem:$0xE308];
	_ =	sdelay $0x2  }
0x1a5: {  	s0 =	sshll.u32 @p0 s3, $0xA  }
0x1a6: {  	s4 =	sshrl.u32 @p0 s0, $0x2  }
0x1a7: {  	[tilespmem:s4+$0xE438] =	vst.add.f32.msk @p0 $0xffff, v1  }
0x1a8: {  	v1 =	vld @p0 [tilespmem:$0xE318];
	_ =	sdelay $0x4  }
0x1a9: {  	[tilespmem:s4+$0xE448] =	vst.add.f32.msk @p0 $0xffff, v1  }
0x1aa: {  	v1 =	vld @p0 [tilespmem:$0xE328];
	_ =	sdelay $0x4  }
0x1ab: {  	[tilespmem:s4+$0xE458] =	vst.add.f32.msk @p0 $0xffff, v1  }
0x1ac: {  	v1 =	vld @p0 [tilespmem:$0xE338];
	_ =	sdelay $0x4  }
0x1ad: {  	[tilespmem:s4+$0xE468] =	vst.add.f32.msk @p0 $0xffff, v1  }
0x1ae: {  	v1 =	vld @p0 [tilespmem:$0xE348];
	_ =	sdelay $0x4  }
0x1af: {  	[tilespmem:s4+$0xE478] =	vst.add.f32.msk @p0 $0xffff, v1  }
0x1b0: {  	v1 =	vld @p0 [tilespmem:$0xE358];
	_ =	sdelay $0x4  }
0x1b1: {  	[tilespmem:s4+$0xE488] =	vst.add.f32.msk @p0 $0xffff, v1  }
0x1b2: {  	v1 =	vld @p0 [tilespmem:$0xE368];
	_ =	sdelay $0x4  }
0x1b3: {  	[tilespmem:s4+$0xE498] =	vst.add.f32.msk @p0 $0xffff, v1  }
0x1b4: {  	v1 =	vld @p0 [tilespmem:$0xE378];
	_ =	sdelay $0x4  }
0x1b5: {  	[tilespmem:s4+$0xE4A8] =	vst.add.f32.msk @p0 $0xffff, v1  }
0x1b6: {  	v1 =	vld @p0 [tilespmem:$0xE388];
	_ =	sdelay $0x4  }
0x1b7: {  	[tilespmem:s4+$0xE4B8] =	vst.add.f32.msk @p0 $0xffff, v1  }
0x1b8: {  	v1 =	vld @p0 [tilespmem:$0xE398];
	_ =	sdelay $0x4  }
0x1b9: {  	[tilespmem:s4+$0xE4C8] =	vst.add.f32.msk @p0 $0xffff, v1  }
0x1ba: {  	v1 =	vld @p0 [tilespmem:$0xE3A8];
	_ =	sdelay $0x4  }
0x1bb: {  	[tilespmem:s4+$0xE4D8] =	vst.add.f32.msk @p0 $0xffff, v1  }
0x1bc: {  	v1 =	vld @p0 [tilespmem:$0xE3B8];
	_ =	sdelay $0x4  }
0x1bd: {  	[tilespmem:s4+$0xE4E8] =	vst.add.f32.msk @p0 $0xffff, v1  }
0x1be: {  	v1 =	vld @p0 [tilespmem:$0xE3C8];
	_ =	sdelay $0x4  }
0x1bf: {  	[tilespmem:s4+$0xE4F8] =	vst.add.f32.msk @p0 $0xffff, v1  }
0x1c0: {  	v1 =	vld @p0 [tilespmem:$0xE3D8];
	_ =	sdelay $0x4  }
0x1c1: {  	[tilespmem:s4+$0xE508] =	vst.add.f32.msk @p0 $0xffff, v1  }
0x1c2: {  	v1 =	vld @p0 [tilespmem:$0xE3E8];
	_ =	sdelay $0x4  }
0x1c3: {  	[tilespmem:s4+$0xE518] =	vst.add.f32.msk @p0 $0xffff, v1  }
0x1c4: {  	v1 =	vld @p0 [tilespmem:$0xE3F8];
	_ =	sdelay $0x3  }
0x1c5: {  	s5 =	sshll.u32 @!p0 s3, $0xA  }
0x1c6: {  	s5 =	smov.u32 @p0 s0;
	[tilespmem:s4+$0xE528] =	vst.add.f32.msk @p0 $0xffff, v1  }
0x1c7: {  	s0 =	sshrl.u32 s5, $0x2;
	[tilespmem:s2+$0xE418] =	vst.msk $0x1, v0  }
0x1c8: {  	v0 =	vld [tilespmem:s0+$0xE438];
	_ =	sdelay $0x2  }
0x1c9: {  	s31 =	sshll.u32 s2, $0xA  }
0x1ca: {  	s4 =	sshra.s32 s31, $0x2  }
0x1cb: {  	[tilespmem:s4+$0xE438] =	vst v0  }
0x1cc: {  	v0 =	vld [tilespmem:s0+$0xE448];
	_ =	sdelay $0x4  }
0x1cd: {  	[tilespmem:s4+$0xE448] =	vst v0  }
0x1ce: {  	v0 =	vld [tilespmem:s0+$0xE458];
	_ =	sdelay $0x4  }
0x1cf: {  	[tilespmem:s4+$0xE458] =	vst v0  }
0x1d0: {  	v0 =	vld [tilespmem:s0+$0xE468];
	_ =	sdelay $0x4  }
0x1d1: {  	[tilespmem:s4+$0xE468] =	vst v0  }
0x1d2: {  	v0 =	vld [tilespmem:s0+$0xE478];
	_ =	sdelay $0x4  }
0x1d3: {  	[tilespmem:s4+$0xE478] =	vst v0  }
0x1d4: {  	v0 =	vld [tilespmem:s0+$0xE488];
	_ =	sdelay $0x4  }
0x1d5: {  	[tilespmem:s4+$0xE488] =	vst v0  }
0x1d6: {  	v0 =	vld [tilespmem:s0+$0xE498];
	_ =	sdelay $0x4  }
0x1d7: {  	[tilespmem:s4+$0xE498] =	vst v0  }
0x1d8: {  	v0 =	vld [tilespmem:s0+$0xE4A8];
	_ =	sdelay $0x4  }
0x1d9: {  	[tilespmem:s4+$0xE4A8] =	vst v0  }
0x1da: {  	v0 =	vld [tilespmem:s0+$0xE4B8];
	_ =	sdelay $0x4  }
0x1db: {  	[tilespmem:s4+$0xE4B8] =	vst v0  }
0x1dc: {  	v0 =	vld [tilespmem:s0+$0xE4C8];
	_ =	sdelay $0x4  }
0x1dd: {  	[tilespmem:s4+$0xE4C8] =	vst v0  }
0x1de: {  	v0 =	vld [tilespmem:s0+$0xE4D8];
	_ =	sdelay $0x4  }
0x1df: {  	[tilespmem:s4+$0xE4D8] =	vst v0  }
0x1e0: {  	v0 =	vld [tilespmem:s0+$0xE4E8];
	_ =	sdelay $0x4  }
0x1e1: {  	[tilespmem:s4+$0xE4E8] =	vst v0  }
0x1e2: {  	v0 =	vld [tilespmem:s0+$0xE4F8];
	_ =	sdelay $0x4  }
0x1e3: {  	[tilespmem:s4+$0xE4F8] =	vst v0  }
0x1e4: {  	v0 =	vld [tilespmem:s0+$0xE508];
	_ =	sdelay $0x4  }
0x1e5: {  	[tilespmem:s4+$0xE508] =	vst v0  }
0x1e6: {  	v0 =	vld [tilespmem:s0+$0xE518];
	_ =	sdelay $0x4  }
0x1e7: {  	[tilespmem:s4+$0xE518] =	vst v0  }
0x1e8: {  	v0 =	vld [tilespmem:s0+$0xE528];
	_ =	sdelay $0x4  }
0x1e9: {  	s2 =	sadd.s32 $0x1, s2;
	[tilespmem:s4+$0xE528] =	vst v0  }
.LBB2_37:
0x1ea: {  	s3 =	sadd.s32 $0x1, s3  }
0x1eb: {  	p0 =	sne.s32 s3, $0x20  }
.Ltmp24:
0x1ec: {  	_ = 	snop;
	(pc) =	sbr.rel @!p0 .LBB2_38-.Ltmp24, $1  }
0x1ed: {  	_ =	sdelay $0x3  }
.LBB2_30:
0x1ee: {  	v0 =	vld.msk [tilespmem:s3+$0xE418], $0x1;
	_ =	sdelay $0x4  }
0x1ef: {  	(v2sf) =	vpush v0, $0x0;
	_ =	sdelay $0xe  }
0x1f0: {  	s4 =	spop (v2sf)  }
0x1f1: {  	p0 =	seq.s32 s4, $0xFFFFFFFF  }
.Ltmp25:
0x1f2: {  	_ = 	snop;
	(pc) =	sbr.rel @p0 .LBB2_37-.Ltmp25, $1  }
0x1f3: {  	_ =	sdelay $0x3  }
0x1f4: {  	p0 =	slt.s32 s2, $0x1  }
.Ltmp26:
0x1f5: {  	_ = 	snop;
	(pc) =	sbr.rel @p0 .LBB2_36-.Ltmp26, $1  }
0x1f6: {  	_ =	sdelay $0x3  }
0x1f7: {  	s5 =	simm.s32 $0xE418;
	p0 =	por $0x0, $0x0  }
0x1f8: {  	v1 =	vld.msk @!p0 [tilespmem:s5+$0x0], $0x1;
	_ =	sdelay $0x4  }
0x1f9: {  	(v2sf) =	vpush @!p0 v1, $0x0;
	_ =	sdelay $0xd  }
0x1fa: {  	p2 =	sne.s32 s2, $0x1  }
.Ltmp27:
0x1fb: {  	s0 =	spop @!p0 (v2sf);
	(pc) =	sbr.rel @!p2 .LBB2_34-.Ltmp27, $4  }
0x1fc: {  	p1 =	seq.s32 @!p0 s4, s0  }
0x1fd: {  	s6 =	simm.s32 $0x0;
	p1 =	por !p1, p0  }
0x1fe: {  	s0 =	simm.s32 $0xFFFFFFFF;
	s6 =	simm.s32 @p1 $0xFFFFFFFF  }
0x1ff: {  	s7 =	simm.s32 $0x1;
	s6 =	smov.u32 @p0 s0  }
.LBB2_33:
0x200: {  	s0 =	smov.u32 s6;
	p0 =	sne.s32 s6, $0xFFFFFFFF  }
0x201: {  	s5 =	sadd.s32 $0x1, s5;
	s6 =	smov.u32 s7;
	s7 =	sadd.s32 $0x1, s7  }
0x202: {  	p1 =	sne.s32 s2, s7;
	v1 =	vld.msk @!p0 [tilespmem:s5+$0x0], $0x1;
	_ =	sdelay $0x4  }
0x203: {  	(v2sf) =	vpush @!p0 v1, $0x0;
	_ =	sdelay $0xe  }
.Ltmp28:
0x204: {  	s8 =	spop @!p0 (v2sf);
	(pc) =	sbr.rel @p1 .LBB2_33-.Ltmp28, $4  }
0x205: {  	p2 =	seq.s32 @!p0 s4, s8  }
0x206: {  	p2 =	por !p2, p0  }
0x207: {  	s6 =	simm.s32 @p2 $0xFFFFFFFF  }
0x208: {  	s6 =	smov.u32 @p0 s0  }
.LBB2_34:
0x209: {  	p0 =	seq.s32 s6, $0xFFFFFFFF  }
.Ltmp29:
0x20a: {  	_ = 	snop;
	(pc) =	sbr.rel @p0 .LBB2_36-.Ltmp29, $1  }
0x20b: {  	_ =	sdelay $0x3  }
0x20c: {  	s0 =	sshll.u32 s3, $0x8  }
0x20d: {  	s0 =	sand.u32 $0x3FFFFF00, s0  }
0x20e: {  	v0 =	vld [tilespmem:s0+$0xE438];
	_ =	sdelay $0x2  }
0x20f: {  	s4 =	sshll.u32 s6, $0xA  }
0x210: {  	s4 =	sshra.s32 s4, $0x2  }
0x211: {  	[tilespmem:s4+$0xE438] =	vst.add.f32.msk $0xffff, v0  }
0x212: {  	v0 =	vld [tilespmem:s0+$0xE448];
	_ =	sdelay $0x4  }
0x213: {  	[tilespmem:s4+$0xE448] =	vst.add.f32.msk $0xffff, v0  }
0x214: {  	v0 =	vld [tilespmem:s0+$0xE458];
	_ =	sdelay $0x4  }
0x215: {  	[tilespmem:s4+$0xE458] =	vst.add.f32.msk $0xffff, v0  }
0x216: {  	v0 =	vld [tilespmem:s0+$0xE468];
	_ =	sdelay $0x4  }
0x217: {  	[tilespmem:s4+$0xE468] =	vst.add.f32.msk $0xffff, v0  }
0x218: {  	v0 =	vld [tilespmem:s0+$0xE478];
	_ =	sdelay $0x4  }
0x219: {  	[tilespmem:s4+$0xE478] =	vst.add.f32.msk $0xffff, v0  }
0x21a: {  	v0 =	vld [tilespmem:s0+$0xE488];
	_ =	sdelay $0x4  }
0x21b: {  	[tilespmem:s4+$0xE488] =	vst.add.f32.msk $0xffff, v0  }
0x21c: {  	v0 =	vld [tilespmem:s0+$0xE498];
	_ =	sdelay $0x4  }
0x21d: {  	[tilespmem:s4+$0xE498] =	vst.add.f32.msk $0xffff, v0  }
0x21e: {  	v0 =	vld [tilespmem:s0+$0xE4A8];
	_ =	sdelay $0x4  }
0x21f: {  	[tilespmem:s4+$0xE4A8] =	vst.add.f32.msk $0xffff, v0  }
0x220: {  	v0 =	vld [tilespmem:s0+$0xE4B8];
	_ =	sdelay $0x4  }
0x221: {  	[tilespmem:s4+$0xE4B8] =	vst.add.f32.msk $0xffff, v0  }
0x222: {  	v0 =	vld [tilespmem:s0+$0xE4C8];
	_ =	sdelay $0x4  }
0x223: {  	[tilespmem:s4+$0xE4C8] =	vst.add.f32.msk $0xffff, v0  }
0x224: {  	v0 =	vld [tilespmem:s0+$0xE4D8];
	_ =	sdelay $0x4  }
0x225: {  	[tilespmem:s4+$0xE4D8] =	vst.add.f32.msk $0xffff, v0  }
0x226: {  	v0 =	vld [tilespmem:s0+$0xE4E8];
	_ =	sdelay $0x4  }
0x227: {  	[tilespmem:s4+$0xE4E8] =	vst.add.f32.msk $0xffff, v0  }
0x228: {  	v0 =	vld [tilespmem:s0+$0xE4F8];
	_ =	sdelay $0x4  }
0x229: {  	[tilespmem:s4+$0xE4F8] =	vst.add.f32.msk $0xffff, v0  }
0x22a: {  	v0 =	vld [tilespmem:s0+$0xE508];
	_ =	sdelay $0x4  }
0x22b: {  	[tilespmem:s4+$0xE508] =	vst.add.f32.msk $0xffff, v0  }
0x22c: {  	v0 =	vld [tilespmem:s0+$0xE518];
	_ =	sdelay $0x4  }
0x22d: {  	[tilespmem:s4+$0xE518] =	vst.add.f32.msk $0xffff, v0  }
0x22e: {  	v0 =	vld [tilespmem:s0+$0xE528]  }
.Ltmp30:
0x22f: {  	_ = 	snop;
	(pc) =	sbr.rel .LBB2_37-.Ltmp30, $2  }
0x230: {  	_ =	sdelay $0x2  }
0x231: {  	[tilespmem:s4+$0xE528] =	vst.add.f32.msk $0xffff, v0  }
.LBB2_38:
0x232: {  	p0 =	slt.s32 s2, $0x1  }
.Ltmp31:
0x233: {  	_ = 	snop;
	(pc) =	sbr.rel @p0 .LBB2_42-.Ltmp31, $3  }
0x234: {  	_ =	sdelay $0x1  }
0x235: {  	s0 =	simm.s32 $0x6  }
0x236: {  	[sflag:s0] =	ssyncpa.u1 $0x1;
	s0 =	simm.s32 $0x0  }
0x237: {  	s3 =	simm.s32 $0xE418  }
0x238: {  	v0 =	vld.msk [tilespmem:s3+$0x0], $0x1;
	_ =	sdelay $0x4  }
0x239: {  	(v2sf) =	vpush v0, $0x0;
	_ =	sdelay $0xe  }
0x23a: {  	s2 =	sadd.s32 $0xFFFFFFFF, s2;
	s4 =	spop (v2sf)  }
0x23b: {  	s5 =	simm.s32 $0xE438;
	p0 =	sne.s32 s2, $0x0;
	p1 =	sgt.u32 s4, $0x186970  }
.Ltmp32:
0x23c: {  	s3 =	simm.s32 $0xE538;
	s6 =	sand.u32 @!p1 $0x1FFFF8, s4;
	(pc) =	sbr.rel @!p0 .LBB2_41-.Ltmp32, $4  }
0x23d: {  	s7 =	sadd.s32 @!p1 $0x80, s4;
	s8 =	sadd.s32 @!p1 s1, s6;
	s6 =	sand.u32 @!p1 $0x7, s4  }
0x23e: {  	[hbm4b:s8+s6] =	stream.linear.scatter @!p1 [tilespmem:s5], [sflag:$0x5], $0x80, $0x38;
	[tilespmem:$0x1E668] =	vst v63  }
0x23f: {  	s0 =	simm.s32 @!p1 $0x400;
	s4 =	simm.s32 $0xE419;
	s5 =	sand.u32 @!p1 $0x3FFFF8, s7  }
0x240: {  	s7 =	simm.s32 @!p1 $0xE4B8;
	s8 =	sadd.s32 @!p1 s1, s5;
	s5 =	sadd.s32 $0x0, s0  }
.LBB2_40:
0x241: {  	[hbm4b:s8+s6] =	stream.linear.scatter @!p1 [tilespmem:s7], [sflag:$0x5], $0x80, $0x38;
	[tilespmem:$0x1E668] =	vst v63  }
0x242: {  	s2 =	sadd.s32 $0xFFFFFFFF, s2;
	s0 =	smov.u32 s3;
	v0 =	vld.msk [tilespmem:s4+$0x0], $0x1  }
0x243: {  	p0 =	sne.s32 s2, $0x0;
	_ =	sdelay $0x3  }
0x244: {  	(v2sf) =	vpush v0, $0x0;
	_ =	sdelay $0xe  }
0x245: {  	s3 =	sadd.s32 $0x100, s3;
	s9 =	simm.s32 $0x0;
	s6 =	spop (v2sf)  }
.Ltmp33:
0x246: {  	s4 =	sadd.s32 $0x1, s4;
	p1 =	sgt.u32 s6, $0x186970;
	(pc) =	sbr.rel @p0 .LBB2_40-.Ltmp33, $4  }
0x247: {  	s9 =	simm.s32 @!p1 $0x400;
	s7 =	sand.u32 @!p1 $0x1FFFF8, s6;
	s8 =	sadd.s32 @!p1 $0x80, s6  }
0x248: {  	s6 =	sand.u32 @!p1 $0x7, s6;
	s7 =	sadd.s32 @!p1 s1, s7;
	s8 =	sand.u32 @!p1 $0x3FFFF8, s8  }
0x249: {  	[hbm4b:s7+s6] =	stream.linear.scatter @!p1 [tilespmem:s0], [sflag:$0x5], $0x80, $0x38;
	[tilespmem:$0x1E668] =	vst v63  }
0x24a: {  	s5 =	sadd.s32 s5, s9;
	s7 =	sadd.s32 @!p1 $0x80, s0;
	s8 =	sadd.s32 @!p1 s1, s8  }
.LBB2_41:
0x24b: {  	[hbm4b:s8+s6] =	stream.linear.scatter @!p1 [tilespmem:s7], [sflag:$0x5], $0x80, $0x38;
	[tilespmem:$0x1E668] =	vst v63  }
0x24c: {  	s0 =	sshrl.u32 s5, $0x2  }
.LBB2_42:
0x24d: {  	s1 =	simm.s32 $0x5  }
0x24e: {  	_ =	swait.ge [sflag:s1], s0  }
0x24f: {  	s29 =	ssub.s32 $0x0, s0;
	[sflag:s1] =	ssyncset.done $0x0  }
0x250: {  	[sflag:s1] =	ssyncadd.s32 s29  }
0x251: {  	[sflag:s1] =	ssyncpa.u1 $0x1  }
0x252: {  	s30 =	simm.s32 $0x1;
	_ =	sfence  }
0x253: {  	[sflag:s30] =	ssyncpa.u1 $0x1  }
0x254: {  	_ =	strace $0x90000056  }
0x255: {  	[bflag:$0x2] =	sbarrier.arrive $0xFFFF  }
0x256: {  	s31 =	rddreg [dreg:$0x1]  }
0x257: {  	s0 =	sadd.s32 $0x100000, s31  }
0x258: {  	[sflag:s0] =	ssyncadd.tile.s32 $0x1;
	_ =	shalt  }
.Lfunc_end2:
_tile_overlayer_lowered:
.L_overlay_start_2:
0x259: {  	(tag) =	ssettag $0x2  }
0x25a: {  	s0 =	rddreg [dreg:$0x0];
	s2 =	stileid.u32  }
0x25b: {  	s1 =	rddreg [dreg:$0x1];
	p0 =	sne.s32 s2, $0x0  }
0x25c: {  	s3 =	rddreg [dreg:$0x2];
	[bflag:$0x3] =	sbarrier.arrive $0xFFFF;
	s2 =	simm.s32 @!p0 $0x1C01  }
0x25d: {  	[timem:s3], [sflag:s2] =	dma.local @!p0 [hbm:s0], s1  }
0x25e: {  	s0 =	simm.s32 @!p0 $0x1  }
0x25f: {  	_ =	swait.ge @!p0 [sflag:s0], s1  }
0x260: {  	s1 =	ssub.s32 @!p0 $0x0, s1;
	[sflag:s0] =	ssyncset.done @!p0 $0x0  }
0x261: {  	[sflag:s0] =	ssyncadd.s32 @!p0 s1  }
0x262: {  	[bflag:$0x3] =	sbarrier.arrive $0xFFFF  }
0x263: {  	_ =	shalt  }

// kernel: scatter_offload_async_start
scs
__scs_entry_jumppad:
0x0: {  	(pc) =	sbr.rel $0x88, $3  }
0x1: {  	(tag) =	ssettag $0x0;
	lr =	simm.s32 $0x1  }
0x2: {  	[smem:$0x3F8C] =	sst lr;
	_ =	strace $0xD0000000  }
0x3: {  	_ = 	snop  }
0x4: {  	_ = 	snop  }
0x5: {  	_ = 	snop  }
0x6: {  	_ = 	snop  }
0x7: {  	_ = 	snop  }
__scs_overlays_trampoline_lowered:
0x8: {  	[smem:$0x3F9B] =	sst s0  }
0x9: {  	[smem:$0x3F9C] =	sst s1  }
0xa: {  	[smem:$0x3F9D] =	sst s2  }
0xb: {  	[smem:$0x3F9E] =	sst s3  }
0xc: {  	[smem:$0x3F9F] =	sst s4  }
0xd: {  	[smem:$0x3FA0] =	sst s5  }
0xe: {  	[smem:$0x3FA1] =	sst s6  }
0xf: {  	[smem:$0x3FA2] =	sst s7  }
0x10: {  	[smem:$0x3FA3] =	sst s8  }
0x11: {  	[smem:$0x3FA4] =	sst s9;
	s0 =	simm.s32 @!p0 $0x0  }
0x12: {  	s1 =	sld [smem:$0x3F8A];
	s0 =	simm.s32 @p0 $0x1  }
0x13: {  	[smem:$0x3FA5] =	sst s0;
	s0 =	simm.s32 @!p1 $0x0  }
0x14: {  	s2 =	sld [smem:$0x3F89];
	s0 =	simm.s32 @p1 $0x1  }
0x15: {  	[smem:$0x3FA6] =	sst s0;
	s0 =	simm.s32 @!p2 $0x0  }
0x16: {  	s3 =	sld [smem:$0x3FDB];
	s0 =	simm.s32 @p2 $0x1  }
0x17: {  	s4 =	simm.s32 $0x1BF5;
	[smem:$0x3FA8] =	sst s0  }
0x18: {  	s0 =	sld [smem:$0x3F8B];
	_ =	swait.ge [sflag:s4], $0x0  }
0x19: {  	s7 =	sld [smem:$0x3F8C]  }
0x1a: {  	s8 =	sadd.s32 $0xFFFFE003, lr  }
0x1b: {  	s9 =	sadd.s32 $0xFFFFFEF7, lr;
	s5 =	simm.s32 $0xFFFFFFFF;
	p2 =	slt.u32 s8, $0xFFFFF086  }
0x1c: {  	p1 =	slt.u32 s9, $0xF7A;
	s5 =	simm.s32 @!p2 $0x0  }
0x1d: {  	s5 =	simm.s32 @p1 $0x1;
	p0 =	seq.s32 s7, s2  }
0x1e: {  	s7 =	smul.u32 @!p0 $0xF7A, s2;
	p2 =	seq.s32 @!p0 s5, $0x0  }
0x1f: {  	s9 =	smul.u32 $0xF7A, s1;
	s8 =	simm.s32 @!p0 $0x1BF5;
	p2 =	por !p2, p0  }
0x20: {  	[sflag:s8] =	ssyncset.s32 @!p0 $0xFFFFF086;
	s6 =	sadd.s32 @!p0 s3, s7;
	s7 =	simm.s32 @!p0 $0x108  }
0x21: {  	s3 =	sadd.s32 s3, s9;
	s6 =	sadd.s32 @!p0 $0x88, s6;
	s7 =	simm.s32 @p2 $0x1082  }
0x22: {  	[simem:s7], [sflag:s8] =	dma.local @!p0 [hbm:s6], $0xF7A  }
0x23: {  	s9 =	sor.u32 $0xD0000000, s2;
	s6 =	simm.s32 $0x108;
	_ =	swait.ge @!p0 [sflag:s8], $0x0  }
0x24: {  	s3 =	sadd.s32 $0x88, s3;
	s6 =	simm.s32 @!p1 $0x1082;
	[sflag:s4] =	ssyncset.s32 $0xFFFFF086  }
0x25: {  	[simem:s6], [sflag:s4] =	dma.local [hbm:s3], $0xF7A  }
0x26: {  	[smem:$0x3F8C] =	sst s1;
	(tag) =	ssettag s2;
	_ =	strace s9  }
0x27: {  	s1 =	sld [smem:$0x3F9C]  }
0x28: {  	s2 =	sld [smem:$0x3F9D]  }
0x29: {  	s4 =	sld [smem:$0x3F9F]  }
0x2a: {  	p0 =	seq.s32 s5, $0x0;
	s5 =	sld [smem:$0x3FA0]  }
0x2b: {  	s6 =	sld [smem:$0x3FA1]  }
0x2c: {  	s7 =	sld [smem:$0x3FA2]  }
0x2d: {  	s3 =	simm.s32 $0x108;
	s8 =	sld [smem:$0x3FA3]  }
0x2e: {  	s3 =	simm.s32 @!p0 $0x1082;
	s9 =	sld [smem:$0x3FA4]  }
0x2f: {  	lr =	sadd.s32 s0, s3;
	s0 =	sld [smem:$0x3F9B]  }
0x30: {  	s3 =	sld [smem:$0x3F9E]  }
0x31: {  	[smem:$0x3FA7] =	sst s10  }
0x32: {  	s10 =	sld [smem:$0x3FA5];
	_ =	sdelay $0x3  }
0x33: {  	p0 =	seq.s32 s10, $0x1;
	s10 =	sld [smem:$0x3FA7];
	_ =	sdelay $0x3  }
0x34: {  	[smem:$0x3FA7] =	sst s10  }
0x35: {  	s10 =	sld [smem:$0x3FA6];
	_ =	sdelay $0x3  }
0x36: {  	p1 =	seq.s32 s10, $0x1;
	s10 =	sld [smem:$0x3FA7];
	_ =	sdelay $0x3  }
0x37: {  	[smem:$0x3FA7] =	sst s10  }
0x38: {  	s10 =	sld [smem:$0x3FA8]  }
0x39: {  	_ = 	snop;
	(pc) =	sbr.ind lr, $3  }
0x3a: {  	_ = 	snop  }
0x3b: {  	_ = 	snop  }
0x3c: {  	p2 =	seq.s32 s10, $0x1;
	s10 =	sld [smem:$0x3FA7]  }
0x3d: {  	_ =	shalt  }
0x3e: {  	_ =	shalt  }
0x3f: {  	_ =	shalt  }
0x40: {  	_ =	shalt  }
0x41: {  	_ =	shalt  }
0x42: {  	_ =	shalt  }
0x43: {  	_ =	shalt  }
0x44: {  	_ =	shalt  }
0x45: {  	_ =	shalt  }
0x46: {  	_ =	shalt  }
0x47: {  	_ =	shalt  }
0x48: {  	_ =	shalt  }
0x49: {  	_ =	shalt  }
0x4a: {  	_ =	shalt  }
0x4b: {  	_ =	shalt  }
0x4c: {  	_ =	shalt  }
0x4d: {  	_ =	shalt  }
0x4e: {  	_ =	shalt  }
0x4f: {  	_ =	shalt  }
0x50: {  	_ =	shalt  }
0x51: {  	_ =	shalt  }
0x52: {  	_ =	shalt  }
0x53: {  	_ =	shalt  }
0x54: {  	_ =	shalt  }
0x55: {  	_ =	shalt  }
0x56: {  	_ =	shalt  }
0x57: {  	_ =	shalt  }
0x58: {  	_ =	shalt  }
0x59: {  	_ =	shalt  }
0x5a: {  	_ =	shalt  }
0x5b: {  	_ =	shalt  }
0x5c: {  	_ =	shalt  }
0x5d: {  	_ =	shalt  }
0x5e: {  	_ =	shalt  }
0x5f: {  	_ =	shalt  }
0x60: {  	_ =	shalt  }
0x61: {  	_ =	shalt  }
0x62: {  	_ =	shalt  }
0x63: {  	_ =	shalt  }
0x64: {  	_ =	shalt  }
0x65: {  	_ =	shalt  }
0x66: {  	_ =	shalt  }
0x67: {  	_ =	shalt  }
0x68: {  	_ =	shalt  }
0x69: {  	_ =	shalt  }
0x6a: {  	_ =	shalt  }
0x6b: {  	_ =	shalt  }
0x6c: {  	_ =	shalt  }
0x6d: {  	_ =	shalt  }
0x6e: {  	_ =	shalt  }
0x6f: {  	_ =	shalt  }
0x70: {  	_ =	shalt  }
0x71: {  	_ =	shalt  }
0x72: {  	_ =	shalt  }
0x73: {  	_ =	shalt  }
0x74: {  	_ =	shalt  }
0x75: {  	_ =	shalt  }
0x76: {  	_ =	shalt  }
0x77: {  	_ =	shalt  }
0x78: {  	_ =	shalt  }
0x79: {  	_ =	shalt  }
0x7a: {  	_ =	shalt  }
0x7b: {  	_ =	shalt  }
0x7c: {  	_ =	shalt  }
0x7d: {  	_ =	shalt  }
0x7e: {  	_ =	shalt  }
0x7f: {  	_ =	shalt  }
0x80: {  	_ =	shalt  }
0x81: {  	_ =	shalt  }
0x82: {  	_ =	shalt  }
0x83: {  	_ =	shalt  }
0x84: {  	_ =	shalt  }
0x85: {  	_ =	shalt  }
0x86: {  	_ =	shalt  }
0x87: {  	_ =	shalt  }
.Lfunc_end0:
.L_simem_size_0:
called_computation_lowered:
.L_overlay_start_0:
0x88: {  	s0 =	sld [smem:$0x3FD9]  }
0x89: {  	s1 =	sld [smem:$0x3FFE];
	_ =	sdelay $0x3  }
0x8a: {  	s0 =	sadd.s32 s1, s0  }
0x8b: {  	[smem:$0x3FB3] =	sst s0  }
0x8c: {  	_ = 	snop  }
0x8d: {  	(tm) =	ssettm $0x1  }
0x8e: {  	s14 =	sld [smem:$0x3FFB];
	_ =	sdelay $0x3  }
0x8f: {  	_ =	strace s14  }
0x90: {  	s0 =	sld [smem:$0x3FFC];
	_ =	sdelay $0x3  }
0x91: {  	_ =	strace s0  }
0x92: {  	s0 =	sld [smem:$0x3FFD];
	_ =	sdelay $0x3  }
0x93: {  	_ =	strace s0  }
0x94: {  	_ =	strace $0x8FFFFFFF  }
0x95: {  	s15 =	sld [smem:$0x3FDB];
	_ =	sdelay $0x1  }
0x96: {  	s16 =	simm.s32 $_scs_section_size  }
0x97: {  	s2 =	simm.s32 $_size__tile_overlayer_lowered;
	s3 =	simm.s32 $_tile_overlayer_lowered  }
0x98: {  	s4 =	simm.s32 $0x1BFF;
	s17 =	sshll.u32 s3, $0x1;
	s1 =	sadd.s32 s16, s15  }
0x99: {  	s18 =	simm.s32 $0x0;
	s2 =	sshll.u32 s2, $0x1;
	s3 =	sadd.s32 s17, s1  }
0x9a: {  	[timem:s18], [sflag:s4] =	dma.local [hbm:s3], s2  }
0x9b: {  	_ =	swait.ge [sflag:s4], s2  }
0x9c: {  	s2 =	ssub.s32 $0x0, s2;
	[sflag:s4] =	ssyncset.done $0x0  }
0x9d: {  	[sflag:s4] =	ssyncadd.s32 s2;
	_ =	sdelay $0x1  }
0x9e: {  	s19 =	simm.s32 $0x1B8B  }
0x9f: {  	_ =	swait.ge [sflag:s19], $0x1  }
0xa0: {  	[sflag:s19] =	ssyncset.done $0x0  }
0xa1: {  	s21 =	simm.s32 $0x1B8E;
	s20 =	sld [smem:$0x3FFE];
	[sflag:s19] =	ssyncadd.s32 $0xFFFFFFFF  }
0xa2: {  	s22 =	simm.s32 $execute0_lowered;
	[smem:$0x3FD2] =	sst s21  }
0xa3: {  	s3 =	sshll.u32 s22, $0x1;
	_ =	strace $0x80000046;
	[dreg:$0x1] =	wrdreg $0xFFFFFFFF  }
0xa4: {  	s23 =	simm.s32 $_size_execute0_lowered;
	s3 =	sadd.s32 s1, s3;
	[dreg:$0x0] =	wrdreg $0x0  }
0xa5: {  	s4 =	sshll.u32 s23, $0x1;
	[dreg:$0x2] =	wrdreg s3  }
0xa6: {  	[dreg:$0x3] =	wrdreg s4  }
0xa7: {  	[dreg:$0x4] =	wrdreg $0xC0  }
0xa8: {  	s24 =	simm.s32 $execute1_lowered;
	_ =	task [dreg:s18], $0x5FFFF  }
0xa9: {  	s3 =	sshll.u32 s24, $0x1;
	[dreg:$0x1] =	wrdreg $0xFFFFFFFF  }
0xaa: {  	s1 =	sadd.s32 s1, s3;
	[dreg:$0x0] =	wrdreg $0x60  }
0xab: {  	[dreg:$0x2] =	wrdreg s1  }
0xac: {  	[dreg:$0x3] =	wrdreg s20  }
0xad: {  	[dreg:$0x4] =	wrdreg $0x9  }
0xae: {  	_ =	task.clear_ibuf [dreg:s18], $0x5FFFF;
	_ =	strace $0x90000046  }
0xaf: {  	s25 =	simm.s32 $0x9;
	_ =	strace $0x80000048  }
0xb0: {  	_ =	swait.ge [sflag:s25], $0x1  }
0xb1: {  	[sflag:s25] =	ssyncadd.s32 $0xFFFFFFFF  }
0xb2: {  	_ =	strace $0x90000048  }
0xb3: {  	_ =	strace $0x80000049;
	[dreg:$0x1] =	wrdreg $0xFFFFFFFF  }
0xb4: {  	[dreg:$0x0] =	wrdreg $0x2030  }
0xb5: {  	[dreg:$0x2] =	wrdreg s20  }
0xb6: {  	[dreg:$0x3] =	wrdreg $0xA  }
0xb7: {  	_ =	task.clear_ibuf [dreg:s18], $0x4FFFF;
	_ =	strace $0x90000049  }
0xb8: {  	s26 =	simm.s32 $0xA;
	_ =	strace $0x8000004B  }
0xb9: {  	_ =	swait.ge [sflag:s26], $0x1  }
0xba: {  	[sflag:s26] =	ssyncadd.s32 $0xFFFFFFFF  }
0xbb: {  	_ =	strace $0x9000004B  }
0xbc: {  	_ =	sfence  }
0xbd: {  	s28 =	sld [smem:$0x0];
	_ =	sdelay $0x1  }
0xbe: {  	s29 =	srdreg.scid  }
0xbf: {  	s30 =	sshll.u32 s29, $0xD;
	s31 =	sshrl.u32 s29, $0x2  }
0xc0: {  	s2 =	sand.u32 $0x1, s29;
	s3 =	sand.u32 $0x4000, s30;
	s1 =	sadd.s32 s31, s28  }
0xc1: {  	s2 =	sor.u32 s3, s2;
	s1 =	sshll.u32 s1, $0x11  }
0xc2: {  	s1 =	sor.u32 s1, s2  }
0xc3: {  	s1 =	sadd.s32 $0x8F2B, s1  }
0xc4: {  	[sflag:s1] =	ssyncadd.remote.s32 $0x1  }
0xc5: {  	_ =	sfence.sel $0xFFFF  }
0xc6: {  	[dreg:$0x0] =	wrdreg $0xFFFFFFFF;
	(pc) =	sbr.abs _section_cstart, $3  }
0xc7: {  	[dreg:$0x1] =	wrdreg $0xFFFFFFFF  }
0xc8: {  	_ =	task.clear_ibuf [dreg:s18], $0x2FFFF;
	_ =	strace $0x9FFFFFFF  }
0xc9: {  	(tm) =	ssettm $0x7FFFFFFF  }
tec
execute0_lowered:
.L_overlay_start_1:
0x0: {  	(tag) =	ssettag $0x1  }
0x1: {  	s2 =	rddreg [dreg:$0x0]  }
0x2: {  	s5 =	rddreg [dreg:$0x1]  }
0x3: {  	s0 =	rddreg [dreg:$0x2];
	s3 =	stileid.u32  }
0x4: {  	[bflag:$0x3] =	sbarrier.arrive $0xFFFF;
	s1 =	simm.s32 $_size_execute1_lowered;
	s31 =	simm.s32 $0x2  }
0x5: {  	s13 =	simm.s32 $0x0;
	s8 =	simm.s32 $0x20;
	s9 =	simm.s32 $0x80  }
0x6: {  	s11 =	simm.s32 $0x0;
	s12 =	simm.s32 $0x0;
	p0 =	sne.s32 s3, $0x0  }
0x7: {  	s1 =	sshll.u32 s1, $0x1;
	s3 =	sshll.u32 s3, $0x9;
	s4 =	simm.s32 @!p0 $0x1C3F  }
.Ltmp0:
0x8: {  	s6 =	simm.s32 @!p0 $0x4060;
	s7 =	ssub.s32 $0xC200, s3;
	(pc) =	sbr.rel .LBB2_1-.Ltmp0, $4  }
0x9: {  	[timem:s6], [sflag:s4] =	dma.local @!p0 [hbm:s2], s1  }
0xa: {  	s10 =	smov.u32 s3;
	s4 =	simm.s32 $0x1;
	_ =	strace $0x80000047  }
0xb: {  	s2 =	sadd.s32 $0x83400, s5;
	s6 =	sshrl.u32 s7, $0xD;
	[sflag:s4] =	ssyncpa.u1 $0x0  }
0xc: {  	s5 =	sadd.s32 $0x146A00, s5;
	s7 =	sadd.s32 $0x2, s6;
	[sflag:s31] =	ssyncpa.u1 $0x0  }
.LBB2_5:
0xd: {  	_ =	sdelay $0x3  }
0xe: {  	[tilespmem:v1+s16+$0x0 ss:$0x1] =	vst.idx.msk $0xffff, v2  }
.LBB2_6:
0xf: {  	s16 =	sand.u32 $0x1FFFFFF, s11  }
0x10: {  	s17 =	smulhi.u32 $0x14F8B59, s16;
	_ =	sdelay $0x1  }
0x11: {  	s17 =	sshrl.u32 s17, $0x8  }
0x12: {  	s17 =	smul.u32 $0xC350, s17;
	_ =	sdelay $0x1  }
0x13: {  	s16 =	ssub.s32 s16, s17  }
0x14: {  	s16 =	sshll.u32 s16, $0x4  }
0x15: {  	s16 =	sadd.s32 s5, s16  }
0x16: {  	[hbm4b:s16+s8] =	stream.strided.scatter [tilespmem:s15], [sflag:$0x2], s14, s9, s8, $0x38;
	[tilespmem:$0x10000] =	vst v63  }
.LBB2_7:
0x17: {  	p1 =	slt.u32 s12, $0x2  }
0x18: {  	p2 =	sgt.s32 @!p1 s13, $0xC150  }
0x19: {  	s14 =	smov.u32 s13;
	s15 =	sshra.s32 @!p1 s13, $0x1F;
	p2 =	por !p2, p1  }
0x1a: {  	s13 =	sand.u32 @!p1 s15, s13;
	s14 =	simm.s32 @p2 $0xC150  }
0x1b: {  	s13 =	ssub.s32 @!p1 s14, s13  }
0x1c: {  	s13 =	sadd.s32 @!p1 $0xFFFF3EB0, s13  }
0x1d: {  	s14 =	sshll.u32 @!p1 s13, $0x7  }
0x1e: {  	p2 =	sgt.s32 @!p1 s13, $0x1FF;
	s13 =	ssub.s32 @!p1 $0x10000, s14  }
0x1f: {  	s15 =	sadd.s32 $0x2000, s10;
	p2 =	por !p2, p1;
	s13 =	sshrl.u32 @!p1 s13, $0x2  }
0x20: {  	s13 =	simm.s32 @!p2 $0x0;
	p2 =	sgt.s32 s15, $0xC34F  }
0x21: {  	s15 =	smov.u32 @p2 s3;
	p2 =	sne.s32 s12, s7  }
.Ltmp1:
0x22: {  	_ = 	snop;
	(pc) =	sbr.rel @!p2 .LBB2_8-.Ltmp1, $4  }
0x23: {  	s14 =	simm.s32 @!p1 $0x2  }
0x24: {  	_ =	swait.ge @!p1 [sflag:s14], s13;
	s16 =	ssub.s32 @!p1 $0x0, s13  }
0x25: {  	s13 =	smov.u32 s11;
	s12 =	sadd.s32 $0x1, s12;
	[sflag:s14] =	ssyncset.done @!p1 $0x0  }
0x26: {  	s11 =	smov.u32 s10;
	s10 =	smov.u32 s15;
	[sflag:s14] =	ssyncadd.s32 @!p1 s16  }
.LBB2_1:
0x27: {  	p1 =	sgt.u32 s12, s6  }
0x28: {  	s15 =	smov.u32 s10;
	p2 =	sgt.s32 @!p1 s10, $0xC150  }
0x29: {  	s14 =	sand.u32 @!p1 $0x1FFFFFF, s10;
	s16 =	sshra.s32 @!p1 s10, $0x1F;
	p2 =	por !p2, p1  }
0x2a: {  	s17 =	smulhi.u32 @!p1 $0x14F8B59, s14;
	s16 =	sand.u32 @!p1 s16, s10;
	s15 =	simm.s32 @p2 $0xC150  }
0x2b: {  	s15 =	ssub.s32 @!p1 s15, s16  }
0x2c: {  	s16 =	sshrl.u32 @!p1 s17, $0x8;
	s15 =	sadd.s32 @!p1 $0xFFFF3EB0, s15  }
0x2d: {  	s17 =	sxor.u32 @!p1 $0xFFFFFFFF, s12;
	s16 =	smul.u32 @!p1 $0xC350, s16;
	s18 =	sshll.u32 @!p1 s15, $0x7  }
0x2e: {  	s17 =	sshll.u32 @!p1 s17, $0xE;
	p2 =	sgt.s32 @!p1 s15, $0x1FF;
	s15 =	ssub.s32 @!p1 $0x10000, s18  }
0x2f: {  	s14 =	ssub.s32 @!p1 s14, s16;
	p2 =	por !p2, p1;
	s16 =	sand.u32 @!p1 $0x4000, s17  }
0x30: {  	s17 =	simm.s32 @!p1 $0x20;
	s15 =	sshrl.u32 @!p1 s15, $0x2;
	s14 =	sshll.u32 @!p1 s14, $0x4  }
0x31: {  	s18 =	simm.s32 @!p1 $0x80;
	s15 =	simm.s32 @!p2 $0x0;
	s14 =	sadd.s32 @!p1 s2, s14  }
0x32: {  	[tilespmem:s16], [sflag:$0x1] =	stream.strided.gather @!p1 [hbm4b:s14+s17], s15, s18, s17, $0x38;
	[tilespmem:$0x10000] =	vst v63  }
0x33: {  	p1 =	seq.s32 s12, $0x0  }
0x34: {  	p2 =	sge.u32 @!p1 s12, s7  }
0x35: {  	p1 =	por p1, p2  }
.Ltmp2:
0x36: {  	_ = 	snop;
	(pc) =	sbr.rel @p1 .LBB2_7-.Ltmp2, $1  }
0x37: {  	_ =	sdelay $0x3  }
0x38: {  	p1 =	sgt.s32 s11, $0xC150;
	s14 =	smov.u32 s11;
	s15 =	sshra.s32 s11, $0x1F  }
0x39: {  	s14 =	simm.s32 @!p1 $0xC150;
	s15 =	sand.u32 s15, s11  }
0x3a: {  	s14 =	ssub.s32 s14, s15  }
0x3b: {  	s14 =	sadd.s32 $0xFFFF3EB0, s14  }
0x3c: {  	s31 =	sshll.u32 s14, $0x7  }
0x3d: {  	s15 =	ssub.s32 $0x10000, s31  }
0x3e: {  	p1 =	sgt.s32 s14, $0x1FF;
	s14 =	sshrl.u32 s15, $0x2;
	s15 =	sadd.s32 $0x200, s11  }
0x3f: {  	s14 =	simm.s32 @p1 $0x0;
	p1 =	slt.s32 s15, $0xC350  }
0x40: {  	s15 =	simm.s32 @!p1 $0xC350  }
0x41: {  	s17 =	ssub.s32 s15, s11  }
0x42: {  	p1 =	slt.s32 s17, $0x1  }
.Ltmp3:
0x43: {  	_ = 	snop;
	(pc) =	sbr.rel @p1 .LBB2_6-.Ltmp3, $4  }
0x44: {  	_ = 	snop  }
0x45: {  	s16 =	sshll.u32 s12, $0xE;
	_ =	swait.ge [sflag:s4], s14  }
0x46: {  	s16 =	sand.u32 $0x4000, s16;
	s18 =	ssub.s32 $0x0, s14;
	[sflag:s4] =	ssyncset.done $0x0  }
0x47: {  	s15 =	sor.u32 $0x8000, s16;
	[sflag:s4] =	ssyncadd.s32 s18  }
0x48: {  	v0 =	vmov s16;
	_ =	sdelay $0x2  }
0x49: {  	s31 =	simm.s32 $0x0;
	p1 =	sne.s32 s17, $0x1  }
.Ltmp4:
0x4a: {  	s16 =	sand.u32 $0x3FE0, s31;
	(pc) =	sbr.rel @!p1 .LBB2_5-.Ltmp4, $2  }
0x4b: {  	v1 =	vmov s15;
	v2 =	vld.idx.msk [tilespmem:v0+s16+$0x0 ss:$0x1], $0xffff;
	_ =	sdelay $0x2  }
0x4c: {  	s17 =	sadd.s32 $0xFFFFFFFF, s17;
	s18 =	simm.s32 $0x20  }
.LBB2_4:
0x4d: {  	s19 =	sand.u32 $0x3FE0, s18;
	p1 =	sne.s32 s17, $0x1;
	s17 =	sadd.s32 $0xFFFFFFFF, s17  }
.Ltmp5:
0x4e: {  	[tilespmem:v1+s16+$0x0 ss:$0x1] =	vst.idx.msk $0xffff, v2;
	v2 =	vld.idx.msk [tilespmem:v0+s19+$0x0 ss:$0x1], $0xffff;
	s16 =	smov.u32 s19;
	(pc) =	sbr.rel @p1 .LBB2_4-.Ltmp5, $2  }
0x4f: {  	_ =	sdelay $0x2  }
0x50: {  	s18 =	sadd.s32 $0x20, s18  }
.Ltmp6:
0x51: {  	_ = 	snop;
	(pc) =	sbr.rel .LBB2_5-.Ltmp6, $1  }
0x52: {  	_ =	sdelay $0x3  }
.LBB2_8:
0x53: {  	_ =	sfence.sel $0x180000  }
0x54: {  	s2 =	simm.s32 $0x1;
	[bflag:$0x0] =	sbarrier.arrive $0xFFFF  }
0x55: {  	s31 =	simm.s32 $0x2;
	[sflag:s2] =	ssyncpa.u1 $0x1  }
0x56: {  	[sflag:s31] =	ssyncpa.u1 $0x1  }
0x57: {  	_ =	strace $0x90000047  }
0x58: {  	s0 =	sadd.s32 @!p0 $0x100000, s0;
	[bflag:$0x2] =	sbarrier.arrive $0xFFFF  }
0x59: {  	[sflag:s0] =	ssyncadd.tile.s32 @!p0 $0x1;
	s0 =	simm.s32 @!p0 $0x3F  }
0x5a: {  	_ =	swait.ge @!p0 [sflag:s0], s1  }
0x5b: {  	s1 =	ssub.s32 @!p0 $0x0, s1;
	[sflag:s0] =	ssyncset.done @!p0 $0x0  }
0x5c: {  	[sflag:s0] =	ssyncadd.s32 @!p0 s1  }
0x5d: {  	[bflag:$0x3] =	sbarrier.arrive $0xFFFF  }
0x5e: {  	_ =	shalt  }
.Lfunc_end2:
execute1_lowered:
.L_overlay_start_2:
0x5f: {  	(tag) =	ssettag $0x2  }
0x60: {  	s8 =	rddreg [dreg:$0x0];
	_ =	strace $0x8000004A;
	s11 =	simm.s32 $0x1  }
0x61: {  	v0 =	vimm.s32 $0x0;
	[sflag:s11] =	ssyncpa.u1 $0x0  }
0x62: {  	[tilespmem:$0x28] =	vst v0  }
0x63: {  	[tilespmem:$0x38] =	vst v0  }
0x64: {  	[tilespmem:$0x48] =	vst v0  }
0x65: {  	[tilespmem:$0x58] =	vst v0  }
0x66: {  	[tilespmem:$0x68] =	vst v0  }
0x67: {  	[tilespmem:$0x78] =	vst v0  }
0x68: {  	[tilespmem:$0x88] =	vst v0  }
0x69: {  	[tilespmem:$0x98] =	vst v0  }
0x6a: {  	[tilespmem:$0xA8] =	vst v0  }
0x6b: {  	[tilespmem:$0xB8] =	vst v0  }
0x6c: {  	[tilespmem:$0xC8] =	vst v0  }
0x6d: {  	[tilespmem:$0xD8] =	vst v0  }
0x6e: {  	[tilespmem:$0xE8] =	vst v0  }
0x6f: {  	[tilespmem:$0xF8] =	vst v0  }
0x70: {  	[tilespmem:$0x108] =	vst v0  }
0x71: {  	[tilespmem:$0x118] =	vst v0  }
0x72: {  	[tilespmem:$0x128] =	vst v0  }
0x73: {  	[tilespmem:$0x138] =	vst v0  }
0x74: {  	[tilespmem:$0x148] =	vst v0  }
0x75: {  	[tilespmem:$0x158] =	vst v0  }
0x76: {  	[tilespmem:$0x168] =	vst v0  }
0x77: {  	[tilespmem:$0x178] =	vst v0  }
0x78: {  	[tilespmem:$0x188] =	vst v0  }
0x79: {  	[tilespmem:$0x198] =	vst v0  }
0x7a: {  	[tilespmem:$0x1A8] =	vst v0  }
0x7b: {  	[tilespmem:$0x1B8] =	vst v0  }
0x7c: {  	[tilespmem:$0x1C8] =	vst v0  }
0x7d: {  	[tilespmem:$0x1D8] =	vst v0  }
0x7e: {  	[tilespmem:$0x1E8] =	vst v0  }
0x7f: {  	[tilespmem:$0x1F8] =	vst v0  }
0x80: {  	[tilespmem:$0x208] =	vst v0  }
0x81: {  	[tilespmem:$0x218] =	vst v0  }
0x82: {  	[tilespmem:$0x228] =	vst v0  }
0x83: {  	[tilespmem:$0x238] =	vst v0  }
0x84: {  	[tilespmem:$0x248] =	vst v0  }
0x85: {  	[tilespmem:$0x258] =	vst v0  }
0x86: {  	[tilespmem:$0x268] =	vst v0  }
0x87: {  	[tilespmem:$0x278] =	vst v0  }
0x88: {  	[tilespmem:$0x288] =	vst v0  }
0x89: {  	[tilespmem:$0x298] =	vst v0  }
0x8a: {  	[tilespmem:$0x2A8] =	vst v0  }
0x8b: {  	[tilespmem:$0x2B8] =	vst v0  }
0x8c: {  	[tilespmem:$0x2C8] =	vst v0  }
0x8d: {  	[tilespmem:$0x2D8] =	vst v0  }
0x8e: {  	[tilespmem:$0x2E8] =	vst v0  }
0x8f: {  	[tilespmem:$0x2F8] =	vst v0  }
0x90: {  	[tilespmem:$0x308] =	vst v0  }
0x91: {  	[tilespmem:$0x318] =	vst v0  }
0x92: {  	[tilespmem:$0x328] =	vst v0  }
0x93: {  	[tilespmem:$0x338] =	vst v0  }
0x94: {  	[tilespmem:$0x348] =	vst v0  }
0x95: {  	[tilespmem:$0x358] =	vst v0  }
0x96: {  	[tilespmem:$0x368] =	vst v0  }
0x97: {  	[tilespmem:$0x378] =	vst v0  }
0x98: {  	[tilespmem:$0x388] =	vst v0  }
0x99: {  	[tilespmem:$0x398] =	vst v0  }
0x9a: {  	[tilespmem:$0x3A8] =	vst v0  }
0x9b: {  	[tilespmem:$0x3B8] =	vst v0  }
0x9c: {  	[tilespmem:$0x3C8] =	vst v0  }
0x9d: {  	[tilespmem:$0x3D8] =	vst v0  }
0x9e: {  	[tilespmem:$0x3E8] =	vst v0  }
0x9f: {  	[tilespmem:$0x3F8] =	vst v0  }
0xa0: {  	[tilespmem:$0x408] =	vst v0  }
0xa1: {  	[tilespmem:$0x418] =	vst v0  }
0xa2: {  	[tilespmem:$0x428] =	vst v0  }
0xa3: {  	[tilespmem:$0x438] =	vst v0  }
0xa4: {  	[tilespmem:$0x448] =	vst v0  }
0xa5: {  	[tilespmem:$0x458] =	vst v0  }
0xa6: {  	[tilespmem:$0x468] =	vst v0  }
0xa7: {  	[tilespmem:$0x478] =	vst v0  }
0xa8: {  	[tilespmem:$0x488] =	vst v0  }
0xa9: {  	[tilespmem:$0x498] =	vst v0  }
0xaa: {  	[tilespmem:$0x4A8] =	vst v0  }
0xab: {  	[tilespmem:$0x4B8] =	vst v0  }
0xac: {  	[tilespmem:$0x4C8] =	vst v0  }
0xad: {  	[tilespmem:$0x4D8] =	vst v0  }
0xae: {  	[tilespmem:$0x4E8] =	vst v0  }
0xaf: {  	[tilespmem:$0x4F8] =	vst v0  }
0xb0: {  	[tilespmem:$0x508] =	vst v0  }
0xb1: {  	[tilespmem:$0x518] =	vst v0  }
0xb2: {  	[tilespmem:$0x528] =	vst v0  }
0xb3: {  	[tilespmem:$0x538] =	vst v0  }
0xb4: {  	[tilespmem:$0x548] =	vst v0  }
0xb5: {  	[tilespmem:$0x558] =	vst v0  }
0xb6: {  	[tilespmem:$0x568] =	vst v0  }
0xb7: {  	[tilespmem:$0x578] =	vst v0  }
0xb8: {  	[tilespmem:$0x588] =	vst v0  }
0xb9: {  	[tilespmem:$0x598] =	vst v0  }
0xba: {  	[tilespmem:$0x5A8] =	vst v0  }
0xbb: {  	[tilespmem:$0x5B8] =	vst v0  }
0xbc: {  	[tilespmem:$0x5C8] =	vst v0  }
0xbd: {  	[tilespmem:$0x5D8] =	vst v0  }
0xbe: {  	[tilespmem:$0x5E8] =	vst v0  }
0xbf: {  	[tilespmem:$0x5F8] =	vst v0  }
0xc0: {  	[tilespmem:$0x608] =	vst v0  }
0xc1: {  	[tilespmem:$0x618] =	vst v0  }
0xc2: {  	[tilespmem:$0x628] =	vst v0  }
0xc3: {  	[tilespmem:$0x638] =	vst v0  }
0xc4: {  	[tilespmem:$0x648] =	vst v0  }
0xc5: {  	[tilespmem:$0x658] =	vst v0  }
0xc6: {  	[tilespmem:$0x668] =	vst v0  }
0xc7: {  	[tilespmem:$0x678] =	vst v0  }
0xc8: {  	[tilespmem:$0x688] =	vst v0  }
0xc9: {  	[tilespmem:$0x698] =	vst v0  }
0xca: {  	[tilespmem:$0x6A8] =	vst v0  }
0xcb: {  	[tilespmem:$0x6B8] =	vst v0  }
0xcc: {  	[tilespmem:$0x6C8] =	vst v0  }
0xcd: {  	[tilespmem:$0x6D8] =	vst v0  }
0xce: {  	[tilespmem:$0x6E8] =	vst v0  }
0xcf: {  	[tilespmem:$0x6F8] =	vst v0  }
0xd0: {  	[tilespmem:$0x708] =	vst v0  }
0xd1: {  	[tilespmem:$0x718] =	vst v0  }
0xd2: {  	[tilespmem:$0x728] =	vst v0  }
0xd3: {  	[tilespmem:$0x738] =	vst v0  }
0xd4: {  	[tilespmem:$0x748] =	vst v0  }
0xd5: {  	[tilespmem:$0x758] =	vst v0  }
0xd6: {  	[tilespmem:$0x768] =	vst v0  }
0xd7: {  	[tilespmem:$0x778] =	vst v0  }
0xd8: {  	[tilespmem:$0x788] =	vst v0  }
0xd9: {  	[tilespmem:$0x798] =	vst v0  }
0xda: {  	[tilespmem:$0x7A8] =	vst v0  }
0xdb: {  	[tilespmem:$0x7B8] =	vst v0  }
0xdc: {  	[tilespmem:$0x7C8] =	vst v0  }
0xdd: {  	[tilespmem:$0x7D8] =	vst v0  }
0xde: {  	[tilespmem:$0x7E8] =	vst v0  }
0xdf: {  	[tilespmem:$0x7F8] =	vst v0  }
0xe0: {  	[tilespmem:$0x808] =	vst v0  }
0xe1: {  	[tilespmem:$0x818] =	vst v0  }
0xe2: {  	[tilespmem:$0x828] =	vst v0  }
0xe3: {  	[tilespmem:$0x838] =	vst v0  }
0xe4: {  	[tilespmem:$0x848] =	vst v0  }
0xe5: {  	[tilespmem:$0x858] =	vst v0  }
0xe6: {  	[tilespmem:$0x868] =	vst v0  }
0xe7: {  	[tilespmem:$0x878] =	vst v0  }
0xe8: {  	[tilespmem:$0x888] =	vst v0  }
0xe9: {  	[tilespmem:$0x898] =	vst v0  }
0xea: {  	[tilespmem:$0x8A8] =	vst v0  }
0xeb: {  	[tilespmem:$0x8B8] =	vst v0  }
0xec: {  	[tilespmem:$0x8C8] =	vst v0  }
0xed: {  	[tilespmem:$0x8D8] =	vst v0  }
0xee: {  	[tilespmem:$0x8E8] =	vst v0  }
0xef: {  	[tilespmem:$0x8F8] =	vst v0  }
0xf0: {  	[tilespmem:$0x908] =	vst v0  }
0xf1: {  	[tilespmem:$0x918] =	vst v0  }
0xf2: {  	[tilespmem:$0x928] =	vst v0  }
0xf3: {  	[tilespmem:$0x938] =	vst v0  }
0xf4: {  	[tilespmem:$0x948] =	vst v0  }
0xf5: {  	[tilespmem:$0x958] =	vst v0  }
0xf6: {  	[tilespmem:$0x968] =	vst v0  }
0xf7: {  	[tilespmem:$0x978] =	vst v0  }
0xf8: {  	[tilespmem:$0x988] =	vst v0  }
0xf9: {  	[tilespmem:$0x998] =	vst v0  }
0xfa: {  	[tilespmem:$0x9A8] =	vst v0  }
0xfb: {  	[tilespmem:$0x9B8] =	vst v0  }
0xfc: {  	[tilespmem:$0x9C8] =	vst v0  }
0xfd: {  	[tilespmem:$0x9D8] =	vst v0  }
0xfe: {  	[tilespmem:$0x9E8] =	vst v0  }
0xff: {  	[tilespmem:$0x9F8] =	vst v0  }
0x100: {  	[tilespmem:$0xA08] =	vst v0  }
0x101: {  	[tilespmem:$0xA18] =	vst v0  }
0x102: {  	[tilespmem:$0xA28] =	vst v0  }
0x103: {  	[tilespmem:$0xA38] =	vst v0  }
0x104: {  	[tilespmem:$0xA48] =	vst v0  }
0x105: {  	[tilespmem:$0xA58] =	vst v0  }
0x106: {  	[tilespmem:$0xA68] =	vst v0  }
0x107: {  	[tilespmem:$0xA78] =	vst v0  }
0x108: {  	[tilespmem:$0xA88] =	vst v0  }
0x109: {  	[tilespmem:$0xA98] =	vst v0  }
0x10a: {  	[tilespmem:$0xAA8] =	vst v0  }
0x10b: {  	[tilespmem:$0xAB8] =	vst v0  }
0x10c: {  	[tilespmem:$0xAC8] =	vst v0  }
0x10d: {  	[tilespmem:$0xAD8] =	vst v0  }
0x10e: {  	[tilespmem:$0xAE8] =	vst v0  }
0x10f: {  	[tilespmem:$0xAF8] =	vst v0  }
0x110: {  	[tilespmem:$0xB08] =	vst v0  }
0x111: {  	[tilespmem:$0xB18] =	vst v0  }
0x112: {  	[tilespmem:$0xB28] =	vst v0  }
0x113: {  	[tilespmem:$0xB38] =	vst v0  }
0x114: {  	[tilespmem:$0xB48] =	vst v0  }
0x115: {  	[tilespmem:$0xB58] =	vst v0  }
0x116: {  	[tilespmem:$0xB68] =	vst v0  }
0x117: {  	[tilespmem:$0xB78] =	vst v0  }
0x118: {  	[tilespmem:$0xB88] =	vst v0  }
0x119: {  	[tilespmem:$0xB98] =	vst v0  }
0x11a: {  	[tilespmem:$0xBA8] =	vst v0  }
0x11b: {  	[tilespmem:$0xBB8] =	vst v0  }
0x11c: {  	[tilespmem:$0xBC8] =	vst v0  }
0x11d: {  	[tilespmem:$0xBD8] =	vst v0  }
0x11e: {  	[tilespmem:$0xBE8] =	vst v0  }
0x11f: {  	[tilespmem:$0xBF8] =	vst v0  }
0x120: {  	[tilespmem:$0xC08] =	vst v0  }
0x121: {  	[tilespmem:$0xC18] =	vst v0  }
0x122: {  	[tilespmem:$0xC28] =	vst v0  }
0x123: {  	[tilespmem:$0xC38] =	vst v0  }
0x124: {  	[tilespmem:$0xC48] =	vst v0  }
0x125: {  	[tilespmem:$0xC58] =	vst v0  }
0x126: {  	[tilespmem:$0xC68] =	vst v0  }
0x127: {  	[tilespmem:$0xC78] =	vst v0  }
0x128: {  	[tilespmem:$0xC88] =	vst v0  }
0x129: {  	[tilespmem:$0xC98] =	vst v0  }
0x12a: {  	[tilespmem:$0xCA8] =	vst v0  }
0x12b: {  	[tilespmem:$0xCB8] =	vst v0  }
0x12c: {  	[tilespmem:$0xCC8] =	vst v0  }
0x12d: {  	[tilespmem:$0xCD8] =	vst v0  }
0x12e: {  	[tilespmem:$0xCE8] =	vst v0  }
0x12f: {  	[tilespmem:$0xCF8] =	vst v0  }
0x130: {  	[tilespmem:$0xD08] =	vst v0  }
0x131: {  	[tilespmem:$0xD18] =	vst v0  }
0x132: {  	[tilespmem:$0xD28] =	vst v0  }
0x133: {  	[tilespmem:$0xD38] =	vst v0  }
0x134: {  	[tilespmem:$0xD48] =	vst v0  }
0x135: {  	[tilespmem:$0xD58] =	vst v0  }
0x136: {  	[tilespmem:$0xD68] =	vst v0  }
0x137: {  	[tilespmem:$0xD78] =	vst v0  }
0x138: {  	[tilespmem:$0xD88] =	vst v0  }
0x139: {  	[tilespmem:$0xD98] =	vst v0  }
0x13a: {  	[tilespmem:$0xDA8] =	vst v0  }
0x13b: {  	[tilespmem:$0xDB8] =	vst v0  }
0x13c: {  	[tilespmem:$0xDC8] =	vst v0  }
0x13d: {  	[tilespmem:$0xDD8] =	vst v0  }
0x13e: {  	[tilespmem:$0xDE8] =	vst v0  }
0x13f: {  	[tilespmem:$0xDF8] =	vst v0  }
0x140: {  	[tilespmem:$0xE08] =	vst v0  }
0x141: {  	[tilespmem:$0xE18] =	vst v0  }
0x142: {  	[tilespmem:$0xE28] =	vst v0  }
0x143: {  	[tilespmem:$0xE38] =	vst v0  }
0x144: {  	[tilespmem:$0xE48] =	vst v0  }
0x145: {  	[tilespmem:$0xE58] =	vst v0  }
0x146: {  	[tilespmem:$0xE68] =	vst v0  }
0x147: {  	[tilespmem:$0xE78] =	vst v0  }
0x148: {  	[tilespmem:$0xE88] =	vst v0  }
0x149: {  	[tilespmem:$0xE98] =	vst v0  }
0x14a: {  	[tilespmem:$0xEA8] =	vst v0  }
0x14b: {  	[tilespmem:$0xEB8] =	vst v0  }
0x14c: {  	[tilespmem:$0xEC8] =	vst v0  }
0x14d: {  	[tilespmem:$0xED8] =	vst v0  }
0x14e: {  	[tilespmem:$0xEE8] =	vst v0  }
0x14f: {  	[tilespmem:$0xEF8] =	vst v0  }
0x150: {  	[tilespmem:$0xF08] =	vst v0  }
0x151: {  	[tilespmem:$0xF18] =	vst v0  }
0x152: {  	[tilespmem:$0xF28] =	vst v0  }
0x153: {  	[tilespmem:$0xF38] =	vst v0  }
0x154: {  	[tilespmem:$0xF48] =	vst v0  }
0x155: {  	[tilespmem:$0xF58] =	vst v0  }
0x156: {  	[tilespmem:$0xF68] =	vst v0  }
0x157: {  	[tilespmem:$0xF78] =	vst v0  }
0x158: {  	[tilespmem:$0xF88] =	vst v0  }
0x159: {  	[tilespmem:$0xF98] =	vst v0  }
0x15a: {  	[tilespmem:$0xFA8] =	vst v0  }
0x15b: {  	[tilespmem:$0xFB8] =	vst v0  }
0x15c: {  	[tilespmem:$0xFC8] =	vst v0  }
0x15d: {  	[tilespmem:$0xFD8] =	vst v0  }
0x15e: {  	[tilespmem:$0xFE8] =	vst v0  }
0x15f: {  	[tilespmem:$0xFF8] =	vst v0  }
0x160: {  	[tilespmem:$0x1018] =	vst v0  }
0x161: {  	[tilespmem:$0x1098] =	vst v0  }
0x162: {  	[tilespmem:$0x1B28] =	vst v0  }
0x163: {  	[tilespmem:$0x1B18] =	vst v0  }
0x164: {  	[tilespmem:$0x1B08] =	vst v0  }
0x165: {  	[tilespmem:$0x1AF8] =	vst v0  }
0x166: {  	[tilespmem:$0x1AE8] =	vst v0  }
0x167: {  	[tilespmem:$0x1AD8] =	vst v0  }
0x168: {  	[tilespmem:$0x1AC8] =	vst v0  }
0x169: {  	[tilespmem:$0x1AB8] =	vst v0  }
0x16a: {  	[tilespmem:$0x1AA8] =	vst v0  }
0x16b: {  	[tilespmem:$0x1A98] =	vst v0  }
0x16c: {  	[tilespmem:$0x1A88] =	vst v0  }
0x16d: {  	[tilespmem:$0x1A78] =	vst v0  }
0x16e: {  	[tilespmem:$0x1A68] =	vst v0  }
0x16f: {  	[tilespmem:$0x1A58] =	vst v0  }
0x170: {  	[tilespmem:$0x1A48] =	vst v0  }
0x171: {  	[tilespmem:$0x1A38] =	vst v0  }
0x172: {  	[tilespmem:$0x1A28] =	vst v0  }
0x173: {  	[tilespmem:$0x1A18] =	vst v0  }
0x174: {  	[tilespmem:$0x1A08] =	vst v0  }
0x175: {  	[tilespmem:$0x19F8] =	vst v0  }
0x176: {  	[tilespmem:$0x19E8] =	vst v0  }
0x177: {  	[tilespmem:$0x19D8] =	vst v0  }
0x178: {  	[tilespmem:$0x19C8] =	vst v0  }
0x179: {  	[tilespmem:$0x19B8] =	vst v0  }
0x17a: {  	[tilespmem:$0x19A8] =	vst v0  }
0x17b: {  	[tilespmem:$0x1998] =	vst v0  }
0x17c: {  	[tilespmem:$0x1988] =	vst v0  }
0x17d: {  	[tilespmem:$0x1978] =	vst v0  }
0x17e: {  	[tilespmem:$0x1968] =	vst v0  }
0x17f: {  	[tilespmem:$0x1958] =	vst v0  }
0x180: {  	[tilespmem:$0x1948] =	vst v0  }
0x181: {  	[tilespmem:$0x1938] =	vst v0  }
0x182: {  	[tilespmem:$0x1928] =	vst v0  }
0x183: {  	[tilespmem:$0x1918] =	vst v0  }
0x184: {  	[tilespmem:$0x1908] =	vst v0  }
0x185: {  	[tilespmem:$0x18F8] =	vst v0  }
0x186: {  	[tilespmem:$0x18E8] =	vst v0  }
0x187: {  	[tilespmem:$0x18D8] =	vst v0  }
0x188: {  	[tilespmem:$0x18C8] =	vst v0  }
0x189: {  	[tilespmem:$0x18B8] =	vst v0  }
0x18a: {  	[tilespmem:$0x18A8] =	vst v0  }
0x18b: {  	[tilespmem:$0x1898] =	vst v0  }
0x18c: {  	[tilespmem:$0x1888] =	vst v0  }
0x18d: {  	[tilespmem:$0x1878] =	vst v0  }
0x18e: {  	[tilespmem:$0x1868] =	vst v0  }
0x18f: {  	[tilespmem:$0x1858] =	vst v0  }
0x190: {  	[tilespmem:$0x1848] =	vst v0  }
0x191: {  	[tilespmem:$0x1838] =	vst v0  }
0x192: {  	[tilespmem:$0x1828] =	vst v0  }
0x193: {  	[tilespmem:$0x1818] =	vst v0  }
0x194: {  	[tilespmem:$0x1808] =	vst v0  }
0x195: {  	[tilespmem:$0x17F8] =	vst v0  }
0x196: {  	[tilespmem:$0x17E8] =	vst v0  }
0x197: {  	[tilespmem:$0x17D8] =	vst v0  }
0x198: {  	[tilespmem:$0x17C8] =	vst v0  }
0x199: {  	[tilespmem:$0x17B8] =	vst v0  }
0x19a: {  	[tilespmem:$0x17A8] =	vst v0  }
0x19b: {  	[tilespmem:$0x1798] =	vst v0  }
0x19c: {  	[tilespmem:$0x1788] =	vst v0  }
0x19d: {  	[tilespmem:$0x1778] =	vst v0  }
0x19e: {  	[tilespmem:$0x1768] =	vst v0  }
0x19f: {  	[tilespmem:$0x1758] =	vst v0  }
0x1a0: {  	[tilespmem:$0x1748] =	vst v0  }
0x1a1: {  	[tilespmem:$0x1738] =	vst v0  }
0x1a2: {  	[tilespmem:$0x1728] =	vst v0  }
0x1a3: {  	[tilespmem:$0x1718] =	vst v0  }
0x1a4: {  	[tilespmem:$0x1708] =	vst v0  }
0x1a5: {  	[tilespmem:$0x16F8] =	vst v0  }
0x1a6: {  	[tilespmem:$0x16E8] =	vst v0  }
0x1a7: {  	[tilespmem:$0x16D8] =	vst v0  }
0x1a8: {  	[tilespmem:$0x16C8] =	vst v0  }
0x1a9: {  	[tilespmem:$0x16B8] =	vst v0  }
0x1aa: {  	[tilespmem:$0x16A8] =	vst v0  }
0x1ab: {  	[tilespmem:$0x1698] =	vst v0  }
0x1ac: {  	[tilespmem:$0x1688] =	vst v0  }
0x1ad: {  	[tilespmem:$0x1678] =	vst v0  }
0x1ae: {  	[tilespmem:$0x1668] =	vst v0  }
0x1af: {  	[tilespmem:$0x1658] =	vst v0  }
0x1b0: {  	[tilespmem:$0x1648] =	vst v0  }
0x1b1: {  	[tilespmem:$0x1638] =	vst v0  }
0x1b2: {  	[tilespmem:$0x1628] =	vst v0  }
0x1b3: {  	[tilespmem:$0x1618] =	vst v0  }
0x1b4: {  	[tilespmem:$0x1608] =	vst v0  }
0x1b5: {  	[tilespmem:$0x15F8] =	vst v0  }
0x1b6: {  	[tilespmem:$0x15E8] =	vst v0  }
0x1b7: {  	[tilespmem:$0x15D8] =	vst v0  }
0x1b8: {  	[tilespmem:$0x15C8] =	vst v0  }
0x1b9: {  	[tilespmem:$0x15B8] =	vst v0  }
0x1ba: {  	[tilespmem:$0x15A8] =	vst v0  }
0x1bb: {  	[tilespmem:$0x1598] =	vst v0  }
0x1bc: {  	[tilespmem:$0x1588] =	vst v0  }
0x1bd: {  	[tilespmem:$0x1578] =	vst v0  }
0x1be: {  	[tilespmem:$0x1568] =	vst v0  }
0x1bf: {  	[tilespmem:$0x1558] =	vst v0  }
0x1c0: {  	[tilespmem:$0x1548] =	vst v0  }
0x1c1: {  	[tilespmem:$0x1538] =	vst v0  }
0x1c2: {  	[tilespmem:$0x1528] =	vst v0  }
0x1c3: {  	[tilespmem:$0x1518] =	vst v0  }
0x1c4: {  	[tilespmem:$0x1508] =	vst v0  }
0x1c5: {  	[tilespmem:$0x14F8] =	vst v0  }
0x1c6: {  	[tilespmem:$0x14E8] =	vst v0  }
0x1c7: {  	[tilespmem:$0x14D8] =	vst v0  }
0x1c8: {  	[tilespmem:$0x14C8] =	vst v0  }
0x1c9: {  	[tilespmem:$0x14B8] =	vst v0  }
0x1ca: {  	[tilespmem:$0x14A8] =	vst v0  }
0x1cb: {  	[tilespmem:$0x1498] =	vst v0  }
0x1cc: {  	[tilespmem:$0x1488] =	vst v0  }
0x1cd: {  	[tilespmem:$0x1478] =	vst v0  }
0x1ce: {  	[tilespmem:$0x1468] =	vst v0  }
0x1cf: {  	[tilespmem:$0x1458] =	vst v0  }
0x1d0: {  	[tilespmem:$0x1448] =	vst v0  }
0x1d1: {  	[tilespmem:$0x1438] =	vst v0  }
0x1d2: {  	[tilespmem:$0x1428] =	vst v0  }
0x1d3: {  	[tilespmem:$0x1418] =	vst v0  }
0x1d4: {  	[tilespmem:$0x1408] =	vst v0  }
0x1d5: {  	[tilespmem:$0x13F8] =	vst v0  }
0x1d6: {  	[tilespmem:$0x13E8] =	vst v0  }
0x1d7: {  	[tilespmem:$0x13D8] =	vst v0  }
0x1d8: {  	[tilespmem:$0x13C8] =	vst v0  }
0x1d9: {  	[tilespmem:$0x13B8] =	vst v0  }
0x1da: {  	[tilespmem:$0x13A8] =	vst v0  }
0x1db: {  	[tilespmem:$0x1398] =	vst v0  }
0x1dc: {  	[tilespmem:$0x1388] =	vst v0  }
0x1dd: {  	[tilespmem:$0x1378] =	vst v0  }
0x1de: {  	[tilespmem:$0x1368] =	vst v0  }
0x1df: {  	[tilespmem:$0x1358] =	vst v0  }
0x1e0: {  	[tilespmem:$0x1348] =	vst v0  }
0x1e1: {  	[tilespmem:$0x1338] =	vst v0  }
0x1e2: {  	[tilespmem:$0x1328] =	vst v0  }
0x1e3: {  	[tilespmem:$0x1318] =	vst v0  }
0x1e4: {  	[tilespmem:$0x1308] =	vst v0  }
0x1e5: {  	[tilespmem:$0x12F8] =	vst v0  }
0x1e6: {  	[tilespmem:$0x12E8] =	vst v0  }
0x1e7: {  	[tilespmem:$0x12D8] =	vst v0  }
0x1e8: {  	[tilespmem:$0x12C8] =	vst v0  }
0x1e9: {  	[tilespmem:$0x12B8] =	vst v0  }
0x1ea: {  	[tilespmem:$0x12A8] =	vst v0  }
0x1eb: {  	[tilespmem:$0x1298] =	vst v0  }
0x1ec: {  	[tilespmem:$0x1288] =	vst v0  }
0x1ed: {  	[tilespmem:$0x1278] =	vst v0  }
0x1ee: {  	[tilespmem:$0x1268] =	vst v0  }
0x1ef: {  	[tilespmem:$0x1258] =	vst v0  }
0x1f0: {  	[tilespmem:$0x1248] =	vst v0  }
0x1f1: {  	[tilespmem:$0x1238] =	vst v0  }
0x1f2: {  	[tilespmem:$0x1228] =	vst v0  }
0x1f3: {  	[tilespmem:$0x1218] =	vst v0  }
0x1f4: {  	[tilespmem:$0x1208] =	vst v0  }
0x1f5: {  	[tilespmem:$0x11F8] =	vst v0  }
0x1f6: {  	[tilespmem:$0x11E8] =	vst v0  }
0x1f7: {  	[tilespmem:$0x11D8] =	vst v0  }
0x1f8: {  	[tilespmem:$0x11C8] =	vst v0  }
0x1f9: {  	[tilespmem:$0x11B8] =	vst v0  }
0x1fa: {  	[tilespmem:$0x11A8] =	vst v0  }
0x1fb: {  	[tilespmem:$0x1198] =	vst v0  }
0x1fc: {  	[tilespmem:$0x1188] =	vst v0  }
0x1fd: {  	[tilespmem:$0x1178] =	vst v0  }
0x1fe: {  	[tilespmem:$0x1168] =	vst v0  }
0x1ff: {  	[tilespmem:$0x1158] =	vst v0  }
0x200: {  	[tilespmem:$0x1148] =	vst v0  }
0x201: {  	[tilespmem:$0x1138] =	vst v0  }
0x202: {  	[tilespmem:$0x1128] =	vst v0  }
0x203: {  	[tilespmem:$0x1118] =	vst v0  }
0x204: {  	[tilespmem:$0x1108] =	vst v0  }
0x205: {  	[tilespmem:$0x10F8] =	vst v0  }
0x206: {  	[tilespmem:$0x10E8] =	vst v0  }
0x207: {  	s2 =	stileid.u32;
	[tilespmem:$0x10D8] =	vst v0  }
0x208: {  	s3 =	smul.u32 $0xCF90, s2;
	[tilespmem:$0x10C8] =	vst v0  }
0x209: {  	[tilespmem:$0x10B8] =	vst v0  }
0x20a: {  	[tilespmem:$0x10A8] =	vst v0;
	s0 =	smin.u32 s3, $0xC28C0  }
0x20b: {  	[tilespmem:$0x1028] =	vst v0;
	s4 =	sadd.s32 $0xCF90, s0  }
0x20c: {  	s5 =	simm.s32 $0x2;
	s29 =	simm.s32 $0x7;
	[tilespmem:$0x1088] =	vst v0;
	s0 =	ssub.s32 s4, s3  }
0x20d: {  	s13 =	simm.s32 $0x8;
	s30 =	simm.s32 $0x9;
	[tilespmem:$0x1078] =	vst v0;
	p0 =	sgt.s32 s0, $0x0  }
0x20e: {  	p4 =	por $0x0, $0x0;
	s14 =	simm.s32 $0xA;
	[tilespmem:$0x1068] =	vst v0;
	s0 =	simm.s32 @!p0 $0x0  }
0x20f: {  	s18 =	simm.s32 $0x0;
	s15 =	simm.s32 $0x0;
	[tilespmem:$0x1058] =	vst v0;
	s12 =	smulhi.u32 $0x97B426, s0  }
0x210: {  	s17 =	simm.s32 $0x0;
	s1 =	sadd.s32 $0x146A00, s8;
	s6 =	sadd.s32 $0x1400, s8;
	[tilespmem:$0x1048] =	vst v0  }
0x211: {  	s7 =	sadd.s32 $0x379400, s8;
	s31 =	sshll.u32 s2, $0x5;
	[tilespmem:$0x1038] =	vst v0;
	s10 =	smul.u32 $0x1B0, s12  }
.Ltmp7:
0x212: {  	[tilespmem:$0x1008] =	vst v0;
	[sflag:s5] =	ssyncpa.u1 $0x0;
	v0 =	vimm.s32 $0xFFFFFFFF;
	s5 =	sadd.s32 $0x69400, s8;
	(pc) =	sbr.rel .LBB3_1-.Ltmp7, $4  }
0x213: {  	[dreg:$0x2] =	wrdreg s31;
	[tilespmem:$0x3648] =	vst v0;
	[sflag:s29] =	ssyncpa.u1 $0x0;
	p0 =	sne.s32 s0, s10  }
0x214: {  	s16 =	smov.u32 s3;
	[dreg:$0x3] =	wrdreg s3;
	s11 =	simm.s32 @!p0 $0x0  }
0x215: {  	[sflag:s13] =	ssyncpa.u1 $0x0;
	s13 =	simm.s32 $0x0;
	s11 =	sadd.s32 s11, s12  }
0x216: {  	v0 =	vlaneseq.u32;
	[sflag:s30] =	ssyncpa.u1 $0x0;
	p0 =	por $0x1, $0x1;
	s8 =	sadd.s32 $0x1, s11  }
.LBB3_18:
0x217: {  	s0 =	simm.s32 $0x2  }
0x218: {  	_ =	swait.ge [sflag:s0], $0x0  }
0x219: {  	[sflag:s0] =	ssyncset.done $0x0;
	s0 =	simm.s32 $0x0  }
.LBB3_19:
0x21a: {  	_ =	swait.ge [sflag:s14], s0  }
0x21b: {  	s31 =	ssub.s32 $0x0, s0;
	v1 =	vmov s20;
	vm0 =	veq.s32 v0, $0x0;
	[sflag:s14] =	ssyncset.done $0x0  }
0x21c: {  	vm15 =	veq.s32 v0, $0x2;
	v1 =	vsel vm0, s24, v1;
	[sflag:s14] =	ssyncadd.s32 s31  }
0x21d: {  	v1 =	vsel vm15, s18, v1;
	[sflag:s14] =	ssyncpa.u1 $0x1  }
0x21e: {  	[tilespmem:$0x3648] =	vst v1  }
.LBB3_20:
0x21f: {  	s0 =	sadd.s32 $0x1B0, s16  }
0x220: {  	s2 =	smov.u32 s3;
	p1 =	slt.s32 s0, s4  }
0x221: {  	s2 =	smov.u32 @p1 s0;
	p1 =	sne.s32 s17, s8  }
.Ltmp8:
0x222: {  	_ = 	snop;
	(pc) =	sbr.rel @!p1 .LBB3_21-.Ltmp8, $4  }
0x223: {  	_ = 	snop  }
0x224: {  	s18 =	smov.u32 s15  }
0x225: {  	s31 =	sadd.s32 $0x1, s17;
	s15 =	smov.u32 s16;
	p0 =	por !p0, !p0  }
0x226: {  	p4 =	por !p4, !p4;
	s17 =	smov.u32 s31;
	s16 =	smov.u32 s2  }
.LBB3_1:
0x227: {  	p2 =	sge.u32 s17, s11  }
0x228: {  	s0 =	smulhi.u32 @!p2 $0xAAAAAAAB, s17  }
0x229: {  	s19 =	smov.u32 s16;
	p3 =	sgt.s32 @!p2 s16, $0xCF6A0  }
0x22a: {  	s20 =	sshra.s32 @!p2 s16, $0x1F;
	p3 =	por !p3, p2;
	s0 =	sshrl.u32 @!p2 s0, $0x1  }
0x22b: {  	s20 =	sand.u32 @!p2 s20, s16;
	s19 =	simm.s32 @p3 $0xCF6A0;
	s0 =	smul.u32 @!p2 $0x3, s0  }
0x22c: {  	s19 =	ssub.s32 @!p2 s19, s20  }
0x22d: {  	s19 =	sadd.s32 @!p2 $0xFFF30960, s19;
	s0 =	ssub.s32 @!p2 s17, s0  }
0x22e: {  	s20 =	sshll.u32 @!p2 s19, $0x2;
	p3 =	sgt.s32 @!p2 s19, $0x1AF;
	s0 =	smul.u32 @!p2 $0x6C0, s0  }
0x22f: {  	s21 =	sand.u32 @!p2 $0x7, s16;
	s19 =	ssub.s32 @!p2 $0x6C0, s20;
	p3 =	por !p3, p2  }
0x230: {  	s20 =	sshrl.u32 @!p2 s16, $0x3;
	s19 =	sshrl.u32 @!p2 s19, $0x2;
	s0 =	sshrl.u32 @!p2 s0, $0x2  }
0x231: {  	s20 =	sadd.s32 @!p2 s5, s20;
	s19 =	simm.s32 @!p3 $0x0;
	s0 =	sadd.s32 @!p2 $0x3878, s0  }
0x232: {  	[tilespmem:s0], [sflag:$0x8] =	stream.linear.gather @!p2 [hbm4b:s20+s21], s19, $0x38;
	[tilespmem:$0x1F0E8] =	vst v63  }
0x233: {  	s20 =	sadd.s32 $0xFFFFFFFF, s17  }
0x234: {  	p2 =	sge.u32 s20, s11  }
0x235: {  	p3 =	sgt.s32 @!p2 s15, $0xCF6A0  }
0x236: {  	s0 =	smov.u32 s15;
	s19 =	sshra.s32 @!p2 s15, $0x1F;
	p3 =	por !p3, p2  }
0x237: {  	s19 =	sand.u32 @!p2 s19, s15;
	s0 =	simm.s32 @p3 $0xCF6A0  }
0x238: {  	s0 =	ssub.s32 @!p2 s0, s19  }
0x239: {  	s0 =	sadd.s32 @!p2 $0xFFF30960, s0  }
0x23a: {  	s19 =	sshll.u32 @!p2 s0, $0x2  }
0x23b: {  	p3 =	sgt.s32 @!p2 s0, $0x1AF;
	s0 =	ssub.s32 @!p2 $0x6C0, s19  }
0x23c: {  	p3 =	por !p3, p2;
	s0 =	sshrl.u32 @!p2 s0, $0x2  }
0x23d: {  	s21 =	simm.s32 @!p2 $0x8;
	s19 =	sand.u32 @!p2 $0x1, s20;
	s0 =	simm.s32 @!p3 $0x0  }
0x23e: {  	s19 =	smul.u32 @!p2 $0x6C0, s19;
	_ =	swait.ge @!p2 [sflag:s21], s0  }
0x23f: {  	s22 =	ssub.s32 @!p2 $0x0, s0;
	[sflag:s21] =	ssyncset.done @!p2 $0x0  }
0x240: {  	s19 =	sshrl.u32 @!p2 s19, $0x2;
	[sflag:s21] =	ssyncadd.s32 @!p2 s22;
	s21 =	sshrl.u32 @!p2 s15, $0x3  }
0x241: {  	s19 =	sadd.s32 @!p2 $0x3D88, s19;
	s22 =	sand.u32 @!p2 $0x7, s15;
	s21 =	sadd.s32 @!p2 s6, s21  }
0x242: {  	[tilespmem:s19], [sflag:$0x9] =	stream.linear.gather @!p2 [hbm4b:s21+s22], s0, $0x38;
	[tilespmem:$0x1F0E8] =	vst v63  }
0x243: {  	s19 =	ssub.s32 @!p2 $0xCF850, s15  }
0x244: {  	p3 =	slt.s32 @!p2 s19, $0x1  }
0x245: {  	p3 =	por p2, p3  }
.Ltmp9:
0x246: {  	_ = 	snop;
	(pc) =	sbr.rel @p3 .LBB3_7-.Ltmp9, $1  }
0x247: {  	_ =	sdelay $0x3  }
0x248: {  	s0 =	smulhi.u32 $0xAAAAAAAB, s20;
	_ =	sdelay $0x1  }
0x249: {  	s0 =	sshrl.u32 s0, $0x1  }
0x24a: {  	s0 =	smul.u32 $0x3, s0;
	_ =	sdelay $0x1  }
0x24b: {  	s0 =	ssub.s32 s20, s0  }
0x24c: {  	s21 =	simm.s32 $0x1;
	s0 =	smul.u32 $0x6C0, s0  }
.Ltmp10:
0x24d: {  	s21 =	simm.s32 @!p0 $0x0;
	(pc) =	sbr.rel .LBB3_4-.Ltmp10, $4  }
0x24e: {  	s31 =	smul.u32 $0x36000, s21  }
0x24f: {  	p3 =	slt.s32 @!p2 s19, $0x1B0;
	s0 =	sshrl.u32 s0, $0x2  }
0x250: {  	p2 =	por !p3, p2;
	s20 =	sshrl.u32 s31, $0x2;
	s0 =	sadd.s32 $0x3878, s0  }
0x251: {  	s19 =	simm.s32 @p2 $0x1B0;
	s21 =	simm.s32 $0x0;
	s20 =	sadd.s32 $0x40E8, s20;
	v1 =	vmov s0  }
.LBB3_3:
0x252: {  	p2 =	sge.s32 s21, s19  }
.Ltmp11:
0x253: {  	_ = 	snop;
	(pc) =	sbr.rel @p2 .LBB3_7-.Ltmp11, $2  }
0x254: {  	_ =	sdelay $0x2  }
0x255: {  	s20 =	sadd.s32 $0x800, s20  }
.LBB3_4:
0x256: {  	p2 =	sle.s32 s19, s21  }
.Ltmp12:
0x257: {  	_ = 	snop;
	(pc) =	sbr.rel @p2 .LBB3_3-.Ltmp12, $2  }
0x258: {  	_ =	sdelay $0x2  }
0x259: {  	s22 =	smov.u32 s21;
	s21 =	sadd.s32 $0x10, s21  }
0x25a: {  	s0 =	ssub.s32 s19, s22  }
0x25b: {  	p2 =	slt.s32 s0, $0x10  }
0x25c: {  	s0 =	simm.s32 @!p2 $0x10  }
0x25d: {  	v2 =	vmov s0  }
0x25e: {  	vm0 =	vgt.s32 v2, v0;
	_ =	sdelay $0x5  }
0x25f: {  	v2 =	vld.idx.msk [tilespmem:v1+s22+$0x0 ss:$0x1], vm0;
	_ =	sdelay $0x2  }
0x260: {  	s23 =	smov.u32 s19;
	p2 =	slt.s32 s21, s19  }
0x261: {  	s24 =	smov.u32 s20;
	s25 =	simm.s32 $0x0;
	s23 =	smov.u32 @p2 s21  }
.LBB3_6:
0x262: {  	(v2sf) =	vpush v2, s25;
	_ =	sdelay $0xc  }
0x263: {  	s25 =	sadd.s32 $0x1, s25  }
0x264: {  	s31 =	sadd.s32 s25, s22  }
0x265: {  	p2 =	slt.s32 s31, s23;
	s0 =	spop (v2sf)  }
.Ltmp13:
0x266: {  	s0 =	sshll.u32 s0, $0x4;
	(pc) =	sbr.rel @p2 .LBB3_6-.Ltmp13, $4  }
0x267: {  	s0 =	sand.u32 $0x1FFFFFF0, s0  }
0x268: {  	s0 =	sadd.s32 s7, s0  }
0x269: {  	[tilespmem:s24], [sflag:$0x7] =	stream.linear.gather [hbm4b:s0+s13], $0x4, $0x38;
	[tilespmem:$0x1F0E8] =	vst v63  }
0x26a: {  	s24 =	sadd.s32 $0x80, s24  }
.Ltmp14:
0x26b: {  	_ = 	snop;
	(pc) =	sbr.rel .LBB3_3-.Ltmp14, $1  }
0x26c: {  	_ =	sdelay $0x3  }
.LBB3_7:
0x26d: {  	p2 =	slt.u32 s17, $0x2  }
.Ltmp15:
0x26e: {  	_ = 	snop;
	(pc) =	sbr.rel @p2 .LBB3_20-.Ltmp15, $1  }
0x26f: {  	_ =	sdelay $0x3  }
0x270: {  	p2 =	sgt.s32 s18, $0xCF6A0;
	s0 =	smov.u32 s18  }
0x271: {  	s19 =	sshra.s32 s18, $0x1F;
	s20 =	ssub.s32 $0xCF850, s18;
	s0 =	simm.s32 @!p2 $0xCF6A0  }
0x272: {  	s19 =	sand.u32 s19, s18;
	p2 =	slt.s32 s20, $0x1B0;
	s21 =	smov.u32 s20  }
0x273: {  	s0 =	ssub.s32 s0, s19;
	s21 =	simm.s32 @!p2 $0x1B0  }
0x274: {  	s0 =	sadd.s32 $0xFFF30960, s0;
	s26 =	sshll.u32 s21, $0x2  }
0x275: {  	s2 =	simm.s32 $0x7;
	s28 =	sshll.u32 s0, $0x2;
	s19 =	sand.u32 $0x3FFFFFFC, s26  }
0x276: {  	p2 =	sgt.s32 s0, $0x1AF;
	s29 =	ssub.s32 $0x6C0, s28;
	_ =	swait.ge [sflag:s2], s19  }
0x277: {  	s19 =	ssub.s32 $0x0, s19;
	[sflag:s2] =	ssyncset.done $0x0;
	s0 =	sshrl.u32 s29, $0x2  }
0x278: {  	s30 =	simm.s32 $0x9;
	[sflag:s2] =	ssyncadd.s32 s19;
	s0 =	simm.s32 @p2 $0x0  }
0x279: {  	_ =	swait.ge [sflag:s30], s0  }
0x27a: {  	s0 =	ssub.s32 $0x0, s0;
	[sflag:s30] =	ssyncset.done $0x0  }
0x27b: {  	[sflag:s30] =	ssyncadd.s32 s0  }
0x27c: {  	v1 =	vld [tilespmem:$0x3648];
	_ =	sdelay $0x4  }
0x27d: {  	(v2sf) =	vpush v1, $0x0  }
0x27e: {  	(v2sf) =	vpush v1, $0x1  }
0x27f: {  	(v2sf) =	vpush v1, $0x2;
	_ =	sdelay $0x3  }
0x280: {  	s0 =	sadd.s32 $0x1B0, s18  }
0x281: {  	p2 =	slt.s32 s4, s0  }
0x282: {  	s0 =	smov.u32 @p2 s4;
	p2 =	sgt.s32 s20, $0x0  }
0x283: {  	s22 =	ssub.s32 s0, s18;
	s20 =	simm.s32 @!p2 $0x0  }
0x284: {  	p2 =	slt.s32 s20, s22  }
0x285: {  	s22 =	smov.u32 @p2 s20  }
0x286: {  	s21 =	simm.s32 $0x1;
	p2 =	slt.s32 s22, $0x1  }
.Ltmp16:
0x287: {  	s21 =	simm.s32 @!p4 $0x0;
	(pc) =	sbr.rel @p2 .LBB3_12-.Ltmp16, $4  }
0x288: {  	s31 =	smul.u32 $0x6C0, s21  }
0x289: {  	s23 =	spop (v2sf)  }
0x28a: {  	s0 =	sshrl.u32 s31, $0x2;
	s25 =	spop (v2sf)  }
0x28b: {  	s19 =	sadd.s32 $0x3D88, s0;
	s18 =	spop (v2sf)  }
0x28c: {  	s0 =	smin.u32 s22, $0x10  }
0x28d: {  	v1 =	vmov s0  }
0x28e: {  	p3 =	sgt.s32 s22, $0x10;
	vm1 =	vgt.u32 v1, v0  }
.Ltmp17:
0x28f: {  	_ = 	snop;
	(pc) =	sbr.rel @!p3 .LBB3_11-.Ltmp17, $2  }
0x290: {  	_ =	sdelay $0x2  }
0x291: {  	s24 =	simm.s32 $0x10;
	s26 =	sadd.s32 $0xFFFFFFF0, s22;
	s20 =	smov.u32 s19;
	vm0 =	vmmov vm1  }
.LBB3_10:
0x292: {  	s0 =	smin.u32 s26, $0x10;
	s24 =	sadd.s32 $0x10, s24;
	v1 =	vld.msk [tilespmem:s20+$0x0 ss:$0x1], vm1  }
0x293: {  	v2 =	vmov s0;
	p3 =	slt.s32 s24, s22  }
0x294: {  	vm1 =	vgt.u32 v2, v0  }
.Ltmp18:
0x295: {  	(pc) =	sbr.rel @p3 .LBB3_10-.Ltmp18, $3  }
0x296: {  	_ =	sdelay $0x1  }
0x297: {  	v1 =	vshll.u32 v1, $0x4  }
0x298: {  	s26 =	sadd.s32 $0xFFFFFFF0, s26;
	[tilespmem:s20+$0x0] =	vst.msk vm0, v1;
	s20 =	sadd.s32 $0x10, s20;
	vm0 =	vmmov vm1  }
.LBB3_11:
0x299: {  	_ =	sdelay $0x4  }
0x29a: {  	v1 =	vld.msk [tilespmem:s20+$0x0 ss:$0x1], vm1;
	_ =	sdelay $0x4  }
0x29b: {  	v1 =	vshll.u32 v1, $0x4  }
0x29c: {  	[tilespmem:s20+$0x0] =	vst.msk vm0, v1  }
.LBB3_12:
0x29d: {  	s0 =	sand.u32 $0x1, s17  }
0x29e: {  	s0 =	smul.u32 $0x1B0, s0  }
0x29f: {  	p3 =	sne.s32 s25, $0xFFFFFFFF  }
0x2a0: {  	v1 =	vld.msk @!p3 [tilespmem:s0+$0x3D88], $0x1;
	_ =	sdelay $0x4  }
0x2a1: {  	(v2sf) =	vpush @!p3 v1, $0x0;
	_ =	sdelay $0xc  }
.Ltmp19:
0x2a2: {  	_ = 	snop;
	(pc) =	sbr.rel @p2 .LBB3_18-.Ltmp19, $4  }
0x2a3: {  	_ = 	snop  }
0x2a4: {  	s24 =	spop @!p3 (v2sf)  }
0x2a5: {  	s18 =	simm.s32 @!p3 $0x0;
	s20 =	smov.u32 s24  }
0x2a6: {  	[sflag:s14] =	ssyncpa.u1 $0x0;
	s24 =	smov.u32 @p3 s23;
	s20 =	smov.u32 @p3 s25  }
0x2a7: {  	v1 =	vld.msk [tilespmem:s19+$0x0], $0x1;
	_ =	sdelay $0x4  }
0x2a8: {  	(v2sf) =	vpush v1, $0x0;
	_ =	sdelay $0xd  }
0x2a9: {  	s0 =	simm.s32 @!p4 $0x0  }
0x2aa: {  	s26 =	smul.u32 $0x36000, s21;
	s25 =	ssub.s32 $0x0, s22;
	s28 =	spop (v2sf)  }
0x2ab: {  	s0 =	simm.s32 @p4 $0x1;
	s23 =	sadd.s32 $0x1, s25;
	p2 =	seq.s32 s24, s28  }
0x2ac: {  	[smem:$0x7FD] =	sst s0;
	s0 =	sshrl.u32 s26, $0x2;
	p3 =	sgt.s32 @!p2 s24, $0x0  }
0x2ad: {  	s21 =	sadd.s32 $0x40E8, s0;
	s0 =	smov.u32 s24;
	p3 =	por !p3, p2  }
0x2ae: {  	s0 =	simm.s32 @p3 $0x0;
	p3 =	seq.s32 s23, $0x0  }
.Ltmp20:
0x2af: {  	_ = 	snop;
	(pc) =	sbr.rel @p3 .LBB3_15-.Ltmp20, $4  }
0x2b0: {  	s3 =	smov.u32 s8;
	s12 =	smov.u32 s5;
	s8 =	smov.u32 s6  }
0x2b1: {  	s22 =	simm.s32 $0x0;
	s29 =	simm.s32 @!p2 $0x1;
	s0 =	smin.u32 @!p2 s0, $0xC34FF  }
0x2b2: {  	s30 =	simm.s32 @!p2 $0x1B38;
	s29 =	smov.u32 @p2 s22;
	s26 =	sand.u32 @!p2 $0xFFFF8, s0  }
0x2b3: {  	s31 =	sand.u32 @!p2 $0x7, s0;
	s0 =	sadd.s32 @!p2 s1, s26;
	s26 =	sadd.s32 $0x1, s19  }
.LBB3_14:
0x2b4: {  	s2 =	smov.u32 s29  }
0x2b5: {  	[tilespmem:s30], [sflag:$0x2] =	stream.linear.gather @!p2 [hbm4b:s0+s31], $0x4, $0x38;
	[tilespmem:$0x1F0E8] =	vst v63  }
0x2b6: {  	s23 =	sadd.s32 $0x1, s23;
	s0 =	smov.u32 s28;
	v1 =	vld.msk [tilespmem:s26+$0x0], $0x1  }
0x2b7: {  	p3 =	seq.s32 s23, $0x0;
	_ =	sdelay $0x3  }
0x2b8: {  	(v2sf) =	vpush v1, $0x0;
	_ =	sdelay $0xe  }
0x2b9: {  	s28 =	spop (v2sf)  }
0x2ba: {  	p2 =	seq.s32 s0, s28  }
0x2bb: {  	p4 =	sgt.s32 @!p2 s0, $0x0;
	s30 =	sshll.u32 @!p2 s29, $0x6;
	s29 =	sadd.s32 @!p2 $0x1, s29  }
.Ltmp21:
0x2bc: {  	p4 =	por !p4, p2;
	s30 =	sshra.s32 @!p2 s30, $0x2;
	(pc) =	sbr.rel @!p3 .LBB3_14-.Ltmp21, $4  }
0x2bd: {  	s29 =	smov.u32 @p2 s2;
	s0 =	simm.s32 @p4 $0x0;
	s30 =	sadd.s32 @!p2 $0x1B38, s30  }
0x2be: {  	s0 =	smin.u32 @!p2 s0, $0xC34FF  }
0x2bf: {  	s2 =	sand.u32 @!p2 $0xFFFF8, s0;
	s31 =	sand.u32 @!p2 $0x7, s0  }
0x2c0: {  	s26 =	sadd.s32 $0x1, s26;
	s0 =	sadd.s32 @!p2 s1, s2  }
.LBB3_15:
0x2c1: {  	[tilespmem:s30], [sflag:$0x2] =	stream.linear.gather @!p2 [hbm4b:s0+s31], $0x4, $0x38;
	[tilespmem:$0x1F0E8] =	vst v63  }
0x2c2: {  	s31 =	sshll.u32 s29, $0x2  }
0x2c3: {  	s2 =	simm.s32 $0x2;
	s0 =	sand.u32 $0x3FFFFFFC, s31  }
0x2c4: {  	_ =	swait.ge [sflag:s2], s0  }
0x2c5: {  	s0 =	ssub.s32 $0x0, s0;
	[sflag:s2] =	ssyncset.done $0x0  }
0x2c6: {  	[sflag:s2] =	ssyncadd.s32 s0  }
0x2c7: {  	v1 =	vld.msk [tilespmem:s19+$0x0], $0x1;
	_ =	sdelay $0x4  }
0x2c8: {  	(v2sf) =	vpush v1, $0x0;
	_ =	sdelay $0xe  }
0x2c9: {  	s23 =	spop (v2sf)  }
0x2ca: {  	p2 =	sne.s32 s24, s23  }
0x2cb: {  	p4 =	sne.s32 @p2 s24, s20  }
0x2cc: {  	p3 =	por !p4, !p2  }
0x2cd: {  	s0 =	simm.s32 @!p3 $0x0  }
0x2ce: {  	v1 =	vld.msk @!p3 [tilespmem:s0+$0x1B38], $0xf  }
0x2cf: {  	p5 =	sgt.u32 @!p3 s24, $0xC34FF  }
0x2d0: {  	s2 =	sshll.u32 @!p3 s18, $0x6;
	p6 =	por @p2 p5, !p4  }
0x2d1: {  	s2 =	sshra.s32 @!p3 s2, $0x2;
	p1 =	por p6, !p2;
	p6 =	por p4, !p2  }
0x2d2: {  	s26 =	sadd.s32 @!p3 $0x28, s2;
	s28 =	sand.u32 @!p1 $0xFFFF8, s24;
	s29 =	sshll.u32 @!p6 s18, $0x6  }
0x2d3: {  	s24 =	sand.u32 @!p1 $0x7, s24;
	[tilespmem:s2+$0x28] =	vst.add.f32.msk @!p3 $0xf, v1;
	s2 =	sadd.s32 @!p1 s1, s28;
	s28 =	sshra.s32 @!p6 s29, $0x2  }
0x2d4: {  	[hbm4b:s2+s24] =	stream.linear.scatter @!p1 [tilespmem:s26], [sflag:$0xA], $0x4, $0x38;
	[tilespmem:$0x1F0E8] =	vst v63  }
0x2d5: {  	s0 =	rddreg [dreg:$0x2];
	s2 =	sadd.s32 @!p6 $0x28, s28;
	s24 =	simm.s32 @!p6 $0x1  }
0x2d6: {  	[spmem:s0] =	stream.linear.scatter @!p6 [tilespmem:s2], [sflag:$0x1], $0x4, $0x38;
	[tilespmem:$0x1F0E8] =	vst v63  }
0x2d7: {  	s0 =	sadd.s32 @p2 $0x1, s18;
	_ =	swait.ge @!p6 [sflag:s24], $0x4  }
0x2d8: {  	s2 =	sshrl.u32 @p2 s0, $0x4;
	[sflag:s24] =	ssyncset.done @!p6 $0x0  }
0x2d9: {  	s2 =	smulhi.u32 @p2 $0x97B425F, s2;
	[sflag:s24] =	ssyncadd.s32 @!p6 $0xFFFFFFFC  }
0x2da: {  	s24 =	sadd.s32 $0x1, s25;
	v1 =	vld.msk @p2 [tilespmem:s21+$0x0], $0xf  }
0x2db: {  	p1 =	por @p2 !p5, !p4;
	s2 =	smul.u32 @p2 $0x1B0, s2;
	p4 =	seq.s32 s24, $0x0  }
.Ltmp22:
0x2dc: {  	p1 =	por !p1, !p2;
	s25 =	simm.s32 @!p3 $0x0;
	(pc) =	sbr.rel @p4 .LBB3_17-.Ltmp22, $4  }
0x2dd: {  	s26 =	sshll.u32 @!p2 s18, $0x6;
	s25 =	simm.s32 @!p1 $0x10;
	s0 =	ssub.s32 @p2 s0, s2  }
0x2de: {  	s26 =	sshra.s32 @!p2 s26, $0x2;
	s28 =	sadd.s32 @!p3 $0x0, s25;
	s29 =	sshll.u32 @p2 s0, $0x4  }
0x2df: {  	s25 =	simm.s32 $0x0;
	s2 =	simm.s32 @p2 $0x1;
	s28 =	smov.u32 @p3 s22;
	[tilespmem:s29+$0x28] =	vst.msk @p2 $0xf, v1  }
0x2e0: {  	s18 =	smov.u32 @p2 s0;
	s25 =	smov.u32 @p2 s28;
	s22 =	smov.u32 @p2 s2;
	v1 =	vld.msk @!p2 [tilespmem:s21+$0x0], $0xf  }
.LBB3_16:
0x2e1: {  	_ =	sdelay $0x3  }
0x2e2: {  	s19 =	sadd.s32 $0x1, s19;
	[tilespmem:s26+$0x28] =	vst.add.f32.msk @!p2 $0xf, v1  }
0x2e3: {  	v1 =	vld.msk [tilespmem:s19+$0x0], $0x1;
	_ =	sdelay $0x4  }
0x2e4: {  	(v2sf) =	vpush v1, $0x0;
	_ =	sdelay $0xe  }
0x2e5: {  	s0 =	smov.u32 s23;
	s23 =	spop (v2sf)  }
0x2e6: {  	p2 =	sne.s32 s0, s23  }
0x2e7: {  	p5 =	sne.s32 @p2 s0, s20  }
0x2e8: {  	p4 =	por !p5, !p2  }
0x2e9: {  	s30 =	sshll.u32 @!p4 s22, $0x6  }
0x2ea: {  	s30 =	sshra.s32 @!p4 s30, $0x2  }
0x2eb: {  	p1 =	sgt.u32 @!p4 s0, $0xC34FF;
	v1 =	vld.msk @!p4 [tilespmem:s30+$0x1B38], $0xf  }
0x2ec: {  	s31 =	sshll.u32 @!p4 s18, $0x6;
	p6 =	por @p2 p1, !p5;
	p1 =	por @p2 !p1, !p5  }
0x2ed: {  	s5 =	simm.s32 @!p4 $0x0;
	s31 =	sshra.s32 @!p4 s31, $0x2;
	p1 =	por !p1, !p2  }
0x2ee: {  	p5 =	por p5, !p2;
	s5 =	simm.s32 @!p1 $0x10;
	p1 =	por p6, !p2  }
0x2ef: {  	s30 =	sadd.s32 @!p4 $0x28, s31;
	s6 =	sshll.u32 @!p5 s18, $0x6;
	s10 =	sand.u32 @!p1 $0xFFFF8, s0  }
0x2f0: {  	s6 =	sshra.s32 @!p5 s6, $0x2;
	s0 =	sand.u32 @!p1 $0x7, s0;
	s10 =	sadd.s32 @!p1 s1, s10;
	[tilespmem:s31+$0x28] =	vst.add.f32.msk @!p4 $0xf, v1  }
0x2f1: {  	[hbm4b:s10+s0] =	stream.linear.scatter @!p1 [tilespmem:s30], [sflag:$0xA], $0x4, $0x38;
	[tilespmem:$0x1F0E8] =	vst v63  }
0x2f2: {  	s2 =	rddreg [dreg:$0x2];
	s0 =	sadd.s32 @!p5 $0x28, s6;
	s6 =	simm.s32 @!p5 $0x1  }
0x2f3: {  	[spmem:s2] =	stream.linear.scatter @!p5 [tilespmem:s0], [sflag:$0x1], $0x4, $0x38;
	[tilespmem:$0x1F0E8] =	vst v63  }
0x2f4: {  	s28 =	sadd.s32 @p2 $0x1, s18;
	_ =	swait.ge @!p5 [sflag:s6], $0x4  }
0x2f5: {  	s29 =	sshrl.u32 @p2 s28, $0x4;
	[sflag:s6] =	ssyncset.done @!p5 $0x0  }
0x2f6: {  	s21 =	sadd.s32 $0x80, s21;
	s29 =	smulhi.u32 @p2 $0x97B425F, s29;
	[sflag:s6] =	ssyncadd.s32 @!p5 $0xFFFFFFFC  }
0x2f7: {  	s24 =	sadd.s32 $0x1, s24;
	v1 =	vld.msk @p2 [tilespmem:s21+$0x0], $0xf  }
0x2f8: {  	p3 =	seq.s32 s24, $0x0;
	s29 =	smul.u32 @p2 $0x1B0, s29  }
.Ltmp23:
0x2f9: {  	_ = 	snop;
	(pc) =	sbr.rel @!p3 .LBB3_16-.Ltmp23, $4  }
0x2fa: {  	s28 =	ssub.s32 @p2 s28, s29  }
0x2fb: {  	s26 =	sshll.u32 @!p2 s18, $0x6;
	s5 =	sadd.s32 @!p4 s5, s25;
	s10 =	sshll.u32 @p2 s28, $0x4  }
0x2fc: {  	s9 =	sadd.s32 @p2 $0x1, s22;
	s26 =	sshra.s32 @!p2 s26, $0x2;
	s5 =	smov.u32 @p4 s25;
	[tilespmem:s10+$0x28] =	vst.msk @p2 $0xf, v1  }
0x2fd: {  	s22 =	smov.u32 @p2 s9;
	s18 =	smov.u32 @p2 s28;
	s25 =	smov.u32 @p2 s5;
	v1 =	vld.msk @!p2 [tilespmem:s21+$0x0], $0xf  }
.LBB3_17:
.Ltmp24:
0x2fe: {  	_ = 	snop;
	(pc) =	sbr.rel .LBB3_19-.Ltmp24, $4  }
0x2ff: {  	s2 =	sld [smem:$0x7FD]  }
0x300: {  	s0 =	sshrl.u32 s25, $0x2  }
0x301: {  	s24 =	smov.u32 s23;
	s6 =	smov.u32 s8;
	s5 =	smov.u32 s12  }
0x302: {  	s8 =	smov.u32 s3;
	s3 =	rddreg [dreg:$0x3];
	p4 =	seq.s32 s2, $0x1;
	[tilespmem:s26+$0x28] =	vst.add.f32.msk @!p2 $0xf, v1  }
.LBB3_21:
0x303: {  	_ =	sfence.sel $0x180000  }
0x304: {  	s0 =	simm.s32 $0x7;
	[bflag:$0x0] =	sbarrier.arrive $0xFFFF  }
0x305: {  	s25 =	simm.s32 $0x8;
	[sflag:s0] =	ssyncpa.u1 $0x1  }
0x306: {  	s26 =	simm.s32 $0x9;
	[sflag:s25] =	ssyncpa.u1 $0x1  }
0x307: {  	s28 =	simm.s32 $0x2;
	[sflag:s26] =	ssyncpa.u1 $0x1  }
0x308: {  	[sflag:s28] =	ssyncpa.u1 $0x1  }
0x309: {  	v0 =	vld [tilespmem:$0x3648];
	_ =	sdelay $0x4  }
0x30a: {  	(v2sf) =	vpush v0, $0x0  }
0x30b: {  	(v2sf) =	vpush v0, $0x1;
	_ =	sdelay $0x1  }
0x30c: {  	(v2sf) =	vpush v0, $0x2;
	_ =	sdelay $0xb  }
0x30d: {  	s0 =	spop (v2sf)  }
0x30e: {  	s2 =	spop (v2sf)  }
0x30f: {  	s3 =	smov.u32 s0;
	p0 =	sne.s32 s0, s2  }
0x310: {  	s4 =	spop (v2sf);
	s3 =	simm.s32 @!p0 $0xFFFFFFFF  }
0x311: {  	v2 =	vimm.s32 $0x1;
	v3 =	vlaneseq.u32;
	p0 =	seq.s32 s4, $0xFFFFFFFF;
	v1 =	vmov s3  }
0x312: {  	s7 =	stileid.u32;
	v0 =	vperm.xlane v0, v2;
	p1 =	sne.s32 @!p0 s0, s2;
	v1 =	vperm.xlane v1, v3  }
0x313: {  	vm0 =	vcmask $0x3F04;
	s6 =	simm.s32 $0x3648;
	s0 =	simm.s32 @!p0 $0x1;
	p1 =	por !p1, p0  }
0x314: {  	s3 =	sshll.u32 s7, $0x1;
	s2 =	sshll.u32 @!p0 s4, $0x6;
	s0 =	simm.s32 @p1 $0x0;
	v0 =	vsel vm0, v1, v0  }
0x315: {  	s5 =	sor.u32 $0x200, s3;
	s2 =	sshra.s32 @!p0 s2, $0x2;
	s0 =	sor.u32 @!p0 s0, s3;
	[tilespmem:$0x3648] =	vst v0  }
0x316: {  	[spmem:s5] =	stream.linear.scatter [tilespmem:s6], [sflag:$0x1], $0x2, $0x38;
	[tilespmem:$0x1F0E8] =	vst v63  }
0x317: {  	s2 =	sadd.s32 @!p0 $0x28, s2;
	s0 =	sshll.u32 @!p0 s0, $0x4  }
0x318: {  	[spmem:s0] =	stream.linear.scatter @!p0 [tilespmem:s2], [sflag:$0x1], $0x10, $0x38;
	[tilespmem:$0x1F0E8] =	vst v63  }
0x319: {  	s0 =	simm.s32 @!p0 $0x12  }
0x31a: {  	s3 =	simm.s32 $0x1;
	s0 =	simm.s32 @p0 $0x2  }
0x31b: {  	_ =	swait.ge [sflag:s3], s0  }
0x31c: {  	s0 =	ssub.s32 $0x0, s0;
	[sflag:s3] =	ssyncset.done $0x0  }
0x31d: {  	[sflag:s3] =	ssyncadd.s32 s0  }
0x31e: {  	_ =	sfence.stream.spmem  }
0x31f: {  	s29 =	simm.s32 $0x3;
	[bflag:$0x0] =	sbarrier.arrive $0xFFFF  }
0x320: {  	s30 =	simm.s32 $0x4;
	[sflag:s29] =	ssyncpa.u1 $0x1  }
0x321: {  	s31 =	simm.s32 $0x3C;
	[sflag:s30] =	ssyncpa.u1 $0x1  }
0x322: {  	p0 =	sne.s32 s7, $0x0;
	[sflag:s31] =	ssyncpa.u1 $0x1  }
0x323: {  	_ =	sfence @p0  }
0x324: {  	[sflag:s3] =	ssyncpa.u1 @p0 $0x1  }
0x325: {  	_ =	strace @p0 $0x9000004A  }
0x326: {  	[bflag:$0x2] =	sbarrier.arrive @p0 $0xFFFF  }
0x327: {  	_ =	shalt @p0  }
.LBB3_22:
0x328: {  	_ =	sfence.stream.spmem;
	s0 =	simm.s32 $0x5  }
0x329: {  	s2 =	simm.s32 $0x200;
	s3 =	simm.s32 $0x3658;
	[sflag:s0] =	ssyncpa.u1 $0x0  }
0x32a: {  	[tilespmem:s3], [sflag:$0x5] =	stream.linear.gather [spmem:s2], $0x20, $0x38;
	[tilespmem:$0x1F0E8] =	vst v63  }
0x32b: {  	s30 =	simm.s32 $0x3678;
	s2 =	simm.s32 $0x0  }
0x32c: {  	[tilespmem:s30], [sflag:$0x5] =	stream.linear.gather [spmem:s2], $0x200, $0x38;
	[tilespmem:$0x1F0E8] =	vst v63  }
.Ltmp25:
0x32d: {  	_ = 	snop;
	(pc) =	sbr.rel .LBB3_23-.Ltmp25, $4  }
0x32e: {  	_ =	swait.ge [sflag:s0], $0x220  }
0x32f: {  	[sflag:s0] =	ssyncset.done $0x0  }
0x330: {  	s31 =	simm.s32 $0x6;
	[sflag:s0] =	ssyncadd.s32 $0xFFFFFDE0  }
0x331: {  	s3 =	simm.s32 $0x0;
	[sflag:s31] =	ssyncpa.u1 $0x0  }
.LBB3_28:
0x332: {  	p0 =	slt.u32 s4, $0xC3500  }
0x333: {  	s0 =	sand.u32 @p0 $0xFFFF8, s4  }
0x334: {  	s4 =	sand.u32 @p0 $0x7, s4;
	s5 =	simm.s32 @p0 $0x3638;
	s0 =	sadd.s32 @p0 s1, s0  }
0x335: {  	[tilespmem:s5], [sflag:$0x6] =	stream.linear.gather @p0 [hbm4b:s0+s4], $0x4, $0x38;
	[tilespmem:$0x1F0E8] =	vst v63  }
0x336: {  	s0 =	simm.s32 @p0 $0x6  }
0x337: {  	_ =	swait.ge @p0 [sflag:s0], $0x4  }
0x338: {  	[sflag:s0] =	ssyncset.done @p0 $0x0  }
0x339: {  	[sflag:s0] =	ssyncadd.s32 @p0 $0xFFFFFFFC  }
0x33a: {  	v1 =	vld @p0 [tilespmem:$0x3638];
	_ =	sdelay $0x2  }
0x33b: {  	s0 =	sshll.u32 @p0 s3, $0x6  }
0x33c: {  	s5 =	sshll.u32 @!p0 s3, $0x6;
	s4 =	sshrl.u32 @p0 s0, $0x2  }
0x33d: {  	s5 =	smov.u32 @p0 s0;
	[tilespmem:s4+$0x3678] =	vst.add.f32.msk @p0 $0xffff, v1  }
0x33e: {  	s0 =	sshrl.u32 s5, $0x2;
	[tilespmem:s2+$0x3658] =	vst.msk $0x1, v0  }
0x33f: {  	v0 =	vld [tilespmem:s0+$0x3678];
	_ =	sdelay $0x2  }
0x340: {  	s31 =	sshll.u32 s2, $0x6  }
0x341: {  	s0 =	sshra.s32 s31, $0x2  }
0x342: {  	s2 =	sadd.s32 $0x1, s2;
	[tilespmem:s0+$0x3678] =	vst v0  }
.LBB3_30:
0x343: {  	s3 =	sadd.s32 $0x1, s3  }
0x344: {  	p0 =	sne.s32 s3, $0x20  }
.Ltmp26:
0x345: {  	_ = 	snop;
	(pc) =	sbr.rel @!p0 .LBB3_31-.Ltmp26, $1  }
0x346: {  	_ =	sdelay $0x3  }
.LBB3_23:
0x347: {  	v0 =	vld.msk [tilespmem:s3+$0x3658], $0x1;
	_ =	sdelay $0x4  }
0x348: {  	(v2sf) =	vpush v0, $0x0;
	_ =	sdelay $0xe  }
0x349: {  	s4 =	spop (v2sf)  }
0x34a: {  	p0 =	seq.s32 s4, $0xFFFFFFFF  }
.Ltmp27:
0x34b: {  	_ = 	snop;
	(pc) =	sbr.rel @p0 .LBB3_30-.Ltmp27, $1  }
0x34c: {  	_ =	sdelay $0x3  }
0x34d: {  	p0 =	slt.s32 s2, $0x1  }
.Ltmp28:
0x34e: {  	_ = 	snop;
	(pc) =	sbr.rel @p0 .LBB3_28-.Ltmp28, $1  }
0x34f: {  	_ =	sdelay $0x3  }
0x350: {  	s5 =	simm.s32 $0x3658;
	p0 =	por $0x0, $0x0  }
0x351: {  	v1 =	vld.msk @!p0 [tilespmem:s5+$0x0], $0x1;
	_ =	sdelay $0x4  }
0x352: {  	(v2sf) =	vpush @!p0 v1, $0x0;
	_ =	sdelay $0xd  }
0x353: {  	p2 =	sne.s32 s2, $0x1  }
.Ltmp29:
0x354: {  	s0 =	spop @!p0 (v2sf);
	(pc) =	sbr.rel @!p2 .LBB3_27-.Ltmp29, $4  }
0x355: {  	p1 =	seq.s32 @!p0 s4, s0  }
0x356: {  	s6 =	simm.s32 $0x0;
	p1 =	por !p1, p0  }
0x357: {  	s0 =	simm.s32 $0xFFFFFFFF;
	s6 =	simm.s32 @p1 $0xFFFFFFFF  }
0x358: {  	s7 =	simm.s32 $0x1;
	s6 =	smov.u32 @p0 s0  }
.LBB3_26:
0x359: {  	s0 =	smov.u32 s6;
	p0 =	sne.s32 s6, $0xFFFFFFFF  }
0x35a: {  	s5 =	sadd.s32 $0x1, s5;
	s6 =	smov.u32 s7;
	s7 =	sadd.s32 $0x1, s7  }
0x35b: {  	p1 =	sne.s32 s2, s7;
	v1 =	vld.msk @!p0 [tilespmem:s5+$0x0], $0x1;
	_ =	sdelay $0x4  }
0x35c: {  	(v2sf) =	vpush @!p0 v1, $0x0;
	_ =	sdelay $0xe  }
.Ltmp30:
0x35d: {  	s8 =	spop @!p0 (v2sf);
	(pc) =	sbr.rel @p1 .LBB3_26-.Ltmp30, $4  }
0x35e: {  	p2 =	seq.s32 @!p0 s4, s8  }
0x35f: {  	p2 =	por !p2, p0  }
0x360: {  	s6 =	simm.s32 @p2 $0xFFFFFFFF  }
0x361: {  	s6 =	smov.u32 @p0 s0  }
.LBB3_27:
0x362: {  	p0 =	sne.s32 s6, $0xFFFFFFFF  }
.Ltmp31:
0x363: {  	_ = 	snop;
	(pc) =	sbr.rel @!p0 .LBB3_28-.Ltmp31, $1  }
0x364: {  	_ =	sdelay $0x3  }
0x365: {  	s0 =	sshll.u32 s3, $0x4  }
0x366: {  	s0 =	sand.u32 $0x3FFFFFF0, s0  }
0x367: {  	v0 =	vld [tilespmem:s0+$0x3678]  }
.Ltmp32:
0x368: {  	_ = 	snop;
	(pc) =	sbr.rel .LBB3_30-.Ltmp32, $4  }
0x369: {  	_ = 	snop  }
0x36a: {  	s31 =	sshll.u32 s6, $0x6  }
0x36b: {  	s0 =	sshra.s32 s31, $0x2  }
0x36c: {  	[tilespmem:s0+$0x3678] =	vst.add.f32.msk $0xffff, v0  }
.LBB3_31:
0x36d: {  	p0 =	slt.s32 s2, $0x1  }
.Ltmp33:
0x36e: {  	_ = 	snop;
	(pc) =	sbr.rel @p0 .LBB3_35-.Ltmp33, $3  }
0x36f: {  	_ =	sdelay $0x1  }
0x370: {  	s0 =	simm.s32 $0x6  }
0x371: {  	s3 =	simm.s32 $0x0;
	[sflag:s0] =	ssyncpa.u1 $0x1  }
0x372: {  	s0 =	simm.s32 $0x3658  }
0x373: {  	v0 =	vld.msk [tilespmem:s0+$0x0], $0x1;
	_ =	sdelay $0x4  }
0x374: {  	(v2sf) =	vpush v0, $0x0;
	_ =	sdelay $0xd  }
0x375: {  	s2 =	sadd.s32 $0xFFFFFFFF, s2  }
0x376: {  	p1 =	sne.s32 s2, $0x0;
	s0 =	spop (v2sf)  }
.Ltmp34:
0x377: {  	p0 =	sgt.u32 s0, $0xC34FF;
	(pc) =	sbr.rel @!p1 .LBB3_34-.Ltmp34, $4  }
0x378: {  	s4 =	simm.s32 $0x3678;
	s5 =	sand.u32 @!p0 $0xFFFF8, s0  }
0x379: {  	s6 =	simm.s32 $0x0;
	s0 =	sand.u32 @!p0 $0x7, s0;
	s5 =	sadd.s32 @!p0 s1, s5  }
0x37a: {  	[hbm4b:s5+s0] =	stream.linear.scatter @!p0 [tilespmem:s4], [sflag:$0x5], $0x4, $0x38;
	[tilespmem:$0x1F0E8] =	vst v63  }
0x37b: {  	s6 =	simm.s32 @!p0 $0x10;
	s5 =	simm.s32 $0x3659  }
.LBB3_33:
0x37c: {  	v0 =	vld.msk [tilespmem:s5+$0x0], $0x1;
	s2 =	sadd.s32 $0xFFFFFFFF, s2;
	s3 =	sadd.s32 s3, s6  }
0x37d: {  	p0 =	sne.s32 s2, $0x0;
	_ =	sdelay $0x3  }
0x37e: {  	(v2sf) =	vpush v0, $0x0;
	_ =	sdelay $0xe  }
.Ltmp35:
0x37f: {  	s0 =	spop (v2sf);
	(pc) =	sbr.rel @p0 .LBB3_33-.Ltmp35, $4  }
0x380: {  	s6 =	simm.s32 $0x0;
	p1 =	sgt.u32 s0, $0xC34FF  }
0x381: {  	s4 =	sadd.s32 $0x10, s4;
	s6 =	simm.s32 @!p1 $0x10;
	s7 =	sand.u32 @!p1 $0xFFFF8, s0  }
0x382: {  	s5 =	sadd.s32 $0x1, s5;
	s0 =	sand.u32 @!p1 $0x7, s0;
	s7 =	sadd.s32 @!p1 s1, s7  }
0x383: {  	[hbm4b:s7+s0] =	stream.linear.scatter @!p1 [tilespmem:s4], [sflag:$0x5], $0x4, $0x38;
	[tilespmem:$0x1F0E8] =	vst v63  }
.LBB3_34:
0x384: {  	s0 =	sadd.s32 s3, s6  }
0x385: {  	s3 =	sshrl.u32 s0, $0x2  }
.LBB3_35:
0x386: {  	s0 =	simm.s32 $0x5  }
0x387: {  	_ =	swait.ge [sflag:s0], s3  }
0x388: {  	s1 =	ssub.s32 $0x0, s3;
	[sflag:s0] =	ssyncset.done $0x0  }
0x389: {  	[sflag:s0] =	ssyncadd.s32 s1  }
0x38a: {  	[sflag:s0] =	ssyncpa.u1 $0x1  }
0x38b: {  	s30 =	simm.s32 $0x1;
	_ =	sfence  }
0x38c: {  	[sflag:s30] =	ssyncpa.u1 $0x1  }
0x38d: {  	_ =	strace $0x9000004A  }
0x38e: {  	[bflag:$0x2] =	sbarrier.arrive $0xFFFF  }
0x38f: {  	s31 =	rddreg [dreg:$0x1]  }
0x390: {  	s0 =	sadd.s32 $0x100000, s31  }
0x391: {  	[sflag:s0] =	ssyncadd.tile.s32 $0x1;
	_ =	shalt  }
.Lfunc_end3:
_tile_overlayer_lowered:
.L_overlay_start_3:
0x392: {  	(tag) =	ssettag $0x3  }
0x393: {  	s0 =	rddreg [dreg:$0x0];
	s2 =	stileid.u32  }
0x394: {  	s1 =	rddreg [dreg:$0x1];
	p0 =	sne.s32 s2, $0x0  }
0x395: {  	s3 =	rddreg [dreg:$0x2];
	[bflag:$0x3] =	sbarrier.arrive $0xFFFF;
	s2 =	simm.s32 @!p0 $0x1C01  }
0x396: {  	[timem:s3], [sflag:s2] =	dma.local @!p0 [hbm:s0], s1  }
0x397: {  	s0 =	simm.s32 @!p0 $0x1  }
0x398: {  	_ =	swait.ge @!p0 [sflag:s0], s1  }
0x399: {  	s1 =	ssub.s32 @!p0 $0x0, s1;
	[sflag:s0] =	ssyncset.done @!p0 $0x0  }
0x39a: {  	[sflag:s0] =	ssyncadd.s32 @!p0 s1  }
0x39b: {  	[bflag:$0x3] =	sbarrier.arrive $0xFFFF  }
0x39c: {  	_ =	shalt  }

</sc_bundles>
